<compile_context>
chip_gen: v7x
topology: tpu7x:2x2x1
jax: 0.10.2.dev20260603
libtpu: 0.0.44.dev20260713+nightly
codegen_flags: <defaults>
</compile_context>

<pallas_src>
import functools

import jax
import jax.numpy as jnp
from jax import lax
from jax.experimental import pallas as pl
from jax.experimental.pallas import tpu as pltpu
from jax.experimental.pallas import tpu_sc as plsc

B, L = 1024, 200
BL = B * L
PER_PROP = 32
EMB = 4 * PER_PROP
NC, NS = 2, 16
NW = NC * NS
PER_W = BL // NW
CHUNK = 320
NOUTER = PER_W // (2 * CHUNK)
NITER = CHUNK // 16
OFFS = (0, 3, 7, 16)


def _body(i0, i1, i2, i3, wall, out, wtab, iv0, iv1, iv2, iv3, obufA, obufB, semA, semB):
    wid = lax.axis_index("s") * NC + lax.axis_index("c")
    span = wid * PER_W
    pltpu.sync_copy(wall, wtab)
    pltpu.sync_copy(i0.at[pl.ds(span, PER_W)], iv0)
    pltpu.sync_copy(i1.at[pl.ds(span, PER_W)], iv1)
    pltpu.sync_copy(i2.at[pl.ds(span, PER_W)], iv2)
    pltpu.sync_copy(i3.at[pl.ds(span, PER_W)], iv3)
    ivs = (iv0, iv1, iv2, iv3)

    def make_chunk(obuf, sem):
        def run_chunk(t, c):
            @pl.when(t > 0)
            def _():
                pltpu.make_async_copy(
                    obuf, out.at[pl.ds((span + c * CHUNK) * EMB, CHUNK * EMB)], sem
                ).wait()

            def iteration(it, carry):
                ebase = c * CHUNK + it * 16
                obase = pl.multiple_of(it * (16 * EMB), 16 * EMB)
                vjs = [ivs[j][pl.ds(ebase, 16)] for j in range(4)]

                def load_block(blk):
                    vals = []
                    for k in range(2):
                        e = blk * 2 + k
                        for j in range(4):
                            rb = pl.multiple_of(vjs[j][e] * PER_PROP, PER_PROP)
                            soff = OFFS[j] * PER_PROP
                            for h in range(2):
                                vals.append(wtab[pl.ds(rb + soff + 16 * h, 16)])
                    return vals

                def store_block(blk, vals):
                    for k in range(2):
                        e = blk * 2 + k
                        for j in range(4):
                            for h in range(2):
                                obuf[
                                    pl.ds(obase + e * EMB + j * PER_PROP + 16 * h, 16)
                                ] = vals[(k * 4 + j) * 2 + h]

                prev = load_block(0)
                for blk in range(1, 8):
                    nxt = load_block(blk)
                    store_block(blk - 1, prev)
                    prev = nxt
                store_block(7, prev)
                return carry

            lax.fori_loop(0, NITER, iteration, 0)
            pltpu.make_async_copy(
                obuf, out.at[pl.ds((span + c * CHUNK) * EMB, CHUNK * EMB)], sem
            ).start()

        return run_chunk

    chunkA = make_chunk(obufA, semA)
    chunkB = make_chunk(obufB, semB)

    def outer(t, carry):
        chunkA(t, 2 * t)
        chunkB(t, 2 * t + 1)
        return carry

    lax.fori_loop(0, NOUTER, outer, 0)
    pltpu.make_async_copy(
        obufA, out.at[pl.ds(span * EMB, CHUNK * EMB)], semA
    ).wait()
    pltpu.make_async_copy(
        obufB, out.at[pl.ds(span * EMB, CHUNK * EMB)], semB
    ).wait()


@jax.jit
def kernel(
    prop_atom_in_ring,
    prop_atom_charge,
    prop_atom_hybridization,
    prop_atom_chirality,
    W_ring,
    W_charge,
    W_hyb,
    W_chir,
):
    wall = jnp.concatenate([W_ring, W_charge, W_hyb, W_chir], axis=0).reshape(-1)
    mesh = plsc.VectorSubcoreMesh(core_axis_name="c", subcore_axis_name="s")
    k = functools.partial(
        pl.kernel,
        mesh=mesh,
        compiler_params=pltpu.CompilerParams(
            needs_layout_passes=False, use_tc_tiling_on_sc=False
        ),
        out_type=jax.ShapeDtypeStruct((BL * EMB,), jnp.float32),
        scratch_types=[
            pltpu.VMEM((21 * PER_PROP,), jnp.float32),
            pltpu.VMEM((PER_W,), jnp.int32),
            pltpu.VMEM((PER_W,), jnp.int32),
            pltpu.VMEM((PER_W,), jnp.int32),
            pltpu.VMEM((PER_W,), jnp.int32),
            pltpu.VMEM((CHUNK * EMB,), jnp.float32),
            pltpu.VMEM((CHUNK * EMB,), jnp.float32),
            pltpu.SemaphoreType.DMA,
            pltpu.SemaphoreType.DMA,
        ],
    )(_body)
    out = k(
        prop_atom_in_ring.reshape(BL),
        prop_atom_charge.reshape(BL),
        prop_atom_hybridization.reshape(BL),
        prop_atom_chirality.reshape(BL),
        wall,
    )
    return out.reshape(B, L, EMB)

# --- scband reference (transcript-rebuilt; emitter-appended) ---
"""Pipeline reference for scband-atom-property-embedder-7610682048729 (READ-ONLY COPY).

The authoritative reference and input builder live on the scoring server;
editing this copy changes nothing except your own understanding.
"""

import jax, jax.numpy as jnp
import numpy as np

B, L = 1024, 200
EMBEDDING_SIZE = 128
PER_PROP = EMBEDDING_SIZE // 4  # 32
N_RING, N_CHARGE, N_HYB, N_CHIR = 3, 4, 9, 5  # HybridizationType has 8 values, ChiralType has 4 values; +1 each for padding


def _table(k, n, d):
    t = jax.random.normal(k, (n, d), dtype=jnp.float32) * 0.02
    return t.at[0].set(0.0)  # padding_idx=0 row is zeros


def setup_inputs(seed: int = 0) -> dict:
    key = jax.random.key(seed)
    ks = jax.random.split(key, 8)
    return {
        "prop_atom_in_ring": jax.random.randint(ks[0], (B, L), 0, N_RING).astype(jnp.int32),
        "prop_atom_charge": jax.random.randint(ks[1], (B, L), 0, N_CHARGE).astype(jnp.int32),
        "prop_atom_hybridization": jax.random.randint(ks[2], (B, L), 0, N_HYB).astype(jnp.int32),
        "prop_atom_chirality": jax.random.randint(ks[3], (B, L), 0, N_CHIR).astype(jnp.int32),
        "W_ring": _table(ks[4], N_RING, PER_PROP),
        "W_charge": _table(ks[5], N_CHARGE, PER_PROP),
        "W_hyb": _table(ks[6], N_HYB, PER_PROP),
        "W_chir": _table(ks[7], N_CHIR, PER_PROP),
    }


def reference(prop_atom_in_ring, prop_atom_charge, prop_atom_hybridization, prop_atom_chirality, W_ring, W_charge, W_hyb, W_chir):
    in_ring_embeds = jnp.take(W_ring, prop_atom_in_ring, axis=0)
    charge_embedding = jnp.take(W_charge, prop_atom_charge, axis=0)
    hybridization_embedding = jnp.take(W_hyb, prop_atom_hybridization, axis=0)
    chirality_embedding = jnp.take(W_chir, prop_atom_chirality, axis=0)
    prop_embedding = jnp.concatenate([in_ring_embeds, charge_embedding, hybridization_embedding, chirality_embedding], axis=-1)
    return prop_embedding

if __name__ == "__main__":
    import jax
    _d = setup_inputs()
    print(jax.jit(kernel)(*tuple(_d.values())))

</pallas_src>

<mosaic_0001>
#map = affine_map<(d0, d1) -> (0)>
module attributes {stable_mosaic.version = 14 : i64} {
  func.func @_body(%arg0: i32, %arg1: i32, %arg2: memref<204800xi32, #tpu.memory_space<hbm>>, %arg3: memref<204800xi32, #tpu.memory_space<hbm>>, %arg4: memref<204800xi32, #tpu.memory_space<hbm>>, %arg5: memref<204800xi32, #tpu.memory_space<hbm>>, %arg6: memref<672xf32, #tpu.memory_space<hbm>>, %arg7: memref<26214400xf32, #tpu.memory_space<hbm>>, %arg8: memref<672xf32, #tpu.memory_space<vmem>>, %arg9: memref<6400xi32, #tpu.memory_space<vmem>>, %arg10: memref<6400xi32, #tpu.memory_space<vmem>>, %arg11: memref<6400xi32, #tpu.memory_space<vmem>>, %arg12: memref<6400xi32, #tpu.memory_space<vmem>>, %arg13: memref<40960xf32, #tpu.memory_space<vmem>>, %arg14: memref<40960xf32, #tpu.memory_space<vmem>>, %arg15: memref<!tpu.dma_semaphore, #tpu.memory_space<semaphore_mem>>, %arg16: memref<!tpu.dma_semaphore, #tpu.memory_space<semaphore_mem>>) attributes {dimension_semantics = [#tpu.dimension_semantics<core_parallel>, #tpu.dimension_semantics<subcore_parallel>], iteration_bounds = array<i64: 2, 16>, scalar_prefetch = 0 : i64, scratch_operands = 9 : i64, tpu.core_type = #tpu.core_type<sc_vector_subcore>, window_params = [{transform_indices = #map}, {transform_indices = #map}, {transform_indices = #map}, {transform_indices = #map}, {transform_indices = #map}, {transform_indices = #map}]} {
    %mul3A = arith.constant 2 : i32
    %mul3A_0 = arith.muli %arg1, %mul3A : i32
    %add3A = arith.addi %mul3A_0, %arg0 : i32
    %mul3A_1 = arith.constant 6400 : i32
    %mul3A_2 = arith.muli %add3A, %mul3A_1 : i32
    "tpu.region"() ({
      %run_scoped3A = tpu.sem_alloc : memref<!tpu.dma_semaphore, #tpu.memory_space<semaphore_mem>>
      tpu.enqueue_dma source(%arg6 : memref<672xf32, #tpu.memory_space<hbm>>) target(%arg8 : memref<672xf32, #tpu.memory_space<vmem>>) target_semaphore(%run_scoped3A : memref<!tpu.dma_semaphore, #tpu.memory_space<semaphore_mem>>)
      tpu.wait_dma2 semaphore(%run_scoped3A : memref<!tpu.dma_semaphore, #tpu.memory_space<semaphore_mem>>) src(%arg6 : memref<672xf32, #tpu.memory_space<hbm>>) dst(%arg8 : memref<672xf32, #tpu.memory_space<vmem>>)
      tpu.yield
    }) : () -> ()
    "tpu.region"() ({
      %run_scoped3A = tpu.sem_alloc : memref<!tpu.dma_semaphore, #tpu.memory_space<semaphore_mem>>
      %dma_start3A = tpu.memref_slice %arg2[%mul3A_2] : memref<204800xi32, #tpu.memory_space<hbm>> -> memref<6400xi32, #tpu.memory_space<hbm>>
      %dma_start3A_15 = tpu.memref_slice %arg2[%mul3A_2] : memref<204800xi32, #tpu.memory_space<hbm>> -> memref<6400xi32, #tpu.memory_space<hbm>>
      tpu.enqueue_dma source(%dma_start3A_15 : memref<6400xi32, #tpu.memory_space<hbm>>) target(%arg9 : memref<6400xi32, #tpu.memory_space<vmem>>) target_semaphore(%run_scoped3A : memref<!tpu.dma_semaphore, #tpu.memory_space<semaphore_mem>>)
      %dma_wait3A_16 = tpu.memref_slice %arg2[%mul3A_2] : memref<204800xi32, #tpu.memory_space<hbm>> -> memref<6400xi32, #tpu.memory_space<hbm>>
      %dma_wait3A_17 = tpu.memref_slice %arg2[%mul3A_2] : memref<204800xi32, #tpu.memory_space<hbm>> -> memref<6400xi32, #tpu.memory_space<hbm>>
      tpu.wait_dma2 semaphore(%run_scoped3A : memref<!tpu.dma_semaphore, #tpu.memory_space<semaphore_mem>>) src(%dma_wait3A_17 : memref<6400xi32, #tpu.memory_space<hbm>>) dst(%arg9 : memref<6400xi32, #tpu.memory_space<vmem>>)
      tpu.yield
    }) : () -> ()
    "tpu.region"() ({
      %run_scoped3A = tpu.sem_alloc : memref<!tpu.dma_semaphore, #tpu.memory_space<semaphore_mem>>
      %dma_start3A = tpu.memref_slice %arg3[%mul3A_2] : memref<204800xi32, #tpu.memory_space<hbm>> -> memref<6400xi32, #tpu.memory_space<hbm>>
      %dma_start3A_15 = tpu.memref_slice %arg3[%mul3A_2] : memref<204800xi32, #tpu.memory_space<hbm>> -> memref<6400xi32, #tpu.memory_space<hbm>>
      tpu.enqueue_dma source(%dma_start3A_15 : memref<6400xi32, #tpu.memory_space<hbm>>) target(%arg10 : memref<6400xi32, #tpu.memory_space<vmem>>) target_semaphore(%run_scoped3A : memref<!tpu.dma_semaphore, #tpu.memory_space<semaphore_mem>>)
      %dma_wait3A_16 = tpu.memref_slice %arg3[%mul3A_2] : memref<204800xi32, #tpu.memory_space<hbm>> -> memref<6400xi32, #tpu.memory_space<hbm>>
      %dma_wait3A_17 = tpu.memref_slice %arg3[%mul3A_2] : memref<204800xi32, #tpu.memory_space<hbm>> -> memref<6400xi32, #tpu.memory_space<hbm>>
      tpu.wait_dma2 semaphore(%run_scoped3A : memref<!tpu.dma_semaphore, #tpu.memory_space<semaphore_mem>>) src(%dma_wait3A_17 : memref<6400xi32, #tpu.memory_space<hbm>>) dst(%arg10 : memref<6400xi32, #tpu.memory_space<vmem>>)
      tpu.yield
    }) : () -> ()
    "tpu.region"() ({
      %run_scoped3A = tpu.sem_alloc : memref<!tpu.dma_semaphore, #tpu.memory_space<semaphore_mem>>
      %dma_start3A = tpu.memref_slice %arg4[%mul3A_2] : memref<204800xi32, #tpu.memory_space<hbm>> -> memref<6400xi32, #tpu.memory_space<hbm>>
      %dma_start3A_15 = tpu.memref_slice %arg4[%mul3A_2] : memref<204800xi32, #tpu.memory_space<hbm>> -> memref<6400xi32, #tpu.memory_space<hbm>>
      tpu.enqueue_dma source(%dma_start3A_15 : memref<6400xi32, #tpu.memory_space<hbm>>) target(%arg11 : memref<6400xi32, #tpu.memory_space<vmem>>) target_semaphore(%run_scoped3A : memref<!tpu.dma_semaphore, #tpu.memory_space<semaphore_mem>>)
      %dma_wait3A_16 = tpu.memref_slice %arg4[%mul3A_2] : memref<204800xi32, #tpu.memory_space<hbm>> -> memref<6400xi32, #tpu.memory_space<hbm>>
      %dma_wait3A_17 = tpu.memref_slice %arg4[%mul3A_2] : memref<204800xi32, #tpu.memory_space<hbm>> -> memref<6400xi32, #tpu.memory_space<hbm>>
      tpu.wait_dma2 semaphore(%run_scoped3A : memref<!tpu.dma_semaphore, #tpu.memory_space<semaphore_mem>>) src(%dma_wait3A_17 : memref<6400xi32, #tpu.memory_space<hbm>>) dst(%arg11 : memref<6400xi32, #tpu.memory_space<vmem>>)
      tpu.yield
    }) : () -> ()
    "tpu.region"() ({
      %run_scoped3A = tpu.sem_alloc : memref<!tpu.dma_semaphore, #tpu.memory_space<semaphore_mem>>
      %dma_start3A = tpu.memref_slice %arg5[%mul3A_2] : memref<204800xi32, #tpu.memory_space<hbm>> -> memref<6400xi32, #tpu.memory_space<hbm>>
      %dma_start3A_15 = tpu.memref_slice %arg5[%mul3A_2] : memref<204800xi32, #tpu.memory_space<hbm>> -> memref<6400xi32, #tpu.memory_space<hbm>>
      tpu.enqueue_dma source(%dma_start3A_15 : memref<6400xi32, #tpu.memory_space<hbm>>) target(%arg12 : memref<6400xi32, #tpu.memory_space<vmem>>) target_semaphore(%run_scoped3A : memref<!tpu.dma_semaphore, #tpu.memory_space<semaphore_mem>>)
      %dma_wait3A_16 = tpu.memref_slice %arg5[%mul3A_2] : memref<204800xi32, #tpu.memory_space<hbm>> -> memref<6400xi32, #tpu.memory_space<hbm>>
      %dma_wait3A_17 = tpu.memref_slice %arg5[%mul3A_2] : memref<204800xi32, #tpu.memory_space<hbm>> -> memref<6400xi32, #tpu.memory_space<hbm>>
      tpu.wait_dma2 semaphore(%run_scoped3A : memref<!tpu.dma_semaphore, #tpu.memory_space<semaphore_mem>>) src(%dma_wait3A_17 : memref<6400xi32, #tpu.memory_space<hbm>>) dst(%arg12 : memref<6400xi32, #tpu.memory_space<vmem>>)
      tpu.yield
    }) : () -> ()
    %scan3A = arith.constant 0 : i32
    %scan3A_3 = arith.constant 0 : i32
    %scan3A_4 = arith.constant 10 : i32
    %scan3A_5 = arith.addi %scan3A_3, %scan3A_4 : i32
    %scan3A_6 = arith.constant 1 : i32
    scf.for %scan3A_15 = %scan3A_3 to %scan3A_5 step %scan3A_6  : i32 {
      %mul3A_16 = arith.constant 2 : i32
      %mul3A_17 = arith.muli %mul3A_16, %scan3A_15 : i32
      %gt3A = arith.constant 0 : i32
      %gt3A_18 = arith.cmpi sgt, %scan3A_15, %gt3A : i32
      %convert_element_type3A = arith.extui %gt3A_18 : i1 to i32
      %cond3A = arith.constant 0 : i32
      %cond3A_19 = arith.cmpi ne, %convert_element_type3A, %cond3A : i32
      scf.if %cond3A_19 {
        %mul3A_54 = arith.constant 320 : i32
        %mul3A_55 = arith.muli %mul3A_17, %mul3A_54 : i32
        %add3A_56 = arith.addi %mul3A_2, %mul3A_55 : i32
        %mul3A_57 = arith.constant 128 : i32
        %mul3A_58 = arith.muli %add3A_56, %mul3A_57 : i32
        %dma_wait3A_59 = tpu.memref_slice %arg7[%mul3A_58] : memref<26214400xf32, #tpu.memory_space<hbm>> -> memref<40960xf32, #tpu.memory_space<hbm>>
        %dma_wait3A_60 = tpu.memref_slice %arg7[%mul3A_58] : memref<26214400xf32, #tpu.memory_space<hbm>> -> memref<40960xf32, #tpu.memory_space<hbm>>
        tpu.wait_dma2 semaphore(%arg15 : memref<!tpu.dma_semaphore, #tpu.memory_space<semaphore_mem>>) src(%arg13 : memref<40960xf32, #tpu.memory_space<vmem>>) dst(%dma_wait3A_60 : memref<40960xf32, #tpu.memory_space<hbm>>)
      } else {
      }
      %scan3A_20 = arith.constant 0 : i32
      %scan3A_21 = arith.constant 0 : i32
      %scan3A_22 = arith.constant 20 : i32
      %scan3A_23 = arith.addi %scan3A_21, %scan3A_22 : i32
      %scan3A_24 = arith.constant 1 : i32
      scf.for %scan3A_54 = %scan3A_21 to %scan3A_23 step %scan3A_24  : i32 {
        %mul3A_55 = arith.constant 320 : i32
        %mul3A_56 = arith.muli %mul3A_17, %mul3A_55 : i32
        %mul3A_57 = arith.constant 16 : i32
        %mul3A_58 = arith.muli %scan3A_54, %mul3A_57 : i32
        %add3A_59 = arith.addi %mul3A_56, %mul3A_58 : i32
        %mul3A_60 = arith.constant 2048 : i32
        %mul3A_61 = arith.muli %scan3A_54, %mul3A_60 : i32
        %multiple_of3A = tpu.assume_multiple %mul3A_61, 2048 : i32
        %get3A = arith.index_cast %add3A_59 : i32 to index
        %get3A_62 = tpu.vector_load %arg9[%get3A] {strides = array<i32>} : memref<6400xi32, #tpu.memory_space<vmem>>, vector<16xi32>,
        %get3A_63 = arith.index_cast %add3A_59 : i32 to index
        %get3A_64 = tpu.vector_load %arg10[%get3A_63] {strides = array<i32>} : memref<6400xi32, #tpu.memory_space<vmem>>, vector<16xi32>,
        %get3A_65 = arith.index_cast %add3A_59 : i32 to index
        %get3A_66 = tpu.vector_load %arg11[%get3A_65] {strides = array<i32>} : memref<6400xi32, #tpu.memory_space<vmem>>, vector<16xi32>,
        %get3A_67 = arith.index_cast %add3A_59 : i32 to index
        %get3A_68 = tpu.vector_load %arg12[%get3A_67] {strides = array<i32>} : memref<6400xi32, #tpu.memory_space<vmem>>, vector<16xi32>,
        %slice3A = vector.extract_strided_slice %get3A_62 {offsets = [0], sizes = [1], strides = [1]} : vector<16xi32> to vector<1xi32>
        %squeeze3A = vector.extract %slice3A[0] : i32 from vector<1xi32>
        %mul3A_69 = arith.constant 32 : i32
        %mul3A_70 = arith.muli %squeeze3A, %mul3A_69 : i32
        %multiple_of3A_71 = tpu.assume_multiple %mul3A_70, 32 : i32
        %add3A_72 = arith.constant 0 : i32
        %add3A_73 = arith.addi %multiple_of3A_71, %add3A_72 : i32
        %add3A_74 = arith.constant 0 : i32
        %add3A_75 = arith.addi %add3A_73, %add3A_74 : i32
        %get3A_76 = arith.index_cast %add3A_75 : i32 to index
        %get3A_77 = tpu.vector_load %arg8[%get3A_76] {strides = array<i32>} : memref<672xf32, #tpu.memory_space<vmem>>, vector<16xf32>,
        %add3A_78 = arith.constant 0 : i32
        %add3A_79 = arith.addi %multiple_of3A_71, %add3A_78 : i32
        %add3A_80 = arith.constant 16 : i32
        %add3A_81 = arith.addi %add3A_79, %add3A_80 : i32
        %get3A_82 = arith.index_cast %add3A_81 : i32 to index
        %get3A_83 = tpu.vector_load %arg8[%get3A_82] {strides = array<i32>} : memref<672xf32, #tpu.memory_space<vmem>>, vector<16xf32>,
        %slice3A_84 = vector.extract_strided_slice %get3A_64 {offsets = [0], sizes = [1], strides = [1]} : vector<16xi32> to vector<1xi32>
        %squeeze3A_85 = vector.extract %slice3A_84[0] : i32 from vector<1xi32>
        %mul3A_86 = arith.constant 32 : i32
        %mul3A_87 = arith.muli %squeeze3A_85, %mul3A_86 : i32
        %multiple_of3A_88 = tpu.assume_multiple %mul3A_87, 32 : i32
        %add3A_89 = arith.constant 96 : i32
        %add3A_90 = arith.addi %multiple_of3A_88, %add3A_89 : i32
        %add3A_91 = arith.constant 0 : i32
        %add3A_92 = arith.addi %add3A_90, %add3A_91 : i32
        %get3A_93 = arith.index_cast %add3A_92 : i32 to index
        %get3A_94 = tpu.vector_load %arg8[%get3A_93] {strides = array<i32>} : memref<672xf32, #tpu.memory_space<vmem>>, vector<16xf32>,
        %add3A_95 = arith.constant 96 : i32
        %add3A_96 = arith.addi %multiple_of3A_88, %add3A_95 : i32
        %add3A_97 = arith.constant 16 : i32
        %add3A_98 = arith.addi %add3A_96, %add3A_97 : i32
        %get3A_99 = arith.index_cast %add3A_98 : i32 to index
        %get3A_100 = tpu.vector_load %arg8[%get3A_99] {strides = array<i32>} : memref<672xf32, #tpu.memory_space<vmem>>, vector<16xf32>,
        %slice3A_101 = vector.extract_strided_slice %get3A_66 {offsets = [0], sizes = [1], strides = [1]} : vector<16xi32> to vector<1xi32>
        %squeeze3A_102 = vector.extract %slice3A_101[0] : i32 from vector<1xi32>
        %mul3A_103 = arith.constant 32 : i32
        %mul3A_104 = arith.muli %squeeze3A_102, %mul3A_103 : i32
        %multiple_of3A_105 = tpu.assume_multiple %mul3A_104, 32 : i32
        %add3A_106 = arith.constant 224 : i32
        %add3A_107 = arith.addi %multiple_of3A_105, %add3A_106 : i32
        %add3A_108 = arith.constant 0 : i32
        %add3A_109 = arith.addi %add3A_107, %add3A_108 : i32
        %get3A_110 = arith.index_cast %add3A_109 : i32 to index
        %get3A_111 = tpu.vector_load %arg8[%get3A_110] {strides = array<i32>} : memref<672xf32, #tpu.memory_space<vmem>>, vector<16xf32>,
        %add3A_112 = arith.constant 224 : i32
        %add3A_113 = arith.addi %multiple_of3A_105, %add3A_112 : i32
        %add3A_114 = arith.constant 16 : i32
        %add3A_115 = arith.addi %add3A_113, %add3A_114 : i32
        %get3A_116 = arith.index_cast %add3A_115 : i32 to index
        %get3A_117 = tpu.vector_load %arg8[%get3A_116] {strides = array<i32>} : memref<672xf32, #tpu.memory_space<vmem>>, vector<16xf32>,
        %slice3A_118 = vector.extract_strided_slice %get3A_68 {offsets = [0], sizes = [1], strides = [1]} : vector<16xi32> to vector<1xi32>
        %squeeze3A_119 = vector.extract %slice3A_118[0] : i32 from vector<1xi32>
        %mul3A_120 = arith.constant 32 : i32
        %mul3A_121 = arith.muli %squeeze3A_119, %mul3A_120 : i32
        %multiple_of3A_122 = tpu.assume_multiple %mul3A_121, 32 : i32
        %add3A_123 = arith.constant 512 : i32
        %add3A_124 = arith.addi %multiple_of3A_122, %add3A_123 : i32
        %add3A_125 = arith.constant 0 : i32
        %add3A_126 = arith.addi %add3A_124, %add3A_125 : i32
        %get3A_127 = arith.index_cast %add3A_126 : i32 to index
        %get3A_128 = tpu.vector_load %arg8[%get3A_127] {strides = array<i32>} : memref<672xf32, #tpu.memory_space<vmem>>, vector<16xf32>,
        %add3A_129 = arith.constant 512 : i32
        %add3A_130 = arith.addi %multiple_of3A_122, %add3A_129 : i32
        %add3A_131 = arith.constant 16 : i32
        %add3A_132 = arith.addi %add3A_130, %add3A_131 : i32
        %get3A_133 = arith.index_cast %add3A_132 : i32 to index
        %get3A_134 = tpu.vector_load %arg8[%get3A_133] {strides = array<i32>} : memref<672xf32, #tpu.memory_space<vmem>>, vector<16xf32>,
        %slice3A_135 = vector.extract_strided_slice %get3A_62 {offsets = [1], sizes = [1], strides = [1]} : vector<16xi32> to vector<1xi32>
        %squeeze3A_136 = vector.extract %slice3A_135[0] : i32 from vector<1xi32>
        %mul3A_137 = arith.constant 32 : i32
        %mul3A_138 = arith.muli %squeeze3A_136, %mul3A_137 : i32
        %multiple_of3A_139 = tpu.assume_multiple %mul3A_138, 32 : i32
        %add3A_140 = arith.constant 0 : i32
        %add3A_141 = arith.addi %multiple_of3A_139, %add3A_140 : i32
        %add3A_142 = arith.constant 0 : i32
        %add3A_143 = arith.addi %add3A_141, %add3A_142 : i32
        %get3A_144 = arith.index_cast %add3A_143 : i32 to index
        %get3A_145 = tpu.vector_load %arg8[%get3A_144] {strides = array<i32>} : memref<672xf32, #tpu.memory_space<vmem>>, vector<16xf32>,
        %add3A_146 = arith.constant 0 : i32
        %add3A_147 = arith.addi %multiple_of3A_139, %add3A_146 : i32
        %add3A_148 = arith.constant 16 : i32
        %add3A_149 = arith.addi %add3A_147, %add3A_148 : i32
        %get3A_150 = arith.index_cast %add3A_149 : i32 to index
        %get3A_151 = tpu.vector_load %arg8[%get3A_150] {strides = array<i32>} : memref<672xf32, #tpu.memory_space<vmem>>, vector<16xf32>,
        %slice3A_152 = vector.extract_strided_slice %get3A_64 {offsets = [1], sizes = [1], strides = [1]} : vector<16xi32> to vector<1xi32>
        %squeeze3A_153 = vector.extract %slice3A_152[0] : i32 from vector<1xi32>
        %mul3A_154 = arith.constant 32 : i32
        %mul3A_155 = arith.muli %squeeze3A_153, %mul3A_154 : i32
        %multiple_of3A_156 = tpu.assume_multiple %mul3A_155, 32 : i32
        %add3A_157 = arith.constant 96 : i32
        %add3A_158 = arith.addi %multiple_of3A_156, %add3A_157 : i32
        %add3A_159 = arith.constant 0 : i32
        %add3A_160 = arith.addi %add3A_158, %add3A_159 : i32
        %get3A_161 = arith.index_cast %add3A_160 : i32 to index
        %get3A_162 = tpu.vector_load %arg8[%get3A_161] {strides = array<i32>} : memref<672xf32, #tpu.memory_space<vmem>>, vector<16xf32>,
        %add3A_163 = arith.constant 96 : i32
        %add3A_164 = arith.addi %multiple_of3A_156, %add3A_163 : i32
        %add3A_165 = arith.constant 16 : i32
        %add3A_166 = arith.addi %add3A_164, %add3A_165 : i32
        %get3A_167 = arith.index_cast %add3A_166 : i32 to index
        %get3A_168 = tpu.vector_load %arg8[%get3A_167] {strides = array<i32>} : memref<672xf32, #tpu.memory_space<vmem>>, vector<16xf32>,
        %slice3A_169 = vector.extract_strided_slice %get3A_66 {offsets = [1], sizes = [1], strides = [1]} : vector<16xi32> to vector<1xi32>
        %squeeze3A_170 = vector.extract %slice3A_169[0] : i32 from vector<1xi32>
        %mul3A_171 = arith.constant 32 : i32
        %mul3A_172 = arith.muli %squeeze3A_170, %mul3A_171 : i32
        %multiple_of3A_173 = tpu.assume_multiple %mul3A_172, 32 : i32
        %add3A_174 = arith.constant 224 : i32
        %add3A_175 = arith.addi %multiple_of3A_173, %add3A_174 : i32
        %add3A_176 = arith.constant 0 : i32
        %add3A_177 = arith.addi %add3A_175, %add3A_176 : i32
        %get3A_178 = arith.index_cast %add3A_177 : i32 to index
        %get3A_179 = tpu.vector_load %arg8[%get3A_178] {strides = array<i32>} : memref<672xf32, #tpu.memory_space<vmem>>, vector<16xf32>,
        %add3A_180 = arith.constant 224 : i32
        %add3A_181 = arith.addi %multiple_of3A_173, %add3A_180 : i32
        %add3A_182 = arith.constant 16 : i32
        %add3A_183 = arith.addi %add3A_181, %add3A_182 : i32
        %get3A_184 = arith.index_cast %add3A_183 : i32 to index
        %get3A_185 = tpu.vector_load %arg8[%get3A_184] {strides = array<i32>} : memref<672xf32, #tpu.memory_space<vmem>>, vector<16xf32>,
        %slice3A_186 = vector.extract_strided_slice %get3A_68 {offsets = [1], sizes = [1], strides = [1]} : vector<16xi32> to vector<1xi32>
        %squeeze3A_187 = vector.extract %slice3A_186[0] : i32 from vector<1xi32>
        %mul3A_188 = arith.constant 32 : i32
        %mul3A_189 = arith.muli %squeeze3A_187, %mul3A_188 : i32
        %multiple_of3A_190 = tpu.assume_multiple %mul3A_189, 32 : i32
        %add3A_191 = arith.constant 512 : i32
        %add3A_192 = arith.addi %multiple_of3A_190, %add3A_191 : i32
        %add3A_193 = arith.constant 0 : i32
        %add3A_194 = arith.addi %add3A_192, %add3A_193 : i32
        %get3A_195 = arith.index_cast %add3A_194 : i32 to index
        %get3A_196 = tpu.vector_load %arg8[%get3A_195] {strides = array<i32>} : memref<672xf32, #tpu.memory_space<vmem>>, vector<16xf32>,
        %add3A_197 = arith.constant 512 : i32
        %add3A_198 = arith.addi %multiple_of3A_190, %add3A_197 : i32
        %add3A_199 = arith.constant 16 : i32
        %add3A_200 = arith.addi %add3A_198, %add3A_199 : i32
        %get3A_201 = arith.index_cast %add3A_200 : i32 to index
        %get3A_202 = tpu.vector_load %arg8[%get3A_201] {strides = array<i32>} : memref<672xf32, #tpu.memory_space<vmem>>, vector<16xf32>,
        %slice3A_203 = vector.extract_strided_slice %get3A_62 {offsets = [2], sizes = [1], strides = [1]} : vector<16xi32> to vector<1xi32>
        %squeeze3A_204 = vector.extract %slice3A_203[0] : i32 from vector<1xi32>
        %mul3A_205 = arith.constant 32 : i32
        %mul3A_206 = arith.muli %squeeze3A_204, %mul3A_205 : i32
        %multiple_of3A_207 = tpu.assume_multiple %mul3A_206, 32 : i32
        %add3A_208 = arith.constant 0 : i32
        %add3A_209 = arith.addi %multiple_of3A_207, %add3A_208 : i32
        %add3A_210 = arith.constant 0 : i32
        %add3A_211 = arith.addi %add3A_209, %add3A_210 : i32
        %get3A_212 = arith.index_cast %add3A_211 : i32 to index
        %get3A_213 = tpu.vector_load %arg8[%get3A_212] {strides = array<i32>} : memref<672xf32, #tpu.memory_space<vmem>>, vector<16xf32>,
        %add3A_214 = arith.constant 0 : i32
        %add3A_215 = arith.addi %multiple_of3A_207, %add3A_214 : i32
        %add3A_216 = arith.constant 16 : i32
        %add3A_217 = arith.addi %add3A_215, %add3A_216 : i32
        %get3A_218 = arith.index_cast %add3A_217 : i32 to index
        %get3A_219 = tpu.vector_load %arg8[%get3A_218] {strides = array<i32>} : memref<672xf32, #tpu.memory_space<vmem>>, vector<16xf32>,
        %slice3A_220 = vector.extract_strided_slice %get3A_64 {offsets = [2], sizes = [1], strides = [1]} : vector<16xi32> to vector<1xi32>
        %squeeze3A_221 = vector.extract %slice3A_220[0] : i32 from vector<1xi32>
        %mul3A_222 = arith.constant 32 : i32
        %mul3A_223 = arith.muli %squeeze3A_221, %mul3A_222 : i32
        %multiple_of3A_224 = tpu.assume_multiple %mul3A_223, 32 : i32
        %add3A_225 = arith.constant 96 : i32
        %add3A_226 = arith.addi %multiple_of3A_224, %add3A_225 : i32
        %add3A_227 = arith.constant 0 : i32
        %add3A_228 = arith.addi %add3A_226, %add3A_227 : i32
        %get3A_229 = arith.index_cast %add3A_228 : i32 to index
        %get3A_230 = tpu.vector_load %arg8[%get3A_229] {strides = array<i32>} : memref<672xf32, #tpu.memory_space<vmem>>, vector<16xf32>,
        %add3A_231 = arith.constant 96 : i32
        %add3A_232 = arith.addi %multiple_of3A_224, %add3A_231 : i32
        %add3A_233 = arith.constant 16 : i32
        %add3A_234 = arith.addi %add3A_232, %add3A_233 : i32
        %get3A_235 = arith.index_cast %add3A_234 : i32 to index
        %get3A_236 = tpu.vector_load %arg8[%get3A_235] {strides = array<i32>} : memref<672xf32, #tpu.memory_space<vmem>>, vector<16xf32>,
        %slice3A_237 = vector.extract_strided_slice %get3A_66 {offsets = [2], sizes = [1], strides = [1]} : vector<16xi32> to vector<1xi32>
        %squeeze3A_238 = vector.extract %slice3A_237[0] : i32 from vector<1xi32>
        %mul3A_239 = arith.constant 32 : i32
        %mul3A_240 = arith.muli %squeeze3A_238, %mul3A_239 : i32
        %multiple_of3A_241 = tpu.assume_multiple %mul3A_240, 32 : i32
        %add3A_242 = arith.constant 224 : i32
        %add3A_243 = arith.addi %multiple_of3A_241, %add3A_242 : i32
        %add3A_244 = arith.constant 0 : i32
        %add3A_245 = arith.addi %add3A_243, %add3A_244 : i32
        %get3A_246 = arith.index_cast %add3A_245 : i32 to index
        %get3A_247 = tpu.vector_load %arg8[%get3A_246] {strides = array<i32>} : memref<672xf32, #tpu.memory_space<vmem>>, vector<16xf32>,
        %add3A_248 = arith.constant 224 : i32
        %add3A_249 = arith.addi %multiple_of3A_241, %add3A_248 : i32
        %add3A_250 = arith.constant 16 : i32
        %add3A_251 = arith.addi %add3A_249, %add3A_250 : i32
        %get3A_252 = arith.index_cast %add3A_251 : i32 to index
        %get3A_253 = tpu.vector_load %arg8[%get3A_252] {strides = array<i32>} : memref<672xf32, #tpu.memory_space<vmem>>, vector<16xf32>,
        %slice3A_254 = vector.extract_strided_slice %get3A_68 {offsets = [2], sizes = [1], strides = [1]} : vector<16xi32> to vector<1xi32>
        %squeeze3A_255 = vector.extract %slice3A_254[0] : i32 from vector<1xi32>
        %mul3A_256 = arith.constant 32 : i32
        %mul3A_257 = arith.muli %squeeze3A_255, %mul3A_256 : i32
        %multiple_of3A_258 = tpu.assume_multiple %mul3A_257, 32 : i32
        %add3A_259 = arith.constant 512 : i32
        %add3A_260 = arith.addi %multiple_of3A_258, %add3A_259 : i32
        %add3A_261 = arith.constant 0 : i32
        %add3A_262 = arith.addi %add3A_260, %add3A_261 : i32
        %get3A_263 = arith.index_cast %add3A_262 : i32 to index
        %get3A_264 = tpu.vector_load %arg8[%get3A_263] {strides = array<i32>} : memref<672xf32, #tpu.memory_space<vmem>>, vector<16xf32>,
        %add3A_265 = arith.constant 512 : i32
        %add3A_266 = arith.addi %multiple_of3A_258, %add3A_265 : i32
        %add3A_267 = arith.constant 16 : i32
        %add3A_268 = arith.addi %add3A_266, %add3A_267 : i32
        %get3A_269 = arith.index_cast %add3A_268 : i32 to index
        %get3A_270 = tpu.vector_load %arg8[%get3A_269] {strides = array<i32>} : memref<672xf32, #tpu.memory_space<vmem>>, vector<16xf32>,
        %slice3A_271 = vector.extract_strided_slice %get3A_62 {offsets = [3], sizes = [1], strides = [1]} : vector<16xi32> to vector<1xi32>
        %squeeze3A_272 = vector.extract %slice3A_271[0] : i32 from vector<1xi32>
        %mul3A_273 = arith.constant 32 : i32
        %mul3A_274 = arith.muli %squeeze3A_272, %mul3A_273 : i32
        %multiple_of3A_275 = tpu.assume_multiple %mul3A_274, 32 : i32
        %add3A_276 = arith.constant 0 : i32
        %add3A_277 = arith.addi %multiple_of3A_275, %add3A_276 : i32
        %add3A_278 = arith.constant 0 : i32
        %add3A_279 = arith.addi %add3A_277, %add3A_278 : i32
        %get3A_280 = arith.index_cast %add3A_279 : i32 to index
        %get3A_281 = tpu.vector_load %arg8[%get3A_280] {strides = array<i32>} : memref<672xf32, #tpu.memory_space<vmem>>, vector<16xf32>,
        %add3A_282 = arith.constant 0 : i32
        %add3A_283 = arith.addi %multiple_of3A_275, %add3A_282 : i32
        %add3A_284 = arith.constant 16 : i32
        %add3A_285 = arith.addi %add3A_283, %add3A_284 : i32
        %get3A_286 = arith.index_cast %add3A_285 : i32 to index
        %get3A_287 = tpu.vector_load %arg8[%get3A_286] {strides = array<i32>} : memref<672xf32, #tpu.memory_space<vmem>>, vector<16xf32>,
        %slice3A_288 = vector.extract_strided_slice %get3A_64 {offsets = [3], sizes = [1], strides = [1]} : vector<16xi32> to vector<1xi32>
        %squeeze3A_289 = vector.extract %slice3A_288[0] : i32 from vector<1xi32>
        %mul3A_290 = arith.constant 32 : i32
        %mul3A_291 = arith.muli %squeeze3A_289, %mul3A_290 : i32
        %multiple_of3A_292 = tpu.assume_multiple %mul3A_291, 32 : i32
        %add3A_293 = arith.constant 96 : i32
        %add3A_294 = arith.addi %multiple_of3A_292, %add3A_293 : i32
        %add3A_295 = arith.constant 0 : i32
        %add3A_296 = arith.addi %add3A_294, %add3A_295 : i32
        %get3A_297 = arith.index_cast %add3A_296 : i32 to index
        %get3A_298 = tpu.vector_load %arg8[%get3A_297] {strides = array<i32>} : memref<672xf32, #tpu.memory_space<vmem>>, vector<16xf32>,
        %add3A_299 = arith.constant 96 : i32
        %add3A_300 = arith.addi %multiple_of3A_292, %add3A_299 : i32
        %add3A_301 = arith.constant 16 : i32
        %add3A_302 = arith.addi %add3A_300, %add3A_301 : i32
        %get3A_303 = arith.index_cast %add3A_302 : i32 to index
        %get3A_304 = tpu.vector_load %arg8[%get3A_303] {strides = array<i32>} : memref<672xf32, #tpu.memory_space<vmem>>, vector<16xf32>,
        %slice3A_305 = vector.extract_strided_slice %get3A_66 {offsets = [3], sizes = [1], strides = [1]} : vector<16xi32> to vector<1xi32>
        %squeeze3A_306 = vector.extract %slice3A_305[0] : i32 from vector<1xi32>
        %mul3A_307 = arith.constant 32 : i32
        %mul3A_308 = arith.muli %squeeze3A_306, %mul3A_307 : i32
        %multiple_of3A_309 = tpu.assume_multiple %mul3A_308, 32 : i32
        %add3A_310 = arith.constant 224 : i32
        %add3A_311 = arith.addi %multiple_of3A_309, %add3A_310 : i32
        %add3A_312 = arith.constant 0 : i32
        %add3A_313 = arith.addi %add3A_311, %add3A_312 : i32
        %get3A_314 = arith.index_cast %add3A_313 : i32 to index
        %get3A_315 = tpu.vector_load %arg8[%get3A_314] {strides = array<i32>} : memref<672xf32, #tpu.memory_space<vmem>>, vector<16xf32>,
        %add3A_316 = arith.constant 224 : i32
        %add3A_317 = arith.addi %multiple_of3A_309, %add3A_316 : i32
        %add3A_318 = arith.constant 16 : i32
        %add3A_319 = arith.addi %add3A_317, %add3A_318 : i32
        %get3A_320 = arith.index_cast %add3A_319 : i32 to index
        %get3A_321 = tpu.vector_load %arg8[%get3A_320] {strides = array<i32>} : memref<672xf32, #tpu.memory_space<vmem>>, vector<16xf32>,
        %slice3A_322 = vector.extract_strided_slice %get3A_68 {offsets = [3], sizes = [1], strides = [1]} : vector<16xi32> to vector<1xi32>
        %squeeze3A_323 = vector.extract %slice3A_322[0] : i32 from vector<1xi32>
        %mul3A_324 = arith.constant 32 : i32
        %mul3A_325 = arith.muli %squeeze3A_323, %mul3A_324 : i32
        %multiple_of3A_326 = tpu.assume_multiple %mul3A_325, 32 : i32
        %add3A_327 = arith.constant 512 : i32
        %add3A_328 = arith.addi %multiple_of3A_326, %add3A_327 : i32
        %add3A_329 = arith.constant 0 : i32
        %add3A_330 = arith.addi %add3A_328, %add3A_329 : i32
        %get3A_331 = arith.index_cast %add3A_330 : i32 to index
        %get3A_332 = tpu.vector_load %arg8[%get3A_331] {strides = array<i32>} : memref<672xf32, #tpu.memory_space<vmem>>, vector<16xf32>,
        %add3A_333 = arith.constant 512 : i32
        %add3A_334 = arith.addi %multiple_of3A_326, %add3A_333 : i32
        %add3A_335 = arith.constant 16 : i32
        %add3A_336 = arith.addi %add3A_334, %add3A_335 : i32
        %get3A_337 = arith.index_cast %add3A_336 : i32 to index
        %get3A_338 = tpu.vector_load %arg8[%get3A_337] {strides = array<i32>} : memref<672xf32, #tpu.memory_space<vmem>>, vector<16xf32>,
        %add3A_339 = arith.constant 0 : i32
        %add3A_340 = arith.addi %multiple_of3A, %add3A_339 : i32
        %add3A_341 = arith.constant 0 : i32
        %add3A_342 = arith.addi %add3A_340, %add3A_341 : i32
        %add3A_343 = arith.constant 0 : i32
        %add3A_344 = arith.addi %add3A_342, %add3A_343 : i32
        %swap3A = arith.index_cast %add3A_344 : i32 to index
        %swap3A_345 = tpu.vector_load %arg13[%swap3A] {strides = array<i32>} : memref<40960xf32, #tpu.memory_space<vmem>>, vector<16xf32>,
        tpu.vector_store %arg13[%swap3A], %get3A_77 {strides = array<i32>} : memref<40960xf32, #tpu.memory_space<vmem>>, vector<16xf32>,
        %add3A_346 = arith.constant 0 : i32
        %add3A_347 = arith.addi %multiple_of3A, %add3A_346 : i32
        %add3A_348 = arith.constant 0 : i32
        %add3A_349 = arith.addi %add3A_347, %add3A_348 : i32
        %add3A_350 = arith.constant 16 : i32
        %add3A_351 = arith.addi %add3A_349, %add3A_350 : i32
        %swap3A_352 = arith.index_cast %add3A_351 : i32 to index
        %swap3A_353 = tpu.vector_load %arg13[%swap3A_352] {strides = array<i32>} : memref<40960xf32, #tpu.memory_space<vmem>>, vector<16xf32>,
        tpu.vector_store %arg13[%swap3A_352], %get3A_83 {strides = array<i32>} : memref<40960xf32, #tpu.memory_space<vmem>>, vector<16xf32>,
        %add3A_354 = arith.constant 0 : i32
        %add3A_355 = arith.addi %multiple_of3A, %add3A_354 : i32
        %add3A_356 = arith.constant 32 : i32
        %add3A_357 = arith.addi %add3A_355, %add3A_356 : i32
        %add3A_358 = arith.constant 0 : i32
        %add3A_359 = arith.addi %add3A_357, %add3A_358 : i32
        %swap3A_360 = arith.index_cast %add3A_359 : i32 to index
        %swap3A_361 = tpu.vector_load %arg13[%swap3A_360] {strides = array<i32>} : memref<40960xf32, #tpu.memory_space<vmem>>, vector<16xf32>,
        tpu.vector_store %arg13[%swap3A_360], %get3A_94 {strides = array<i32>} : memref<40960xf32, #tpu.memory_space<vmem>>, vector<16xf32>,
        %add3A_362 = arith.constant 0 : i32
        %add3A_363 = arith.addi %multiple_of3A, %add3A_362 : i32
        %add3A_364 = arith.constant 32 : i32
        %add3A_365 = arith.addi %add3A_363, %add3A_364 : i32
        %add3A_366 = arith.constant 16 : i32
        %add3A_367 = arith.addi %add3A_365, %add3A_366 : i32
        %swap3A_368 = arith.index_cast %add3A_367 : i32 to index
        %swap3A_369 = tpu.vector_load %arg13[%swap3A_368] {strides = array<i32>} : memref<40960xf32, #tpu.memory_space<vmem>>, vector<16xf32>,
        tpu.vector_store %arg13[%swap3A_368], %get3A_100 {strides = array<i32>} : memref<40960xf32, #tpu.memory_space<vmem>>, vector<16xf32>,
        %add3A_370 = arith.constant 0 : i32
        %add3A_371 = arith.addi %multiple_of3A, %add3A_370 : i32
        %add3A_372 = arith.constant 64 : i32
        %add3A_373 = arith.addi %add3A_371, %add3A_372 : i32
        %add3A_374 = arith.constant 0 : i32
        %add3A_375 = arith.addi %add3A_373, %add3A_374 : i32
        %swap3A_376 = arith.index_cast %add3A_375 : i32 to index
        %swap3A_377 = tpu.vector_load %arg13[%swap3A_376] {strides = array<i32>} : memref<40960xf32, #tpu.memory_space<vmem>>, vector<16xf32>,
        tpu.vector_store %arg13[%swap3A_376], %get3A_111 {strides = array<i32>} : memref<40960xf32, #tpu.memory_space<vmem>>, vector<16xf32>,
        %add3A_378 = arith.constant 0 : i32
        %add3A_379 = arith.addi %multiple_of3A, %add3A_378 : i32
        %add3A_380 = arith.constant 64 : i32
        %add3A_381 = arith.addi %add3A_379, %add3A_380 : i32
        %add3A_382 = arith.constant 16 : i32
        %add3A_383 = arith.addi %add3A_381, %add3A_382 : i32
        %swap3A_384 = arith.index_cast %add3A_383 : i32 to index
        %swap3A_385 = tpu.vector_load %arg13[%swap3A_384] {strides = array<i32>} : memref<40960xf32, #tpu.memory_space<vmem>>, vector<16xf32>,
        tpu.vector_store %arg13[%swap3A_384], %get3A_117 {strides = array<i32>} : memref<40960xf32, #tpu.memory_space<vmem>>, vector<16xf32>,
        %add3A_386 = arith.constant 0 : i32
        %add3A_387 = arith.addi %multiple_of3A, %add3A_386 : i32
        %add3A_388 = arith.constant 96 : i32
        %add3A_389 = arith.addi %add3A_387, %add3A_388 : i32
        %add3A_390 = arith.constant 0 : i32
        %add3A_391 = arith.addi %add3A_389, %add3A_390 : i32
        %swap3A_392 = arith.index_cast %add3A_391 : i32 to index
        %swap3A_393 = tpu.vector_load %arg13[%swap3A_392] {strides = array<i32>} : memref<40960xf32, #tpu.memory_space<vmem>>, vector<16xf32>,
        tpu.vector_store %arg13[%swap3A_392], %get3A_128 {strides = array<i32>} : memref<40960xf32, #tpu.memory_space<vmem>>, vector<16xf32>,
        %add3A_394 = arith.constant 0 : i32
        %add3A_395 = arith.addi %multiple_of3A, %add3A_394 : i32
        %add3A_396 = arith.constant 96 : i32
        %add3A_397 = arith.addi %add3A_395, %add3A_396 : i32
        %add3A_398 = arith.constant 16 : i32
        %add3A_399 = arith.addi %add3A_397, %add3A_398 : i32
        %swap3A_400 = arith.index_cast %add3A_399 : i32 to index
        %swap3A_401 = tpu.vector_load %arg13[%swap3A_400] {strides = array<i32>} : memref<40960xf32, #tpu.memory_space<vmem>>, vector<16xf32>,
        tpu.vector_store %arg13[%swap3A_400], %get3A_134 {strides = array<i32>} : memref<40960xf32, #tpu.memory_space<vmem>>, vector<16xf32>,
        %add3A_402 = arith.constant 128 : i32
        %add3A_403 = arith.addi %multiple_of3A, %add3A_402 : i32
        %add3A_404 = arith.constant 0 : i32
        %add3A_405 = arith.addi %add3A_403, %add3A_404 : i32
        %add3A_406 = arith.constant 0 : i32
        %add3A_407 = arith.addi %add3A_405, %add3A_406 : i32
        %swap3A_408 = arith.index_cast %add3A_407 : i32 to index
        %swap3A_409 = tpu.vector_load %arg13[%swap3A_408] {strides = array<i32>} : memref<40960xf32, #tpu.memory_space<vmem>>, vector<16xf32>,
        tpu.vector_store %arg13[%swap3A_408], %get3A_145 {strides = array<i32>} : memref<40960xf32, #tpu.memory_space<vmem>>, vector<16xf32>,
        %add3A_410 = arith.constant 128 : i32
        %add3A_411 = arith.addi %multiple_of3A, %add3A_410 : i32
        %add3A_412 = arith.constant 0 : i32
        %add3A_413 = arith.addi %add3A_411, %add3A_412 : i32
        %add3A_414 = arith.constant 16 : i32
        %add3A_415 = arith.addi %add3A_413, %add3A_414 : i32
        %swap3A_416 = arith.index_cast %add3A_415 : i32 to index
        %swap3A_417 = tpu.vector_load %arg13[%swap3A_416] {strides = array<i32>} : memref<40960xf32, #tpu.memory_space<vmem>>, vector<16xf32>,
        tpu.vector_store %arg13[%swap3A_416], %get3A_151 {strides = array<i32>} : memref<40960xf32, #tpu.memory_space<vmem>>, vector<16xf32>,
        %add3A_418 = arith.constant 128 : i32
        %add3A_419 = arith.addi %multiple_of3A, %add3A_418 : i32
        %add3A_420 = arith.constant 32 : i32
        %add3A_421 = arith.addi %add3A_419, %add3A_420 : i32
        %add3A_422 = arith.constant 0 : i32
        %add3A_423 = arith.addi %add3A_421, %add3A_422 : i32
        %swap3A_424 = arith.index_cast %add3A_423 : i32 to index
        %swap3A_425 = tpu.vector_load %arg13[%swap3A_424] {strides = array<i32>} : memref<40960xf32, #tpu.memory_space<vmem>>, vector<16xf32>,
        tpu.vector_store %arg13[%swap3A_424], %get3A_162 {strides = array<i32>} : memref<40960xf32, #tpu.memory_space<vmem>>, vector<16xf32>,
        %add3A_426 = arith.constant 128 : i32
        %add3A_427 = arith.addi %multiple_of3A, %add3A_426 : i32
        %add3A_428 = arith.constant 32 : i32
        %add3A_429 = arith.addi %add3A_427, %add3A_428 : i32
        %add3A_430 = arith.constant 16 : i32
        %add3A_431 = arith.addi %add3A_429, %add3A_430 : i32
        %swap3A_432 = arith.index_cast %add3A_431 : i32 to index
        %swap3A_433 = tpu.vector_load %arg13[%swap3A_432] {strides = array<i32>} : memref<40960xf32, #tpu.memory_space<vmem>>, vector<16xf32>,
        tpu.vector_store %arg13[%swap3A_432], %get3A_168 {strides = array<i32>} : memref<40960xf32, #tpu.memory_space<vmem>>, vector<16xf32>,
        %add3A_434 = arith.constant 128 : i32
        %add3A_435 = arith.addi %multiple_of3A, %add3A_434 : i32
        %add3A_436 = arith.constant 64 : i32
        %add3A_437 = arith.addi %add3A_435, %add3A_436 : i32
        %add3A_438 = arith.constant 0 : i32
        %add3A_439 = arith.addi %add3A_437, %add3A_438 : i32
        %swap3A_440 = arith.index_cast %add3A_439 : i32 to index
        %swap3A_441 = tpu.vector_load %arg13[%swap3A_440] {strides = array<i32>} : memref<40960xf32, #tpu.memory_space<vmem>>, vector<16xf32>,
        tpu.vector_store %arg13[%swap3A_440], %get3A_179 {strides = array<i32>} : memref<40960xf32, #tpu.memory_space<vmem>>, vector<16xf32>,
        %add3A_442 = arith.constant 128 : i32
        %add3A_443 = arith.addi %multiple_of3A, %add3A_442 : i32
        %add3A_444 = arith.constant 64 : i32
        %add3A_445 = arith.addi %add3A_443, %add3A_444 : i32
        %add3A_446 = arith.constant 16 : i32
        %add3A_447 = arith.addi %add3A_445, %add3A_446 : i32
        %swap3A_448 = arith.index_cast %add3A_447 : i32 to index
        %swap3A_449 = tpu.vector_load %arg13[%swap3A_448] {strides = array<i32>} : memref<40960xf32, #tpu.memory_space<vmem>>, vector<16xf32>,
        tpu.vector_store %arg13[%swap3A_448], %get3A_185 {strides = array<i32>} : memref<40960xf32, #tpu.memory_space<vmem>>, vector<16xf32>,
        %add3A_450 = arith.constant 128 : i32
        %add3A_451 = arith.addi %multiple_of3A, %add3A_450 : i32
        %add3A_452 = arith.constant 96 : i32
        %add3A_453 = arith.addi %add3A_451, %add3A_452 : i32
        %add3A_454 = arith.constant 0 : i32
        %add3A_455 = arith.addi %add3A_453, %add3A_454 : i32
        %swap3A_456 = arith.index_cast %add3A_455 : i32 to index
        %swap3A_457 = tpu.vector_load %arg13[%swap3A_456] {strides = array<i32>} : memref<40960xf32, #tpu.memory_space<vmem>>, vector<16xf32>,
        tpu.vector_store %arg13[%swap3A_456], %get3A_196 {strides = array<i32>} : memref<40960xf32, #tpu.memory_space<vmem>>, vector<16xf32>,
        %add3A_458 = arith.constant 128 : i32
        %add3A_459 = arith.addi %multiple_of3A, %add3A_458 : i32
        %add3A_460 = arith.constant 96 : i32
        %add3A_461 = arith.addi %add3A_459, %add3A_460 : i32
        %add3A_462 = arith.constant 16 : i32
        %add3A_463 = arith.addi %add3A_461, %add3A_462 : i32
        %swap3A_464 = arith.index_cast %add3A_463 : i32 to index
        %swap3A_465 = tpu.vector_load %arg13[%swap3A_464] {strides = array<i32>} : memref<40960xf32, #tpu.memory_space<vmem>>, vector<16xf32>,
        tpu.vector_store %arg13[%swap3A_464], %get3A_202 {strides = array<i32>} : memref<40960xf32, #tpu.memory_space<vmem>>, vector<16xf32>,
        %slice3A_466 = vector.extract_strided_slice %get3A_62 {offsets = [4], sizes = [1], strides = [1]} : vector<16xi32> to vector<1xi32>
        %squeeze3A_467 = vector.extract %slice3A_466[0] : i32 from vector<1xi32>
        %mul3A_468 = arith.constant 32 : i32
        %mul3A_469 = arith.muli %squeeze3A_467, %mul3A_468 : i32
        %multiple_of3A_470 = tpu.assume_multiple %mul3A_469, 32 : i32
        %add3A_471 = arith.constant 0 : i32
        %add3A_472 = arith.addi %multiple_of3A_470, %add3A_471 : i32
        %add3A_473 = arith.constant 0 : i32
        %add3A_474 = arith.addi %add3A_472, %add3A_473 : i32
        %get3A_475 = arith.index_cast %add3A_474 : i32 to index
        %get3A_476 = tpu.vector_load %arg8[%get3A_475] {strides = array<i32>} : memref<672xf32, #tpu.memory_space<vmem>>, vector<16xf32>,
        %add3A_477 = arith.constant 0 : i32
        %add3A_478 = arith.addi %multiple_of3A_470, %add3A_477 : i32
        %add3A_479 = arith.constant 16 : i32
        %add3A_480 = arith.addi %add3A_478, %add3A_479 : i32
        %get3A_481 = arith.index_cast %add3A_480 : i32 to index
        %get3A_482 = tpu.vector_load %arg8[%get3A_481] {strides = array<i32>} : memref<672xf32, #tpu.memory_space<vmem>>, vector<16xf32>,
        %slice3A_483 = vector.extract_strided_slice %get3A_64 {offsets = [4], sizes = [1], strides = [1]} : vector<16xi32> to vector<1xi32>
        %squeeze3A_484 = vector.extract %slice3A_483[0] : i32 from vector<1xi32>
        %mul3A_485 = arith.constant 32 : i32
        %mul3A_486 = arith.muli %squeeze3A_484, %mul3A_485 : i32
        %multiple_of3A_487 = tpu.assume_multiple %mul3A_486, 32 : i32
        %add3A_488 = arith.constant 96 : i32
        %add3A_489 = arith.addi %multiple_of3A_487, %add3A_488 : i32
        %add3A_490 = arith.constant 0 : i32
        %add3A_491 = arith.addi %add3A_489, %add3A_490 : i32
        %get3A_492 = arith.index_cast %add3A_491 : i32 to index
        %get3A_493 = tpu.vector_load %arg8[%get3A_492] {strides = array<i32>} : memref<672xf32, #tpu.memory_space<vmem>>, vector<16xf32>,
        %add3A_494 = arith.constant 96 : i32
        %add3A_495 = arith.addi %multiple_of3A_487, %add3A_494 : i32
        %add3A_496 = arith.constant 16 : i32
        %add3A_497 = arith.addi %add3A_495, %add3A_496 : i32
        %get3A_498 = arith.index_cast %add3A_497 : i32 to index
        %get3A_499 = tpu.vector_load %arg8[%get3A_498] {strides = array<i32>} : memref<672xf32, #tpu.memory_space<vmem>>, vector<16xf32>,
        %slice3A_500 = vector.extract_strided_slice %get3A_66 {offsets = [4], sizes = [1], strides = [1]} : vector<16xi32> to vector<1xi32>
        %squeeze3A_501 = vector.extract %slice3A_500[0] : i32 from vector<1xi32>
        %mul3A_502 = arith.constant 32 : i32
        %mul3A_503 = arith.muli %squeeze3A_501, %mul3A_502 : i32
        %multiple_of3A_504 = tpu.assume_multiple %mul3A_503, 32 : i32
        %add3A_505 = arith.constant 224 : i32
        %add3A_506 = arith.addi %multiple_of3A_504, %add3A_505 : i32
        %add3A_507 = arith.constant 0 : i32
        %add3A_508 = arith.addi %add3A_506, %add3A_507 : i32
        %get3A_509 = arith.index_cast %add3A_508 : i32 to index
        %get3A_510 = tpu.vector_load %arg8[%get3A_509] {strides = array<i32>} : memref<672xf32, #tpu.memory_space<vmem>>, vector<16xf32>,
        %add3A_511 = arith.constant 224 : i32
        %add3A_512 = arith.addi %multiple_of3A_504, %add3A_511 : i32
        %add3A_513 = arith.constant 16 : i32
        %add3A_514 = arith.addi %add3A_512, %add3A_513 : i32
        %get3A_515 = arith.index_cast %add3A_514 : i32 to index
        %get3A_516 = tpu.vector_load %arg8[%get3A_515] {strides = array<i32>} : memref<672xf32, #tpu.memory_space<vmem>>, vector<16xf32>,
        %slice3A_517 = vector.extract_strided_slice %get3A_68 {offsets = [4], sizes = [1], strides = [1]} : vector<16xi32> to vector<1xi32>
        %squeeze3A_518 = vector.extract %slice3A_517[0] : i32 from vector<1xi32>
        %mul3A_519 = arith.constant 32 : i32
        %mul3A_520 = arith.muli %squeeze3A_518, %mul3A_519 : i32
        %multiple_of3A_521 = tpu.assume_multiple %mul3A_520, 32 : i32
        %add3A_522 = arith.constant 512 : i32
        %add3A_523 = arith.addi %multiple_of3A_521, %add3A_522 : i32
        %add3A_524 = arith.constant 0 : i32
        %add3A_525 = arith.addi %add3A_523, %add3A_524 : i32
        %get3A_526 = arith.index_cast %add3A_525 : i32 to index
        %get3A_527 = tpu.vector_load %arg8[%get3A_526] {strides = array<i32>} : memref<672xf32, #tpu.memory_space<vmem>>, vector<16xf32>,
        %add3A_528 = arith.constant 512 : i32
        %add3A_529 = arith.addi %multiple_of3A_521, %add3A_528 : i32
        %add3A_530 = arith.constant 16 : i32
        %add3A_531 = arith.addi %add3A_529, %add3A_530 : i32
        %get3A_532 = arith.index_cast %add3A_531 : i32 to index
        %get3A_533 = tpu.vector_load %arg8[%get3A_532] {strides = array<i32>} : memref<672xf32, #tpu.memory_space<vmem>>, vector<16xf32>,
        %slice3A_534 = vector.extract_strided_slice %get3A_62 {offsets = [5], sizes = [1], strides = [1]} : vector<16xi32> to vector<1xi32>
        %squeeze3A_535 = vector.extract %slice3A_534[0] : i32 from vector<1xi32>
        %mul3A_536 = arith.constant 32 : i32
        %mul3A_537 = arith.muli %squeeze3A_535, %mul3A_536 : i32
        %multiple_of3A_538 = tpu.assume_multiple %mul3A_537, 32 : i32
        %add3A_539 = arith.constant 0 : i32
        %add3A_540 = arith.addi %multiple_of3A_538, %add3A_539 : i32
        %add3A_541 = arith.constant 0 : i32
        %add3A_542 = arith.addi %add3A_540, %add3A_541 : i32
        %get3A_543 = arith.index_cast %add3A_542 : i32 to index
        %get3A_544 = tpu.vector_load %arg8[%get3A_543] {strides = array<i32>} : memref<672xf32, #tpu.memory_space<vmem>>, vector<16xf32>,
        %add3A_545 = arith.constant 0 : i32
        %add3A_546 = arith.addi %multiple_of3A_538, %add3A_545 : i32
        %add3A_547 = arith.constant 16 : i32
        %add3A_548 = arith.addi %add3A_546, %add3A_547 : i32
        %get3A_549 = arith.index_cast %add3A_548 : i32 to index
        %get3A_550 = tpu.vector_load %arg8[%get3A_549] {strides = array<i32>} : memref<672xf32, #tpu.memory_space<vmem>>, vector<16xf32>,
        %slice3A_551 = vector.extract_strided_slice %get3A_64 {offsets = [5], sizes = [1], strides = [1]} : vector<16xi32> to vector<1xi32>
        %squeeze3A_552 = vector.extract %slice3A_551[0] : i32 from vector<1xi32>
        %mul3A_553 = arith.constant 32 : i32
        %mul3A_554 = arith.muli %squeeze3A_552, %mul3A_553 : i32
        %multiple_of3A_555 = tpu.assume_multiple %mul3A_554, 32 : i32
        %add3A_556 = arith.constant 96 : i32
        %add3A_557 = arith.addi %multiple_of3A_555, %add3A_556 : i32
        %add3A_558 = arith.constant 0 : i32
        %add3A_559 = arith.addi %add3A_557, %add3A_558 : i32
        %get3A_560 = arith.index_cast %add3A_559 : i32 to index
        %get3A_561 = tpu.vector_load %arg8[%get3A_560] {strides = array<i32>} : memref<672xf32, #tpu.memory_space<vmem>>, vector<16xf32>,
        %add3A_562 = arith.constant 96 : i32
        %add3A_563 = arith.addi %multiple_of3A_555, %add3A_562 : i32
        %add3A_564 = arith.constant 16 : i32
        %add3A_565 = arith.addi %add3A_563, %add3A_564 : i32
        %get3A_566 = arith.index_cast %add3A_565 : i32 to index
        %get3A_567 = tpu.vector_load %arg8[%get3A_566] {strides = array<i32>} : memref<672xf32, #tpu.memory_space<vmem>>, vector<16xf32>,
        %slice3A_568 = vector.extract_strided_slice %get3A_66 {offsets = [5], sizes = [1], strides = [1]} : vector<16xi32> to vector<1xi32>
        %squeeze3A_569 = vector.extract %slice3A_568[0] : i32 from vector<1xi32>
        %mul3A_570 = arith.constant 32 : i32
        %mul3A_571 = arith.muli %squeeze3A_569, %mul3A_570 : i32
        %multiple_of3A_572 = tpu.assume_multiple %mul3A_571, 32 : i32
        %add3A_573 = arith.constant 224 : i32
        %add3A_574 = arith.addi %multiple_of3A_572, %add3A_573 : i32
        %add3A_575 = arith.constant 0 : i32
        %add3A_576 = arith.addi %add3A_574, %add3A_575 : i32
        %get3A_577 = arith.index_cast %add3A_576 : i32 to index
        %get3A_578 = tpu.vector_load %arg8[%get3A_577] {strides = array<i32>} : memref<672xf32, #tpu.memory_space<vmem>>, vector<16xf32>,
        %add3A_579 = arith.constant 224 : i32
        %add3A_580 = arith.addi %multiple_of3A_572, %add3A_579 : i32
        %add3A_581 = arith.constant 16 : i32
        %add3A_582 = arith.addi %add3A_580, %add3A_581 : i32
        %get3A_583 = arith.index_cast %add3A_582 : i32 to index
        %get3A_584 = tpu.vector_load %arg8[%get3A_583] {strides = array<i32>} : memref<672xf32, #tpu.memory_space<vmem>>, vector<16xf32>,
        %slice3A_585 = vector.extract_strided_slice %get3A_68 {offsets = [5], sizes = [1], strides = [1]} : vector<16xi32> to vector<1xi32>
        %squeeze3A_586 = vector.extract %slice3A_585[0] : i32 from vector<1xi32>
        %mul3A_587 = arith.constant 32 : i32
        %mul3A_588 = arith.muli %squeeze3A_586, %mul3A_587 : i32
        %multiple_of3A_589 = tpu.assume_multiple %mul3A_588, 32 : i32
        %add3A_590 = arith.constant 512 : i32
        %add3A_591 = arith.addi %multiple_of3A_589, %add3A_590 : i32
        %add3A_592 = arith.constant 0 : i32
        %add3A_593 = arith.addi %add3A_591, %add3A_592 : i32
        %get3A_594 = arith.index_cast %add3A_593 : i32 to index
        %get3A_595 = tpu.vector_load %arg8[%get3A_594] {strides = array<i32>} : memref<672xf32, #tpu.memory_space<vmem>>, vector<16xf32>,
        %add3A_596 = arith.constant 512 : i32
        %add3A_597 = arith.addi %multiple_of3A_589, %add3A_596 : i32
        %add3A_598 = arith.constant 16 : i32
        %add3A_599 = arith.addi %add3A_597, %add3A_598 : i32
        %get3A_600 = arith.index_cast %add3A_599 : i32 to index
        %get3A_601 = tpu.vector_load %arg8[%get3A_600] {strides = array<i32>} : memref<672xf32, #tpu.memory_space<vmem>>, vector<16xf32>,
        %add3A_602 = arith.constant 256 : i32
        %add3A_603 = arith.addi %multiple_of3A, %add3A_602 : i32
        %add3A_604 = arith.constant 0 : i32
        %add3A_605 = arith.addi %add3A_603, %add3A_604 : i32
        %add3A_606 = arith.constant 0 : i32
        %add3A_607 = arith.addi %add3A_605, %add3A_606 : i32
        %swap3A_608 = arith.index_cast %add3A_607 : i32 to index
        %swap3A_609 = tpu.vector_load %arg13[%swap3A_608] {strides = array<i32>} : memref<40960xf32, #tpu.memory_space<vmem>>, vector<16xf32>,
        tpu.vector_store %arg13[%swap3A_608], %get3A_213 {strides = array<i32>} : memref<40960xf32, #tpu.memory_space<vmem>>, vector<16xf32>,
        %add3A_610 = arith.constant 256 : i32
        %add3A_611 = arith.addi %multiple_of3A, %add3A_610 : i32
        %add3A_612 = arith.constant 0 : i32
        %add3A_613 = arith.addi %add3A_611, %add3A_612 : i32
        %add3A_614 = arith.constant 16 : i32
        %add3A_615 = arith.addi %add3A_613, %add3A_614 : i32
        %swap3A_616 = arith.index_cast %add3A_615 : i32 to index
        %swap3A_617 = tpu.vector_load %arg13[%swap3A_616] {strides = array<i32>} : memref<40960xf32, #tpu.memory_space<vmem>>, vector<16xf32>,
        tpu.vector_store %arg13[%swap3A_616], %get3A_219 {strides = array<i32>} : memref<40960xf32, #tpu.memory_space<vmem>>, vector<16xf32>,
        %add3A_618 = arith.constant 256 : i32
        %add3A_619 = arith.addi %multiple_of3A, %add3A_618 : i32
        %add3A_620 = arith.constant 32 : i32
        %add3A_621 = arith.addi %add3A_619, %add3A_620 : i32
        %add3A_622 = arith.constant 0 : i32
        %add3A_623 = arith.addi %add3A_621, %add3A_622 : i32
        %swap3A_624 = arith.index_cast %add3A_623 : i32 to index
        %swap3A_625 = tpu.vector_load %arg13[%swap3A_624] {strides = array<i32>} : memref<40960xf32, #tpu.memory_space<vmem>>, vector<16xf32>,
        tpu.vector_store %arg13[%swap3A_624], %get3A_230 {strides = array<i32>} : memref<40960xf32, #tpu.memory_space<vmem>>, vector<16xf32>,
        %add3A_626 = arith.constant 256 : i32
        %add3A_627 = arith.addi %multiple_of3A, %add3A_626 : i32
        %add3A_628 = arith.constant 32 : i32
        %add3A_629 = arith.addi %add3A_627, %add3A_628 : i32
        %add3A_630 = arith.constant 16 : i32
        %add3A_631 = arith.addi %add3A_629, %add3A_630 : i32
        %swap3A_632 = arith.index_cast %add3A_631 : i32 to index
        %swap3A_633 = tpu.vector_load %arg13[%swap3A_632] {strides = array<i32>} : memref<40960xf32, #tpu.memory_space<vmem>>, vector<16xf32>,
        tpu.vector_store %arg13[%swap3A_632], %get3A_236 {strides = array<i32>} : memref<40960xf32, #tpu.memory_space<vmem>>, vector<16xf32>,
        %add3A_634 = arith.constant 256 : i32
        %add3A_635 = arith.addi %multiple_of3A, %add3A_634 : i32
        %add3A_636 = arith.constant 64 : i32
        %add3A_637 = arith.addi %add3A_635, %add3A_636 : i32
        %add3A_638 = arith.constant 0 : i32
        %add3A_639 = arith.addi %add3A_637, %add3A_638 : i32
        %swap3A_640 = arith.index_cast %add3A_639 : i32 to index
        %swap3A_641 = tpu.vector_load %arg13[%swap3A_640] {strides = array<i32>} : memref<40960xf32, #tpu.memory_space<vmem>>, vector<16xf32>,
        tpu.vector_store %arg13[%swap3A_640], %get3A_247 {strides = array<i32>} : memref<40960xf32, #tpu.memory_space<vmem>>, vector<16xf32>,
        %add3A_642 = arith.constant 256 : i32
        %add3A_643 = arith.addi %multiple_of3A, %add3A_642 : i32
        %add3A_644 = arith.constant 64 : i32
        %add3A_645 = arith.addi %add3A_643, %add3A_644 : i32
        %add3A_646 = arith.constant 16 : i32
        %add3A_647 = arith.addi %add3A_645, %add3A_646 : i32
        %swap3A_648 = arith.index_cast %add3A_647 : i32 to index
        %swap3A_649 = tpu.vector_load %arg13[%swap3A_648] {strides = array<i32>} : memref<40960xf32, #tpu.memory_space<vmem>>, vector<16xf32>,
        tpu.vector_store %arg13[%swap3A_648], %get3A_253 {strides = array<i32>} : memref<40960xf32, #tpu.memory_space<vmem>>, vector<16xf32>,
        %add3A_650 = arith.constant 256 : i32
        %add3A_651 = arith.addi %multiple_of3A, %add3A_650 : i32
        %add3A_652 = arith.constant 96 : i32
        %add3A_653 = arith.addi %add3A_651, %add3A_652 : i32
        %add3A_654 = arith.constant 0 : i32
        %add3A_655 = arith.addi %add3A_653, %add3A_654 : i32
        %swap3A_656 = arith.index_cast %add3A_655 : i32 to index
        %swap3A_657 = tpu.vector_load %arg13[%swap3A_656] {strides = array<i32>} : memref<40960xf32, #tpu.memory_space<vmem>>, vector<16xf32>,
        tpu.vector_store %arg13[%swap3A_656], %get3A_264 {strides = array<i32>} : memref<40960xf32, #tpu.memory_space<vmem>>, vector<16xf32>,
        %add3A_658 = arith.constant 256 : i32
        %add3A_659 = arith.addi %multiple_of3A, %add3A_658 : i32
        %add3A_660 = arith.constant 96 : i32
        %add3A_661 = arith.addi %add3A_659, %add3A_660 : i32
        %add3A_662 = arith.constant 16 : i32
        %add3A_663 = arith.addi %add3A_661, %add3A_662 : i32
        %swap3A_664 = arith.index_cast %add3A_663 : i32 to index
        %swap3A_665 = tpu.vector_load %arg13[%swap3A_664] {strides = array<i32>} : memref<40960xf32, #tpu.memory_space<vmem>>, vector<16xf32>,
        tpu.vector_store %arg13[%swap3A_664], %get3A_270 {strides = array<i32>} : memref<40960xf32, #tpu.memory_space<vmem>>, vector<16xf32>,
        %add3A_666 = arith.constant 384 : i32
        %add3A_667 = arith.addi %multiple_of3A, %add3A_666 : i32
        %add3A_668 = arith.constant 0 : i32
        %add3A_669 = arith.addi %add3A_667, %add3A_668 : i32
        %add3A_670 = arith.constant 0 : i32
        %add3A_671 = arith.addi %add3A_669, %add3A_670 : i32
        %swap3A_672 = arith.index_cast %add3A_671 : i32 to index
        %swap3A_673 = tpu.vector_load %arg13[%swap3A_672] {strides = array<i32>} : memref<40960xf32, #tpu.memory_space<vmem>>, vector<16xf32>,
        tpu.vector_store %arg13[%swap3A_672], %get3A_281 {strides = array<i32>} : memref<40960xf32, #tpu.memory_space<vmem>>, vector<16xf32>,
        %add3A_674 = arith.constant 384 : i32
        %add3A_675 = arith.addi %multiple_of3A, %add3A_674 : i32
        %add3A_676 = arith.constant 0 : i32
        %add3A_677 = arith.addi %add3A_675, %add3A_676 : i32
        %add3A_678 = arith.constant 16 : i32
        %add3A_679 = arith.addi %add3A_677, %add3A_678 : i32
        %swap3A_680 = arith.index_cast %add3A_679 : i32 to index
        %swap3A_681 = tpu.vector_load %arg13[%swap3A_680] {strides = array<i32>} : memref<40960xf32, #tpu.memory_space<vmem>>, vector<16xf32>,
        tpu.vector_store %arg13[%swap3A_680], %get3A_287 {strides = array<i32>} : memref<40960xf32, #tpu.memory_space<vmem>>, vector<16xf32>,
        %add3A_682 = arith.constant 384 : i32
        %add3A_683 = arith.addi %multiple_of3A, %add3A_682 : i32
        %add3A_684 = arith.constant 32 : i32
        %add3A_685 = arith.addi %add3A_683, %add3A_684 : i32
        %add3A_686 = arith.constant 0 : i32
        %add3A_687 = arith.addi %add3A_685, %add3A_686 : i32
        %swap3A_688 = arith.index_cast %add3A_687 : i32 to index
        %swap3A_689 = tpu.vector_load %arg13[%swap3A_688] {strides = array<i32>} : memref<40960xf32, #tpu.memory_space<vmem>>, vector<16xf32>,
        tpu.vector_store %arg13[%swap3A_688], %get3A_298 {strides = array<i32>} : memref<40960xf32, #tpu.memory_space<vmem>>, vector<16xf32>,
        %add3A_690 = arith.constant 384 : i32
        %add3A_691 = arith.addi %multiple_of3A, %add3A_690 : i32
        %add3A_692 = arith.constant 32 : i32
        %add3A_693 = arith.addi %add3A_691, %add3A_692 : i32
        %add3A_694 = arith.constant 16 : i32
        %add3A_695 = arith.addi %add3A_693, %add3A_694 : i32
        %swap3A_696 = arith.index_cast %add3A_695 : i32 to index
        %swap3A_697 = tpu.vector_load %arg13[%swap3A_696] {strides = array<i32>} : memref<40960xf32, #tpu.memory_space<vmem>>, vector<16xf32>,
        tpu.vector_store %arg13[%swap3A_696], %get3A_304 {strides = array<i32>} : memref<40960xf32, #tpu.memory_space<vmem>>, vector<16xf32>,
        %add3A_698 = arith.constant 384 : i32
        %add3A_699 = arith.addi %multiple_of3A, %add3A_698 : i32
        %add3A_700 = arith.constant 64 : i32
        %add3A_701 = arith.addi %add3A_699, %add3A_700 : i32
        %add3A_702 = arith.constant 0 : i32
        %add3A_703 = arith.addi %add3A_701, %add3A_702 : i32
        %swap3A_704 = arith.index_cast %add3A_703 : i32 to index
        %swap3A_705 = tpu.vector_load %arg13[%swap3A_704] {strides = array<i32>} : memref<40960xf32, #tpu.memory_space<vmem>>, vector<16xf32>,
        tpu.vector_store %arg13[%swap3A_704], %get3A_315 {strides = array<i32>} : memref<40960xf32, #tpu.memory_space<vmem>>, vector<16xf32>,
        %add3A_706 = arith.constant 384 : i32
        %add3A_707 = arith.addi %multiple_of3A, %add3A_706 : i32
        %add3A_708 = arith.constant 64 : i32
        %add3A_709 = arith.addi %add3A_707, %add3A_708 : i32
        %add3A_710 = arith.constant 16 : i32
        %add3A_711 = arith.addi %add3A_709, %add3A_710 : i32
        %swap3A_712 = arith.index_cast %add3A_711 : i32 to index
        %swap3A_713 = tpu.vector_load %arg13[%swap3A_712] {strides = array<i32>} : memref<40960xf32, #tpu.memory_space<vmem>>, vector<16xf32>,
        tpu.vector_store %arg13[%swap3A_712], %get3A_321 {strides = array<i32>} : memref<40960xf32, #tpu.memory_space<vmem>>, vector<16xf32>,
        %add3A_714 = arith.constant 384 : i32
        %add3A_715 = arith.addi %multiple_of3A, %add3A_714 : i32
        %add3A_716 = arith.constant 96 : i32
        %add3A_717 = arith.addi %add3A_715, %add3A_716 : i32
        %add3A_718 = arith.constant 0 : i32
        %add3A_719 = arith.addi %add3A_717, %add3A_718 : i32
        %swap3A_720 = arith.index_cast %add3A_719 : i32 to index
        %swap3A_721 = tpu.vector_load %arg13[%swap3A_720] {strides = array<i32>} : memref<40960xf32, #tpu.memory_space<vmem>>, vector<16xf32>,
        tpu.vector_store %arg13[%swap3A_720], %get3A_332 {strides = array<i32>} : memref<40960xf32, #tpu.memory_space<vmem>>, vector<16xf32>,
        %add3A_722 = arith.constant 384 : i32
        %add3A_723 = arith.addi %multiple_of3A, %add3A_722 : i32
        %add3A_724 = arith.constant 96 : i32
        %add3A_725 = arith.addi %add3A_723, %add3A_724 : i32
        %add3A_726 = arith.constant 16 : i32
        %add3A_727 = arith.addi %add3A_725, %add3A_726 : i32
        %swap3A_728 = arith.index_cast %add3A_727 : i32 to index
        %swap3A_729 = tpu.vector_load %arg13[%swap3A_728] {strides = array<i32>} : memref<40960xf32, #tpu.memory_space<vmem>>, vector<16xf32>,
        tpu.vector_store %arg13[%swap3A_728], %get3A_338 {strides = array<i32>} : memref<40960xf32, #tpu.memory_space<vmem>>, vector<16xf32>,
        %slice3A_730 = vector.extract_strided_slice %get3A_62 {offsets = [6], sizes = [1], strides = [1]} : vector<16xi32> to vector<1xi32>
        %squeeze3A_731 = vector.extract %slice3A_730[0] : i32 from vector<1xi32>
        %mul3A_732 = arith.constant 32 : i32
        %mul3A_733 = arith.muli %squeeze3A_731, %mul3A_732 : i32
        %multiple_of3A_734 = tpu.assume_multiple %mul3A_733, 32 : i32
        %add3A_735 = arith.constant 0 : i32
        %add3A_736 = arith.addi %multiple_of3A_734, %add3A_735 : i32
        %add3A_737 = arith.constant 0 : i32
        %add3A_738 = arith.addi %add3A_736, %add3A_737 : i32
        %get3A_739 = arith.index_cast %add3A_738 : i32 to index
        %get3A_740 = tpu.vector_load %arg8[%get3A_739] {strides = array<i32>} : memref<672xf32, #tpu.memory_space<vmem>>, vector<16xf32>,
        %add3A_741 = arith.constant 0 : i32
        %add3A_742 = arith.addi %multiple_of3A_734, %add3A_741 : i32
        %add3A_743 = arith.constant 16 : i32
        %add3A_744 = arith.addi %add3A_742, %add3A_743 : i32
        %get3A_745 = arith.index_cast %add3A_744 : i32 to index
        %get3A_746 = tpu.vector_load %arg8[%get3A_745] {strides = array<i32>} : memref<672xf32, #tpu.memory_space<vmem>>, vector<16xf32>,
        %slice3A_747 = vector.extract_strided_slice %get3A_64 {offsets = [6], sizes = [1], strides = [1]} : vector<16xi32> to vector<1xi32>
        %squeeze3A_748 = vector.extract %slice3A_747[0] : i32 from vector<1xi32>
        %mul3A_749 = arith.constant 32 : i32
        %mul3A_750 = arith.muli %squeeze3A_748, %mul3A_749 : i32
        %multiple_of3A_751 = tpu.assume_multiple %mul3A_750, 32 : i32
        %add3A_752 = arith.constant 96 : i32
        %add3A_753 = arith.addi %multiple_of3A_751, %add3A_752 : i32
        %add3A_754 = arith.constant 0 : i32
        %add3A_755 = arith.addi %add3A_753, %add3A_754 : i32
        %get3A_756 = arith.index_cast %add3A_755 : i32 to index
        %get3A_757 = tpu.vector_load %arg8[%get3A_756] {strides = array<i32>} : memref<672xf32, #tpu.memory_space<vmem>>, vector<16xf32>,
        %add3A_758 = arith.constant 96 : i32
        %add3A_759 = arith.addi %multiple_of3A_751, %add3A_758 : i32
        %add3A_760 = arith.constant 16 : i32
        %add3A_761 = arith.addi %add3A_759, %add3A_760 : i32
        %get3A_762 = arith.index_cast %add3A_761 : i32 to index
        %get3A_763 = tpu.vector_load %arg8[%get3A_762] {strides = array<i32>} : memref<672xf32, #tpu.memory_space<vmem>>, vector<16xf32>,
        %slice3A_764 = vector.extract_strided_slice %get3A_66 {offsets = [6], sizes = [1], strides = [1]} : vector<16xi32> to vector<1xi32>
        %squeeze3A_765 = vector.extract %slice3A_764[0] : i32 from vector<1xi32>
        %mul3A_766 = arith.constant 32 : i32
        %mul3A_767 = arith.muli %squeeze3A_765, %mul3A_766 : i32
        %multiple_of3A_768 = tpu.assume_multiple %mul3A_767, 32 : i32
        %add3A_769 = arith.constant 224 : i32
        %add3A_770 = arith.addi %multiple_of3A_768, %add3A_769 : i32
        %add3A_771 = arith.constant 0 : i32
        %add3A_772 = arith.addi %add3A_770, %add3A_771 : i32
        %get3A_773 = arith.index_cast %add3A_772 : i32 to index
        %get3A_774 = tpu.vector_load %arg8[%get3A_773] {strides = array<i32>} : memref<672xf32, #tpu.memory_space<vmem>>, vector<16xf32>,
        %add3A_775 = arith.constant 224 : i32
        %add3A_776 = arith.addi %multiple_of3A_768, %add3A_775 : i32
        %add3A_777 = arith.constant 16 : i32
        %add3A_778 = arith.addi %add3A_776, %add3A_777 : i32
        %get3A_779 = arith.index_cast %add3A_778 : i32 to index
        %get3A_780 = tpu.vector_load %arg8[%get3A_779] {strides = array<i32>} : memref<672xf32, #tpu.memory_space<vmem>>, vector<16xf32>,
        %slice3A_781 = vector.extract_strided_slice %get3A_68 {offsets = [6], sizes = [1], strides = [1]} : vector<16xi32> to vector<1xi32>
        %squeeze3A_782 = vector.extract %slice3A_781[0] : i32 from vector<1xi32>
        %mul3A_783 = arith.constant 32 : i32
        %mul3A_784 = arith.muli %squeeze3A_782, %mul3A_783 : i32
        %multiple_of3A_785 = tpu.assume_multiple %mul3A_784, 32 : i32
        %add3A_786 = arith.constant 512 : i32
        %add3A_787 = arith.addi %multiple_of3A_785, %add3A_786 : i32
        %add3A_788 = arith.constant 0 : i32
        %add3A_789 = arith.addi %add3A_787, %add3A_788 : i32
        %get3A_790 = arith.index_cast %add3A_789 : i32 to index
        %get3A_791 = tpu.vector_load %arg8[%get3A_790] {strides = array<i32>} : memref<672xf32, #tpu.memory_space<vmem>>, vector<16xf32>,
        %add3A_792 = arith.constant 512 : i32
        %add3A_793 = arith.addi %multiple_of3A_785, %add3A_792 : i32
        %add3A_794 = arith.constant 16 : i32
        %add3A_795 = arith.addi %add3A_793, %add3A_794 : i32
        %get3A_796 = arith.index_cast %add3A_795 : i32 to index
        %get3A_797 = tpu.vector_load %arg8[%get3A_796] {strides = array<i32>} : memref<672xf32, #tpu.memory_space<vmem>>, vector<16xf32>,
        %slice3A_798 = vector.extract_strided_slice %get3A_62 {offsets = [7], sizes = [1], strides = [1]} : vector<16xi32> to vector<1xi32>
        %squeeze3A_799 = vector.extract %slice3A_798[0] : i32 from vector<1xi32>
        %mul3A_800 = arith.constant 32 : i32
        %mul3A_801 = arith.muli %squeeze3A_799, %mul3A_800 : i32
        %multiple_of3A_802 = tpu.assume_multiple %mul3A_801, 32 : i32
        %add3A_803 = arith.constant 0 : i32
        %add3A_804 = arith.addi %multiple_of3A_802, %add3A_803 : i32
        %add3A_805 = arith.constant 0 : i32
        %add3A_806 = arith.addi %add3A_804, %add3A_805 : i32
        %get3A_807 = arith.index_cast %add3A_806 : i32 to index
        %get3A_808 = tpu.vector_load %arg8[%get3A_807] {strides = array<i32>} : memref<672xf32, #tpu.memory_space<vmem>>, vector<16xf32>,
        %add3A_809 = arith.constant 0 : i32
        %add3A_810 = arith.addi %multiple_of3A_802, %add3A_809 : i32
        %add3A_811 = arith.constant 16 : i32
        %add3A_812 = arith.addi %add3A_810, %add3A_811 : i32
        %get3A_813 = arith.index_cast %add3A_812 : i32 to index
        %get3A_814 = tpu.vector_load %arg8[%get3A_813] {strides = array<i32>} : memref<672xf32, #tpu.memory_space<vmem>>, vector<16xf32>,
        %slice3A_815 = vector.extract_strided_slice %get3A_64 {offsets = [7], sizes = [1], strides = [1]} : vector<16xi32> to vector<1xi32>
        %squeeze3A_816 = vector.extract %slice3A_815[0] : i32 from vector<1xi32>
        %mul3A_817 = arith.constant 32 : i32
        %mul3A_818 = arith.muli %squeeze3A_816, %mul3A_817 : i32
        %multiple_of3A_819 = tpu.assume_multiple %mul3A_818, 32 : i32
        %add3A_820 = arith.constant 96 : i32
        %add3A_821 = arith.addi %multiple_of3A_819, %add3A_820 : i32
        %add3A_822 = arith.constant 0 : i32
        %add3A_823 = arith.addi %add3A_821, %add3A_822 : i32
        %get3A_824 = arith.index_cast %add3A_823 : i32 to index
        %get3A_825 = tpu.vector_load %arg8[%get3A_824] {strides = array<i32>} : memref<672xf32, #tpu.memory_space<vmem>>, vector<16xf32>,
        %add3A_826 = arith.constant 96 : i32
        %add3A_827 = arith.addi %multiple_of3A_819, %add3A_826 : i32
        %add3A_828 = arith.constant 16 : i32
        %add3A_829 = arith.addi %add3A_827, %add3A_828 : i32
        %get3A_830 = arith.index_cast %add3A_829 : i32 to index
        %get3A_831 = tpu.vector_load %arg8[%get3A_830] {strides = array<i32>} : memref<672xf32, #tpu.memory_space<vmem>>, vector<16xf32>,
        %slice3A_832 = vector.extract_strided_slice %get3A_66 {offsets = [7], sizes = [1], strides = [1]} : vector<16xi32> to vector<1xi32>
        %squeeze3A_833 = vector.extract %slice3A_832[0] : i32 from vector<1xi32>
        %mul3A_834 = arith.constant 32 : i32
        %mul3A_835 = arith.muli %squeeze3A_833, %mul3A_834 : i32
        %multiple_of3A_836 = tpu.assume_multiple %mul3A_835, 32 : i32
        %add3A_837 = arith.constant 224 : i32
        %add3A_838 = arith.addi %multiple_of3A_836, %add3A_837 : i32
        %add3A_839 = arith.constant 0 : i32
        %add3A_840 = arith.addi %add3A_838, %add3A_839 : i32
        %get3A_841 = arith.index_cast %add3A_840 : i32 to index
        %get3A_842 = tpu.vector_load %arg8[%get3A_841] {strides = array<i32>} : memref<672xf32, #tpu.memory_space<vmem>>, vector<16xf32>,
        %add3A_843 = arith.constant 224 : i32
        %add3A_844 = arith.addi %multiple_of3A_836, %add3A_843 : i32
        %add3A_845 = arith.constant 16 : i32
        %add3A_846 = arith.addi %add3A_844, %add3A_845 : i32
        %get3A_847 = arith.index_cast %add3A_846 : i32 to index
        %get3A_848 = tpu.vector_load %arg8[%get3A_847] {strides = array<i32>} : memref<672xf32, #tpu.memory_space<vmem>>, vector<16xf32>,
        %slice3A_849 = vector.extract_strided_slice %get3A_68 {offsets = [7], sizes = [1], strides = [1]} : vector<16xi32> to vector<1xi32>
        %squeeze3A_850 = vector.extract %slice3A_849[0] : i32 from vector<1xi32>
        %mul3A_851 = arith.constant 32 : i32
        %mul3A_852 = arith.muli %squeeze3A_850, %mul3A_851 : i32
        %multiple_of3A_853 = tpu.assume_multiple %mul3A_852, 32 : i32
        %add3A_854 = arith.constant 512 : i32
        %add3A_855 = arith.addi %multiple_of3A_853, %add3A_854 : i32
        %add3A_856 = arith.constant 0 : i32
        %add3A_857 = arith.addi %add3A_855, %add3A_856 : i32
        %get3A_858 = arith.index_cast %add3A_857 : i32 to index
        %get3A_859 = tpu.vector_load %arg8[%get3A_858] {strides = array<i32>} : memref<672xf32, #tpu.memory_space<vmem>>, vector<16xf32>,
        %add3A_860 = arith.constant 512 : i32
        %add3A_861 = arith.addi %multiple_of3A_853, %add3A_860 : i32
        %add3A_862 = arith.constant 16 : i32
        %add3A_863 = arith.addi %add3A_861, %add3A_862 : i32
        %get3A_864 = arith.index_cast %add3A_863 : i32 to index
        %get3A_865 = tpu.vector_load %arg8[%get3A_864] {strides = array<i32>} : memref<672xf32, #tpu.memory_space<vmem>>, vector<16xf32>,
        %add3A_866 = arith.constant 512 : i32
        %add3A_867 = arith.addi %multiple_of3A, %add3A_866 : i32
        %add3A_868 = arith.constant 0 : i32
        %add3A_869 = arith.addi %add3A_867, %add3A_868 : i32
        %add3A_870 = arith.constant 0 : i32
        %add3A_871 = arith.addi %add3A_869, %add3A_870 : i32
        %swap3A_872 = arith.index_cast %add3A_871 : i32 to index
        %swap3A_873 = tpu.vector_load %arg13[%swap3A_872] {strides = array<i32>} : memref<40960xf32, #tpu.memory_space<vmem>>, vector<16xf32>,
        tpu.vector_store %arg13[%swap3A_872], %get3A_476 {strides = array<i32>} : memref<40960xf32, #tpu.memory_space<vmem>>, vector<16xf32>,
        %add3A_874 = arith.constant 512 : i32
        %add3A_875 = arith.addi %multiple_of3A, %add3A_874 : i32
        %add3A_876 = arith.constant 0 : i32
        %add3A_877 = arith.addi %add3A_875, %add3A_876 : i32
        %add3A_878 = arith.constant 16 : i32
        %add3A_879 = arith.addi %add3A_877, %add3A_878 : i32
        %swap3A_880 = arith.index_cast %add3A_879 : i32 to index
        %swap3A_881 = tpu.vector_load %arg13[%swap3A_880] {strides = array<i32>} : memref<40960xf32, #tpu.memory_space<vmem>>, vector<16xf32>,
        tpu.vector_store %arg13[%swap3A_880], %get3A_482 {strides = array<i32>} : memref<40960xf32, #tpu.memory_space<vmem>>, vector<16xf32>,
        %add3A_882 = arith.constant 512 : i32
        %add3A_883 = arith.addi %multiple_of3A, %add3A_882 : i32
        %add3A_884 = arith.constant 32 : i32
        %add3A_885 = arith.addi %add3A_883, %add3A_884 : i32
        %add3A_886 = arith.constant 0 : i32
        %add3A_887 = arith.addi %add3A_885, %add3A_886 : i32
        %swap3A_888 = arith.index_cast %add3A_887 : i32 to index
        %swap3A_889 = tpu.vector_load %arg13[%swap3A_888] {strides = array<i32>} : memref<40960xf32, #tpu.memory_space<vmem>>, vector<16xf32>,
        tpu.vector_store %arg13[%swap3A_888], %get3A_493 {strides = array<i32>} : memref<40960xf32, #tpu.memory_space<vmem>>, vector<16xf32>,
        %add3A_890 = arith.constant 512 : i32
        %add3A_891 = arith.addi %multiple_of3A, %add3A_890 : i32
        %add3A_892 = arith.constant 32 : i32
        %add3A_893 = arith.addi %add3A_891, %add3A_892 : i32
        %add3A_894 = arith.constant 16 : i32
        %add3A_895 = arith.addi %add3A_893, %add3A_894 : i32
        %swap3A_896 = arith.index_cast %add3A_895 : i32 to index
        %swap3A_897 = tpu.vector_load %arg13[%swap3A_896] {strides = array<i32>} : memref<40960xf32, #tpu.memory_space<vmem>>, vector<16xf32>,
        tpu.vector_store %arg13[%swap3A_896], %get3A_499 {strides = array<i32>} : memref<40960xf32, #tpu.memory_space<vmem>>, vector<16xf32>,
        %add3A_898 = arith.constant 512 : i32
        %add3A_899 = arith.addi %multiple_of3A, %add3A_898 : i32
        %add3A_900 = arith.constant 64 : i32
        %add3A_901 = arith.addi %add3A_899, %add3A_900 : i32
        %add3A_902 = arith.constant 0 : i32
        %add3A_903 = arith.addi %add3A_901, %add3A_902 : i32
        %swap3A_904 = arith.index_cast %add3A_903 : i32 to index
        %swap3A_905 = tpu.vector_load %arg13[%swap3A_904] {strides = array<i32>} : memref<40960xf32, #tpu.memory_space<vmem>>, vector<16xf32>,
        tpu.vector_store %arg13[%swap3A_904], %get3A_510 {strides = array<i32>} : memref<40960xf32, #tpu.memory_space<vmem>>, vector<16xf32>,
        %add3A_906 = arith.constant 512 : i32
        %add3A_907 = arith.addi %multiple_of3A, %add3A_906 : i32
        %add3A_908 = arith.constant 64 : i32
        %add3A_909 = arith.addi %add3A_907, %add3A_908 : i32
        %add3A_910 = arith.constant 16 : i32
        %add3A_911 = arith.addi %add3A_909, %add3A_910 : i32
        %swap3A_912 = arith.index_cast %add3A_911 : i32 to index
        %swap3A_913 = tpu.vector_load %arg13[%swap3A_912] {strides = array<i32>} : memref<40960xf32, #tpu.memory_space<vmem>>, vector<16xf32>,
        tpu.vector_store %arg13[%swap3A_912], %get3A_516 {strides = array<i32>} : memref<40960xf32, #tpu.memory_space<vmem>>, vector<16xf32>,
        %add3A_914 = arith.constant 512 : i32
        %add3A_915 = arith.addi %multiple_of3A, %add3A_914 : i32
        %add3A_916 = arith.constant 96 : i32
        %add3A_917 = arith.addi %add3A_915, %add3A_916 : i32
        %add3A_918 = arith.constant 0 : i32
        %add3A_919 = arith.addi %add3A_917, %add3A_918 : i32
        %swap3A_920 = arith.index_cast %add3A_919 : i32 to index
        %swap3A_921 = tpu.vector_load %arg13[%swap3A_920] {strides = array<i32>} : memref<40960xf32, #tpu.memory_space<vmem>>, vector<16xf32>,
        tpu.vector_store %arg13[%swap3A_920], %get3A_527 {strides = array<i32>} : memref<40960xf32, #tpu.memory_space<vmem>>, vector<16xf32>,
        %add3A_922 = arith.constant 512 : i32
        %add3A_923 = arith.addi %multiple_of3A, %add3A_922 : i32
        %add3A_924 = arith.constant 96 : i32
        %add3A_925 = arith.addi %add3A_923, %add3A_924 : i32
        %add3A_926 = arith.constant 16 : i32
        %add3A_927 = arith.addi %add3A_925, %add3A_926 : i32
        %swap3A_928 = arith.index_cast %add3A_927 : i32 to index
        %swap3A_929 = tpu.vector_load %arg13[%swap3A_928] {strides = array<i32>} : memref<40960xf32, #tpu.memory_space<vmem>>, vector<16xf32>,
        tpu.vector_store %arg13[%swap3A_928], %get3A_533 {strides = array<i32>} : memref<40960xf32, #tpu.memory_space<vmem>>, vector<16xf32>,
        %add3A_930 = arith.constant 640 : i32
        %add3A_931 = arith.addi %multiple_of3A, %add3A_930 : i32
        %add3A_932 = arith.constant 0 : i32
        %add3A_933 = arith.addi %add3A_931, %add3A_932 : i32
        %add3A_934 = arith.constant 0 : i32
        %add3A_935 = arith.addi %add3A_933, %add3A_934 : i32
        %swap3A_936 = arith.index_cast %add3A_935 : i32 to index
        %swap3A_937 = tpu.vector_load %arg13[%swap3A_936] {strides = array<i32>} : memref<40960xf32, #tpu.memory_space<vmem>>, vector<16xf32>,
        tpu.vector_store %arg13[%swap3A_936], %get3A_544 {strides = array<i32>} : memref<40960xf32, #tpu.memory_space<vmem>>, vector<16xf32>,
        %add3A_938 = arith.constant 640 : i32
        %add3A_939 = arith.addi %multiple_of3A, %add3A_938 : i32
        %add3A_940 = arith.constant 0 : i32
        %add3A_941 = arith.addi %add3A_939, %add3A_940 : i32
        %add3A_942 = arith.constant 16 : i32
        %add3A_943 = arith.addi %add3A_941, %add3A_942 : i32
        %swap3A_944 = arith.index_cast %add3A_943 : i32 to index
        %swap3A_945 = tpu.vector_load %arg13[%swap3A_944] {strides = array<i32>} : memref<40960xf32, #tpu.memory_space<vmem>>, vector<16xf32>,
        tpu.vector_store %arg13[%swap3A_944], %get3A_550 {strides = array<i32>} : memref<40960xf32, #tpu.memory_space<vmem>>, vector<16xf32>,
        %add3A_946 = arith.constant 640 : i32
        %add3A_947 = arith.addi %multiple_of3A, %add3A_946 : i32
        %add3A_948 = arith.constant 32 : i32
        %add3A_949 = arith.addi %add3A_947, %add3A_948 : i32
        %add3A_950 = arith.constant 0 : i32
        %add3A_951 = arith.addi %add3A_949, %add3A_950 : i32
        %swap3A_952 = arith.index_cast %add3A_951 : i32 to index
        %swap3A_953 = tpu.vector_load %arg13[%swap3A_952] {strides = array<i32>} : memref<40960xf32, #tpu.memory_space<vmem>>, vector<16xf32>,
        tpu.vector_store %arg13[%swap3A_952], %get3A_561 {strides = array<i32>} : memref<40960xf32, #tpu.memory_space<vmem>>, vector<16xf32>,
        %add3A_954 = arith.constant 640 : i32
        %add3A_955 = arith.addi %multiple_of3A, %add3A_954 : i32
        %add3A_956 = arith.constant 32 : i32
        %add3A_957 = arith.addi %add3A_955, %add3A_956 : i32
        %add3A_958 = arith.constant 16 : i32
        %add3A_959 = arith.addi %add3A_957, %add3A_958 : i32
        %swap3A_960 = arith.index_cast %add3A_959 : i32 to index
        %swap3A_961 = tpu.vector_load %arg13[%swap3A_960] {strides = array<i32>} : memref<40960xf32, #tpu.memory_space<vmem>>, vector<16xf32>,
        tpu.vector_store %arg13[%swap3A_960], %get3A_567 {strides = array<i32>} : memref<40960xf32, #tpu.memory_space<vmem>>, vector<16xf32>,
        %add3A_962 = arith.constant 640 : i32
        %add3A_963 = arith.addi %multiple_of3A, %add3A_962 : i32
        %add3A_964 = arith.constant 64 : i32
        %add3A_965 = arith.addi %add3A_963, %add3A_964 : i32
        %add3A_966 = arith.constant 0 : i32
        %add3A_967 = arith.addi %add3A_965, %add3A_966 : i32
        %swap3A_968 = arith.index_cast %add3A_967 : i32 to index
        %swap3A_969 = tpu.vector_load %arg13[%swap3A_968] {strides = array<i32>} : memref<40960xf32, #tpu.memory_space<vmem>>, vector<16xf32>,
        tpu.vector_store %arg13[%swap3A_968], %get3A_578 {strides = array<i32>} : memref<40960xf32, #tpu.memory_space<vmem>>, vector<16xf32>,
        %add3A_970 = arith.constant 640 : i32
        %add3A_971 = arith.addi %multiple_of3A, %add3A_970 : i32
        %add3A_972 = arith.constant 64 : i32
        %add3A_973 = arith.addi %add3A_971, %add3A_972 : i32
        %add3A_974 = arith.constant 16 : i32
        %add3A_975 = arith.addi %add3A_973, %add3A_974 : i32
        %swap3A_976 = arith.index_cast %add3A_975 : i32 to index
        %swap3A_977 = tpu.vector_load %arg13[%swap3A_976] {strides = array<i32>} : memref<40960xf32, #tpu.memory_space<vmem>>, vector<16xf32>,
        tpu.vector_store %arg13[%swap3A_976], %get3A_584 {strides = array<i32>} : memref<40960xf32, #tpu.memory_space<vmem>>, vector<16xf32>,
        %add3A_978 = arith.constant 640 : i32
        %add3A_979 = arith.addi %multiple_of3A, %add3A_978 : i32
        %add3A_980 = arith.constant 96 : i32
        %add3A_981 = arith.addi %add3A_979, %add3A_980 : i32
        %add3A_982 = arith.constant 0 : i32
        %add3A_983 = arith.addi %add3A_981, %add3A_982 : i32
        %swap3A_984 = arith.index_cast %add3A_983 : i32 to index
        %swap3A_985 = tpu.vector_load %arg13[%swap3A_984] {strides = array<i32>} : memref<40960xf32, #tpu.memory_space<vmem>>, vector<16xf32>,
        tpu.vector_store %arg13[%swap3A_984], %get3A_595 {strides = array<i32>} : memref<40960xf32, #tpu.memory_space<vmem>>, vector<16xf32>,
        %add3A_986 = arith.constant 640 : i32
        %add3A_987 = arith.addi %multiple_of3A, %add3A_986 : i32
        %add3A_988 = arith.constant 96 : i32
        %add3A_989 = arith.addi %add3A_987, %add3A_988 : i32
        %add3A_990 = arith.constant 16 : i32
        %add3A_991 = arith.addi %add3A_989, %add3A_990 : i32
        %swap3A_992 = arith.index_cast %add3A_991 : i32 to index
        %swap3A_993 = tpu.vector_load %arg13[%swap3A_992] {strides = array<i32>} : memref<40960xf32, #tpu.memory_space<vmem>>, vector<16xf32>,
        tpu.vector_store %arg13[%swap3A_992], %get3A_601 {strides = array<i32>} : memref<40960xf32, #tpu.memory_space<vmem>>, vector<16xf32>,
        %slice3A_994 = vector.extract_strided_slice %get3A_62 {offsets = [8], sizes = [1], strides = [1]} : vector<16xi32> to vector<1xi32>
        %squeeze3A_995 = vector.extract %slice3A_994[0] : i32 from vector<1xi32>
        %mul3A_996 = arith.constant 32 : i32
        %mul3A_997 = arith.muli %squeeze3A_995, %mul3A_996 : i32
        %multiple_of3A_998 = tpu.assume_multiple %mul3A_997, 32 : i32
        %add3A_999 = arith.constant 0 : i32
        %add3A_1000 = arith.addi %multiple_of3A_998, %add3A_999 : i32
        %add3A_1001 = arith.constant 0 : i32
        %add3A_1002 = arith.addi %add3A_1000, %add3A_1001 : i32
        %get3A_1003 = arith.index_cast %add3A_1002 : i32 to index
        %get3A_1004 = tpu.vector_load %arg8[%get3A_1003] {strides = array<i32>} : memref<672xf32, #tpu.memory_space<vmem>>, vector<16xf32>,
        %add3A_1005 = arith.constant 0 : i32
        %add3A_1006 = arith.addi %multiple_of3A_998, %add3A_1005 : i32
        %add3A_1007 = arith.constant 16 : i32
        %add3A_1008 = arith.addi %add3A_1006, %add3A_1007 : i32
        %get3A_1009 = arith.index_cast %add3A_1008 : i32 to index
        %get3A_1010 = tpu.vector_load %arg8[%get3A_1009] {strides = array<i32>} : memref<672xf32, #tpu.memory_space<vmem>>, vector<16xf32>,
        %slice3A_1011 = vector.extract_strided_slice %get3A_64 {offsets = [8], sizes = [1], strides = [1]} : vector<16xi32> to vector<1xi32>
        %squeeze3A_1012 = vector.extract %slice3A_1011[0] : i32 from vector<1xi32>
        %mul3A_1013 = arith.constant 32 : i32
        %mul3A_1014 = arith.muli %squeeze3A_1012, %mul3A_1013 : i32
        %multiple_of3A_1015 = tpu.assume_multiple %mul3A_1014, 32 : i32
        %add3A_1016 = arith.constant 96 : i32
        %add3A_1017 = arith.addi %multiple_of3A_1015, %add3A_1016 : i32
        %add3A_1018 = arith.constant 0 : i32
        %add3A_1019 = arith.addi %add3A_1017, %add3A_1018 : i32
        %get3A_1020 = arith.index_cast %add3A_1019 : i32 to index
        %get3A_1021 = tpu.vector_load %arg8[%get3A_1020] {strides = array<i32>} : memref<672xf32, #tpu.memory_space<vmem>>, vector<16xf32>,
        %add3A_1022 = arith.constant 96 : i32
        %add3A_1023 = arith.addi %multiple_of3A_1015, %add3A_1022 : i32
        %add3A_1024 = arith.constant 16 : i32
        %add3A_1025 = arith.addi %add3A_1023, %add3A_1024 : i32
        %get3A_1026 = arith.index_cast %add3A_1025 : i32 to index
        %get3A_1027 = tpu.vector_load %arg8[%get3A_1026] {strides = array<i32>} : memref<672xf32, #tpu.memory_space<vmem>>, vector<16xf32>,
        %slice3A_1028 = vector.extract_strided_slice %get3A_66 {offsets = [8], sizes = [1], strides = [1]} : vector<16xi32> to vector<1xi32>
        %squeeze3A_1029 = vector.extract %slice3A_1028[0] : i32 from vector<1xi32>
        %mul3A_1030 = arith.constant 32 : i32
        %mul3A_1031 = arith.muli %squeeze3A_1029, %mul3A_1030 : i32
        %multiple_of3A_1032 = tpu.assume_multiple %mul3A_1031, 32 : i32
        %add3A_1033 = arith.constant 224 : i32
        %add3A_1034 = arith.addi %multiple_of3A_1032, %add3A_1033 : i32
        %add3A_1035 = arith.constant 0 : i32
        %add3A_1036 = arith.addi %add3A_1034, %add3A_1035 : i32
        %get3A_1037 = arith.index_cast %add3A_1036 : i32 to index
        %get3A_1038 = tpu.vector_load %arg8[%get3A_1037] {strides = array<i32>} : memref<672xf32, #tpu.memory_space<vmem>>, vector<16xf32>,
        %add3A_1039 = arith.constant 224 : i32
        %add3A_1040 = arith.addi %multiple_of3A_1032, %add3A_1039 : i32
        %add3A_1041 = arith.constant 16 : i32
        %add3A_1042 = arith.addi %add3A_1040, %add3A_1041 : i32
        %get3A_1043 = arith.index_cast %add3A_1042 : i32 to index
        %get3A_1044 = tpu.vector_load %arg8[%get3A_1043] {strides = array<i32>} : memref<672xf32, #tpu.memory_space<vmem>>, vector<16xf32>,
        %slice3A_1045 = vector.extract_strided_slice %get3A_68 {offsets = [8], sizes = [1], strides = [1]} : vector<16xi32> to vector<1xi32>
        %squeeze3A_1046 = vector.extract %slice3A_1045[0] : i32 from vector<1xi32>
        %mul3A_1047 = arith.constant 32 : i32
        %mul3A_1048 = arith.muli %squeeze3A_1046, %mul3A_1047 : i32
        %multiple_of3A_1049 = tpu.assume_multiple %mul3A_1048, 32 : i32
        %add3A_1050 = arith.constant 512 : i32
        %add3A_1051 = arith.addi %multiple_of3A_1049, %add3A_1050 : i32
        %add3A_1052 = arith.constant 0 : i32
        %add3A_1053 = arith.addi %add3A_1051, %add3A_1052 : i32
        %get3A_1054 = arith.index_cast %add3A_1053 : i32 to index
        %get3A_1055 = tpu.vector_load %arg8[%get3A_1054] {strides = array<i32>} : memref<672xf32, #tpu.memory_space<vmem>>, vector<16xf32>,
        %add3A_1056 = arith.constant 512 : i32
        %add3A_1057 = arith.addi %multiple_of3A_1049, %add3A_1056 : i32
        %add3A_1058 = arith.constant 16 : i32
        %add3A_1059 = arith.addi %add3A_1057, %add3A_1058 : i32
        %get3A_1060 = arith.index_cast %add3A_1059 : i32 to index
        %get3A_1061 = tpu.vector_load %arg8[%get3A_1060] {strides = array<i32>} : memref<672xf32, #tpu.memory_space<vmem>>, vector<16xf32>,
        %slice3A_1062 = vector.extract_strided_slice %get3A_62 {offsets = [9], sizes = [1], strides = [1]} : vector<16xi32> to vector<1xi32>
        %squeeze3A_1063 = vector.extract %slice3A_1062[0] : i32 from vector<1xi32>
        %mul3A_1064 = arith.constant 32 : i32
        %mul3A_1065 = arith.muli %squeeze3A_1063, %mul3A_1064 : i32
        %multiple_of3A_1066 = tpu.assume_multiple %mul3A_1065, 32 : i32
        %add3A_1067 = arith.constant 0 : i32
        %add3A_1068 = arith.addi %multiple_of3A_1066, %add3A_1067 : i32
        %add3A_1069 = arith.constant 0 : i32
        %add3A_1070 = arith.addi %add3A_1068, %add3A_1069 : i32
        %get3A_1071 = arith.index_cast %add3A_1070 : i32 to index
        %get3A_1072 = tpu.vector_load %arg8[%get3A_1071] {strides = array<i32>} : memref<672xf32, #tpu.memory_space<vmem>>, vector<16xf32>,
        %add3A_1073 = arith.constant 0 : i32
        %add3A_1074 = arith.addi %multiple_of3A_1066, %add3A_1073 : i32
        %add3A_1075 = arith.constant 16 : i32
        %add3A_1076 = arith.addi %add3A_1074, %add3A_1075 : i32
        %get3A_1077 = arith.index_cast %add3A_1076 : i32 to index
        %get3A_1078 = tpu.vector_load %arg8[%get3A_1077] {strides = array<i32>} : memref<672xf32, #tpu.memory_space<vmem>>, vector<16xf32>,
        %slice3A_1079 = vector.extract_strided_slice %get3A_64 {offsets = [9], sizes = [1], strides = [1]} : vector<16xi32> to vector<1xi32>
        %squeeze3A_1080 = vector.extract %slice3A_1079[0] : i32 from vector<1xi32>
        %mul3A_1081 = arith.constant 32 : i32
        %mul3A_1082 = arith.muli %squeeze3A_1080, %mul3A_1081 : i32
        %multiple_of3A_1083 = tpu.assume_multiple %mul3A_1082, 32 : i32
        %add3A_1084 = arith.constant 96 : i32
        %add3A_1085 = arith.addi %multiple_of3A_1083, %add3A_1084 : i32
        %add3A_1086 = arith.constant 0 : i32
        %add3A_1087 = arith.addi %add3A_1085, %add3A_1086 : i32
        %get3A_1088 = arith.index_cast %add3A_1087 : i32 to index
        %get3A_1089 = tpu.vector_load %arg8[%get3A_1088] {strides = array<i32>} : memref<672xf32, #tpu.memory_space<vmem>>, vector<16xf32>,
        %add3A_1090 = arith.constant 96 : i32
        %add3A_1091 = arith.addi %multiple_of3A_1083, %add3A_1090 : i32
        %add3A_1092 = arith.constant 16 : i32
        %add3A_1093 = arith.addi %add3A_1091, %add3A_1092 : i32
        %get3A_1094 = arith.index_cast %add3A_1093 : i32 to index
        %get3A_1095 = tpu.vector_load %arg8[%get3A_1094] {strides = array<i32>} : memref<672xf32, #tpu.memory_space<vmem>>, vector<16xf32>,
        %slice3A_1096 = vector.extract_strided_slice %get3A_66 {offsets = [9], sizes = [1], strides = [1]} : vector<16xi32> to vector<1xi32>
        %squeeze3A_1097 = vector.extract %slice3A_1096[0] : i32 from vector<1xi32>
        %mul3A_1098 = arith.constant 32 : i32
        %mul3A_1099 = arith.muli %squeeze3A_1097, %mul3A_1098 : i32
        %multiple_of3A_1100 = tpu.assume_multiple %mul3A_1099, 32 : i32
        %add3A_1101 = arith.constant 224 : i32
        %add3A_1102 = arith.addi %multiple_of3A_1100, %add3A_1101 : i32
        %add3A_1103 = arith.constant 0 : i32
        %add3A_1104 = arith.addi %add3A_1102, %add3A_1103 : i32
        %get3A_1105 = arith.index_cast %add3A_1104 : i32 to index
        %get3A_1106 = tpu.vector_load %arg8[%get3A_1105] {strides = array<i32>} : memref<672xf32, #tpu.memory_space<vmem>>, vector<16xf32>,
        %add3A_1107 = arith.constant 224 : i32
        %add3A_1108 = arith.addi %multiple_of3A_1100, %add3A_1107 : i32
        %add3A_1109 = arith.constant 16 : i32
        %add3A_1110 = arith.addi %add3A_1108, %add3A_1109 : i32
        %get3A_1111 = arith.index_cast %add3A_1110 : i32 to index
        %get3A_1112 = tpu.vector_load %arg8[%get3A_1111] {strides = array<i32>} : memref<672xf32, #tpu.memory_space<vmem>>, vector<16xf32>,
        %slice3A_1113 = vector.extract_strided_slice %get3A_68 {offsets = [9], sizes = [1], strides = [1]} : vector<16xi32> to vector<1xi32>
        %squeeze3A_1114 = vector.extract %slice3A_1113[0] : i32 from vector<1xi32>
        %mul3A_1115 = arith.constant 32 : i32
        %mul3A_1116 = arith.muli %squeeze3A_1114, %mul3A_1115 : i32
        %multiple_of3A_1117 = tpu.assume_multiple %mul3A_1116, 32 : i32
        %add3A_1118 = arith.constant 512 : i32
        %add3A_1119 = arith.addi %multiple_of3A_1117, %add3A_1118 : i32
        %add3A_1120 = arith.constant 0 : i32
        %add3A_1121 = arith.addi %add3A_1119, %add3A_1120 : i32
        %get3A_1122 = arith.index_cast %add3A_1121 : i32 to index
        %get3A_1123 = tpu.vector_load %arg8[%get3A_1122] {strides = array<i32>} : memref<672xf32, #tpu.memory_space<vmem>>, vector<16xf32>,
        %add3A_1124 = arith.constant 512 : i32
        %add3A_1125 = arith.addi %multiple_of3A_1117, %add3A_1124 : i32
        %add3A_1126 = arith.constant 16 : i32
        %add3A_1127 = arith.addi %add3A_1125, %add3A_1126 : i32
        %get3A_1128 = arith.index_cast %add3A_1127 : i32 to index
        %get3A_1129 = tpu.vector_load %arg8[%get3A_1128] {strides = array<i32>} : memref<672xf32, #tpu.memory_space<vmem>>, vector<16xf32>,
        %add3A_1130 = arith.constant 768 : i32
        %add3A_1131 = arith.addi %multiple_of3A, %add3A_1130 : i32
        %add3A_1132 = arith.constant 0 : i32
        %add3A_1133 = arith.addi %add3A_1131, %add3A_1132 : i32
        %add3A_1134 = arith.constant 0 : i32
        %add3A_1135 = arith.addi %add3A_1133, %add3A_1134 : i32
        %swap3A_1136 = arith.index_cast %add3A_1135 : i32 to index
        %swap3A_1137 = tpu.vector_load %arg13[%swap3A_1136] {strides = array<i32>} : memref<40960xf32, #tpu.memory_space<vmem>>, vector<16xf32>,
        tpu.vector_store %arg13[%swap3A_1136], %get3A_740 {strides = array<i32>} : memref<40960xf32, #tpu.memory_space<vmem>>, vector<16xf32>,
        %add3A_1138 = arith.constant 768 : i32
        %add3A_1139 = arith.addi %multiple_of3A, %add3A_1138 : i32
        %add3A_1140 = arith.constant 0 : i32
        %add3A_1141 = arith.addi %add3A_1139, %add3A_1140 : i32
        %add3A_1142 = arith.constant 16 : i32
        %add3A_1143 = arith.addi %add3A_1141, %add3A_1142 : i32
        %swap3A_1144 = arith.index_cast %add3A_1143 : i32 to index
        %swap3A_1145 = tpu.vector_load %arg13[%swap3A_1144] {strides = array<i32>} : memref<40960xf32, #tpu.memory_space<vmem>>, vector<16xf32>,
        tpu.vector_store %arg13[%swap3A_1144], %get3A_746 {strides = array<i32>} : memref<40960xf32, #tpu.memory_space<vmem>>, vector<16xf32>,
        %add3A_1146 = arith.constant 768 : i32
        %add3A_1147 = arith.addi %multiple_of3A, %add3A_1146 : i32
        %add3A_1148 = arith.constant 32 : i32
        %add3A_1149 = arith.addi %add3A_1147, %add3A_1148 : i32
        %add3A_1150 = arith.constant 0 : i32
        %add3A_1151 = arith.addi %add3A_1149, %add3A_1150 : i32
        %swap3A_1152 = arith.index_cast %add3A_1151 : i32 to index
        %swap3A_1153 = tpu.vector_load %arg13[%swap3A_1152] {strides = array<i32>} : memref<40960xf32, #tpu.memory_space<vmem>>, vector<16xf32>,
        tpu.vector_store %arg13[%swap3A_1152], %get3A_757 {strides = array<i32>} : memref<40960xf32, #tpu.memory_space<vmem>>, vector<16xf32>,
        %add3A_1154 = arith.constant 768 : i32
        %add3A_1155 = arith.addi %multiple_of3A, %add3A_1154 : i32
        %add3A_1156 = arith.constant 32 : i32
        %add3A_1157 = arith.addi %add3A_1155, %add3A_1156 : i32
        %add3A_1158 = arith.constant 16 : i32
        %add3A_1159 = arith.addi %add3A_1157, %add3A_1158 : i32
        %swap3A_1160 = arith.index_cast %add3A_1159 : i32 to index
        %swap3A_1161 = tpu.vector_load %arg13[%swap3A_1160] {strides = array<i32>} : memref<40960xf32, #tpu.memory_space<vmem>>, vector<16xf32>,
        tpu.vector_store %arg13[%swap3A_1160], %get3A_763 {strides = array<i32>} : memref<40960xf32, #tpu.memory_space<vmem>>, vector<16xf32>,
        %add3A_1162 = arith.constant 768 : i32
        %add3A_1163 = arith.addi %multiple_of3A, %add3A_1162 : i32
        %add3A_1164 = arith.constant 64 : i32
        %add3A_1165 = arith.addi %add3A_1163, %add3A_1164 : i32
        %add3A_1166 = arith.constant 0 : i32
        %add3A_1167 = arith.addi %add3A_1165, %add3A_1166 : i32
        %swap3A_1168 = arith.index_cast %add3A_1167 : i32 to index
        %swap3A_1169 = tpu.vector_load %arg13[%swap3A_1168] {strides = array<i32>} : memref<40960xf32, #tpu.memory_space<vmem>>, vector<16xf32>,
        tpu.vector_store %arg13[%swap3A_1168], %get3A_774 {strides = array<i32>} : memref<40960xf32, #tpu.memory_space<vmem>>, vector<16xf32>,
        %add3A_1170 = arith.constant 768 : i32
        %add3A_1171 = arith.addi %multiple_of3A, %add3A_1170 : i32
        %add3A_1172 = arith.constant 64 : i32
        %add3A_1173 = arith.addi %add3A_1171, %add3A_1172 : i32
        %add3A_1174 = arith.constant 16 : i32
        %add3A_1175 = arith.addi %add3A_1173, %add3A_1174 : i32
        %swap3A_1176 = arith.index_cast %add3A_1175 : i32 to index
        %swap3A_1177 = tpu.vector_load %arg13[%swap3A_1176] {strides = array<i32>} : memref<40960xf32, #tpu.memory_space<vmem>>, vector<16xf32>,
        tpu.vector_store %arg13[%swap3A_1176], %get3A_780 {strides = array<i32>} : memref<40960xf32, #tpu.memory_space<vmem>>, vector<16xf32>,
        %add3A_1178 = arith.constant 768 : i32
        %add3A_1179 = arith.addi %multiple_of3A, %add3A_1178 : i32
        %add3A_1180 = arith.constant 96 : i32
        %add3A_1181 = arith.addi %add3A_1179, %add3A_1180 : i32
        %add3A_1182 = arith.constant 0 : i32
        %add3A_1183 = arith.addi %add3A_1181, %add3A_1182 : i32
        %swap3A_1184 = arith.index_cast %add3A_1183 : i32 to index
        %swap3A_1185 = tpu.vector_load %arg13[%swap3A_1184] {strides = array<i32>} : memref<40960xf32, #tpu.memory_space<vmem>>, vector<16xf32>,
        tpu.vector_store %arg13[%swap3A_1184], %get3A_791 {strides = array<i32>} : memref<40960xf32, #tpu.memory_space<vmem>>, vector<16xf32>,
        %add3A_1186 = arith.constant 768 : i32
        %add3A_1187 = arith.addi %multiple_of3A, %add3A_1186 : i32
        %add3A_1188 = arith.constant 96 : i32
        %add3A_1189 = arith.addi %add3A_1187, %add3A_1188 : i32
        %add3A_1190 = arith.constant 16 : i32
        %add3A_1191 = arith.addi %add3A_1189, %add3A_1190 : i32
        %swap3A_1192 = arith.index_cast %add3A_1191 : i32 to index
        %swap3A_1193 = tpu.vector_load %arg13[%swap3A_1192] {strides = array<i32>} : memref<40960xf32, #tpu.memory_space<vmem>>, vector<16xf32>,
        tpu.vector_store %arg13[%swap3A_1192], %get3A_797 {strides = array<i32>} : memref<40960xf32, #tpu.memory_space<vmem>>, vector<16xf32>,
        %add3A_1194 = arith.constant 896 : i32
        %add3A_1195 = arith.addi %multiple_of3A, %add3A_1194 : i32
        %add3A_1196 = arith.constant 0 : i32
        %add3A_1197 = arith.addi %add3A_1195, %add3A_1196 : i32
        %add3A_1198 = arith.constant 0 : i32
        %add3A_1199 = arith.addi %add3A_1197, %add3A_1198 : i32
        %swap3A_1200 = arith.index_cast %add3A_1199 : i32 to index
        %swap3A_1201 = tpu.vector_load %arg13[%swap3A_1200] {strides = array<i32>} : memref<40960xf32, #tpu.memory_space<vmem>>, vector<16xf32>,
        tpu.vector_store %arg13[%swap3A_1200], %get3A_808 {strides = array<i32>} : memref<40960xf32, #tpu.memory_space<vmem>>, vector<16xf32>,
        %add3A_1202 = arith.constant 896 : i32
        %add3A_1203 = arith.addi %multiple_of3A, %add3A_1202 : i32
        %add3A_1204 = arith.constant 0 : i32
        %add3A_1205 = arith.addi %add3A_1203, %add3A_1204 : i32
        %add3A_1206 = arith.constant 16 : i32
        %add3A_1207 = arith.addi %add3A_1205, %add3A_1206 : i32
        %swap3A_1208 = arith.index_cast %add3A_1207 : i32 to index
        %swap3A_1209 = tpu.vector_load %arg13[%swap3A_1208] {strides = array<i32>} : memref<40960xf32, #tpu.memory_space<vmem>>, vector<16xf32>,
        tpu.vector_store %arg13[%swap3A_1208], %get3A_814 {strides = array<i32>} : memref<40960xf32, #tpu.memory_space<vmem>>, vector<16xf32>,
        %add3A_1210 = arith.constant 896 : i32
        %add3A_1211 = arith.addi %multiple_of3A, %add3A_1210 : i32
        %add3A_1212 = arith.constant 32 : i32
        %add3A_1213 = arith.addi %add3A_1211, %add3A_1212 : i32
        %add3A_1214 = arith.constant 0 : i32
        %add3A_1215 = arith.addi %add3A_1213, %add3A_1214 : i32
        %swap3A_1216 = arith.index_cast %add3A_1215 : i32 to index
        %swap3A_1217 = tpu.vector_load %arg13[%swap3A_1216] {strides = array<i32>} : memref<40960xf32, #tpu.memory_space<vmem>>, vector<16xf32>,
        tpu.vector_store %arg13[%swap3A_1216], %get3A_825 {strides = array<i32>} : memref<40960xf32, #tpu.memory_space<vmem>>, vector<16xf32>,
        %add3A_1218 = arith.constant 896 : i32
        %add3A_1219 = arith.addi %multiple_of3A, %add3A_1218 : i32
        %add3A_1220 = arith.constant 32 : i32
        %add3A_1221 = arith.addi %add3A_1219, %add3A_1220 : i32
        %add3A_1222 = arith.constant 16 : i32
        %add3A_1223 = arith.addi %add3A_1221, %add3A_1222 : i32
        %swap3A_1224 = arith.index_cast %add3A_1223 : i32 to index
        %swap3A_1225 = tpu.vector_load %arg13[%swap3A_1224] {strides = array<i32>} : memref<40960xf32, #tpu.memory_space<vmem>>, vector<16xf32>,
        tpu.vector_store %arg13[%swap3A_1224], %get3A_831 {strides = array<i32>} : memref<40960xf32, #tpu.memory_space<vmem>>, vector<16xf32>,
        %add3A_1226 = arith.constant 896 : i32
        %add3A_1227 = arith.addi %multiple_of3A, %add3A_1226 : i32
        %add3A_1228 = arith.constant 64 : i32
        %add3A_1229 = arith.addi %add3A_1227, %add3A_1228 : i32
        %add3A_1230 = arith.constant 0 : i32
        %add3A_1231 = arith.addi %add3A_1229, %add3A_1230 : i32
        %swap3A_1232 = arith.index_cast %add3A_1231 : i32 to index
        %swap3A_1233 = tpu.vector_load %arg13[%swap3A_1232] {strides = array<i32>} : memref<40960xf32, #tpu.memory_space<vmem>>, vector<16xf32>,
        tpu.vector_store %arg13[%swap3A_1232], %get3A_842 {strides = array<i32>} : memref<40960xf32, #tpu.memory_space<vmem>>, vector<16xf32>,
        %add3A_1234 = arith.constant 896 : i32
        %add3A_1235 = arith.addi %multiple_of3A, %add3A_1234 : i32
        %add3A_1236 = arith.constant 64 : i32
        %add3A_1237 = arith.addi %add3A_1235, %add3A_1236 : i32
        %add3A_1238 = arith.constant 16 : i32
        %add3A_1239 = arith.addi %add3A_1237, %add3A_1238 : i32
        %swap3A_1240 = arith.index_cast %add3A_1239 : i32 to index
        %swap3A_1241 = tpu.vector_load %arg13[%swap3A_1240] {strides = array<i32>} : memref<40960xf32, #tpu.memory_space<vmem>>, vector<16xf32>,
        tpu.vector_store %arg13[%swap3A_1240], %get3A_848 {strides = array<i32>} : memref<40960xf32, #tpu.memory_space<vmem>>, vector<16xf32>,
        %add3A_1242 = arith.constant 896 : i32
        %add3A_1243 = arith.addi %multiple_of3A, %add3A_1242 : i32
        %add3A_1244 = arith.constant 96 : i32
        %add3A_1245 = arith.addi %add3A_1243, %add3A_1244 : i32
        %add3A_1246 = arith.constant 0 : i32
        %add3A_1247 = arith.addi %add3A_1245, %add3A_1246 : i32
        %swap3A_1248 = arith.index_cast %add3A_1247 : i32 to index
        %swap3A_1249 = tpu.vector_load %arg13[%swap3A_1248] {strides = array<i32>} : memref<40960xf32, #tpu.memory_space<vmem>>, vector<16xf32>,
        tpu.vector_store %arg13[%swap3A_1248], %get3A_859 {strides = array<i32>} : memref<40960xf32, #tpu.memory_space<vmem>>, vector<16xf32>,
        %add3A_1250 = arith.constant 896 : i32
        %add3A_1251 = arith.addi %multiple_of3A, %add3A_1250 : i32
        %add3A_1252 = arith.constant 96 : i32
        %add3A_1253 = arith.addi %add3A_1251, %add3A_1252 : i32
        %add3A_1254 = arith.constant 16 : i32
        %add3A_1255 = arith.addi %add3A_1253, %add3A_1254 : i32
        %swap3A_1256 = arith.index_cast %add3A_1255 : i32 to index
        %swap3A_1257 = tpu.vector_load %arg13[%swap3A_1256] {strides = array<i32>} : memref<40960xf32, #tpu.memory_space<vmem>>, vector<16xf32>,
        tpu.vector_store %arg13[%swap3A_1256], %get3A_865 {strides = array<i32>} : memref<40960xf32, #tpu.memory_space<vmem>>, vector<16xf32>,
        %slice3A_1258 = vector.extract_strided_slice %get3A_62 {offsets = [10], sizes = [1], strides = [1]} : vector<16xi32> to vector<1xi32>
        %squeeze3A_1259 = vector.extract %slice3A_1258[0] : i32 from vector<1xi32>
        %mul3A_1260 = arith.constant 32 : i32
        %mul3A_1261 = arith.muli %squeeze3A_1259, %mul3A_1260 : i32
        %multiple_of3A_1262 = tpu.assume_multiple %mul3A_1261, 32 : i32
        %add3A_1263 = arith.constant 0 : i32
        %add3A_1264 = arith.addi %multiple_of3A_1262, %add3A_1263 : i32
        %add3A_1265 = arith.constant 0 : i32
        %add3A_1266 = arith.addi %add3A_1264, %add3A_1265 : i32
        %get3A_1267 = arith.index_cast %add3A_1266 : i32 to index
        %get3A_1268 = tpu.vector_load %arg8[%get3A_1267] {strides = array<i32>} : memref<672xf32, #tpu.memory_space<vmem>>, vector<16xf32>,
        %add3A_1269 = arith.constant 0 : i32
        %add3A_1270 = arith.addi %multiple_of3A_1262, %add3A_1269 : i32
        %add3A_1271 = arith.constant 16 : i32
        %add3A_1272 = arith.addi %add3A_1270, %add3A_1271 : i32
        %get3A_1273 = arith.index_cast %add3A_1272 : i32 to index
        %get3A_1274 = tpu.vector_load %arg8[%get3A_1273] {strides = array<i32>} : memref<672xf32, #tpu.memory_space<vmem>>, vector<16xf32>,
        %slice3A_1275 = vector.extract_strided_slice %get3A_64 {offsets = [10], sizes = [1], strides = [1]} : vector<16xi32> to vector<1xi32>
        %squeeze3A_1276 = vector.extract %slice3A_1275[0] : i32 from vector<1xi32>
        %mul3A_1277 = arith.constant 32 : i32
        %mul3A_1278 = arith.muli %squeeze3A_1276, %mul3A_1277 : i32
        %multiple_of3A_1279 = tpu.assume_multiple %mul3A_1278, 32 : i32
        %add3A_1280 = arith.constant 96 : i32
        %add3A_1281 = arith.addi %multiple_of3A_1279, %add3A_1280 : i32
        %add3A_1282 = arith.constant 0 : i32
        %add3A_1283 = arith.addi %add3A_1281, %add3A_1282 : i32
        %get3A_1284 = arith.index_cast %add3A_1283 : i32 to index
        %get3A_1285 = tpu.vector_load %arg8[%get3A_1284] {strides = array<i32>} : memref<672xf32, #tpu.memory_space<vmem>>, vector<16xf32>,
        %add3A_1286 = arith.constant 96 : i32
        %add3A_1287 = arith.addi %multiple_of3A_1279, %add3A_1286 : i32
        %add3A_1288 = arith.constant 16 : i32
        %add3A_1289 = arith.addi %add3A_1287, %add3A_1288 : i32
        %get3A_1290 = arith.index_cast %add3A_1289 : i32 to index
        %get3A_1291 = tpu.vector_load %arg8[%get3A_1290] {strides = array<i32>} : memref<672xf32, #tpu.memory_space<vmem>>, vector<16xf32>,
        %slice3A_1292 = vector.extract_strided_slice %get3A_66 {offsets = [10], sizes = [1], strides = [1]} : vector<16xi32> to vector<1xi32>
        %squeeze3A_1293 = vector.extract %slice3A_1292[0] : i32 from vector<1xi32>
        %mul3A_1294 = arith.constant 32 : i32
        %mul3A_1295 = arith.muli %squeeze3A_1293, %mul3A_1294 : i32
        %multiple_of3A_1296 = tpu.assume_multiple %mul3A_1295, 32 : i32
        %add3A_1297 = arith.constant 224 : i32
        %add3A_1298 = arith.addi %multiple_of3A_1296, %add3A_1297 : i32
        %add3A_1299 = arith.constant 0 : i32
        %add3A_1300 = arith.addi %add3A_1298, %add3A_1299 : i32
        %get3A_1301 = arith.index_cast %add3A_1300 : i32 to index
        %get3A_1302 = tpu.vector_load %arg8[%get3A_1301] {strides = array<i32>} : memref<672xf32, #tpu.memory_space<vmem>>, vector<16xf32>,
        %add3A_1303 = arith.constant 224 : i32
        %add3A_1304 = arith.addi %multiple_of3A_1296, %add3A_1303 : i32
        %add3A_1305 = arith.constant 16 : i32
        %add3A_1306 = arith.addi %add3A_1304, %add3A_1305 : i32
        %get3A_1307 = arith.index_cast %add3A_1306 : i32 to index
        %get3A_1308 = tpu.vector_load %arg8[%get3A_1307] {strides = array<i32>} : memref<672xf32, #tpu.memory_space<vmem>>, vector<16xf32>,
        %slice3A_1309 = vector.extract_strided_slice %get3A_68 {offsets = [10], sizes = [1], strides = [1]} : vector<16xi32> to vector<1xi32>
        %squeeze3A_1310 = vector.extract %slice3A_1309[0] : i32 from vector<1xi32>
        %mul3A_1311 = arith.constant 32 : i32
        %mul3A_1312 = arith.muli %squeeze3A_1310, %mul3A_1311 : i32
        %multiple_of3A_1313 = tpu.assume_multiple %mul3A_1312, 32 : i32
        %add3A_1314 = arith.constant 512 : i32
        %add3A_1315 = arith.addi %multiple_of3A_1313, %add3A_1314 : i32
        %add3A_1316 = arith.constant 0 : i32
        %add3A_1317 = arith.addi %add3A_1315, %add3A_1316 : i32
        %get3A_1318 = arith.index_cast %add3A_1317 : i32 to index
        %get3A_1319 = tpu.vector_load %arg8[%get3A_1318] {strides = array<i32>} : memref<672xf32, #tpu.memory_space<vmem>>, vector<16xf32>,
        %add3A_1320 = arith.constant 512 : i32
        %add3A_1321 = arith.addi %multiple_of3A_1313, %add3A_1320 : i32
        %add3A_1322 = arith.constant 16 : i32
        %add3A_1323 = arith.addi %add3A_1321, %add3A_1322 : i32
        %get3A_1324 = arith.index_cast %add3A_1323 : i32 to index
        %get3A_1325 = tpu.vector_load %arg8[%get3A_1324] {strides = array<i32>} : memref<672xf32, #tpu.memory_space<vmem>>, vector<16xf32>,
        %slice3A_1326 = vector.extract_strided_slice %get3A_62 {offsets = [11], sizes = [1], strides = [1]} : vector<16xi32> to vector<1xi32>
        %squeeze3A_1327 = vector.extract %slice3A_1326[0] : i32 from vector<1xi32>
        %mul3A_1328 = arith.constant 32 : i32
        %mul3A_1329 = arith.muli %squeeze3A_1327, %mul3A_1328 : i32
        %multiple_of3A_1330 = tpu.assume_multiple %mul3A_1329, 32 : i32
        %add3A_1331 = arith.constant 0 : i32
        %add3A_1332 = arith.addi %multiple_of3A_1330, %add3A_1331 : i32
        %add3A_1333 = arith.constant 0 : i32
        %add3A_1334 = arith.addi %add3A_1332, %add3A_1333 : i32
        %get3A_1335 = arith.index_cast %add3A_1334 : i32 to index
        %get3A_1336 = tpu.vector_load %arg8[%get3A_1335] {strides = array<i32>} : memref<672xf32, #tpu.memory_space<vmem>>, vector<16xf32>,
        %add3A_1337 = arith.constant 0 : i32
        %add3A_1338 = arith.addi %multiple_of3A_1330, %add3A_1337 : i32
        %add3A_1339 = arith.constant 16 : i32
        %add3A_1340 = arith.addi %add3A_1338, %add3A_1339 : i32
        %get3A_1341 = arith.index_cast %add3A_1340 : i32 to index
        %get3A_1342 = tpu.vector_load %arg8[%get3A_1341] {strides = array<i32>} : memref<672xf32, #tpu.memory_space<vmem>>, vector<16xf32>,
        %slice3A_1343 = vector.extract_strided_slice %get3A_64 {offsets = [11], sizes = [1], strides = [1]} : vector<16xi32> to vector<1xi32>
        %squeeze3A_1344 = vector.extract %slice3A_1343[0] : i32 from vector<1xi32>
        %mul3A_1345 = arith.constant 32 : i32
        %mul3A_1346 = arith.muli %squeeze3A_1344, %mul3A_1345 : i32
        %multiple_of3A_1347 = tpu.assume_multiple %mul3A_1346, 32 : i32
        %add3A_1348 = arith.constant 96 : i32
        %add3A_1349 = arith.addi %multiple_of3A_1347, %add3A_1348 : i32
        %add3A_1350 = arith.constant 0 : i32
        %add3A_1351 = arith.addi %add3A_1349, %add3A_1350 : i32
        %get3A_1352 = arith.index_cast %add3A_1351 : i32 to index
        %get3A_1353 = tpu.vector_load %arg8[%get3A_1352] {strides = array<i32>} : memref<672xf32, #tpu.memory_space<vmem>>, vector<16xf32>,
        %add3A_1354 = arith.constant 96 : i32
        %add3A_1355 = arith.addi %multiple_of3A_1347, %add3A_1354 : i32
        %add3A_1356 = arith.constant 16 : i32
        %add3A_1357 = arith.addi %add3A_1355, %add3A_1356 : i32
        %get3A_1358 = arith.index_cast %add3A_1357 : i32 to index
        %get3A_1359 = tpu.vector_load %arg8[%get3A_1358] {strides = array<i32>} : memref<672xf32, #tpu.memory_space<vmem>>, vector<16xf32>,
        %slice3A_1360 = vector.extract_strided_slice %get3A_66 {offsets = [11], sizes = [1], strides = [1]} : vector<16xi32> to vector<1xi32>
        %squeeze3A_1361 = vector.extract %slice3A_1360[0] : i32 from vector<1xi32>
        %mul3A_1362 = arith.constant 32 : i32
        %mul3A_1363 = arith.muli %squeeze3A_1361, %mul3A_1362 : i32
        %multiple_of3A_1364 = tpu.assume_multiple %mul3A_1363, 32 : i32
        %add3A_1365 = arith.constant 224 : i32
        %add3A_1366 = arith.addi %multiple_of3A_1364, %add3A_1365 : i32
        %add3A_1367 = arith.constant 0 : i32
        %add3A_1368 = arith.addi %add3A_1366, %add3A_1367 : i32
        %get3A_1369 = arith.index_cast %add3A_1368 : i32 to index
        %get3A_1370 = tpu.vector_load %arg8[%get3A_1369] {strides = array<i32>} : memref<672xf32, #tpu.memory_space<vmem>>, vector<16xf32>,
        %add3A_1371 = arith.constant 224 : i32
        %add3A_1372 = arith.addi %multiple_of3A_1364, %add3A_1371 : i32
        %add3A_1373 = arith.constant 16 : i32
        %add3A_1374 = arith.addi %add3A_1372, %add3A_1373 : i32
        %get3A_1375 = arith.index_cast %add3A_1374 : i32 to index
        %get3A_1376 = tpu.vector_load %arg8[%get3A_1375] {strides = array<i32>} : memref<672xf32, #tpu.memory_space<vmem>>, vector<16xf32>,
        %slice3A_1377 = vector.extract_strided_slice %get3A_68 {offsets = [11], sizes = [1], strides = [1]} : vector<16xi32> to vector<1xi32>
        %squeeze3A_1378 = vector.extract %slice3A_1377[0] : i32 from vector<1xi32>
        %mul3A_1379 = arith.constant 32 : i32
        %mul3A_1380 = arith.muli %squeeze3A_1378, %mul3A_1379 : i32
        %multiple_of3A_1381 = tpu.assume_multiple %mul3A_1380, 32 : i32
        %add3A_1382 = arith.constant 512 : i32
        %add3A_1383 = arith.addi %multiple_of3A_1381, %add3A_1382 : i32
        %add3A_1384 = arith.constant 0 : i32
        %add3A_1385 = arith.addi %add3A_1383, %add3A_1384 : i32
        %get3A_1386 = arith.index_cast %add3A_1385 : i32 to index
        %get3A_1387 = tpu.vector_load %arg8[%get3A_1386] {strides = array<i32>} : memref<672xf32, #tpu.memory_space<vmem>>, vector<16xf32>,
        %add3A_1388 = arith.constant 512 : i32
        %add3A_1389 = arith.addi %multiple_of3A_1381, %add3A_1388 : i32
        %add3A_1390 = arith.constant 16 : i32
        %add3A_1391 = arith.addi %add3A_1389, %add3A_1390 : i32
        %get3A_1392 = arith.index_cast %add3A_1391 : i32 to index
        %get3A_1393 = tpu.vector_load %arg8[%get3A_1392] {strides = array<i32>} : memref<672xf32, #tpu.memory_space<vmem>>, vector<16xf32>,
        %add3A_1394 = arith.constant 1024 : i32
        %add3A_1395 = arith.addi %multiple_of3A, %add3A_1394 : i32
        %add3A_1396 = arith.constant 0 : i32
        %add3A_1397 = arith.addi %add3A_1395, %add3A_1396 : i32
        %add3A_1398 = arith.constant 0 : i32
        %add3A_1399 = arith.addi %add3A_1397, %add3A_1398 : i32
        %swap3A_1400 = arith.index_cast %add3A_1399 : i32 to index
        %swap3A_1401 = tpu.vector_load %arg13[%swap3A_1400] {strides = array<i32>} : memref<40960xf32, #tpu.memory_space<vmem>>, vector<16xf32>,
        tpu.vector_store %arg13[%swap3A_1400], %get3A_1004 {strides = array<i32>} : memref<40960xf32, #tpu.memory_space<vmem>>, vector<16xf32>,
        %add3A_1402 = arith.constant 1024 : i32
        %add3A_1403 = arith.addi %multiple_of3A, %add3A_1402 : i32
        %add3A_1404 = arith.constant 0 : i32
        %add3A_1405 = arith.addi %add3A_1403, %add3A_1404 : i32
        %add3A_1406 = arith.constant 16 : i32
        %add3A_1407 = arith.addi %add3A_1405, %add3A_1406 : i32
        %swap3A_1408 = arith.index_cast %add3A_1407 : i32 to index
        %swap3A_1409 = tpu.vector_load %arg13[%swap3A_1408] {strides = array<i32>} : memref<40960xf32, #tpu.memory_space<vmem>>, vector<16xf32>,
        tpu.vector_store %arg13[%swap3A_1408], %get3A_1010 {strides = array<i32>} : memref<40960xf32, #tpu.memory_space<vmem>>, vector<16xf32>,
        %add3A_1410 = arith.constant 1024 : i32
        %add3A_1411 = arith.addi %multiple_of3A, %add3A_1410 : i32
        %add3A_1412 = arith.constant 32 : i32
        %add3A_1413 = arith.addi %add3A_1411, %add3A_1412 : i32
        %add3A_1414 = arith.constant 0 : i32
        %add3A_1415 = arith.addi %add3A_1413, %add3A_1414 : i32
        %swap3A_1416 = arith.index_cast %add3A_1415 : i32 to index
        %swap3A_1417 = tpu.vector_load %arg13[%swap3A_1416] {strides = array<i32>} : memref<40960xf32, #tpu.memory_space<vmem>>, vector<16xf32>,
        tpu.vector_store %arg13[%swap3A_1416], %get3A_1021 {strides = array<i32>} : memref<40960xf32, #tpu.memory_space<vmem>>, vector<16xf32>,
        %add3A_1418 = arith.constant 1024 : i32
        %add3A_1419 = arith.addi %multiple_of3A, %add3A_1418 : i32
        %add3A_1420 = arith.constant 32 : i32
        %add3A_1421 = arith.addi %add3A_1419, %add3A_1420 : i32
        %add3A_1422 = arith.constant 16 : i32
        %add3A_1423 = arith.addi %add3A_1421, %add3A_1422 : i32
        %swap3A_1424 = arith.index_cast %add3A_1423 : i32 to index
        %swap3A_1425 = tpu.vector_load %arg13[%swap3A_1424] {strides = array<i32>} : memref<40960xf32, #tpu.memory_space<vmem>>, vector<16xf32>,
        tpu.vector_store %arg13[%swap3A_1424], %get3A_1027 {strides = array<i32>} : memref<40960xf32, #tpu.memory_space<vmem>>, vector<16xf32>,
        %add3A_1426 = arith.constant 1024 : i32
        %add3A_1427 = arith.addi %multiple_of3A, %add3A_1426 : i32
        %add3A_1428 = arith.constant 64 : i32
        %add3A_1429 = arith.addi %add3A_1427, %add3A_1428 : i32
        %add3A_1430 = arith.constant 0 : i32
        %add3A_1431 = arith.addi %add3A_1429, %add3A_1430 : i32
        %swap3A_1432 = arith.index_cast %add3A_1431 : i32 to index
        %swap3A_1433 = tpu.vector_load %arg13[%swap3A_1432] {strides = array<i32>} : memref<40960xf32, #tpu.memory_space<vmem>>, vector<16xf32>,
        tpu.vector_store %arg13[%swap3A_1432], %get3A_1038 {strides = array<i32>} : memref<40960xf32, #tpu.memory_space<vmem>>, vector<16xf32>,
        %add3A_1434 = arith.constant 1024 : i32
        %add3A_1435 = arith.addi %multiple_of3A, %add3A_1434 : i32
        %add3A_1436 = arith.constant 64 : i32
        %add3A_1437 = arith.addi %add3A_1435, %add3A_1436 : i32
        %add3A_1438 = arith.constant 16 : i32
        %add3A_1439 = arith.addi %add3A_1437, %add3A_1438 : i32
        %swap3A_1440 = arith.index_cast %add3A_1439 : i32 to index
        %swap3A_1441 = tpu.vector_load %arg13[%swap3A_1440] {strides = array<i32>} : memref<40960xf32, #tpu.memory_space<vmem>>, vector<16xf32>,
        tpu.vector_store %arg13[%swap3A_1440], %get3A_1044 {strides = array<i32>} : memref<40960xf32, #tpu.memory_space<vmem>>, vector<16xf32>,
        %add3A_1442 = arith.constant 1024 : i32
        %add3A_1443 = arith.addi %multiple_of3A, %add3A_1442 : i32
        %add3A_1444 = arith.constant 96 : i32
        %add3A_1445 = arith.addi %add3A_1443, %add3A_1444 : i32
        %add3A_1446 = arith.constant 0 : i32
        %add3A_1447 = arith.addi %add3A_1445, %add3A_1446 : i32
        %swap3A_1448 = arith.index_cast %add3A_1447 : i32 to index
        %swap3A_1449 = tpu.vector_load %arg13[%swap3A_1448] {strides = array<i32>} : memref<40960xf32, #tpu.memory_space<vmem>>, vector<16xf32>,
        tpu.vector_store %arg13[%swap3A_1448], %get3A_1055 {strides = array<i32>} : memref<40960xf32, #tpu.memory_space<vmem>>, vector<16xf32>,
        %add3A_1450 = arith.constant 1024 : i32
        %add3A_1451 = arith.addi %multiple_of3A, %add3A_1450 : i32
        %add3A_1452 = arith.constant 96 : i32
        %add3A_1453 = arith.addi %add3A_1451, %add3A_1452 : i32
        %add3A_1454 = arith.constant 16 : i32
        %add3A_1455 = arith.addi %add3A_1453, %add3A_1454 : i32
        %swap3A_1456 = arith.index_cast %add3A_1455 : i32 to index
        %swap3A_1457 = tpu.vector_load %arg13[%swap3A_1456] {strides = array<i32>} : memref<40960xf32, #tpu.memory_space<vmem>>, vector<16xf32>,
        tpu.vector_store %arg13[%swap3A_1456], %get3A_1061 {strides = array<i32>} : memref<40960xf32, #tpu.memory_space<vmem>>, vector<16xf32>,
        %add3A_1458 = arith.constant 1152 : i32
        %add3A_1459 = arith.addi %multiple_of3A, %add3A_1458 : i32
        %add3A_1460 = arith.constant 0 : i32
        %add3A_1461 = arith.addi %add3A_1459, %add3A_1460 : i32
        %add3A_1462 = arith.constant 0 : i32
        %add3A_1463 = arith.addi %add3A_1461, %add3A_1462 : i32
        %swap3A_1464 = arith.index_cast %add3A_1463 : i32 to index
        %swap3A_1465 = tpu.vector_load %arg13[%swap3A_1464] {strides = array<i32>} : memref<40960xf32, #tpu.memory_space<vmem>>, vector<16xf32>,
        tpu.vector_store %arg13[%swap3A_1464], %get3A_1072 {strides = array<i32>} : memref<40960xf32, #tpu.memory_space<vmem>>, vector<16xf32>,
        %add3A_1466 = arith.constant 1152 : i32
        %add3A_1467 = arith.addi %multiple_of3A, %add3A_1466 : i32
        %add3A_1468 = arith.constant 0 : i32
        %add3A_1469 = arith.addi %add3A_1467, %add3A_1468 : i32
        %add3A_1470 = arith.constant 16 : i32
        %add3A_1471 = arith.addi %add3A_1469, %add3A_1470 : i32
        %swap3A_1472 = arith.index_cast %add3A_1471 : i32 to index
        %swap3A_1473 = tpu.vector_load %arg13[%swap3A_1472] {strides = array<i32>} : memref<40960xf32, #tpu.memory_space<vmem>>, vector<16xf32>,
        tpu.vector_store %arg13[%swap3A_1472], %get3A_1078 {strides = array<i32>} : memref<40960xf32, #tpu.memory_space<vmem>>, vector<16xf32>,
        %add3A_1474 = arith.constant 1152 : i32
        %add3A_1475 = arith.addi %multiple_of3A, %add3A_1474 : i32
        %add3A_1476 = arith.constant 32 : i32
        %add3A_1477 = arith.addi %add3A_1475, %add3A_1476 : i32
        %add3A_1478 = arith.constant 0 : i32
        %add3A_1479 = arith.addi %add3A_1477, %add3A_1478 : i32
        %swap3A_1480 = arith.index_cast %add3A_1479 : i32 to index
        %swap3A_1481 = tpu.vector_load %arg13[%swap3A_1480] {strides = array<i32>} : memref<40960xf32, #tpu.memory_space<vmem>>, vector<16xf32>,
        tpu.vector_store %arg13[%swap3A_1480], %get3A_1089 {strides = array<i32>} : memref<40960xf32, #tpu.memory_space<vmem>>, vector<16xf32>,
        %add3A_1482 = arith.constant 1152 : i32
        %add3A_1483 = arith.addi %multiple_of3A, %add3A_1482 : i32
        %add3A_1484 = arith.constant 32 : i32
        %add3A_1485 = arith.addi %add3A_1483, %add3A_1484 : i32
        %add3A_1486 = arith.constant 16 : i32
        %add3A_1487 = arith.addi %add3A_1485, %add3A_1486 : i32
        %swap3A_1488 = arith.index_cast %add3A_1487 : i32 to index
        %swap3A_1489 = tpu.vector_load %arg13[%swap3A_1488] {strides = array<i32>} : memref<40960xf32, #tpu.memory_space<vmem>>, vector<16xf32>,
        tpu.vector_store %arg13[%swap3A_1488], %get3A_1095 {strides = array<i32>} : memref<40960xf32, #tpu.memory_space<vmem>>, vector<16xf32>,
        %add3A_1490 = arith.constant 1152 : i32
        %add3A_1491 = arith.addi %multiple_of3A, %add3A_1490 : i32
        %add3A_1492 = arith.constant 64 : i32
        %add3A_1493 = arith.addi %add3A_1491, %add3A_1492 : i32
        %add3A_1494 = arith.constant 0 : i32
        %add3A_1495 = arith.addi %add3A_1493, %add3A_1494 : i32
        %swap3A_1496 = arith.index_cast %add3A_1495 : i32 to index
        %swap3A_1497 = tpu.vector_load %arg13[%swap3A_1496] {strides = array<i32>} : memref<40960xf32, #tpu.memory_space<vmem>>, vector<16xf32>,
        tpu.vector_store %arg13[%swap3A_1496], %get3A_1106 {strides = array<i32>} : memref<40960xf32, #tpu.memory_space<vmem>>, vector<16xf32>,
        %add3A_1498 = arith.constant 1152 : i32
        %add3A_1499 = arith.addi %multiple_of3A, %add3A_1498 : i32
        %add3A_1500 = arith.constant 64 : i32
        %add3A_1501 = arith.addi %add3A_1499, %add3A_1500 : i32
        %add3A_1502 = arith.constant 16 : i32
        %add3A_1503 = arith.addi %add3A_1501, %add3A_1502 : i32
        %swap3A_1504 = arith.index_cast %add3A_1503 : i32 to index
        %swap3A_1505 = tpu.vector_load %arg13[%swap3A_1504] {strides = array<i32>} : memref<40960xf32, #tpu.memory_space<vmem>>, vector<16xf32>,
        tpu.vector_store %arg13[%swap3A_1504], %get3A_1112 {strides = array<i32>} : memref<40960xf32, #tpu.memory_space<vmem>>, vector<16xf32>,
        %add3A_1506 = arith.constant 1152 : i32
        %add3A_1507 = arith.addi %multiple_of3A, %add3A_1506 : i32
        %add3A_1508 = arith.constant 96 : i32
        %add3A_1509 = arith.addi %add3A_1507, %add3A_1508 : i32
        %add3A_1510 = arith.constant 0 : i32
        %add3A_1511 = arith.addi %add3A_1509, %add3A_1510 : i32
        %swap3A_1512 = arith.index_cast %add3A_1511 : i32 to index
        %swap3A_1513 = tpu.vector_load %arg13[%swap3A_1512] {strides = array<i32>} : memref<40960xf32, #tpu.memory_space<vmem>>, vector<16xf32>,
        tpu.vector_store %arg13[%swap3A_1512], %get3A_1123 {strides = array<i32>} : memref<40960xf32, #tpu.memory_space<vmem>>, vector<16xf32>,
        %add3A_1514 = arith.constant 1152 : i32
        %add3A_1515 = arith.addi %multiple_of3A, %add3A_1514 : i32
        %add3A_1516 = arith.constant 96 : i32
        %add3A_1517 = arith.addi %add3A_1515, %add3A_1516 : i32
        %add3A_1518 = arith.constant 16 : i32
        %add3A_1519 = arith.addi %add3A_1517, %add3A_1518 : i32
        %swap3A_1520 = arith.index_cast %add3A_1519 : i32 to index
        %swap3A_1521 = tpu.vector_load %arg13[%swap3A_1520] {strides = array<i32>} : memref<40960xf32, #tpu.memory_space<vmem>>, vector<16xf32>,
        tpu.vector_store %arg13[%swap3A_1520], %get3A_1129 {strides = array<i32>} : memref<40960xf32, #tpu.memory_space<vmem>>, vector<16xf32>,
        %slice3A_1522 = vector.extract_strided_slice %get3A_62 {offsets = [12], sizes = [1], strides = [1]} : vector<16xi32> to vector<1xi32>
        %squeeze3A_1523 = vector.extract %slice3A_1522[0] : i32 from vector<1xi32>
        %mul3A_1524 = arith.constant 32 : i32
        %mul3A_1525 = arith.muli %squeeze3A_1523, %mul3A_1524 : i32
        %multiple_of3A_1526 = tpu.assume_multiple %mul3A_1525, 32 : i32
        %add3A_1527 = arith.constant 0 : i32
        %add3A_1528 = arith.addi %multiple_of3A_1526, %add3A_1527 : i32
        %add3A_1529 = arith.constant 0 : i32
        %add3A_1530 = arith.addi %add3A_1528, %add3A_1529 : i32
        %get3A_1531 = arith.index_cast %add3A_1530 : i32 to index
        %get3A_1532 = tpu.vector_load %arg8[%get3A_1531] {strides = array<i32>} : memref<672xf32, #tpu.memory_space<vmem>>, vector<16xf32>,
        %add3A_1533 = arith.constant 0 : i32
        %add3A_1534 = arith.addi %multiple_of3A_1526, %add3A_1533 : i32
        %add3A_1535 = arith.constant 16 : i32
        %add3A_1536 = arith.addi %add3A_1534, %add3A_1535 : i32
        %get3A_1537 = arith.index_cast %add3A_1536 : i32 to index
        %get3A_1538 = tpu.vector_load %arg8[%get3A_1537] {strides = array<i32>} : memref<672xf32, #tpu.memory_space<vmem>>, vector<16xf32>,
        %slice3A_1539 = vector.extract_strided_slice %get3A_64 {offsets = [12], sizes = [1], strides = [1]} : vector<16xi32> to vector<1xi32>
        %squeeze3A_1540 = vector.extract %slice3A_1539[0] : i32 from vector<1xi32>
        %mul3A_1541 = arith.constant 32 : i32
        %mul3A_1542 = arith.muli %squeeze3A_1540, %mul3A_1541 : i32
        %multiple_of3A_1543 = tpu.assume_multiple %mul3A_1542, 32 : i32
        %add3A_1544 = arith.constant 96 : i32
        %add3A_1545 = arith.addi %multiple_of3A_1543, %add3A_1544 : i32
        %add3A_1546 = arith.constant 0 : i32
        %add3A_1547 = arith.addi %add3A_1545, %add3A_1546 : i32
        %get3A_1548 = arith.index_cast %add3A_1547 : i32 to index
        %get3A_1549 = tpu.vector_load %arg8[%get3A_1548] {strides = array<i32>} : memref<672xf32, #tpu.memory_space<vmem>>, vector<16xf32>,
        %add3A_1550 = arith.constant 96 : i32
        %add3A_1551 = arith.addi %multiple_of3A_1543, %add3A_1550 : i32
        %add3A_1552 = arith.constant 16 : i32
        %add3A_1553 = arith.addi %add3A_1551, %add3A_1552 : i32
        %get3A_1554 = arith.index_cast %add3A_1553 : i32 to index
        %get3A_1555 = tpu.vector_load %arg8[%get3A_1554] {strides = array<i32>} : memref<672xf32, #tpu.memory_space<vmem>>, vector<16xf32>,
        %slice3A_1556 = vector.extract_strided_slice %get3A_66 {offsets = [12], sizes = [1], strides = [1]} : vector<16xi32> to vector<1xi32>
        %squeeze3A_1557 = vector.extract %slice3A_1556[0] : i32 from vector<1xi32>
        %mul3A_1558 = arith.constant 32 : i32
        %mul3A_1559 = arith.muli %squeeze3A_1557, %mul3A_1558 : i32
        %multiple_of3A_1560 = tpu.assume_multiple %mul3A_1559, 32 : i32
        %add3A_1561 = arith.constant 224 : i32
        %add3A_1562 = arith.addi %multiple_of3A_1560, %add3A_1561 : i32
        %add3A_1563 = arith.constant 0 : i32
        %add3A_1564 = arith.addi %add3A_1562, %add3A_1563 : i32
        %get3A_1565 = arith.index_cast %add3A_1564 : i32 to index
        %get3A_1566 = tpu.vector_load %arg8[%get3A_1565] {strides = array<i32>} : memref<672xf32, #tpu.memory_space<vmem>>, vector<16xf32>,
        %add3A_1567 = arith.constant 224 : i32
        %add3A_1568 = arith.addi %multiple_of3A_1560, %add3A_1567 : i32
        %add3A_1569 = arith.constant 16 : i32
        %add3A_1570 = arith.addi %add3A_1568, %add3A_1569 : i32
        %get3A_1571 = arith.index_cast %add3A_1570 : i32 to index
        %get3A_1572 = tpu.vector_load %arg8[%get3A_1571] {strides = array<i32>} : memref<672xf32, #tpu.memory_space<vmem>>, vector<16xf32>,
        %slice3A_1573 = vector.extract_strided_slice %get3A_68 {offsets = [12], sizes = [1], strides = [1]} : vector<16xi32> to vector<1xi32>
        %squeeze3A_1574 = vector.extract %slice3A_1573[0] : i32 from vector<1xi32>
        %mul3A_1575 = arith.constant 32 : i32
        %mul3A_1576 = arith.muli %squeeze3A_1574, %mul3A_1575 : i32
        %multiple_of3A_1577 = tpu.assume_multiple %mul3A_1576, 32 : i32
        %add3A_1578 = arith.constant 512 : i32
        %add3A_1579 = arith.addi %multiple_of3A_1577, %add3A_1578 : i32
        %add3A_1580 = arith.constant 0 : i32
        %add3A_1581 = arith.addi %add3A_1579, %add3A_1580 : i32
        %get3A_1582 = arith.index_cast %add3A_1581 : i32 to index
        %get3A_1583 = tpu.vector_load %arg8[%get3A_1582] {strides = array<i32>} : memref<672xf32, #tpu.memory_space<vmem>>, vector<16xf32>,
        %add3A_1584 = arith.constant 512 : i32
        %add3A_1585 = arith.addi %multiple_of3A_1577, %add3A_1584 : i32
        %add3A_1586 = arith.constant 16 : i32
        %add3A_1587 = arith.addi %add3A_1585, %add3A_1586 : i32
        %get3A_1588 = arith.index_cast %add3A_1587 : i32 to index
        %get3A_1589 = tpu.vector_load %arg8[%get3A_1588] {strides = array<i32>} : memref<672xf32, #tpu.memory_space<vmem>>, vector<16xf32>,
        %slice3A_1590 = vector.extract_strided_slice %get3A_62 {offsets = [13], sizes = [1], strides = [1]} : vector<16xi32> to vector<1xi32>
        %squeeze3A_1591 = vector.extract %slice3A_1590[0] : i32 from vector<1xi32>
        %mul3A_1592 = arith.constant 32 : i32
        %mul3A_1593 = arith.muli %squeeze3A_1591, %mul3A_1592 : i32
        %multiple_of3A_1594 = tpu.assume_multiple %mul3A_1593, 32 : i32
        %add3A_1595 = arith.constant 0 : i32
        %add3A_1596 = arith.addi %multiple_of3A_1594, %add3A_1595 : i32
        %add3A_1597 = arith.constant 0 : i32
        %add3A_1598 = arith.addi %add3A_1596, %add3A_1597 : i32
        %get3A_1599 = arith.index_cast %add3A_1598 : i32 to index
        %get3A_1600 = tpu.vector_load %arg8[%get3A_1599] {strides = array<i32>} : memref<672xf32, #tpu.memory_space<vmem>>, vector<16xf32>,
        %add3A_1601 = arith.constant 0 : i32
        %add3A_1602 = arith.addi %multiple_of3A_1594, %add3A_1601 : i32
        %add3A_1603 = arith.constant 16 : i32
        %add3A_1604 = arith.addi %add3A_1602, %add3A_1603 : i32
        %get3A_1605 = arith.index_cast %add3A_1604 : i32 to index
        %get3A_1606 = tpu.vector_load %arg8[%get3A_1605] {strides = array<i32>} : memref<672xf32, #tpu.memory_space<vmem>>, vector<16xf32>,
        %slice3A_1607 = vector.extract_strided_slice %get3A_64 {offsets = [13], sizes = [1], strides = [1]} : vector<16xi32> to vector<1xi32>
        %squeeze3A_1608 = vector.extract %slice3A_1607[0] : i32 from vector<1xi32>
        %mul3A_1609 = arith.constant 32 : i32
        %mul3A_1610 = arith.muli %squeeze3A_1608, %mul3A_1609 : i32
        %multiple_of3A_1611 = tpu.assume_multiple %mul3A_1610, 32 : i32
        %add3A_1612 = arith.constant 96 : i32
        %add3A_1613 = arith.addi %multiple_of3A_1611, %add3A_1612 : i32
        %add3A_1614 = arith.constant 0 : i32
        %add3A_1615 = arith.addi %add3A_1613, %add3A_1614 : i32
        %get3A_1616 = arith.index_cast %add3A_1615 : i32 to index
        %get3A_1617 = tpu.vector_load %arg8[%get3A_1616] {strides = array<i32>} : memref<672xf32, #tpu.memory_space<vmem>>, vector<16xf32>,
        %add3A_1618 = arith.constant 96 : i32
        %add3A_1619 = arith.addi %multiple_of3A_1611, %add3A_1618 : i32
        %add3A_1620 = arith.constant 16 : i32
        %add3A_1621 = arith.addi %add3A_1619, %add3A_1620 : i32
        %get3A_1622 = arith.index_cast %add3A_1621 : i32 to index
        %get3A_1623 = tpu.vector_load %arg8[%get3A_1622] {strides = array<i32>} : memref<672xf32, #tpu.memory_space<vmem>>, vector<16xf32>,
        %slice3A_1624 = vector.extract_strided_slice %get3A_66 {offsets = [13], sizes = [1], strides = [1]} : vector<16xi32> to vector<1xi32>
        %squeeze3A_1625 = vector.extract %slice3A_1624[0] : i32 from vector<1xi32>
        %mul3A_1626 = arith.constant 32 : i32
        %mul3A_1627 = arith.muli %squeeze3A_1625, %mul3A_1626 : i32
        %multiple_of3A_1628 = tpu.assume_multiple %mul3A_1627, 32 : i32
        %add3A_1629 = arith.constant 224 : i32
        %add3A_1630 = arith.addi %multiple_of3A_1628, %add3A_1629 : i32
        %add3A_1631 = arith.constant 0 : i32
        %add3A_1632 = arith.addi %add3A_1630, %add3A_1631 : i32
        %get3A_1633 = arith.index_cast %add3A_1632 : i32 to index
        %get3A_1634 = tpu.vector_load %arg8[%get3A_1633] {strides = array<i32>} : memref<672xf32, #tpu.memory_space<vmem>>, vector<16xf32>,
        %add3A_1635 = arith.constant 224 : i32
        %add3A_1636 = arith.addi %multiple_of3A_1628, %add3A_1635 : i32
        %add3A_1637 = arith.constant 16 : i32
        %add3A_1638 = arith.addi %add3A_1636, %add3A_1637 : i32
        %get3A_1639 = arith.index_cast %add3A_1638 : i32 to index
        %get3A_1640 = tpu.vector_load %arg8[%get3A_1639] {strides = array<i32>} : memref<672xf32, #tpu.memory_space<vmem>>, vector<16xf32>,
        %slice3A_1641 = vector.extract_strided_slice %get3A_68 {offsets = [13], sizes = [1], strides = [1]} : vector<16xi32> to vector<1xi32>
        %squeeze3A_1642 = vector.extract %slice3A_1641[0] : i32 from vector<1xi32>
        %mul3A_1643 = arith.constant 32 : i32
        %mul3A_1644 = arith.muli %squeeze3A_1642, %mul3A_1643 : i32
        %multiple_of3A_1645 = tpu.assume_multiple %mul3A_1644, 32 : i32
        %add3A_1646 = arith.constant 512 : i32
        %add3A_1647 = arith.addi %multiple_of3A_1645, %add3A_1646 : i32
        %add3A_1648 = arith.constant 0 : i32
        %add3A_1649 = arith.addi %add3A_1647, %add3A_1648 : i32
        %get3A_1650 = arith.index_cast %add3A_1649 : i32 to index
        %get3A_1651 = tpu.vector_load %arg8[%get3A_1650] {strides = array<i32>} : memref<672xf32, #tpu.memory_space<vmem>>, vector<16xf32>,
        %add3A_1652 = arith.constant 512 : i32
        %add3A_1653 = arith.addi %multiple_of3A_1645, %add3A_1652 : i32
        %add3A_1654 = arith.constant 16 : i32
        %add3A_1655 = arith.addi %add3A_1653, %add3A_1654 : i32
        %get3A_1656 = arith.index_cast %add3A_1655 : i32 to index
        %get3A_1657 = tpu.vector_load %arg8[%get3A_1656] {strides = array<i32>} : memref<672xf32, #tpu.memory_space<vmem>>, vector<16xf32>,
        %add3A_1658 = arith.constant 1280 : i32
        %add3A_1659 = arith.addi %multiple_of3A, %add3A_1658 : i32
        %add3A_1660 = arith.constant 0 : i32
        %add3A_1661 = arith.addi %add3A_1659, %add3A_1660 : i32
        %add3A_1662 = arith.constant 0 : i32
        %add3A_1663 = arith.addi %add3A_1661, %add3A_1662 : i32
        %swap3A_1664 = arith.index_cast %add3A_1663 : i32 to index
        %swap3A_1665 = tpu.vector_load %arg13[%swap3A_1664] {strides = array<i32>} : memref<40960xf32, #tpu.memory_space<vmem>>, vector<16xf32>,
        tpu.vector_store %arg13[%swap3A_1664], %get3A_1268 {strides = array<i32>} : memref<40960xf32, #tpu.memory_space<vmem>>, vector<16xf32>,
        %add3A_1666 = arith.constant 1280 : i32
        %add3A_1667 = arith.addi %multiple_of3A, %add3A_1666 : i32
        %add3A_1668 = arith.constant 0 : i32
        %add3A_1669 = arith.addi %add3A_1667, %add3A_1668 : i32
        %add3A_1670 = arith.constant 16 : i32
        %add3A_1671 = arith.addi %add3A_1669, %add3A_1670 : i32
        %swap3A_1672 = arith.index_cast %add3A_1671 : i32 to index
        %swap3A_1673 = tpu.vector_load %arg13[%swap3A_1672] {strides = array<i32>} : memref<40960xf32, #tpu.memory_space<vmem>>, vector<16xf32>,
        tpu.vector_store %arg13[%swap3A_1672], %get3A_1274 {strides = array<i32>} : memref<40960xf32, #tpu.memory_space<vmem>>, vector<16xf32>,
        %add3A_1674 = arith.constant 1280 : i32
        %add3A_1675 = arith.addi %multiple_of3A, %add3A_1674 : i32
        %add3A_1676 = arith.constant 32 : i32
        %add3A_1677 = arith.addi %add3A_1675, %add3A_1676 : i32
        %add3A_1678 = arith.constant 0 : i32
        %add3A_1679 = arith.addi %add3A_1677, %add3A_1678 : i32
        %swap3A_1680 = arith.index_cast %add3A_1679 : i32 to index
        %swap3A_1681 = tpu.vector_load %arg13[%swap3A_1680] {strides = array<i32>} : memref<40960xf32, #tpu.memory_space<vmem>>, vector<16xf32>,
        tpu.vector_store %arg13[%swap3A_1680], %get3A_1285 {strides = array<i32>} : memref<40960xf32, #tpu.memory_space<vmem>>, vector<16xf32>,
        %add3A_1682 = arith.constant 1280 : i32
        %add3A_1683 = arith.addi %multiple_of3A, %add3A_1682 : i32
        %add3A_1684 = arith.constant 32 : i32
        %add3A_1685 = arith.addi %add3A_1683, %add3A_1684 : i32
        %add3A_1686 = arith.constant 16 : i32
        %add3A_1687 = arith.addi %add3A_1685, %add3A_1686 : i32
        %swap3A_1688 = arith.index_cast %add3A_1687 : i32 to index
        %swap3A_1689 = tpu.vector_load %arg13[%swap3A_1688] {strides = array<i32>} : memref<40960xf32, #tpu.memory_space<vmem>>, vector<16xf32>,
        tpu.vector_store %arg13[%swap3A_1688], %get3A_1291 {strides = array<i32>} : memref<40960xf32, #tpu.memory_space<vmem>>, vector<16xf32>,
        %add3A_1690 = arith.constant 1280 : i32
        %add3A_1691 = arith.addi %multiple_of3A, %add3A_1690 : i32
        %add3A_1692 = arith.constant 64 : i32
        %add3A_1693 = arith.addi %add3A_1691, %add3A_1692 : i32
        %add3A_1694 = arith.constant 0 : i32
        %add3A_1695 = arith.addi %add3A_1693, %add3A_1694 : i32
        %swap3A_1696 = arith.index_cast %add3A_1695 : i32 to index
        %swap3A_1697 = tpu.vector_load %arg13[%swap3A_1696] {strides = array<i32>} : memref<40960xf32, #tpu.memory_space<vmem>>, vector<16xf32>,
        tpu.vector_store %arg13[%swap3A_1696], %get3A_1302 {strides = array<i32>} : memref<40960xf32, #tpu.memory_space<vmem>>, vector<16xf32>,
        %add3A_1698 = arith.constant 1280 : i32
        %add3A_1699 = arith.addi %multiple_of3A, %add3A_1698 : i32
        %add3A_1700 = arith.constant 64 : i32
        %add3A_1701 = arith.addi %add3A_1699, %add3A_1700 : i32
        %add3A_1702 = arith.constant 16 : i32
        %add3A_1703 = arith.addi %add3A_1701, %add3A_1702 : i32
        %swap3A_1704 = arith.index_cast %add3A_1703 : i32 to index
        %swap3A_1705 = tpu.vector_load %arg13[%swap3A_1704] {strides = array<i32>} : memref<40960xf32, #tpu.memory_space<vmem>>, vector<16xf32>,
        tpu.vector_store %arg13[%swap3A_1704], %get3A_1308 {strides = array<i32>} : memref<40960xf32, #tpu.memory_space<vmem>>, vector<16xf32>,
        %add3A_1706 = arith.constant 1280 : i32
        %add3A_1707 = arith.addi %multiple_of3A, %add3A_1706 : i32
        %add3A_1708 = arith.constant 96 : i32
        %add3A_1709 = arith.addi %add3A_1707, %add3A_1708 : i32
        %add3A_1710 = arith.constant 0 : i32
        %add3A_1711 = arith.addi %add3A_1709, %add3A_1710 : i32
        %swap3A_1712 = arith.index_cast %add3A_1711 : i32 to index
        %swap3A_1713 = tpu.vector_load %arg13[%swap3A_1712] {strides = array<i32>} : memref<40960xf32, #tpu.memory_space<vmem>>, vector<16xf32>,
        tpu.vector_store %arg13[%swap3A_1712], %get3A_1319 {strides = array<i32>} : memref<40960xf32, #tpu.memory_space<vmem>>, vector<16xf32>,
        %add3A_1714 = arith.constant 1280 : i32
        %add3A_1715 = arith.addi %multiple_of3A, %add3A_1714 : i32
        %add3A_1716 = arith.constant 96 : i32
        %add3A_1717 = arith.addi %add3A_1715, %add3A_1716 : i32
        %add3A_1718 = arith.constant 16 : i32
        %add3A_1719 = arith.addi %add3A_1717, %add3A_1718 : i32
        %swap3A_1720 = arith.index_cast %add3A_1719 : i32 to index
        %swap3A_1721 = tpu.vector_load %arg13[%swap3A_1720] {strides = array<i32>} : memref<40960xf32, #tpu.memory_space<vmem>>, vector<16xf32>,
        tpu.vector_store %arg13[%swap3A_1720], %get3A_1325 {strides = array<i32>} : memref<40960xf32, #tpu.memory_space<vmem>>, vector<16xf32>,
        %add3A_1722 = arith.constant 1408 : i32
        %add3A_1723 = arith.addi %multiple_of3A, %add3A_1722 : i32
        %add3A_1724 = arith.constant 0 : i32
        %add3A_1725 = arith.addi %add3A_1723, %add3A_1724 : i32
        %add3A_1726 = arith.constant 0 : i32
        %add3A_1727 = arith.addi %add3A_1725, %add3A_1726 : i32
        %swap3A_1728 = arith.index_cast %add3A_1727 : i32 to index
        %swap3A_1729 = tpu.vector_load %arg13[%swap3A_1728] {strides = array<i32>} : memref<40960xf32, #tpu.memory_space<vmem>>, vector<16xf32>,
        tpu.vector_store %arg13[%swap3A_1728], %get3A_1336 {strides = array<i32>} : memref<40960xf32, #tpu.memory_space<vmem>>, vector<16xf32>,
        %add3A_1730 = arith.constant 1408 : i32
        %add3A_1731 = arith.addi %multiple_of3A, %add3A_1730 : i32
        %add3A_1732 = arith.constant 0 : i32
        %add3A_1733 = arith.addi %add3A_1731, %add3A_1732 : i32
        %add3A_1734 = arith.constant 16 : i32
        %add3A_1735 = arith.addi %add3A_1733, %add3A_1734 : i32
        %swap3A_1736 = arith.index_cast %add3A_1735 : i32 to index
        %swap3A_1737 = tpu.vector_load %arg13[%swap3A_1736] {strides = array<i32>} : memref<40960xf32, #tpu.memory_space<vmem>>, vector<16xf32>,
        tpu.vector_store %arg13[%swap3A_1736], %get3A_1342 {strides = array<i32>} : memref<40960xf32, #tpu.memory_space<vmem>>, vector<16xf32>,
        %add3A_1738 = arith.constant 1408 : i32
        %add3A_1739 = arith.addi %multiple_of3A, %add3A_1738 : i32
        %add3A_1740 = arith.constant 32 : i32
        %add3A_1741 = arith.addi %add3A_1739, %add3A_1740 : i32
        %add3A_1742 = arith.constant 0 : i32
        %add3A_1743 = arith.addi %add3A_1741, %add3A_1742 : i32
        %swap3A_1744 = arith.index_cast %add3A_1743 : i32 to index
        %swap3A_1745 = tpu.vector_load %arg13[%swap3A_1744] {strides = array<i32>} : memref<40960xf32, #tpu.memory_space<vmem>>, vector<16xf32>,
        tpu.vector_store %arg13[%swap3A_1744], %get3A_1353 {strides = array<i32>} : memref<40960xf32, #tpu.memory_space<vmem>>, vector<16xf32>,
        %add3A_1746 = arith.constant 1408 : i32
        %add3A_1747 = arith.addi %multiple_of3A, %add3A_1746 : i32
        %add3A_1748 = arith.constant 32 : i32
        %add3A_1749 = arith.addi %add3A_1747, %add3A_1748 : i32
        %add3A_1750 = arith.constant 16 : i32
        %add3A_1751 = arith.addi %add3A_1749, %add3A_1750 : i32
        %swap3A_1752 = arith.index_cast %add3A_1751 : i32 to index
        %swap3A_1753 = tpu.vector_load %arg13[%swap3A_1752] {strides = array<i32>} : memref<40960xf32, #tpu.memory_space<vmem>>, vector<16xf32>,
        tpu.vector_store %arg13[%swap3A_1752], %get3A_1359 {strides = array<i32>} : memref<40960xf32, #tpu.memory_space<vmem>>, vector<16xf32>,
        %add3A_1754 = arith.constant 1408 : i32
        %add3A_1755 = arith.addi %multiple_of3A, %add3A_1754 : i32
        %add3A_1756 = arith.constant 64 : i32
        %add3A_1757 = arith.addi %add3A_1755, %add3A_1756 : i32
        %add3A_1758 = arith.constant 0 : i32
        %add3A_1759 = arith.addi %add3A_1757, %add3A_1758 : i32
        %swap3A_1760 = arith.index_cast %add3A_1759 : i32 to index
        %swap3A_1761 = tpu.vector_load %arg13[%swap3A_1760] {strides = array<i32>} : memref<40960xf32, #tpu.memory_space<vmem>>, vector<16xf32>,
        tpu.vector_store %arg13[%swap3A_1760], %get3A_1370 {strides = array<i32>} : memref<40960xf32, #tpu.memory_space<vmem>>, vector<16xf32>,
        %add3A_1762 = arith.constant 1408 : i32
        %add3A_1763 = arith.addi %multiple_of3A, %add3A_1762 : i32
        %add3A_1764 = arith.constant 64 : i32
        %add3A_1765 = arith.addi %add3A_1763, %add3A_1764 : i32
        %add3A_1766 = arith.constant 16 : i32
        %add3A_1767 = arith.addi %add3A_1765, %add3A_1766 : i32
        %swap3A_1768 = arith.index_cast %add3A_1767 : i32 to index
        %swap3A_1769 = tpu.vector_load %arg13[%swap3A_1768] {strides = array<i32>} : memref<40960xf32, #tpu.memory_space<vmem>>, vector<16xf32>,
        tpu.vector_store %arg13[%swap3A_1768], %get3A_1376 {strides = array<i32>} : memref<40960xf32, #tpu.memory_space<vmem>>, vector<16xf32>,
        %add3A_1770 = arith.constant 1408 : i32
        %add3A_1771 = arith.addi %multiple_of3A, %add3A_1770 : i32
        %add3A_1772 = arith.constant 96 : i32
        %add3A_1773 = arith.addi %add3A_1771, %add3A_1772 : i32
        %add3A_1774 = arith.constant 0 : i32
        %add3A_1775 = arith.addi %add3A_1773, %add3A_1774 : i32
        %swap3A_1776 = arith.index_cast %add3A_1775 : i32 to index
        %swap3A_1777 = tpu.vector_load %arg13[%swap3A_1776] {strides = array<i32>} : memref<40960xf32, #tpu.memory_space<vmem>>, vector<16xf32>,
        tpu.vector_store %arg13[%swap3A_1776], %get3A_1387 {strides = array<i32>} : memref<40960xf32, #tpu.memory_space<vmem>>, vector<16xf32>,
        %add3A_1778 = arith.constant 1408 : i32
        %add3A_1779 = arith.addi %multiple_of3A, %add3A_1778 : i32
        %add3A_1780 = arith.constant 96 : i32
        %add3A_1781 = arith.addi %add3A_1779, %add3A_1780 : i32
        %add3A_1782 = arith.constant 16 : i32
        %add3A_1783 = arith.addi %add3A_1781, %add3A_1782 : i32
        %swap3A_1784 = arith.index_cast %add3A_1783 : i32 to index
        %swap3A_1785 = tpu.vector_load %arg13[%swap3A_1784] {strides = array<i32>} : memref<40960xf32, #tpu.memory_space<vmem>>, vector<16xf32>,
        tpu.vector_store %arg13[%swap3A_1784], %get3A_1393 {strides = array<i32>} : memref<40960xf32, #tpu.memory_space<vmem>>, vector<16xf32>,
        %slice3A_1786 = vector.extract_strided_slice %get3A_62 {offsets = [14], sizes = [1], strides = [1]} : vector<16xi32> to vector<1xi32>
        %squeeze3A_1787 = vector.extract %slice3A_1786[0] : i32 from vector<1xi32>
        %mul3A_1788 = arith.constant 32 : i32
        %mul3A_1789 = arith.muli %squeeze3A_1787, %mul3A_1788 : i32
        %multiple_of3A_1790 = tpu.assume_multiple %mul3A_1789, 32 : i32
        %add3A_1791 = arith.constant 0 : i32
        %add3A_1792 = arith.addi %multiple_of3A_1790, %add3A_1791 : i32
        %add3A_1793 = arith.constant 0 : i32
        %add3A_1794 = arith.addi %add3A_1792, %add3A_1793 : i32
        %get3A_1795 = arith.index_cast %add3A_1794 : i32 to index
        %get3A_1796 = tpu.vector_load %arg8[%get3A_1795] {strides = array<i32>} : memref<672xf32, #tpu.memory_space<vmem>>, vector<16xf32>,
        %add3A_1797 = arith.constant 0 : i32
        %add3A_1798 = arith.addi %multiple_of3A_1790, %add3A_1797 : i32
        %add3A_1799 = arith.constant 16 : i32
        %add3A_1800 = arith.addi %add3A_1798, %add3A_1799 : i32
        %get3A_1801 = arith.index_cast %add3A_1800 : i32 to index
        %get3A_1802 = tpu.vector_load %arg8[%get3A_1801] {strides = array<i32>} : memref<672xf32, #tpu.memory_space<vmem>>, vector<16xf32>,
        %slice3A_1803 = vector.extract_strided_slice %get3A_64 {offsets = [14], sizes = [1], strides = [1]} : vector<16xi32> to vector<1xi32>
        %squeeze3A_1804 = vector.extract %slice3A_1803[0] : i32 from vector<1xi32>
        %mul3A_1805 = arith.constant 32 : i32
        %mul3A_1806 = arith.muli %squeeze3A_1804, %mul3A_1805 : i32
        %multiple_of3A_1807 = tpu.assume_multiple %mul3A_1806, 32 : i32
        %add3A_1808 = arith.constant 96 : i32
        %add3A_1809 = arith.addi %multiple_of3A_1807, %add3A_1808 : i32
        %add3A_1810 = arith.constant 0 : i32
        %add3A_1811 = arith.addi %add3A_1809, %add3A_1810 : i32
        %get3A_1812 = arith.index_cast %add3A_1811 : i32 to index
        %get3A_1813 = tpu.vector_load %arg8[%get3A_1812] {strides = array<i32>} : memref<672xf32, #tpu.memory_space<vmem>>, vector<16xf32>,
        %add3A_1814 = arith.constant 96 : i32
        %add3A_1815 = arith.addi %multiple_of3A_1807, %add3A_1814 : i32
        %add3A_1816 = arith.constant 16 : i32
        %add3A_1817 = arith.addi %add3A_1815, %add3A_1816 : i32
        %get3A_1818 = arith.index_cast %add3A_1817 : i32 to index
        %get3A_1819 = tpu.vector_load %arg8[%get3A_1818] {strides = array<i32>} : memref<672xf32, #tpu.memory_space<vmem>>, vector<16xf32>,
        %slice3A_1820 = vector.extract_strided_slice %get3A_66 {offsets = [14], sizes = [1], strides = [1]} : vector<16xi32> to vector<1xi32>
        %squeeze3A_1821 = vector.extract %slice3A_1820[0] : i32 from vector<1xi32>
        %mul3A_1822 = arith.constant 32 : i32
        %mul3A_1823 = arith.muli %squeeze3A_1821, %mul3A_1822 : i32
        %multiple_of3A_1824 = tpu.assume_multiple %mul3A_1823, 32 : i32
        %add3A_1825 = arith.constant 224 : i32
        %add3A_1826 = arith.addi %multiple_of3A_1824, %add3A_1825 : i32
        %add3A_1827 = arith.constant 0 : i32
        %add3A_1828 = arith.addi %add3A_1826, %add3A_1827 : i32
        %get3A_1829 = arith.index_cast %add3A_1828 : i32 to index
        %get3A_1830 = tpu.vector_load %arg8[%get3A_1829] {strides = array<i32>} : memref<672xf32, #tpu.memory_space<vmem>>, vector<16xf32>,
        %add3A_1831 = arith.constant 224 : i32
        %add3A_1832 = arith.addi %multiple_of3A_1824, %add3A_1831 : i32
        %add3A_1833 = arith.constant 16 : i32
        %add3A_1834 = arith.addi %add3A_1832, %add3A_1833 : i32
        %get3A_1835 = arith.index_cast %add3A_1834 : i32 to index
        %get3A_1836 = tpu.vector_load %arg8[%get3A_1835] {strides = array<i32>} : memref<672xf32, #tpu.memory_space<vmem>>, vector<16xf32>,
        %slice3A_1837 = vector.extract_strided_slice %get3A_68 {offsets = [14], sizes = [1], strides = [1]} : vector<16xi32> to vector<1xi32>
        %squeeze3A_1838 = vector.extract %slice3A_1837[0] : i32 from vector<1xi32>
        %mul3A_1839 = arith.constant 32 : i32
        %mul3A_1840 = arith.muli %squeeze3A_1838, %mul3A_1839 : i32
        %multiple_of3A_1841 = tpu.assume_multiple %mul3A_1840, 32 : i32
        %add3A_1842 = arith.constant 512 : i32
        %add3A_1843 = arith.addi %multiple_of3A_1841, %add3A_1842 : i32
        %add3A_1844 = arith.constant 0 : i32
        %add3A_1845 = arith.addi %add3A_1843, %add3A_1844 : i32
        %get3A_1846 = arith.index_cast %add3A_1845 : i32 to index
        %get3A_1847 = tpu.vector_load %arg8[%get3A_1846] {strides = array<i32>} : memref<672xf32, #tpu.memory_space<vmem>>, vector<16xf32>,
        %add3A_1848 = arith.constant 512 : i32
        %add3A_1849 = arith.addi %multiple_of3A_1841, %add3A_1848 : i32
        %add3A_1850 = arith.constant 16 : i32
        %add3A_1851 = arith.addi %add3A_1849, %add3A_1850 : i32
        %get3A_1852 = arith.index_cast %add3A_1851 : i32 to index
        %get3A_1853 = tpu.vector_load %arg8[%get3A_1852] {strides = array<i32>} : memref<672xf32, #tpu.memory_space<vmem>>, vector<16xf32>,
        %slice3A_1854 = vector.extract_strided_slice %get3A_62 {offsets = [15], sizes = [1], strides = [1]} : vector<16xi32> to vector<1xi32>
        %squeeze3A_1855 = vector.extract %slice3A_1854[0] : i32 from vector<1xi32>
        %mul3A_1856 = arith.constant 32 : i32
        %mul3A_1857 = arith.muli %squeeze3A_1855, %mul3A_1856 : i32
        %multiple_of3A_1858 = tpu.assume_multiple %mul3A_1857, 32 : i32
        %add3A_1859 = arith.constant 0 : i32
        %add3A_1860 = arith.addi %multiple_of3A_1858, %add3A_1859 : i32
        %add3A_1861 = arith.constant 0 : i32
        %add3A_1862 = arith.addi %add3A_1860, %add3A_1861 : i32
        %get3A_1863 = arith.index_cast %add3A_1862 : i32 to index
        %get3A_1864 = tpu.vector_load %arg8[%get3A_1863] {strides = array<i32>} : memref<672xf32, #tpu.memory_space<vmem>>, vector<16xf32>,
        %add3A_1865 = arith.constant 0 : i32
        %add3A_1866 = arith.addi %multiple_of3A_1858, %add3A_1865 : i32
        %add3A_1867 = arith.constant 16 : i32
        %add3A_1868 = arith.addi %add3A_1866, %add3A_1867 : i32
        %get3A_1869 = arith.index_cast %add3A_1868 : i32 to index
        %get3A_1870 = tpu.vector_load %arg8[%get3A_1869] {strides = array<i32>} : memref<672xf32, #tpu.memory_space<vmem>>, vector<16xf32>,
        %slice3A_1871 = vector.extract_strided_slice %get3A_64 {offsets = [15], sizes = [1], strides = [1]} : vector<16xi32> to vector<1xi32>
        %squeeze3A_1872 = vector.extract %slice3A_1871[0] : i32 from vector<1xi32>
        %mul3A_1873 = arith.constant 32 : i32
        %mul3A_1874 = arith.muli %squeeze3A_1872, %mul3A_1873 : i32
        %multiple_of3A_1875 = tpu.assume_multiple %mul3A_1874, 32 : i32
        %add3A_1876 = arith.constant 96 : i32
        %add3A_1877 = arith.addi %multiple_of3A_1875, %add3A_1876 : i32
        %add3A_1878 = arith.constant 0 : i32
        %add3A_1879 = arith.addi %add3A_1877, %add3A_1878 : i32
        %get3A_1880 = arith.index_cast %add3A_1879 : i32 to index
        %get3A_1881 = tpu.vector_load %arg8[%get3A_1880] {strides = array<i32>} : memref<672xf32, #tpu.memory_space<vmem>>, vector<16xf32>,
        %add3A_1882 = arith.constant 96 : i32
        %add3A_1883 = arith.addi %multiple_of3A_1875, %add3A_1882 : i32
        %add3A_1884 = arith.constant 16 : i32
        %add3A_1885 = arith.addi %add3A_1883, %add3A_1884 : i32
        %get3A_1886 = arith.index_cast %add3A_1885 : i32 to index
        %get3A_1887 = tpu.vector_load %arg8[%get3A_1886] {strides = array<i32>} : memref<672xf32, #tpu.memory_space<vmem>>, vector<16xf32>,
        %slice3A_1888 = vector.extract_strided_slice %get3A_66 {offsets = [15], sizes = [1], strides = [1]} : vector<16xi32> to vector<1xi32>
        %squeeze3A_1889 = vector.extract %slice3A_1888[0] : i32 from vector<1xi32>
        %mul3A_1890 = arith.constant 32 : i32
        %mul3A_1891 = arith.muli %squeeze3A_1889, %mul3A_1890 : i32
        %multiple_of3A_1892 = tpu.assume_multiple %mul3A_1891, 32 : i32
        %add3A_1893 = arith.constant 224 : i32
        %add3A_1894 = arith.addi %multiple_of3A_1892, %add3A_1893 : i32
        %add3A_1895 = arith.constant 0 : i32
        %add3A_1896 = arith.addi %add3A_1894, %add3A_1895 : i32
        %get3A_1897 = arith.index_cast %add3A_1896 : i32 to index
        %get3A_1898 = tpu.vector_load %arg8[%get3A_1897] {strides = array<i32>} : memref<672xf32, #tpu.memory_space<vmem>>, vector<16xf32>,
        %add3A_1899 = arith.constant 224 : i32
        %add3A_1900 = arith.addi %multiple_of3A_1892, %add3A_1899 : i32
        %add3A_1901 = arith.constant 16 : i32
        %add3A_1902 = arith.addi %add3A_1900, %add3A_1901 : i32
        %get3A_1903 = arith.index_cast %add3A_1902 : i32 to index
        %get3A_1904 = tpu.vector_load %arg8[%get3A_1903] {strides = array<i32>} : memref<672xf32, #tpu.memory_space<vmem>>, vector<16xf32>,
        %slice3A_1905 = vector.extract_strided_slice %get3A_68 {offsets = [15], sizes = [1], strides = [1]} : vector<16xi32> to vector<1xi32>
        %squeeze3A_1906 = vector.extract %slice3A_1905[0] : i32 from vector<1xi32>
        %mul3A_1907 = arith.constant 32 : i32
        %mul3A_1908 = arith.muli %squeeze3A_1906, %mul3A_1907 : i32
        %multiple_of3A_1909 = tpu.assume_multiple %mul3A_1908, 32 : i32
        %add3A_1910 = arith.constant 512 : i32
        %add3A_1911 = arith.addi %multiple_of3A_1909, %add3A_1910 : i32
        %add3A_1912 = arith.constant 0 : i32
        %add3A_1913 = arith.addi %add3A_1911, %add3A_1912 : i32
        %get3A_1914 = arith.index_cast %add3A_1913 : i32 to index
        %get3A_1915 = tpu.vector_load %arg8[%get3A_1914] {strides = array<i32>} : memref<672xf32, #tpu.memory_space<vmem>>, vector<16xf32>,
        %add3A_1916 = arith.constant 512 : i32
        %add3A_1917 = arith.addi %multiple_of3A_1909, %add3A_1916 : i32
        %add3A_1918 = arith.constant 16 : i32
        %add3A_1919 = arith.addi %add3A_1917, %add3A_1918 : i32
        %get3A_1920 = arith.index_cast %add3A_1919 : i32 to index
        %get3A_1921 = tpu.vector_load %arg8[%get3A_1920] {strides = array<i32>} : memref<672xf32, #tpu.memory_space<vmem>>, vector<16xf32>,
        %add3A_1922 = arith.constant 1536 : i32
        %add3A_1923 = arith.addi %multiple_of3A, %add3A_1922 : i32
        %add3A_1924 = arith.constant 0 : i32
        %add3A_1925 = arith.addi %add3A_1923, %add3A_1924 : i32
        %add3A_1926 = arith.constant 0 : i32
        %add3A_1927 = arith.addi %add3A_1925, %add3A_1926 : i32
        %swap3A_1928 = arith.index_cast %add3A_1927 : i32 to index
        %swap3A_1929 = tpu.vector_load %arg13[%swap3A_1928] {strides = array<i32>} : memref<40960xf32, #tpu.memory_space<vmem>>, vector<16xf32>,
        tpu.vector_store %arg13[%swap3A_1928], %get3A_1532 {strides = array<i32>} : memref<40960xf32, #tpu.memory_space<vmem>>, vector<16xf32>,
        %add3A_1930 = arith.constant 1536 : i32
        %add3A_1931 = arith.addi %multiple_of3A, %add3A_1930 : i32
        %add3A_1932 = arith.constant 0 : i32
        %add3A_1933 = arith.addi %add3A_1931, %add3A_1932 : i32
        %add3A_1934 = arith.constant 16 : i32
        %add3A_1935 = arith.addi %add3A_1933, %add3A_1934 : i32
        %swap3A_1936 = arith.index_cast %add3A_1935 : i32 to index
        %swap3A_1937 = tpu.vector_load %arg13[%swap3A_1936] {strides = array<i32>} : memref<40960xf32, #tpu.memory_space<vmem>>, vector<16xf32>,
        tpu.vector_store %arg13[%swap3A_1936], %get3A_1538 {strides = array<i32>} : memref<40960xf32, #tpu.memory_space<vmem>>, vector<16xf32>,
        %add3A_1938 = arith.constant 1536 : i32
        %add3A_1939 = arith.addi %multiple_of3A, %add3A_1938 : i32
        %add3A_1940 = arith.constant 32 : i32
        %add3A_1941 = arith.addi %add3A_1939, %add3A_1940 : i32
        %add3A_1942 = arith.constant 0 : i32
        %add3A_1943 = arith.addi %add3A_1941, %add3A_1942 : i32
        %swap3A_1944 = arith.index_cast %add3A_1943 : i32 to index
        %swap3A_1945 = tpu.vector_load %arg13[%swap3A_1944] {strides = array<i32>} : memref<40960xf32, #tpu.memory_space<vmem>>, vector<16xf32>,
        tpu.vector_store %arg13[%swap3A_1944], %get3A_1549 {strides = array<i32>} : memref<40960xf32, #tpu.memory_space<vmem>>, vector<16xf32>,
        %add3A_1946 = arith.constant 1536 : i32
        %add3A_1947 = arith.addi %multiple_of3A, %add3A_1946 : i32
        %add3A_1948 = arith.constant 32 : i32
        %add3A_1949 = arith.addi %add3A_1947, %add3A_1948 : i32
        %add3A_1950 = arith.constant 16 : i32
        %add3A_1951 = arith.addi %add3A_1949, %add3A_1950 : i32
        %swap3A_1952 = arith.index_cast %add3A_1951 : i32 to index
        %swap3A_1953 = tpu.vector_load %arg13[%swap3A_1952] {strides = array<i32>} : memref<40960xf32, #tpu.memory_space<vmem>>, vector<16xf32>,
        tpu.vector_store %arg13[%swap3A_1952], %get3A_1555 {strides = array<i32>} : memref<40960xf32, #tpu.memory_space<vmem>>, vector<16xf32>,
        %add3A_1954 = arith.constant 1536 : i32
        %add3A_1955 = arith.addi %multiple_of3A, %add3A_1954 : i32
        %add3A_1956 = arith.constant 64 : i32
        %add3A_1957 = arith.addi %add3A_1955, %add3A_1956 : i32
        %add3A_1958 = arith.constant 0 : i32
        %add3A_1959 = arith.addi %add3A_1957, %add3A_1958 : i32
        %swap3A_1960 = arith.index_cast %add3A_1959 : i32 to index
        %swap3A_1961 = tpu.vector_load %arg13[%swap3A_1960] {strides = array<i32>} : memref<40960xf32, #tpu.memory_space<vmem>>, vector<16xf32>,
        tpu.vector_store %arg13[%swap3A_1960], %get3A_1566 {strides = array<i32>} : memref<40960xf32, #tpu.memory_space<vmem>>, vector<16xf32>,
        %add3A_1962 = arith.constant 1536 : i32
        %add3A_1963 = arith.addi %multiple_of3A, %add3A_1962 : i32
        %add3A_1964 = arith.constant 64 : i32
        %add3A_1965 = arith.addi %add3A_1963, %add3A_1964 : i32
        %add3A_1966 = arith.constant 16 : i32
        %add3A_1967 = arith.addi %add3A_1965, %add3A_1966 : i32
        %swap3A_1968 = arith.index_cast %add3A_1967 : i32 to index
        %swap3A_1969 = tpu.vector_load %arg13[%swap3A_1968] {strides = array<i32>} : memref<40960xf32, #tpu.memory_space<vmem>>, vector<16xf32>,
        tpu.vector_store %arg13[%swap3A_1968], %get3A_1572 {strides = array<i32>} : memref<40960xf32, #tpu.memory_space<vmem>>, vector<16xf32>,
        %add3A_1970 = arith.constant 1536 : i32
        %add3A_1971 = arith.addi %multiple_of3A, %add3A_1970 : i32
        %add3A_1972 = arith.constant 96 : i32
        %add3A_1973 = arith.addi %add3A_1971, %add3A_1972 : i32
        %add3A_1974 = arith.constant 0 : i32
        %add3A_1975 = arith.addi %add3A_1973, %add3A_1974 : i32
        %swap3A_1976 = arith.index_cast %add3A_1975 : i32 to index
        %swap3A_1977 = tpu.vector_load %arg13[%swap3A_1976] {strides = array<i32>} : memref<40960xf32, #tpu.memory_space<vmem>>, vector<16xf32>,
        tpu.vector_store %arg13[%swap3A_1976], %get3A_1583 {strides = array<i32>} : memref<40960xf32, #tpu.memory_space<vmem>>, vector<16xf32>,
        %add3A_1978 = arith.constant 1536 : i32
        %add3A_1979 = arith.addi %multiple_of3A, %add3A_1978 : i32
        %add3A_1980 = arith.constant 96 : i32
        %add3A_1981 = arith.addi %add3A_1979, %add3A_1980 : i32
        %add3A_1982 = arith.constant 16 : i32
        %add3A_1983 = arith.addi %add3A_1981, %add3A_1982 : i32
        %swap3A_1984 = arith.index_cast %add3A_1983 : i32 to index
        %swap3A_1985 = tpu.vector_load %arg13[%swap3A_1984] {strides = array<i32>} : memref<40960xf32, #tpu.memory_space<vmem>>, vector<16xf32>,
        tpu.vector_store %arg13[%swap3A_1984], %get3A_1589 {strides = array<i32>} : memref<40960xf32, #tpu.memory_space<vmem>>, vector<16xf32>,
        %add3A_1986 = arith.constant 1664 : i32
        %add3A_1987 = arith.addi %multiple_of3A, %add3A_1986 : i32
        %add3A_1988 = arith.constant 0 : i32
        %add3A_1989 = arith.addi %add3A_1987, %add3A_1988 : i32
        %add3A_1990 = arith.constant 0 : i32
        %add3A_1991 = arith.addi %add3A_1989, %add3A_1990 : i32
        %swap3A_1992 = arith.index_cast %add3A_1991 : i32 to index
        %swap3A_1993 = tpu.vector_load %arg13[%swap3A_1992] {strides = array<i32>} : memref<40960xf32, #tpu.memory_space<vmem>>, vector<16xf32>,
        tpu.vector_store %arg13[%swap3A_1992], %get3A_1600 {strides = array<i32>} : memref<40960xf32, #tpu.memory_space<vmem>>, vector<16xf32>,
        %add3A_1994 = arith.constant 1664 : i32
        %add3A_1995 = arith.addi %multiple_of3A, %add3A_1994 : i32
        %add3A_1996 = arith.constant 0 : i32
        %add3A_1997 = arith.addi %add3A_1995, %add3A_1996 : i32
        %add3A_1998 = arith.constant 16 : i32
        %add3A_1999 = arith.addi %add3A_1997, %add3A_1998 : i32
        %swap3A_2000 = arith.index_cast %add3A_1999 : i32 to index
        %swap3A_2001 = tpu.vector_load %arg13[%swap3A_2000] {strides = array<i32>} : memref<40960xf32, #tpu.memory_space<vmem>>, vector<16xf32>,
        tpu.vector_store %arg13[%swap3A_2000], %get3A_1606 {strides = array<i32>} : memref<40960xf32, #tpu.memory_space<vmem>>, vector<16xf32>,
        %add3A_2002 = arith.constant 1664 : i32
        %add3A_2003 = arith.addi %multiple_of3A, %add3A_2002 : i32
        %add3A_2004 = arith.constant 32 : i32
        %add3A_2005 = arith.addi %add3A_2003, %add3A_2004 : i32
        %add3A_2006 = arith.constant 0 : i32
        %add3A_2007 = arith.addi %add3A_2005, %add3A_2006 : i32
        %swap3A_2008 = arith.index_cast %add3A_2007 : i32 to index
        %swap3A_2009 = tpu.vector_load %arg13[%swap3A_2008] {strides = array<i32>} : memref<40960xf32, #tpu.memory_space<vmem>>, vector<16xf32>,
        tpu.vector_store %arg13[%swap3A_2008], %get3A_1617 {strides = array<i32>} : memref<40960xf32, #tpu.memory_space<vmem>>, vector<16xf32>,
        %add3A_2010 = arith.constant 1664 : i32
        %add3A_2011 = arith.addi %multiple_of3A, %add3A_2010 : i32
        %add3A_2012 = arith.constant 32 : i32
        %add3A_2013 = arith.addi %add3A_2011, %add3A_2012 : i32
        %add3A_2014 = arith.constant 16 : i32
        %add3A_2015 = arith.addi %add3A_2013, %add3A_2014 : i32
        %swap3A_2016 = arith.index_cast %add3A_2015 : i32 to index
        %swap3A_2017 = tpu.vector_load %arg13[%swap3A_2016] {strides = array<i32>} : memref<40960xf32, #tpu.memory_space<vmem>>, vector<16xf32>,
        tpu.vector_store %arg13[%swap3A_2016], %get3A_1623 {strides = array<i32>} : memref<40960xf32, #tpu.memory_space<vmem>>, vector<16xf32>,
        %add3A_2018 = arith.constant 1664 : i32
        %add3A_2019 = arith.addi %multiple_of3A, %add3A_2018 : i32
        %add3A_2020 = arith.constant 64 : i32
        %add3A_2021 = arith.addi %add3A_2019, %add3A_2020 : i32
        %add3A_2022 = arith.constant 0 : i32
        %add3A_2023 = arith.addi %add3A_2021, %add3A_2022 : i32
        %swap3A_2024 = arith.index_cast %add3A_2023 : i32 to index
        %swap3A_2025 = tpu.vector_load %arg13[%swap3A_2024] {strides = array<i32>} : memref<40960xf32, #tpu.memory_space<vmem>>, vector<16xf32>,
        tpu.vector_store %arg13[%swap3A_2024], %get3A_1634 {strides = array<i32>} : memref<40960xf32, #tpu.memory_space<vmem>>, vector<16xf32>,
        %add3A_2026 = arith.constant 1664 : i32
        %add3A_2027 = arith.addi %multiple_of3A, %add3A_2026 : i32
        %add3A_2028 = arith.constant 64 : i32
        %add3A_2029 = arith.addi %add3A_2027, %add3A_2028 : i32
        %add3A_2030 = arith.constant 16 : i32
        %add3A_2031 = arith.addi %add3A_2029, %add3A_2030 : i32
        %swap3A_2032 = arith.index_cast %add3A_2031 : i32 to index
        %swap3A_2033 = tpu.vector_load %arg13[%swap3A_2032] {strides = array<i32>} : memref<40960xf32, #tpu.memory_space<vmem>>, vector<16xf32>,
        tpu.vector_store %arg13[%swap3A_2032], %get3A_1640 {strides = array<i32>} : memref<40960xf32, #tpu.memory_space<vmem>>, vector<16xf32>,
        %add3A_2034 = arith.constant 1664 : i32
        %add3A_2035 = arith.addi %multiple_of3A, %add3A_2034 : i32
        %add3A_2036 = arith.constant 96 : i32
        %add3A_2037 = arith.addi %add3A_2035, %add3A_2036 : i32
        %add3A_2038 = arith.constant 0 : i32
        %add3A_2039 = arith.addi %add3A_2037, %add3A_2038 : i32
        %swap3A_2040 = arith.index_cast %add3A_2039 : i32 to index
        %swap3A_2041 = tpu.vector_load %arg13[%swap3A_2040] {strides = array<i32>} : memref<40960xf32, #tpu.memory_space<vmem>>, vector<16xf32>,
        tpu.vector_store %arg13[%swap3A_2040], %get3A_1651 {strides = array<i32>} : memref<40960xf32, #tpu.memory_space<vmem>>, vector<16xf32>,
        %add3A_2042 = arith.constant 1664 : i32
        %add3A_2043 = arith.addi %multiple_of3A, %add3A_2042 : i32
        %add3A_2044 = arith.constant 96 : i32
        %add3A_2045 = arith.addi %add3A_2043, %add3A_2044 : i32
        %add3A_2046 = arith.constant 16 : i32
        %add3A_2047 = arith.addi %add3A_2045, %add3A_2046 : i32
        %swap3A_2048 = arith.index_cast %add3A_2047 : i32 to index
        %swap3A_2049 = tpu.vector_load %arg13[%swap3A_2048] {strides = array<i32>} : memref<40960xf32, #tpu.memory_space<vmem>>, vector<16xf32>,
        tpu.vector_store %arg13[%swap3A_2048], %get3A_1657 {strides = array<i32>} : memref<40960xf32, #tpu.memory_space<vmem>>, vector<16xf32>,
        %add3A_2050 = arith.constant 1792 : i32
        %add3A_2051 = arith.addi %multiple_of3A, %add3A_2050 : i32
        %add3A_2052 = arith.constant 0 : i32
        %add3A_2053 = arith.addi %add3A_2051, %add3A_2052 : i32
        %add3A_2054 = arith.constant 0 : i32
        %add3A_2055 = arith.addi %add3A_2053, %add3A_2054 : i32
        %swap3A_2056 = arith.index_cast %add3A_2055 : i32 to index
        %swap3A_2057 = tpu.vector_load %arg13[%swap3A_2056] {strides = array<i32>} : memref<40960xf32, #tpu.memory_space<vmem>>, vector<16xf32>,
        tpu.vector_store %arg13[%swap3A_2056], %get3A_1796 {strides = array<i32>} : memref<40960xf32, #tpu.memory_space<vmem>>, vector<16xf32>,
        %add3A_2058 = arith.constant 1792 : i32
        %add3A_2059 = arith.addi %multiple_of3A, %add3A_2058 : i32
        %add3A_2060 = arith.constant 0 : i32
        %add3A_2061 = arith.addi %add3A_2059, %add3A_2060 : i32
        %add3A_2062 = arith.constant 16 : i32
        %add3A_2063 = arith.addi %add3A_2061, %add3A_2062 : i32
        %swap3A_2064 = arith.index_cast %add3A_2063 : i32 to index
        %swap3A_2065 = tpu.vector_load %arg13[%swap3A_2064] {strides = array<i32>} : memref<40960xf32, #tpu.memory_space<vmem>>, vector<16xf32>,
        tpu.vector_store %arg13[%swap3A_2064], %get3A_1802 {strides = array<i32>} : memref<40960xf32, #tpu.memory_space<vmem>>, vector<16xf32>,
        %add3A_2066 = arith.constant 1792 : i32
        %add3A_2067 = arith.addi %multiple_of3A, %add3A_2066 : i32
        %add3A_2068 = arith.constant 32 : i32
        %add3A_2069 = arith.addi %add3A_2067, %add3A_2068 : i32
        %add3A_2070 = arith.constant 0 : i32
        %add3A_2071 = arith.addi %add3A_2069, %add3A_2070 : i32
        %swap3A_2072 = arith.index_cast %add3A_2071 : i32 to index
        %swap3A_2073 = tpu.vector_load %arg13[%swap3A_2072] {strides = array<i32>} : memref<40960xf32, #tpu.memory_space<vmem>>, vector<16xf32>,
        tpu.vector_store %arg13[%swap3A_2072], %get3A_1813 {strides = array<i32>} : memref<40960xf32, #tpu.memory_space<vmem>>, vector<16xf32>,
        %add3A_2074 = arith.constant 1792 : i32
        %add3A_2075 = arith.addi %multiple_of3A, %add3A_2074 : i32
        %add3A_2076 = arith.constant 32 : i32
        %add3A_2077 = arith.addi %add3A_2075, %add3A_2076 : i32
        %add3A_2078 = arith.constant 16 : i32
        %add3A_2079 = arith.addi %add3A_2077, %add3A_2078 : i32
        %swap3A_2080 = arith.index_cast %add3A_2079 : i32 to index
        %swap3A_2081 = tpu.vector_load %arg13[%swap3A_2080] {strides = array<i32>} : memref<40960xf32, #tpu.memory_space<vmem>>, vector<16xf32>,
        tpu.vector_store %arg13[%swap3A_2080], %get3A_1819 {strides = array<i32>} : memref<40960xf32, #tpu.memory_space<vmem>>, vector<16xf32>,
        %add3A_2082 = arith.constant 1792 : i32
        %add3A_2083 = arith.addi %multiple_of3A, %add3A_2082 : i32
        %add3A_2084 = arith.constant 64 : i32
        %add3A_2085 = arith.addi %add3A_2083, %add3A_2084 : i32
        %add3A_2086 = arith.constant 0 : i32
        %add3A_2087 = arith.addi %add3A_2085, %add3A_2086 : i32
        %swap3A_2088 = arith.index_cast %add3A_2087 : i32 to index
        %swap3A_2089 = tpu.vector_load %arg13[%swap3A_2088] {strides = array<i32>} : memref<40960xf32, #tpu.memory_space<vmem>>, vector<16xf32>,
        tpu.vector_store %arg13[%swap3A_2088], %get3A_1830 {strides = array<i32>} : memref<40960xf32, #tpu.memory_space<vmem>>, vector<16xf32>,
        %add3A_2090 = arith.constant 1792 : i32
        %add3A_2091 = arith.addi %multiple_of3A, %add3A_2090 : i32
        %add3A_2092 = arith.constant 64 : i32
        %add3A_2093 = arith.addi %add3A_2091, %add3A_2092 : i32
        %add3A_2094 = arith.constant 16 : i32
        %add3A_2095 = arith.addi %add3A_2093, %add3A_2094 : i32
        %swap3A_2096 = arith.index_cast %add3A_2095 : i32 to index
        %swap3A_2097 = tpu.vector_load %arg13[%swap3A_2096] {strides = array<i32>} : memref<40960xf32, #tpu.memory_space<vmem>>, vector<16xf32>,
        tpu.vector_store %arg13[%swap3A_2096], %get3A_1836 {strides = array<i32>} : memref<40960xf32, #tpu.memory_space<vmem>>, vector<16xf32>,
        %add3A_2098 = arith.constant 1792 : i32
        %add3A_2099 = arith.addi %multiple_of3A, %add3A_2098 : i32
        %add3A_2100 = arith.constant 96 : i32
        %add3A_2101 = arith.addi %add3A_2099, %add3A_2100 : i32
        %add3A_2102 = arith.constant 0 : i32
        %add3A_2103 = arith.addi %add3A_2101, %add3A_2102 : i32
        %swap3A_2104 = arith.index_cast %add3A_2103 : i32 to index
        %swap3A_2105 = tpu.vector_load %arg13[%swap3A_2104] {strides = array<i32>} : memref<40960xf32, #tpu.memory_space<vmem>>, vector<16xf32>,
        tpu.vector_store %arg13[%swap3A_2104], %get3A_1847 {strides = array<i32>} : memref<40960xf32, #tpu.memory_space<vmem>>, vector<16xf32>,
        %add3A_2106 = arith.constant 1792 : i32
        %add3A_2107 = arith.addi %multiple_of3A, %add3A_2106 : i32
        %add3A_2108 = arith.constant 96 : i32
        %add3A_2109 = arith.addi %add3A_2107, %add3A_2108 : i32
        %add3A_2110 = arith.constant 16 : i32
        %add3A_2111 = arith.addi %add3A_2109, %add3A_2110 : i32
        %swap3A_2112 = arith.index_cast %add3A_2111 : i32 to index
        %swap3A_2113 = tpu.vector_load %arg13[%swap3A_2112] {strides = array<i32>} : memref<40960xf32, #tpu.memory_space<vmem>>, vector<16xf32>,
        tpu.vector_store %arg13[%swap3A_2112], %get3A_1853 {strides = array<i32>} : memref<40960xf32, #tpu.memory_space<vmem>>, vector<16xf32>,
        %add3A_2114 = arith.constant 1920 : i32
        %add3A_2115 = arith.addi %multiple_of3A, %add3A_2114 : i32
        %add3A_2116 = arith.constant 0 : i32
        %add3A_2117 = arith.addi %add3A_2115, %add3A_2116 : i32
        %add3A_2118 = arith.constant 0 : i32
        %add3A_2119 = arith.addi %add3A_2117, %add3A_2118 : i32
        %swap3A_2120 = arith.index_cast %add3A_2119 : i32 to index
        %swap3A_2121 = tpu.vector_load %arg13[%swap3A_2120] {strides = array<i32>} : memref<40960xf32, #tpu.memory_space<vmem>>, vector<16xf32>,
        tpu.vector_store %arg13[%swap3A_2120], %get3A_1864 {strides = array<i32>} : memref<40960xf32, #tpu.memory_space<vmem>>, vector<16xf32>,
        %add3A_2122 = arith.constant 1920 : i32
        %add3A_2123 = arith.addi %multiple_of3A, %add3A_2122 : i32
        %add3A_2124 = arith.constant 0 : i32
        %add3A_2125 = arith.addi %add3A_2123, %add3A_2124 : i32
        %add3A_2126 = arith.constant 16 : i32
        %add3A_2127 = arith.addi %add3A_2125, %add3A_2126 : i32
        %swap3A_2128 = arith.index_cast %add3A_2127 : i32 to index
        %swap3A_2129 = tpu.vector_load %arg13[%swap3A_2128] {strides = array<i32>} : memref<40960xf32, #tpu.memory_space<vmem>>, vector<16xf32>,
        tpu.vector_store %arg13[%swap3A_2128], %get3A_1870 {strides = array<i32>} : memref<40960xf32, #tpu.memory_space<vmem>>, vector<16xf32>,
        %add3A_2130 = arith.constant 1920 : i32
        %add3A_2131 = arith.addi %multiple_of3A, %add3A_2130 : i32
        %add3A_2132 = arith.constant 32 : i32
        %add3A_2133 = arith.addi %add3A_2131, %add3A_2132 : i32
        %add3A_2134 = arith.constant 0 : i32
        %add3A_2135 = arith.addi %add3A_2133, %add3A_2134 : i32
        %swap3A_2136 = arith.index_cast %add3A_2135 : i32 to index
        %swap3A_2137 = tpu.vector_load %arg13[%swap3A_2136] {strides = array<i32>} : memref<40960xf32, #tpu.memory_space<vmem>>, vector<16xf32>,
        tpu.vector_store %arg13[%swap3A_2136], %get3A_1881 {strides = array<i32>} : memref<40960xf32, #tpu.memory_space<vmem>>, vector<16xf32>,
        %add3A_2138 = arith.constant 1920 : i32
        %add3A_2139 = arith.addi %multiple_of3A, %add3A_2138 : i32
        %add3A_2140 = arith.constant 32 : i32
        %add3A_2141 = arith.addi %add3A_2139, %add3A_2140 : i32
        %add3A_2142 = arith.constant 16 : i32
        %add3A_2143 = arith.addi %add3A_2141, %add3A_2142 : i32
        %swap3A_2144 = arith.index_cast %add3A_2143 : i32 to index
        %swap3A_2145 = tpu.vector_load %arg13[%swap3A_2144] {strides = array<i32>} : memref<40960xf32, #tpu.memory_space<vmem>>, vector<16xf32>,
        tpu.vector_store %arg13[%swap3A_2144], %get3A_1887 {strides = array<i32>} : memref<40960xf32, #tpu.memory_space<vmem>>, vector<16xf32>,
        %add3A_2146 = arith.constant 1920 : i32
        %add3A_2147 = arith.addi %multiple_of3A, %add3A_2146 : i32
        %add3A_2148 = arith.constant 64 : i32
        %add3A_2149 = arith.addi %add3A_2147, %add3A_2148 : i32
        %add3A_2150 = arith.constant 0 : i32
        %add3A_2151 = arith.addi %add3A_2149, %add3A_2150 : i32
        %swap3A_2152 = arith.index_cast %add3A_2151 : i32 to index
        %swap3A_2153 = tpu.vector_load %arg13[%swap3A_2152] {strides = array<i32>} : memref<40960xf32, #tpu.memory_space<vmem>>, vector<16xf32>,
        tpu.vector_store %arg13[%swap3A_2152], %get3A_1898 {strides = array<i32>} : memref<40960xf32, #tpu.memory_space<vmem>>, vector<16xf32>,
        %add3A_2154 = arith.constant 1920 : i32
        %add3A_2155 = arith.addi %multiple_of3A, %add3A_2154 : i32
        %add3A_2156 = arith.constant 64 : i32
        %add3A_2157 = arith.addi %add3A_2155, %add3A_2156 : i32
        %add3A_2158 = arith.constant 16 : i32
        %add3A_2159 = arith.addi %add3A_2157, %add3A_2158 : i32
        %swap3A_2160 = arith.index_cast %add3A_2159 : i32 to index
        %swap3A_2161 = tpu.vector_load %arg13[%swap3A_2160] {strides = array<i32>} : memref<40960xf32, #tpu.memory_space<vmem>>, vector<16xf32>,
        tpu.vector_store %arg13[%swap3A_2160], %get3A_1904 {strides = array<i32>} : memref<40960xf32, #tpu.memory_space<vmem>>, vector<16xf32>,
        %add3A_2162 = arith.constant 1920 : i32
        %add3A_2163 = arith.addi %multiple_of3A, %add3A_2162 : i32
        %add3A_2164 = arith.constant 96 : i32
        %add3A_2165 = arith.addi %add3A_2163, %add3A_2164 : i32
        %add3A_2166 = arith.constant 0 : i32
        %add3A_2167 = arith.addi %add3A_2165, %add3A_2166 : i32
        %swap3A_2168 = arith.index_cast %add3A_2167 : i32 to index
        %swap3A_2169 = tpu.vector_load %arg13[%swap3A_2168] {strides = array<i32>} : memref<40960xf32, #tpu.memory_space<vmem>>, vector<16xf32>,
        tpu.vector_store %arg13[%swap3A_2168], %get3A_1915 {strides = array<i32>} : memref<40960xf32, #tpu.memory_space<vmem>>, vector<16xf32>,
        %add3A_2170 = arith.constant 1920 : i32
        %add3A_2171 = arith.addi %multiple_of3A, %add3A_2170 : i32
        %add3A_2172 = arith.constant 96 : i32
        %add3A_2173 = arith.addi %add3A_2171, %add3A_2172 : i32
        %add3A_2174 = arith.constant 16 : i32
        %add3A_2175 = arith.addi %add3A_2173, %add3A_2174 : i32
        %swap3A_2176 = arith.index_cast %add3A_2175 : i32 to index
        %swap3A_2177 = tpu.vector_load %arg13[%swap3A_2176] {strides = array<i32>} : memref<40960xf32, #tpu.memory_space<vmem>>, vector<16xf32>,
        tpu.vector_store %arg13[%swap3A_2176], %get3A_1921 {strides = array<i32>} : memref<40960xf32, #tpu.memory_space<vmem>>, vector<16xf32>,
      }
      %scan3A_25 = arith.constant 20 : i32
      %mul3A_26 = arith.constant 320 : i32
      %mul3A_27 = arith.muli %mul3A_17, %mul3A_26 : i32
      %add3A_28 = arith.addi %mul3A_2, %mul3A_27 : i32
      %mul3A_29 = arith.constant 128 : i32
      %mul3A_30 = arith.muli %add3A_28, %mul3A_29 : i32
      %dma_start3A = tpu.memref_slice %arg7[%mul3A_30] : memref<26214400xf32, #tpu.memory_space<hbm>> -> memref<40960xf32, #tpu.memory_space<hbm>>
      %dma_start3A_31 = tpu.memref_slice %arg7[%mul3A_30] : memref<26214400xf32, #tpu.memory_space<hbm>> -> memref<40960xf32, #tpu.memory_space<hbm>>
      tpu.enqueue_dma source(%arg13 : memref<40960xf32, #tpu.memory_space<vmem>>) target(%dma_start3A_31 : memref<40960xf32, #tpu.memory_space<hbm>>) target_semaphore(%arg15 : memref<!tpu.dma_semaphore, #tpu.memory_space<semaphore_mem>>)
      %mul3A_32 = arith.constant 2 : i32
      %mul3A_33 = arith.muli %mul3A_32, %scan3A_15 : i32
      %add3A_34 = arith.constant 1 : i32
      %add3A_35 = arith.addi %mul3A_33, %add3A_34 : i32
      %gt3A_36 = arith.constant 0 : i32
      %gt3A_37 = arith.cmpi sgt, %scan3A_15, %gt3A_36 : i32
      %convert_element_type3A_38 = arith.extui %gt3A_37 : i1 to i32
      %cond3A_39 = arith.constant 0 : i32
      %cond3A_40 = arith.cmpi ne, %convert_element_type3A_38, %cond3A_39 : i32
      scf.if %cond3A_40 {
        %mul3A_54 = arith.constant 320 : i32
        %mul3A_55 = arith.muli %add3A_35, %mul3A_54 : i32
        %add3A_56 = arith.addi %mul3A_2, %mul3A_55 : i32
        %mul3A_57 = arith.constant 128 : i32
        %mul3A_58 = arith.muli %add3A_56, %mul3A_57 : i32
        %dma_wait3A_59 = tpu.memref_slice %arg7[%mul3A_58] : memref<26214400xf32, #tpu.memory_space<hbm>> -> memref<40960xf32, #tpu.memory_space<hbm>>
        %dma_wait3A_60 = tpu.memref_slice %arg7[%mul3A_58] : memref<26214400xf32, #tpu.memory_space<hbm>> -> memref<40960xf32, #tpu.memory_space<hbm>>
        tpu.wait_dma2 semaphore(%arg16 : memref<!tpu.dma_semaphore, #tpu.memory_space<semaphore_mem>>) src(%arg14 : memref<40960xf32, #tpu.memory_space<vmem>>) dst(%dma_wait3A_60 : memref<40960xf32, #tpu.memory_space<hbm>>)
      } else {
      }
      %scan3A_41 = arith.constant 0 : i32
      %scan3A_42 = arith.constant 0 : i32
      %scan3A_43 = arith.constant 20 : i32
      %scan3A_44 = arith.addi %scan3A_42, %scan3A_43 : i32
      %scan3A_45 = arith.constant 1 : i32
      scf.for %scan3A_54 = %scan3A_42 to %scan3A_44 step %scan3A_45  : i32 {
        %mul3A_55 = arith.constant 320 : i32
        %mul3A_56 = arith.muli %add3A_35, %mul3A_55 : i32
        %mul3A_57 = arith.constant 16 : i32
        %mul3A_58 = arith.muli %scan3A_54, %mul3A_57 : i32
        %add3A_59 = arith.addi %mul3A_56, %mul3A_58 : i32
        %mul3A_60 = arith.constant 2048 : i32
        %mul3A_61 = arith.muli %scan3A_54, %mul3A_60 : i32
        %multiple_of3A = tpu.assume_multiple %mul3A_61, 2048 : i32
        %get3A = arith.index_cast %add3A_59 : i32 to index
        %get3A_62 = tpu.vector_load %arg9[%get3A] {strides = array<i32>} : memref<6400xi32, #tpu.memory_space<vmem>>, vector<16xi32>,
        %get3A_63 = arith.index_cast %add3A_59 : i32 to index
        %get3A_64 = tpu.vector_load %arg10[%get3A_63] {strides = array<i32>} : memref<6400xi32, #tpu.memory_space<vmem>>, vector<16xi32>,
        %get3A_65 = arith.index_cast %add3A_59 : i32 to index
        %get3A_66 = tpu.vector_load %arg11[%get3A_65] {strides = array<i32>} : memref<6400xi32, #tpu.memory_space<vmem>>, vector<16xi32>,
        %get3A_67 = arith.index_cast %add3A_59 : i32 to index
        %get3A_68 = tpu.vector_load %arg12[%get3A_67] {strides = array<i32>} : memref<6400xi32, #tpu.memory_space<vmem>>, vector<16xi32>,
        %slice3A = vector.extract_strided_slice %get3A_62 {offsets = [0], sizes = [1], strides = [1]} : vector<16xi32> to vector<1xi32>
        %squeeze3A = vector.extract %slice3A[0] : i32 from vector<1xi32>
        %mul3A_69 = arith.constant 32 : i32
        %mul3A_70 = arith.muli %squeeze3A, %mul3A_69 : i32
        %multiple_of3A_71 = tpu.assume_multiple %mul3A_70, 32 : i32
        %add3A_72 = arith.constant 0 : i32
        %add3A_73 = arith.addi %multiple_of3A_71, %add3A_72 : i32
        %add3A_74 = arith.constant 0 : i32
        %add3A_75 = arith.addi %add3A_73, %add3A_74 : i32
        %get3A_76 = arith.index_cast %add3A_75 : i32 to index
        %get3A_77 = tpu.vector_load %arg8[%get3A_76] {strides = array<i32>} : memref<672xf32, #tpu.memory_space<vmem>>, vector<16xf32>,
        %add3A_78 = arith.constant 0 : i32
        %add3A_79 = arith.addi %multiple_of3A_71, %add3A_78 : i32
        %add3A_80 = arith.constant 16 : i32
        %add3A_81 = arith.addi %add3A_79, %add3A_80 : i32
        %get3A_82 = arith.index_cast %add3A_81 : i32 to index
        %get3A_83 = tpu.vector_load %arg8[%get3A_82] {strides = array<i32>} : memref<672xf32, #tpu.memory_space<vmem>>, vector<16xf32>,
        %slice3A_84 = vector.extract_strided_slice %get3A_64 {offsets = [0], sizes = [1], strides = [1]} : vector<16xi32> to vector<1xi32>
        %squeeze3A_85 = vector.extract %slice3A_84[0] : i32 from vector<1xi32>
        %mul3A_86 = arith.constant 32 : i32
        %mul3A_87 = arith.muli %squeeze3A_85, %mul3A_86 : i32
        %multiple_of3A_88 = tpu.assume_multiple %mul3A_87, 32 : i32
        %add3A_89 = arith.constant 96 : i32
        %add3A_90 = arith.addi %multiple_of3A_88, %add3A_89 : i32
        %add3A_91 = arith.constant 0 : i32
        %add3A_92 = arith.addi %add3A_90, %add3A_91 : i32
        %get3A_93 = arith.index_cast %add3A_92 : i32 to index
        %get3A_94 = tpu.vector_load %arg8[%get3A_93] {strides = array<i32>} : memref<672xf32, #tpu.memory_space<vmem>>, vector<16xf32>,
        %add3A_95 = arith.constant 96 : i32
        %add3A_96 = arith.addi %multiple_of3A_88, %add3A_95 : i32
        %add3A_97 = arith.constant 16 : i32
        %add3A_98 = arith.addi %add3A_96, %add3A_97 : i32
        %get3A_99 = arith.index_cast %add3A_98 : i32 to index
        %get3A_100 = tpu.vector_load %arg8[%get3A_99] {strides = array<i32>} : memref<672xf32, #tpu.memory_space<vmem>>, vector<16xf32>,
        %slice3A_101 = vector.extract_strided_slice %get3A_66 {offsets = [0], sizes = [1], strides = [1]} : vector<16xi32> to vector<1xi32>
        %squeeze3A_102 = vector.extract %slice3A_101[0] : i32 from vector<1xi32>
        %mul3A_103 = arith.constant 32 : i32
        %mul3A_104 = arith.muli %squeeze3A_102, %mul3A_103 : i32
        %multiple_of3A_105 = tpu.assume_multiple %mul3A_104, 32 : i32
        %add3A_106 = arith.constant 224 : i32
        %add3A_107 = arith.addi %multiple_of3A_105, %add3A_106 : i32
        %add3A_108 = arith.constant 0 : i32
        %add3A_109 = arith.addi %add3A_107, %add3A_108 : i32
        %get3A_110 = arith.index_cast %add3A_109 : i32 to index
        %get3A_111 = tpu.vector_load %arg8[%get3A_110] {strides = array<i32>} : memref<672xf32, #tpu.memory_space<vmem>>, vector<16xf32>,
        %add3A_112 = arith.constant 224 : i32
        %add3A_113 = arith.addi %multiple_of3A_105, %add3A_112 : i32
        %add3A_114 = arith.constant 16 : i32
        %add3A_115 = arith.addi %add3A_113, %add3A_114 : i32
        %get3A_116 = arith.index_cast %add3A_115 : i32 to index
        %get3A_117 = tpu.vector_load %arg8[%get3A_116] {strides = array<i32>} : memref<672xf32, #tpu.memory_space<vmem>>, vector<16xf32>,
        %slice3A_118 = vector.extract_strided_slice %get3A_68 {offsets = [0], sizes = [1], strides = [1]} : vector<16xi32> to vector<1xi32>
        %squeeze3A_119 = vector.extract %slice3A_118[0] : i32 from vector<1xi32>
        %mul3A_120 = arith.constant 32 : i32
        %mul3A_121 = arith.muli %squeeze3A_119, %mul3A_120 : i32
        %multiple_of3A_122 = tpu.assume_multiple %mul3A_121, 32 : i32
        %add3A_123 = arith.constant 512 : i32
        %add3A_124 = arith.addi %multiple_of3A_122, %add3A_123 : i32
        %add3A_125 = arith.constant 0 : i32
        %add3A_126 = arith.addi %add3A_124, %add3A_125 : i32
        %get3A_127 = arith.index_cast %add3A_126 : i32 to index
        %get3A_128 = tpu.vector_load %arg8[%get3A_127] {strides = array<i32>} : memref<672xf32, #tpu.memory_space<vmem>>, vector<16xf32>,
        %add3A_129 = arith.constant 512 : i32
        %add3A_130 = arith.addi %multiple_of3A_122, %add3A_129 : i32
        %add3A_131 = arith.constant 16 : i32
        %add3A_132 = arith.addi %add3A_130, %add3A_131 : i32
        %get3A_133 = arith.index_cast %add3A_132 : i32 to index
        %get3A_134 = tpu.vector_load %arg8[%get3A_133] {strides = array<i32>} : memref<672xf32, #tpu.memory_space<vmem>>, vector<16xf32>,
        %slice3A_135 = vector.extract_strided_slice %get3A_62 {offsets = [1], sizes = [1], strides = [1]} : vector<16xi32> to vector<1xi32>
        %squeeze3A_136 = vector.extract %slice3A_135[0] : i32 from vector<1xi32>
        %mul3A_137 = arith.constant 32 : i32
        %mul3A_138 = arith.muli %squeeze3A_136, %mul3A_137 : i32
        %multiple_of3A_139 = tpu.assume_multiple %mul3A_138, 32 : i32
        %add3A_140 = arith.constant 0 : i32
        %add3A_141 = arith.addi %multiple_of3A_139, %add3A_140 : i32
        %add3A_142 = arith.constant 0 : i32
        %add3A_143 = arith.addi %add3A_141, %add3A_142 : i32
        %get3A_144 = arith.index_cast %add3A_143 : i32 to index
        %get3A_145 = tpu.vector_load %arg8[%get3A_144] {strides = array<i32>} : memref<672xf32, #tpu.memory_space<vmem>>, vector<16xf32>,
        %add3A_146 = arith.constant 0 : i32
        %add3A_147 = arith.addi %multiple_of3A_139, %add3A_146 : i32
        %add3A_148 = arith.constant 16 : i32
        %add3A_149 = arith.addi %add3A_147, %add3A_148 : i32
        %get3A_150 = arith.index_cast %add3A_149 : i32 to index
        %get3A_151 = tpu.vector_load %arg8[%get3A_150] {strides = array<i32>} : memref<672xf32, #tpu.memory_space<vmem>>, vector<16xf32>,
        %slice3A_152 = vector.extract_strided_slice %get3A_64 {offsets = [1], sizes = [1], strides = [1]} : vector<16xi32> to vector<1xi32>
        %squeeze3A_153 = vector.extract %slice3A_152[0] : i32 from vector<1xi32>
        %mul3A_154 = arith.constant 32 : i32
        %mul3A_155 = arith.muli %squeeze3A_153, %mul3A_154 : i32
        %multiple_of3A_156 = tpu.assume_multiple %mul3A_155, 32 : i32
        %add3A_157 = arith.constant 96 : i32
        %add3A_158 = arith.addi %multiple_of3A_156, %add3A_157 : i32
        %add3A_159 = arith.constant 0 : i32
        %add3A_160 = arith.addi %add3A_158, %add3A_159 : i32
        %get3A_161 = arith.index_cast %add3A_160 : i32 to index
        %get3A_162 = tpu.vector_load %arg8[%get3A_161] {strides = array<i32>} : memref<672xf32, #tpu.memory_space<vmem>>, vector<16xf32>,
        %add3A_163 = arith.constant 96 : i32
        %add3A_164 = arith.addi %multiple_of3A_156, %add3A_163 : i32
        %add3A_165 = arith.constant 16 : i32
        %add3A_166 = arith.addi %add3A_164, %add3A_165 : i32
        %get3A_167 = arith.index_cast %add3A_166 : i32 to index
        %get3A_168 = tpu.vector_load %arg8[%get3A_167] {strides = array<i32>} : memref<672xf32, #tpu.memory_space<vmem>>, vector<16xf32>,
        %slice3A_169 = vector.extract_strided_slice %get3A_66 {offsets = [1], sizes = [1], strides = [1]} : vector<16xi32> to vector<1xi32>
        %squeeze3A_170 = vector.extract %slice3A_169[0] : i32 from vector<1xi32>
        %mul3A_171 = arith.constant 32 : i32
        %mul3A_172 = arith.muli %squeeze3A_170, %mul3A_171 : i32
        %multiple_of3A_173 = tpu.assume_multiple %mul3A_172, 32 : i32
        %add3A_174 = arith.constant 224 : i32
        %add3A_175 = arith.addi %multiple_of3A_173, %add3A_174 : i32
        %add3A_176 = arith.constant 0 : i32
        %add3A_177 = arith.addi %add3A_175, %add3A_176 : i32
        %get3A_178 = arith.index_cast %add3A_177 : i32 to index
        %get3A_179 = tpu.vector_load %arg8[%get3A_178] {strides = array<i32>} : memref<672xf32, #tpu.memory_space<vmem>>, vector<16xf32>,
        %add3A_180 = arith.constant 224 : i32
        %add3A_181 = arith.addi %multiple_of3A_173, %add3A_180 : i32
        %add3A_182 = arith.constant 16 : i32
        %add3A_183 = arith.addi %add3A_181, %add3A_182 : i32
        %get3A_184 = arith.index_cast %add3A_183 : i32 to index
        %get3A_185 = tpu.vector_load %arg8[%get3A_184] {strides = array<i32>} : memref<672xf32, #tpu.memory_space<vmem>>, vector<16xf32>,
        %slice3A_186 = vector.extract_strided_slice %get3A_68 {offsets = [1], sizes = [1], strides = [1]} : vector<16xi32> to vector<1xi32>
        %squeeze3A_187 = vector.extract %slice3A_186[0] : i32 from vector<1xi32>
        %mul3A_188 = arith.constant 32 : i32
        %mul3A_189 = arith.muli %squeeze3A_187, %mul3A_188 : i32
        %multiple_of3A_190 = tpu.assume_multiple %mul3A_189, 32 : i32
        %add3A_191 = arith.constant 512 : i32
        %add3A_192 = arith.addi %multiple_of3A_190, %add3A_191 : i32
        %add3A_193 = arith.constant 0 : i32
        %add3A_194 = arith.addi %add3A_192, %add3A_193 : i32
        %get3A_195 = arith.index_cast %add3A_194 : i32 to index
        %get3A_196 = tpu.vector_load %arg8[%get3A_195] {strides = array<i32>} : memref<672xf32, #tpu.memory_space<vmem>>, vector<16xf32>,
        %add3A_197 = arith.constant 512 : i32
        %add3A_198 = arith.addi %multiple_of3A_190, %add3A_197 : i32
        %add3A_199 = arith.constant 16 : i32
        %add3A_200 = arith.addi %add3A_198, %add3A_199 : i32
        %get3A_201 = arith.index_cast %add3A_200 : i32 to index
        %get3A_202 = tpu.vector_load %arg8[%get3A_201] {strides = array<i32>} : memref<672xf32, #tpu.memory_space<vmem>>, vector<16xf32>,
        %slice3A_203 = vector.extract_strided_slice %get3A_62 {offsets = [2], sizes = [1], strides = [1]} : vector<16xi32> to vector<1xi32>
        %squeeze3A_204 = vector.extract %slice3A_203[0] : i32 from vector<1xi32>
        %mul3A_205 = arith.constant 32 : i32
        %mul3A_206 = arith.muli %squeeze3A_204, %mul3A_205 : i32
        %multiple_of3A_207 = tpu.assume_multiple %mul3A_206, 32 : i32
        %add3A_208 = arith.constant 0 : i32
        %add3A_209 = arith.addi %multiple_of3A_207, %add3A_208 : i32
        %add3A_210 = arith.constant 0 : i32
        %add3A_211 = arith.addi %add3A_209, %add3A_210 : i32
        %get3A_212 = arith.index_cast %add3A_211 : i32 to index
        %get3A_213 = tpu.vector_load %arg8[%get3A_212] {strides = array<i32>} : memref<672xf32, #tpu.memory_space<vmem>>, vector<16xf32>,
        %add3A_214 = arith.constant 0 : i32
        %add3A_215 = arith.addi %multiple_of3A_207, %add3A_214 : i32
        %add3A_216 = arith.constant 16 : i32
        %add3A_217 = arith.addi %add3A_215, %add3A_216 : i32
        %get3A_218 = arith.index_cast %add3A_217 : i32 to index
        %get3A_219 = tpu.vector_load %arg8[%get3A_218] {strides = array<i32>} : memref<672xf32, #tpu.memory_space<vmem>>, vector<16xf32>,
        %slice3A_220 = vector.extract_strided_slice %get3A_64 {offsets = [2], sizes = [1], strides = [1]} : vector<16xi32> to vector<1xi32>
        %squeeze3A_221 = vector.extract %slice3A_220[0] : i32 from vector<1xi32>
        %mul3A_222 = arith.constant 32 : i32
        %mul3A_223 = arith.muli %squeeze3A_221, %mul3A_222 : i32
        %multiple_of3A_224 = tpu.assume_multiple %mul3A_223, 32 : i32
        %add3A_225 = arith.constant 96 : i32
        %add3A_226 = arith.addi %multiple_of3A_224, %add3A_225 : i32
        %add3A_227 = arith.constant 0 : i32
        %add3A_228 = arith.addi %add3A_226, %add3A_227 : i32
        %get3A_229 = arith.index_cast %add3A_228 : i32 to index
        %get3A_230 = tpu.vector_load %arg8[%get3A_229] {strides = array<i32>} : memref<672xf32, #tpu.memory_space<vmem>>, vector<16xf32>,
        %add3A_231 = arith.constant 96 : i32
        %add3A_232 = arith.addi %multiple_of3A_224, %add3A_231 : i32
        %add3A_233 = arith.constant 16 : i32
        %add3A_234 = arith.addi %add3A_232, %add3A_233 : i32
        %get3A_235 = arith.index_cast %add3A_234 : i32 to index
        %get3A_236 = tpu.vector_load %arg8[%get3A_235] {strides = array<i32>} : memref<672xf32, #tpu.memory_space<vmem>>, vector<16xf32>,
        %slice3A_237 = vector.extract_strided_slice %get3A_66 {offsets = [2], sizes = [1], strides = [1]} : vector<16xi32> to vector<1xi32>
        %squeeze3A_238 = vector.extract %slice3A_237[0] : i32 from vector<1xi32>
        %mul3A_239 = arith.constant 32 : i32
        %mul3A_240 = arith.muli %squeeze3A_238, %mul3A_239 : i32
        %multiple_of3A_241 = tpu.assume_multiple %mul3A_240, 32 : i32
        %add3A_242 = arith.constant 224 : i32
        %add3A_243 = arith.addi %multiple_of3A_241, %add3A_242 : i32
        %add3A_244 = arith.constant 0 : i32
        %add3A_245 = arith.addi %add3A_243, %add3A_244 : i32
        %get3A_246 = arith.index_cast %add3A_245 : i32 to index
        %get3A_247 = tpu.vector_load %arg8[%get3A_246] {strides = array<i32>} : memref<672xf32, #tpu.memory_space<vmem>>, vector<16xf32>,
        %add3A_248 = arith.constant 224 : i32
        %add3A_249 = arith.addi %multiple_of3A_241, %add3A_248 : i32
        %add3A_250 = arith.constant 16 : i32
        %add3A_251 = arith.addi %add3A_249, %add3A_250 : i32
        %get3A_252 = arith.index_cast %add3A_251 : i32 to index
        %get3A_253 = tpu.vector_load %arg8[%get3A_252] {strides = array<i32>} : memref<672xf32, #tpu.memory_space<vmem>>, vector<16xf32>,
        %slice3A_254 = vector.extract_strided_slice %get3A_68 {offsets = [2], sizes = [1], strides = [1]} : vector<16xi32> to vector<1xi32>
        %squeeze3A_255 = vector.extract %slice3A_254[0] : i32 from vector<1xi32>
        %mul3A_256 = arith.constant 32 : i32
        %mul3A_257 = arith.muli %squeeze3A_255, %mul3A_256 : i32
        %multiple_of3A_258 = tpu.assume_multiple %mul3A_257, 32 : i32
        %add3A_259 = arith.constant 512 : i32
        %add3A_260 = arith.addi %multiple_of3A_258, %add3A_259 : i32
        %add3A_261 = arith.constant 0 : i32
        %add3A_262 = arith.addi %add3A_260, %add3A_261 : i32
        %get3A_263 = arith.index_cast %add3A_262 : i32 to index
        %get3A_264 = tpu.vector_load %arg8[%get3A_263] {strides = array<i32>} : memref<672xf32, #tpu.memory_space<vmem>>, vector<16xf32>,
        %add3A_265 = arith.constant 512 : i32
        %add3A_266 = arith.addi %multiple_of3A_258, %add3A_265 : i32
        %add3A_267 = arith.constant 16 : i32
        %add3A_268 = arith.addi %add3A_266, %add3A_267 : i32
        %get3A_269 = arith.index_cast %add3A_268 : i32 to index
        %get3A_270 = tpu.vector_load %arg8[%get3A_269] {strides = array<i32>} : memref<672xf32, #tpu.memory_space<vmem>>, vector<16xf32>,
        %slice3A_271 = vector.extract_strided_slice %get3A_62 {offsets = [3], sizes = [1], strides = [1]} : vector<16xi32> to vector<1xi32>
        %squeeze3A_272 = vector.extract %slice3A_271[0] : i32 from vector<1xi32>
        %mul3A_273 = arith.constant 32 : i32
        %mul3A_274 = arith.muli %squeeze3A_272, %mul3A_273 : i32
        %multiple_of3A_275 = tpu.assume_multiple %mul3A_274, 32 : i32
        %add3A_276 = arith.constant 0 : i32
        %add3A_277 = arith.addi %multiple_of3A_275, %add3A_276 : i32
        %add3A_278 = arith.constant 0 : i32
        %add3A_279 = arith.addi %add3A_277, %add3A_278 : i32
        %get3A_280 = arith.index_cast %add3A_279 : i32 to index
        %get3A_281 = tpu.vector_load %arg8[%get3A_280] {strides = array<i32>} : memref<672xf32, #tpu.memory_space<vmem>>, vector<16xf32>,
        %add3A_282 = arith.constant 0 : i32
        %add3A_283 = arith.addi %multiple_of3A_275, %add3A_282 : i32
        %add3A_284 = arith.constant 16 : i32
        %add3A_285 = arith.addi %add3A_283, %add3A_284 : i32
        %get3A_286 = arith.index_cast %add3A_285 : i32 to index
        %get3A_287 = tpu.vector_load %arg8[%get3A_286] {strides = array<i32>} : memref<672xf32, #tpu.memory_space<vmem>>, vector<16xf32>,
        %slice3A_288 = vector.extract_strided_slice %get3A_64 {offsets = [3], sizes = [1], strides = [1]} : vector<16xi32> to vector<1xi32>
        %squeeze3A_289 = vector.extract %slice3A_288[0] : i32 from vector<1xi32>
        %mul3A_290 = arith.constant 32 : i32
        %mul3A_291 = arith.muli %squeeze3A_289, %mul3A_290 : i32
        %multiple_of3A_292 = tpu.assume_multiple %mul3A_291, 32 : i32
        %add3A_293 = arith.constant 96 : i32
        %add3A_294 = arith.addi %multiple_of3A_292, %add3A_293 : i32
        %add3A_295 = arith.constant 0 : i32
        %add3A_296 = arith.addi %add3A_294, %add3A_295 : i32
        %get3A_297 = arith.index_cast %add3A_296 : i32 to index
        %get3A_298 = tpu.vector_load %arg8[%get3A_297] {strides = array<i32>} : memref<672xf32, #tpu.memory_space<vmem>>, vector<16xf32>,
        %add3A_299 = arith.constant 96 : i32
        %add3A_300 = arith.addi %multiple_of3A_292, %add3A_299 : i32
        %add3A_301 = arith.constant 16 : i32
        %add3A_302 = arith.addi %add3A_300, %add3A_301 : i32
        %get3A_303 = arith.index_cast %add3A_302 : i32 to index
        %get3A_304 = tpu.vector_load %arg8[%get3A_303] {strides = array<i32>} : memref<672xf32, #tpu.memory_space<vmem>>, vector<16xf32>,
        %slice3A_305 = vector.extract_strided_slice %get3A_66 {offsets = [3], sizes = [1], strides = [1]} : vector<16xi32> to vector<1xi32>
        %squeeze3A_306 = vector.extract %slice3A_305[0] : i32 from vector<1xi32>
        %mul3A_307 = arith.constant 32 : i32
        %mul3A_308 = arith.muli %squeeze3A_306, %mul3A_307 : i32
        %multiple_of3A_309 = tpu.assume_multiple %mul3A_308, 32 : i32
        %add3A_310 = arith.constant 224 : i32
        %add3A_311 = arith.addi %multiple_of3A_309, %add3A_310 : i32
        %add3A_312 = arith.constant 0 : i32
        %add3A_313 = arith.addi %add3A_311, %add3A_312 : i32
        %get3A_314 = arith.index_cast %add3A_313 : i32 to index
        %get3A_315 = tpu.vector_load %arg8[%get3A_314] {strides = array<i32>} : memref<672xf32, #tpu.memory_space<vmem>>, vector<16xf32>,
        %add3A_316 = arith.constant 224 : i32
        %add3A_317 = arith.addi %multiple_of3A_309, %add3A_316 : i32
        %add3A_318 = arith.constant 16 : i32
        %add3A_319 = arith.addi %add3A_317, %add3A_318 : i32
        %get3A_320 = arith.index_cast %add3A_319 : i32 to index
        %get3A_321 = tpu.vector_load %arg8[%get3A_320] {strides = array<i32>} : memref<672xf32, #tpu.memory_space<vmem>>, vector<16xf32>,
        %slice3A_322 = vector.extract_strided_slice %get3A_68 {offsets = [3], sizes = [1], strides = [1]} : vector<16xi32> to vector<1xi32>
        %squeeze3A_323 = vector.extract %slice3A_322[0] : i32 from vector<1xi32>
        %mul3A_324 = arith.constant 32 : i32
        %mul3A_325 = arith.muli %squeeze3A_323, %mul3A_324 : i32
        %multiple_of3A_326 = tpu.assume_multiple %mul3A_325, 32 : i32
        %add3A_327 = arith.constant 512 : i32
        %add3A_328 = arith.addi %multiple_of3A_326, %add3A_327 : i32
        %add3A_329 = arith.constant 0 : i32
        %add3A_330 = arith.addi %add3A_328, %add3A_329 : i32
        %get3A_331 = arith.index_cast %add3A_330 : i32 to index
        %get3A_332 = tpu.vector_load %arg8[%get3A_331] {strides = array<i32>} : memref<672xf32, #tpu.memory_space<vmem>>, vector<16xf32>,
        %add3A_333 = arith.constant 512 : i32
        %add3A_334 = arith.addi %multiple_of3A_326, %add3A_333 : i32
        %add3A_335 = arith.constant 16 : i32
        %add3A_336 = arith.addi %add3A_334, %add3A_335 : i32
        %get3A_337 = arith.index_cast %add3A_336 : i32 to index
        %get3A_338 = tpu.vector_load %arg8[%get3A_337] {strides = array<i32>} : memref<672xf32, #tpu.memory_space<vmem>>, vector<16xf32>,
        %add3A_339 = arith.constant 0 : i32
        %add3A_340 = arith.addi %multiple_of3A, %add3A_339 : i32
        %add3A_341 = arith.constant 0 : i32
        %add3A_342 = arith.addi %add3A_340, %add3A_341 : i32
        %add3A_343 = arith.constant 0 : i32
        %add3A_344 = arith.addi %add3A_342, %add3A_343 : i32
        %swap3A = arith.index_cast %add3A_344 : i32 to index
        %swap3A_345 = tpu.vector_load %arg14[%swap3A] {strides = array<i32>} : memref<40960xf32, #tpu.memory_space<vmem>>, vector<16xf32>,
        tpu.vector_store %arg14[%swap3A], %get3A_77 {strides = array<i32>} : memref<40960xf32, #tpu.memory_space<vmem>>, vector<16xf32>,
        %add3A_346 = arith.constant 0 : i32
        %add3A_347 = arith.addi %multiple_of3A, %add3A_346 : i32
        %add3A_348 = arith.constant 0 : i32
        %add3A_349 = arith.addi %add3A_347, %add3A_348 : i32
        %add3A_350 = arith.constant 16 : i32
        %add3A_351 = arith.addi %add3A_349, %add3A_350 : i32
        %swap3A_352 = arith.index_cast %add3A_351 : i32 to index
        %swap3A_353 = tpu.vector_load %arg14[%swap3A_352] {strides = array<i32>} : memref<40960xf32, #tpu.memory_space<vmem>>, vector<16xf32>,
        tpu.vector_store %arg14[%swap3A_352], %get3A_83 {strides = array<i32>} : memref<40960xf32, #tpu.memory_space<vmem>>, vector<16xf32>,
        %add3A_354 = arith.constant 0 : i32
        %add3A_355 = arith.addi %multiple_of3A, %add3A_354 : i32
        %add3A_356 = arith.constant 32 : i32
        %add3A_357 = arith.addi %add3A_355, %add3A_356 : i32
        %add3A_358 = arith.constant 0 : i32
        %add3A_359 = arith.addi %add3A_357, %add3A_358 : i32
        %swap3A_360 = arith.index_cast %add3A_359 : i32 to index
        %swap3A_361 = tpu.vector_load %arg14[%swap3A_360] {strides = array<i32>} : memref<40960xf32, #tpu.memory_space<vmem>>, vector<16xf32>,
        tpu.vector_store %arg14[%swap3A_360], %get3A_94 {strides = array<i32>} : memref<40960xf32, #tpu.memory_space<vmem>>, vector<16xf32>,
        %add3A_362 = arith.constant 0 : i32
        %add3A_363 = arith.addi %multiple_of3A, %add3A_362 : i32
        %add3A_364 = arith.constant 32 : i32
        %add3A_365 = arith.addi %add3A_363, %add3A_364 : i32
        %add3A_366 = arith.constant 16 : i32
        %add3A_367 = arith.addi %add3A_365, %add3A_366 : i32
        %swap3A_368 = arith.index_cast %add3A_367 : i32 to index
        %swap3A_369 = tpu.vector_load %arg14[%swap3A_368] {strides = array<i32>} : memref<40960xf32, #tpu.memory_space<vmem>>, vector<16xf32>,
        tpu.vector_store %arg14[%swap3A_368], %get3A_100 {strides = array<i32>} : memref<40960xf32, #tpu.memory_space<vmem>>, vector<16xf32>,
        %add3A_370 = arith.constant 0 : i32
        %add3A_371 = arith.addi %multiple_of3A, %add3A_370 : i32
        %add3A_372 = arith.constant 64 : i32
        %add3A_373 = arith.addi %add3A_371, %add3A_372 : i32
        %add3A_374 = arith.constant 0 : i32
        %add3A_375 = arith.addi %add3A_373, %add3A_374 : i32
        %swap3A_376 = arith.index_cast %add3A_375 : i32 to index
        %swap3A_377 = tpu.vector_load %arg14[%swap3A_376] {strides = array<i32>} : memref<40960xf32, #tpu.memory_space<vmem>>, vector<16xf32>,
        tpu.vector_store %arg14[%swap3A_376], %get3A_111 {strides = array<i32>} : memref<40960xf32, #tpu.memory_space<vmem>>, vector<16xf32>,
        %add3A_378 = arith.constant 0 : i32
        %add3A_379 = arith.addi %multiple_of3A, %add3A_378 : i32
        %add3A_380 = arith.constant 64 : i32
        %add3A_381 = arith.addi %add3A_379, %add3A_380 : i32
        %add3A_382 = arith.constant 16 : i32
        %add3A_383 = arith.addi %add3A_381, %add3A_382 : i32
        %swap3A_384 = arith.index_cast %add3A_383 : i32 to index
        %swap3A_385 = tpu.vector_load %arg14[%swap3A_384] {strides = array<i32>} : memref<40960xf32, #tpu.memory_space<vmem>>, vector<16xf32>,
        tpu.vector_store %arg14[%swap3A_384], %get3A_117 {strides = array<i32>} : memref<40960xf32, #tpu.memory_space<vmem>>, vector<16xf32>,
        %add3A_386 = arith.constant 0 : i32
        %add3A_387 = arith.addi %multiple_of3A, %add3A_386 : i32
        %add3A_388 = arith.constant 96 : i32
        %add3A_389 = arith.addi %add3A_387, %add3A_388 : i32
        %add3A_390 = arith.constant 0 : i32
        %add3A_391 = arith.addi %add3A_389, %add3A_390 : i32
        %swap3A_392 = arith.index_cast %add3A_391 : i32 to index
        %swap3A_393 = tpu.vector_load %arg14[%swap3A_392] {strides = array<i32>} : memref<40960xf32, #tpu.memory_space<vmem>>, vector<16xf32>,
        tpu.vector_store %arg14[%swap3A_392], %get3A_128 {strides = array<i32>} : memref<40960xf32, #tpu.memory_space<vmem>>, vector<16xf32>,
        %add3A_394 = arith.constant 0 : i32
        %add3A_395 = arith.addi %multiple_of3A, %add3A_394 : i32
        %add3A_396 = arith.constant 96 : i32
        %add3A_397 = arith.addi %add3A_395, %add3A_396 : i32
        %add3A_398 = arith.constant 16 : i32
        %add3A_399 = arith.addi %add3A_397, %add3A_398 : i32
        %swap3A_400 = arith.index_cast %add3A_399 : i32 to index
        %swap3A_401 = tpu.vector_load %arg14[%swap3A_400] {strides = array<i32>} : memref<40960xf32, #tpu.memory_space<vmem>>, vector<16xf32>,
        tpu.vector_store %arg14[%swap3A_400], %get3A_134 {strides = array<i32>} : memref<40960xf32, #tpu.memory_space<vmem>>, vector<16xf32>,
        %add3A_402 = arith.constant 128 : i32
        %add3A_403 = arith.addi %multiple_of3A, %add3A_402 : i32
        %add3A_404 = arith.constant 0 : i32
        %add3A_405 = arith.addi %add3A_403, %add3A_404 : i32
        %add3A_406 = arith.constant 0 : i32
        %add3A_407 = arith.addi %add3A_405, %add3A_406 : i32
        %swap3A_408 = arith.index_cast %add3A_407 : i32 to index
        %swap3A_409 = tpu.vector_load %arg14[%swap3A_408] {strides = array<i32>} : memref<40960xf32, #tpu.memory_space<vmem>>, vector<16xf32>,
        tpu.vector_store %arg14[%swap3A_408], %get3A_145 {strides = array<i32>} : memref<40960xf32, #tpu.memory_space<vmem>>, vector<16xf32>,
        %add3A_410 = arith.constant 128 : i32
        %add3A_411 = arith.addi %multiple_of3A, %add3A_410 : i32
        %add3A_412 = arith.constant 0 : i32
        %add3A_413 = arith.addi %add3A_411, %add3A_412 : i32
        %add3A_414 = arith.constant 16 : i32
        %add3A_415 = arith.addi %add3A_413, %add3A_414 : i32
        %swap3A_416 = arith.index_cast %add3A_415 : i32 to index
        %swap3A_417 = tpu.vector_load %arg14[%swap3A_416] {strides = array<i32>} : memref<40960xf32, #tpu.memory_space<vmem>>, vector<16xf32>,
        tpu.vector_store %arg14[%swap3A_416], %get3A_151 {strides = array<i32>} : memref<40960xf32, #tpu.memory_space<vmem>>, vector<16xf32>,
        %add3A_418 = arith.constant 128 : i32
        %add3A_419 = arith.addi %multiple_of3A, %add3A_418 : i32
        %add3A_420 = arith.constant 32 : i32
        %add3A_421 = arith.addi %add3A_419, %add3A_420 : i32
        %add3A_422 = arith.constant 0 : i32
        %add3A_423 = arith.addi %add3A_421, %add3A_422 : i32
        %swap3A_424 = arith.index_cast %add3A_423 : i32 to index
        %swap3A_425 = tpu.vector_load %arg14[%swap3A_424] {strides = array<i32>} : memref<40960xf32, #tpu.memory_space<vmem>>, vector<16xf32>,
        tpu.vector_store %arg14[%swap3A_424], %get3A_162 {strides = array<i32>} : memref<40960xf32, #tpu.memory_space<vmem>>, vector<16xf32>,
        %add3A_426 = arith.constant 128 : i32
        %add3A_427 = arith.addi %multiple_of3A, %add3A_426 : i32
        %add3A_428 = arith.constant 32 : i32
        %add3A_429 = arith.addi %add3A_427, %add3A_428 : i32
        %add3A_430 = arith.constant 16 : i32
        %add3A_431 = arith.addi %add3A_429, %add3A_430 : i32
        %swap3A_432 = arith.index_cast %add3A_431 : i32 to index
        %swap3A_433 = tpu.vector_load %arg14[%swap3A_432] {strides = array<i32>} : memref<40960xf32, #tpu.memory_space<vmem>>, vector<16xf32>,
        tpu.vector_store %arg14[%swap3A_432], %get3A_168 {strides = array<i32>} : memref<40960xf32, #tpu.memory_space<vmem>>, vector<16xf32>,
        %add3A_434 = arith.constant 128 : i32
        %add3A_435 = arith.addi %multiple_of3A, %add3A_434 : i32
        %add3A_436 = arith.constant 64 : i32
        %add3A_437 = arith.addi %add3A_435, %add3A_436 : i32
        %add3A_438 = arith.constant 0 : i32
        %add3A_439 = arith.addi %add3A_437, %add3A_438 : i32
        %swap3A_440 = arith.index_cast %add3A_439 : i32 to index
        %swap3A_441 = tpu.vector_load %arg14[%swap3A_440] {strides = array<i32>} : memref<40960xf32, #tpu.memory_space<vmem>>, vector<16xf32>,
        tpu.vector_store %arg14[%swap3A_440], %get3A_179 {strides = array<i32>} : memref<40960xf32, #tpu.memory_space<vmem>>, vector<16xf32>,
        %add3A_442 = arith.constant 128 : i32
        %add3A_443 = arith.addi %multiple_of3A, %add3A_442 : i32
        %add3A_444 = arith.constant 64 : i32
        %add3A_445 = arith.addi %add3A_443, %add3A_444 : i32
        %add3A_446 = arith.constant 16 : i32
        %add3A_447 = arith.addi %add3A_445, %add3A_446 : i32
        %swap3A_448 = arith.index_cast %add3A_447 : i32 to index
        %swap3A_449 = tpu.vector_load %arg14[%swap3A_448] {strides = array<i32>} : memref<40960xf32, #tpu.memory_space<vmem>>, vector<16xf32>,
        tpu.vector_store %arg14[%swap3A_448], %get3A_185 {strides = array<i32>} : memref<40960xf32, #tpu.memory_space<vmem>>, vector<16xf32>,
        %add3A_450 = arith.constant 128 : i32
        %add3A_451 = arith.addi %multiple_of3A, %add3A_450 : i32
        %add3A_452 = arith.constant 96 : i32
        %add3A_453 = arith.addi %add3A_451, %add3A_452 : i32
        %add3A_454 = arith.constant 0 : i32
        %add3A_455 = arith.addi %add3A_453, %add3A_454 : i32
        %swap3A_456 = arith.index_cast %add3A_455 : i32 to index
        %swap3A_457 = tpu.vector_load %arg14[%swap3A_456] {strides = array<i32>} : memref<40960xf32, #tpu.memory_space<vmem>>, vector<16xf32>,
        tpu.vector_store %arg14[%swap3A_456], %get3A_196 {strides = array<i32>} : memref<40960xf32, #tpu.memory_space<vmem>>, vector<16xf32>,
        %add3A_458 = arith.constant 128 : i32
        %add3A_459 = arith.addi %multiple_of3A, %add3A_458 : i32
        %add3A_460 = arith.constant 96 : i32
        %add3A_461 = arith.addi %add3A_459, %add3A_460 : i32
        %add3A_462 = arith.constant 16 : i32
        %add3A_463 = arith.addi %add3A_461, %add3A_462 : i32
        %swap3A_464 = arith.index_cast %add3A_463 : i32 to index
        %swap3A_465 = tpu.vector_load %arg14[%swap3A_464] {strides = array<i32>} : memref<40960xf32, #tpu.memory_space<vmem>>, vector<16xf32>,
        tpu.vector_store %arg14[%swap3A_464], %get3A_202 {strides = array<i32>} : memref<40960xf32, #tpu.memory_space<vmem>>, vector<16xf32>,
        %slice3A_466 = vector.extract_strided_slice %get3A_62 {offsets = [4], sizes = [1], strides = [1]} : vector<16xi32> to vector<1xi32>
        %squeeze3A_467 = vector.extract %slice3A_466[0] : i32 from vector<1xi32>
        %mul3A_468 = arith.constant 32 : i32
        %mul3A_469 = arith.muli %squeeze3A_467, %mul3A_468 : i32
        %multiple_of3A_470 = tpu.assume_multiple %mul3A_469, 32 : i32
        %add3A_471 = arith.constant 0 : i32
        %add3A_472 = arith.addi %multiple_of3A_470, %add3A_471 : i32
        %add3A_473 = arith.constant 0 : i32
        %add3A_474 = arith.addi %add3A_472, %add3A_473 : i32
        %get3A_475 = arith.index_cast %add3A_474 : i32 to index
        %get3A_476 = tpu.vector_load %arg8[%get3A_475] {strides = array<i32>} : memref<672xf32, #tpu.memory_space<vmem>>, vector<16xf32>,
        %add3A_477 = arith.constant 0 : i32
        %add3A_478 = arith.addi %multiple_of3A_470, %add3A_477 : i32
        %add3A_479 = arith.constant 16 : i32
        %add3A_480 = arith.addi %add3A_478, %add3A_479 : i32
        %get3A_481 = arith.index_cast %add3A_480 : i32 to index
        %get3A_482 = tpu.vector_load %arg8[%get3A_481] {strides = array<i32>} : memref<672xf32, #tpu.memory_space<vmem>>, vector<16xf32>,
        %slice3A_483 = vector.extract_strided_slice %get3A_64 {offsets = [4], sizes = [1], strides = [1]} : vector<16xi32> to vector<1xi32>
        %squeeze3A_484 = vector.extract %slice3A_483[0] : i32 from vector<1xi32>
        %mul3A_485 = arith.constant 32 : i32
        %mul3A_486 = arith.muli %squeeze3A_484, %mul3A_485 : i32
        %multiple_of3A_487 = tpu.assume_multiple %mul3A_486, 32 : i32
        %add3A_488 = arith.constant 96 : i32
        %add3A_489 = arith.addi %multiple_of3A_487, %add3A_488 : i32
        %add3A_490 = arith.constant 0 : i32
        %add3A_491 = arith.addi %add3A_489, %add3A_490 : i32
        %get3A_492 = arith.index_cast %add3A_491 : i32 to index
        %get3A_493 = tpu.vector_load %arg8[%get3A_492] {strides = array<i32>} : memref<672xf32, #tpu.memory_space<vmem>>, vector<16xf32>,
        %add3A_494 = arith.constant 96 : i32
        %add3A_495 = arith.addi %multiple_of3A_487, %add3A_494 : i32
        %add3A_496 = arith.constant 16 : i32
        %add3A_497 = arith.addi %add3A_495, %add3A_496 : i32
        %get3A_498 = arith.index_cast %add3A_497 : i32 to index
        %get3A_499 = tpu.vector_load %arg8[%get3A_498] {strides = array<i32>} : memref<672xf32, #tpu.memory_space<vmem>>, vector<16xf32>,
        %slice3A_500 = vector.extract_strided_slice %get3A_66 {offsets = [4], sizes = [1], strides = [1]} : vector<16xi32> to vector<1xi32>
        %squeeze3A_501 = vector.extract %slice3A_500[0] : i32 from vector<1xi32>
        %mul3A_502 = arith.constant 32 : i32
        %mul3A_503 = arith.muli %squeeze3A_501, %mul3A_502 : i32
        %multiple_of3A_504 = tpu.assume_multiple %mul3A_503, 32 : i32
        %add3A_505 = arith.constant 224 : i32
        %add3A_506 = arith.addi %multiple_of3A_504, %add3A_505 : i32
        %add3A_507 = arith.constant 0 : i32
        %add3A_508 = arith.addi %add3A_506, %add3A_507 : i32
        %get3A_509 = arith.index_cast %add3A_508 : i32 to index
        %get3A_510 = tpu.vector_load %arg8[%get3A_509] {strides = array<i32>} : memref<672xf32, #tpu.memory_space<vmem>>, vector<16xf32>,
        %add3A_511 = arith.constant 224 : i32
        %add3A_512 = arith.addi %multiple_of3A_504, %add3A_511 : i32
        %add3A_513 = arith.constant 16 : i32
        %add3A_514 = arith.addi %add3A_512, %add3A_513 : i32
        %get3A_515 = arith.index_cast %add3A_514 : i32 to index
        %get3A_516 = tpu.vector_load %arg8[%get3A_515] {strides = array<i32>} : memref<672xf32, #tpu.memory_space<vmem>>, vector<16xf32>,
        %slice3A_517 = vector.extract_strided_slice %get3A_68 {offsets = [4], sizes = [1], strides = [1]} : vector<16xi32> to vector<1xi32>
        %squeeze3A_518 = vector.extract %slice3A_517[0] : i32 from vector<1xi32>
        %mul3A_519 = arith.constant 32 : i32
        %mul3A_520 = arith.muli %squeeze3A_518, %mul3A_519 : i32
        %multiple_of3A_521 = tpu.assume_multiple %mul3A_520, 32 : i32
        %add3A_522 = arith.constant 512 : i32
        %add3A_523 = arith.addi %multiple_of3A_521, %add3A_522 : i32
        %add3A_524 = arith.constant 0 : i32
        %add3A_525 = arith.addi %add3A_523, %add3A_524 : i32
        %get3A_526 = arith.index_cast %add3A_525 : i32 to index
        %get3A_527 = tpu.vector_load %arg8[%get3A_526] {strides = array<i32>} : memref<672xf32, #tpu.memory_space<vmem>>, vector<16xf32>,
        %add3A_528 = arith.constant 512 : i32
        %add3A_529 = arith.addi %multiple_of3A_521, %add3A_528 : i32
        %add3A_530 = arith.constant 16 : i32
        %add3A_531 = arith.addi %add3A_529, %add3A_530 : i32
        %get3A_532 = arith.index_cast %add3A_531 : i32 to index
        %get3A_533 = tpu.vector_load %arg8[%get3A_532] {strides = array<i32>} : memref<672xf32, #tpu.memory_space<vmem>>, vector<16xf32>,
        %slice3A_534 = vector.extract_strided_slice %get3A_62 {offsets = [5], sizes = [1], strides = [1]} : vector<16xi32> to vector<1xi32>
        %squeeze3A_535 = vector.extract %slice3A_534[0] : i32 from vector<1xi32>
        %mul3A_536 = arith.constant 32 : i32
        %mul3A_537 = arith.muli %squeeze3A_535, %mul3A_536 : i32
        %multiple_of3A_538 = tpu.assume_multiple %mul3A_537, 32 : i32
        %add3A_539 = arith.constant 0 : i32
        %add3A_540 = arith.addi %multiple_of3A_538, %add3A_539 : i32
        %add3A_541 = arith.constant 0 : i32
        %add3A_542 = arith.addi %add3A_540, %add3A_541 : i32
        %get3A_543 = arith.index_cast %add3A_542 : i32 to index
        %get3A_544 = tpu.vector_load %arg8[%get3A_543] {strides = array<i32>} : memref<672xf32, #tpu.memory_space<vmem>>, vector<16xf32>,
        %add3A_545 = arith.constant 0 : i32
        %add3A_546 = arith.addi %multiple_of3A_538, %add3A_545 : i32
        %add3A_547 = arith.constant 16 : i32
        %add3A_548 = arith.addi %add3A_546, %add3A_547 : i32
        %get3A_549 = arith.index_cast %add3A_548 : i32 to index
        %get3A_550 = tpu.vector_load %arg8[%get3A_549] {strides = array<i32>} : memref<672xf32, #tpu.memory_space<vmem>>, vector<16xf32>,
        %slice3A_551 = vector.extract_strided_slice %get3A_64 {offsets = [5], sizes = [1], strides = [1]} : vector<16xi32> to vector<1xi32>
        %squeeze3A_552 = vector.extract %slice3A_551[0] : i32 from vector<1xi32>
        %mul3A_553 = arith.constant 32 : i32
        %mul3A_554 = arith.muli %squeeze3A_552, %mul3A_553 : i32
        %multiple_of3A_555 = tpu.assume_multiple %mul3A_554, 32 : i32
        %add3A_556 = arith.constant 96 : i32
        %add3A_557 = arith.addi %multiple_of3A_555, %add3A_556 : i32
        %add3A_558 = arith.constant 0 : i32
        %add3A_559 = arith.addi %add3A_557, %add3A_558 : i32
        %get3A_560 = arith.index_cast %add3A_559 : i32 to index
        %get3A_561 = tpu.vector_load %arg8[%get3A_560] {strides = array<i32>} : memref<672xf32, #tpu.memory_space<vmem>>, vector<16xf32>,
        %add3A_562 = arith.constant 96 : i32
        %add3A_563 = arith.addi %multiple_of3A_555, %add3A_562 : i32
        %add3A_564 = arith.constant 16 : i32
        %add3A_565 = arith.addi %add3A_563, %add3A_564 : i32
        %get3A_566 = arith.index_cast %add3A_565 : i32 to index
        %get3A_567 = tpu.vector_load %arg8[%get3A_566] {strides = array<i32>} : memref<672xf32, #tpu.memory_space<vmem>>, vector<16xf32>,
        %slice3A_568 = vector.extract_strided_slice %get3A_66 {offsets = [5], sizes = [1], strides = [1]} : vector<16xi32> to vector<1xi32>
        %squeeze3A_569 = vector.extract %slice3A_568[0] : i32 from vector<1xi32>
        %mul3A_570 = arith.constant 32 : i32
        %mul3A_571 = arith.muli %squeeze3A_569, %mul3A_570 : i32
        %multiple_of3A_572 = tpu.assume_multiple %mul3A_571, 32 : i32
        %add3A_573 = arith.constant 224 : i32
        %add3A_574 = arith.addi %multiple_of3A_572, %add3A_573 : i32
        %add3A_575 = arith.constant 0 : i32
        %add3A_576 = arith.addi %add3A_574, %add3A_575 : i32
        %get3A_577 = arith.index_cast %add3A_576 : i32 to index
        %get3A_578 = tpu.vector_load %arg8[%get3A_577] {strides = array<i32>} : memref<672xf32, #tpu.memory_space<vmem>>, vector<16xf32>,
        %add3A_579 = arith.constant 224 : i32
        %add3A_580 = arith.addi %multiple_of3A_572, %add3A_579 : i32
        %add3A_581 = arith.constant 16 : i32
        %add3A_582 = arith.addi %add3A_580, %add3A_581 : i32
        %get3A_583 = arith.index_cast %add3A_582 : i32 to index
        %get3A_584 = tpu.vector_load %arg8[%get3A_583] {strides = array<i32>} : memref<672xf32, #tpu.memory_space<vmem>>, vector<16xf32>,
        %slice3A_585 = vector.extract_strided_slice %get3A_68 {offsets = [5], sizes = [1], strides = [1]} : vector<16xi32> to vector<1xi32>
        %squeeze3A_586 = vector.extract %slice3A_585[0] : i32 from vector<1xi32>
        %mul3A_587 = arith.constant 32 : i32
        %mul3A_588 = arith.muli %squeeze3A_586, %mul3A_587 : i32
        %multiple_of3A_589 = tpu.assume_multiple %mul3A_588, 32 : i32
        %add3A_590 = arith.constant 512 : i32
        %add3A_591 = arith.addi %multiple_of3A_589, %add3A_590 : i32
        %add3A_592 = arith.constant 0 : i32
        %add3A_593 = arith.addi %add3A_591, %add3A_592 : i32
        %get3A_594 = arith.index_cast %add3A_593 : i32 to index
        %get3A_595 = tpu.vector_load %arg8[%get3A_594] {strides = array<i32>} : memref<672xf32, #tpu.memory_space<vmem>>, vector<16xf32>,
        %add3A_596 = arith.constant 512 : i32
        %add3A_597 = arith.addi %multiple_of3A_589, %add3A_596 : i32
        %add3A_598 = arith.constant 16 : i32
        %add3A_599 = arith.addi %add3A_597, %add3A_598 : i32
        %get3A_600 = arith.index_cast %add3A_599 : i32 to index
        %get3A_601 = tpu.vector_load %arg8[%get3A_600] {strides = array<i32>} : memref<672xf32, #tpu.memory_space<vmem>>, vector<16xf32>,
        %add3A_602 = arith.constant 256 : i32
        %add3A_603 = arith.addi %multiple_of3A, %add3A_602 : i32
        %add3A_604 = arith.constant 0 : i32
        %add3A_605 = arith.addi %add3A_603, %add3A_604 : i32
        %add3A_606 = arith.constant 0 : i32
        %add3A_607 = arith.addi %add3A_605, %add3A_606 : i32
        %swap3A_608 = arith.index_cast %add3A_607 : i32 to index
        %swap3A_609 = tpu.vector_load %arg14[%swap3A_608] {strides = array<i32>} : memref<40960xf32, #tpu.memory_space<vmem>>, vector<16xf32>,
        tpu.vector_store %arg14[%swap3A_608], %get3A_213 {strides = array<i32>} : memref<40960xf32, #tpu.memory_space<vmem>>, vector<16xf32>,
        %add3A_610 = arith.constant 256 : i32
        %add3A_611 = arith.addi %multiple_of3A, %add3A_610 : i32
        %add3A_612 = arith.constant 0 : i32
        %add3A_613 = arith.addi %add3A_611, %add3A_612 : i32
        %add3A_614 = arith.constant 16 : i32
        %add3A_615 = arith.addi %add3A_613, %add3A_614 : i32
        %swap3A_616 = arith.index_cast %add3A_615 : i32 to index
        %swap3A_617 = tpu.vector_load %arg14[%swap3A_616] {strides = array<i32>} : memref<40960xf32, #tpu.memory_space<vmem>>, vector<16xf32>,
        tpu.vector_store %arg14[%swap3A_616], %get3A_219 {strides = array<i32>} : memref<40960xf32, #tpu.memory_space<vmem>>, vector<16xf32>,
        %add3A_618 = arith.constant 256 : i32
        %add3A_619 = arith.addi %multiple_of3A, %add3A_618 : i32
        %add3A_620 = arith.constant 32 : i32
        %add3A_621 = arith.addi %add3A_619, %add3A_620 : i32
        %add3A_622 = arith.constant 0 : i32
        %add3A_623 = arith.addi %add3A_621, %add3A_622 : i32
        %swap3A_624 = arith.index_cast %add3A_623 : i32 to index
        %swap3A_625 = tpu.vector_load %arg14[%swap3A_624] {strides = array<i32>} : memref<40960xf32, #tpu.memory_space<vmem>>, vector<16xf32>,
        tpu.vector_store %arg14[%swap3A_624], %get3A_230 {strides = array<i32>} : memref<40960xf32, #tpu.memory_space<vmem>>, vector<16xf32>,
        %add3A_626 = arith.constant 256 : i32
        %add3A_627 = arith.addi %multiple_of3A, %add3A_626 : i32
        %add3A_628 = arith.constant 32 : i32
        %add3A_629 = arith.addi %add3A_627, %add3A_628 : i32
        %add3A_630 = arith.constant 16 : i32
        %add3A_631 = arith.addi %add3A_629, %add3A_630 : i32
        %swap3A_632 = arith.index_cast %add3A_631 : i32 to index
        %swap3A_633 = tpu.vector_load %arg14[%swap3A_632] {strides = array<i32>} : memref<40960xf32, #tpu.memory_space<vmem>>, vector<16xf32>,
        tpu.vector_store %arg14[%swap3A_632], %get3A_236 {strides = array<i32>} : memref<40960xf32, #tpu.memory_space<vmem>>, vector<16xf32>,
        %add3A_634 = arith.constant 256 : i32
        %add3A_635 = arith.addi %multiple_of3A, %add3A_634 : i32
        %add3A_636 = arith.constant 64 : i32
        %add3A_637 = arith.addi %add3A_635, %add3A_636 : i32
        %add3A_638 = arith.constant 0 : i32
        %add3A_639 = arith.addi %add3A_637, %add3A_638 : i32
        %swap3A_640 = arith.index_cast %add3A_639 : i32 to index
        %swap3A_641 = tpu.vector_load %arg14[%swap3A_640] {strides = array<i32>} : memref<40960xf32, #tpu.memory_space<vmem>>, vector<16xf32>,
        tpu.vector_store %arg14[%swap3A_640], %get3A_247 {strides = array<i32>} : memref<40960xf32, #tpu.memory_space<vmem>>, vector<16xf32>,
        %add3A_642 = arith.constant 256 : i32
        %add3A_643 = arith.addi %multiple_of3A, %add3A_642 : i32
        %add3A_644 = arith.constant 64 : i32
        %add3A_645 = arith.addi %add3A_643, %add3A_644 : i32
        %add3A_646 = arith.constant 16 : i32
        %add3A_647 = arith.addi %add3A_645, %add3A_646 : i32
        %swap3A_648 = arith.index_cast %add3A_647 : i32 to index
        %swap3A_649 = tpu.vector_load %arg14[%swap3A_648] {strides = array<i32>} : memref<40960xf32, #tpu.memory_space<vmem>>, vector<16xf32>,
        tpu.vector_store %arg14[%swap3A_648], %get3A_253 {strides = array<i32>} : memref<40960xf32, #tpu.memory_space<vmem>>, vector<16xf32>,
        %add3A_650 = arith.constant 256 : i32
        %add3A_651 = arith.addi %multiple_of3A, %add3A_650 : i32
        %add3A_652 = arith.constant 96 : i32
        %add3A_653 = arith.addi %add3A_651, %add3A_652 : i32
        %add3A_654 = arith.constant 0 : i32
        %add3A_655 = arith.addi %add3A_653, %add3A_654 : i32
        %swap3A_656 = arith.index_cast %add3A_655 : i32 to index
        %swap3A_657 = tpu.vector_load %arg14[%swap3A_656] {strides = array<i32>} : memref<40960xf32, #tpu.memory_space<vmem>>, vector<16xf32>,
        tpu.vector_store %arg14[%swap3A_656], %get3A_264 {strides = array<i32>} : memref<40960xf32, #tpu.memory_space<vmem>>, vector<16xf32>,
        %add3A_658 = arith.constant 256 : i32
        %add3A_659 = arith.addi %multiple_of3A, %add3A_658 : i32
        %add3A_660 = arith.constant 96 : i32
        %add3A_661 = arith.addi %add3A_659, %add3A_660 : i32
        %add3A_662 = arith.constant 16 : i32
        %add3A_663 = arith.addi %add3A_661, %add3A_662 : i32
        %swap3A_664 = arith.index_cast %add3A_663 : i32 to index
        %swap3A_665 = tpu.vector_load %arg14[%swap3A_664] {strides = array<i32>} : memref<40960xf32, #tpu.memory_space<vmem>>, vector<16xf32>,
        tpu.vector_store %arg14[%swap3A_664], %get3A_270 {strides = array<i32>} : memref<40960xf32, #tpu.memory_space<vmem>>, vector<16xf32>,
        %add3A_666 = arith.constant 384 : i32
        %add3A_667 = arith.addi %multiple_of3A, %add3A_666 : i32
        %add3A_668 = arith.constant 0 : i32
        %add3A_669 = arith.addi %add3A_667, %add3A_668 : i32
        %add3A_670 = arith.constant 0 : i32
        %add3A_671 = arith.addi %add3A_669, %add3A_670 : i32
        %swap3A_672 = arith.index_cast %add3A_671 : i32 to index
        %swap3A_673 = tpu.vector_load %arg14[%swap3A_672] {strides = array<i32>} : memref<40960xf32, #tpu.memory_space<vmem>>, vector<16xf32>,
        tpu.vector_store %arg14[%swap3A_672], %get3A_281 {strides = array<i32>} : memref<40960xf32, #tpu.memory_space<vmem>>, vector<16xf32>,
        %add3A_674 = arith.constant 384 : i32
        %add3A_675 = arith.addi %multiple_of3A, %add3A_674 : i32
        %add3A_676 = arith.constant 0 : i32
        %add3A_677 = arith.addi %add3A_675, %add3A_676 : i32
        %add3A_678 = arith.constant 16 : i32
        %add3A_679 = arith.addi %add3A_677, %add3A_678 : i32
        %swap3A_680 = arith.index_cast %add3A_679 : i32 to index
        %swap3A_681 = tpu.vector_load %arg14[%swap3A_680] {strides = array<i32>} : memref<40960xf32, #tpu.memory_space<vmem>>, vector<16xf32>,
        tpu.vector_store %arg14[%swap3A_680], %get3A_287 {strides = array<i32>} : memref<40960xf32, #tpu.memory_space<vmem>>, vector<16xf32>,
        %add3A_682 = arith.constant 384 : i32
        %add3A_683 = arith.addi %multiple_of3A, %add3A_682 : i32
        %add3A_684 = arith.constant 32 : i32
        %add3A_685 = arith.addi %add3A_683, %add3A_684 : i32
        %add3A_686 = arith.constant 0 : i32
        %add3A_687 = arith.addi %add3A_685, %add3A_686 : i32
        %swap3A_688 = arith.index_cast %add3A_687 : i32 to index
        %swap3A_689 = tpu.vector_load %arg14[%swap3A_688] {strides = array<i32>} : memref<40960xf32, #tpu.memory_space<vmem>>, vector<16xf32>,
        tpu.vector_store %arg14[%swap3A_688], %get3A_298 {strides = array<i32>} : memref<40960xf32, #tpu.memory_space<vmem>>, vector<16xf32>,
        %add3A_690 = arith.constant 384 : i32
        %add3A_691 = arith.addi %multiple_of3A, %add3A_690 : i32
        %add3A_692 = arith.constant 32 : i32
        %add3A_693 = arith.addi %add3A_691, %add3A_692 : i32
        %add3A_694 = arith.constant 16 : i32
        %add3A_695 = arith.addi %add3A_693, %add3A_694 : i32
        %swap3A_696 = arith.index_cast %add3A_695 : i32 to index
        %swap3A_697 = tpu.vector_load %arg14[%swap3A_696] {strides = array<i32>} : memref<40960xf32, #tpu.memory_space<vmem>>, vector<16xf32>,
        tpu.vector_store %arg14[%swap3A_696], %get3A_304 {strides = array<i32>} : memref<40960xf32, #tpu.memory_space<vmem>>, vector<16xf32>,
        %add3A_698 = arith.constant 384 : i32
        %add3A_699 = arith.addi %multiple_of3A, %add3A_698 : i32
        %add3A_700 = arith.constant 64 : i32
        %add3A_701 = arith.addi %add3A_699, %add3A_700 : i32
        %add3A_702 = arith.constant 0 : i32
        %add3A_703 = arith.addi %add3A_701, %add3A_702 : i32
        %swap3A_704 = arith.index_cast %add3A_703 : i32 to index
        %swap3A_705 = tpu.vector_load %arg14[%swap3A_704] {strides = array<i32>} : memref<40960xf32, #tpu.memory_space<vmem>>, vector<16xf32>,
        tpu.vector_store %arg14[%swap3A_704], %get3A_315 {strides = array<i32>} : memref<40960xf32, #tpu.memory_space<vmem>>, vector<16xf32>,
        %add3A_706 = arith.constant 384 : i32
        %add3A_707 = arith.addi %multiple_of3A, %add3A_706 : i32
        %add3A_708 = arith.constant 64 : i32
        %add3A_709 = arith.addi %add3A_707, %add3A_708 : i32
        %add3A_710 = arith.constant 16 : i32
        %add3A_711 = arith.addi %add3A_709, %add3A_710 : i32
        %swap3A_712 = arith.index_cast %add3A_711 : i32 to index
        %swap3A_713 = tpu.vector_load %arg14[%swap3A_712] {strides = array<i32>} : memref<40960xf32, #tpu.memory_space<vmem>>, vector<16xf32>,
        tpu.vector_store %arg14[%swap3A_712], %get3A_321 {strides = array<i32>} : memref<40960xf32, #tpu.memory_space<vmem>>, vector<16xf32>,
        %add3A_714 = arith.constant 384 : i32
        %add3A_715 = arith.addi %multiple_of3A, %add3A_714 : i32
        %add3A_716 = arith.constant 96 : i32
        %add3A_717 = arith.addi %add3A_715, %add3A_716 : i32
        %add3A_718 = arith.constant 0 : i32
        %add3A_719 = arith.addi %add3A_717, %add3A_718 : i32
        %swap3A_720 = arith.index_cast %add3A_719 : i32 to index
        %swap3A_721 = tpu.vector_load %arg14[%swap3A_720] {strides = array<i32>} : memref<40960xf32, #tpu.memory_space<vmem>>, vector<16xf32>,
        tpu.vector_store %arg14[%swap3A_720], %get3A_332 {strides = array<i32>} : memref<40960xf32, #tpu.memory_space<vmem>>, vector<16xf32>,
        %add3A_722 = arith.constant 384 : i32
        %add3A_723 = arith.addi %multiple_of3A, %add3A_722 : i32
        %add3A_724 = arith.constant 96 : i32
        %add3A_725 = arith.addi %add3A_723, %add3A_724 : i32
        %add3A_726 = arith.constant 16 : i32
        %add3A_727 = arith.addi %add3A_725, %add3A_726 : i32
        %swap3A_728 = arith.index_cast %add3A_727 : i32 to index
        %swap3A_729 = tpu.vector_load %arg14[%swap3A_728] {strides = array<i32>} : memref<40960xf32, #tpu.memory_space<vmem>>, vector<16xf32>,
        tpu.vector_store %arg14[%swap3A_728], %get3A_338 {strides = array<i32>} : memref<40960xf32, #tpu.memory_space<vmem>>, vector<16xf32>,
        %slice3A_730 = vector.extract_strided_slice %get3A_62 {offsets = [6], sizes = [1], strides = [1]} : vector<16xi32> to vector<1xi32>
        %squeeze3A_731 = vector.extract %slice3A_730[0] : i32 from vector<1xi32>
        %mul3A_732 = arith.constant 32 : i32
        %mul3A_733 = arith.muli %squeeze3A_731, %mul3A_732 : i32
        %multiple_of3A_734 = tpu.assume_multiple %mul3A_733, 32 : i32
        %add3A_735 = arith.constant 0 : i32
        %add3A_736 = arith.addi %multiple_of3A_734, %add3A_735 : i32
        %add3A_737 = arith.constant 0 : i32
        %add3A_738 = arith.addi %add3A_736, %add3A_737 : i32
        %get3A_739 = arith.index_cast %add3A_738 : i32 to index
        %get3A_740 = tpu.vector_load %arg8[%get3A_739] {strides = array<i32>} : memref<672xf32, #tpu.memory_space<vmem>>, vector<16xf32>,
        %add3A_741 = arith.constant 0 : i32
        %add3A_742 = arith.addi %multiple_of3A_734, %add3A_741 : i32
        %add3A_743 = arith.constant 16 : i32
        %add3A_744 = arith.addi %add3A_742, %add3A_743 : i32
        %get3A_745 = arith.index_cast %add3A_744 : i32 to index
        %get3A_746 = tpu.vector_load %arg8[%get3A_745] {strides = array<i32>} : memref<672xf32, #tpu.memory_space<vmem>>, vector<16xf32>,
        %slice3A_747 = vector.extract_strided_slice %get3A_64 {offsets = [6], sizes = [1], strides = [1]} : vector<16xi32> to vector<1xi32>
        %squeeze3A_748 = vector.extract %slice3A_747[0] : i32 from vector<1xi32>
        %mul3A_749 = arith.constant 32 : i32
        %mul3A_750 = arith.muli %squeeze3A_748, %mul3A_749 : i32
        %multiple_of3A_751 = tpu.assume_multiple %mul3A_750, 32 : i32
        %add3A_752 = arith.constant 96 : i32
        %add3A_753 = arith.addi %multiple_of3A_751, %add3A_752 : i32
        %add3A_754 = arith.constant 0 : i32
        %add3A_755 = arith.addi %add3A_753, %add3A_754 : i32
        %get3A_756 = arith.index_cast %add3A_755 : i32 to index
        %get3A_757 = tpu.vector_load %arg8[%get3A_756] {strides = array<i32>} : memref<672xf32, #tpu.memory_space<vmem>>, vector<16xf32>,
        %add3A_758 = arith.constant 96 : i32
        %add3A_759 = arith.addi %multiple_of3A_751, %add3A_758 : i32
        %add3A_760 = arith.constant 16 : i32
        %add3A_761 = arith.addi %add3A_759, %add3A_760 : i32
        %get3A_762 = arith.index_cast %add3A_761 : i32 to index
        %get3A_763 = tpu.vector_load %arg8[%get3A_762] {strides = array<i32>} : memref<672xf32, #tpu.memory_space<vmem>>, vector<16xf32>,
        %slice3A_764 = vector.extract_strided_slice %get3A_66 {offsets = [6], sizes = [1], strides = [1]} : vector<16xi32> to vector<1xi32>
        %squeeze3A_765 = vector.extract %slice3A_764[0] : i32 from vector<1xi32>
        %mul3A_766 = arith.constant 32 : i32
        %mul3A_767 = arith.muli %squeeze3A_765, %mul3A_766 : i32
        %multiple_of3A_768 = tpu.assume_multiple %mul3A_767, 32 : i32
        %add3A_769 = arith.constant 224 : i32
        %add3A_770 = arith.addi %multiple_of3A_768, %add3A_769 : i32
        %add3A_771 = arith.constant 0 : i32
        %add3A_772 = arith.addi %add3A_770, %add3A_771 : i32
        %get3A_773 = arith.index_cast %add3A_772 : i32 to index
        %get3A_774 = tpu.vector_load %arg8[%get3A_773] {strides = array<i32>} : memref<672xf32, #tpu.memory_space<vmem>>, vector<16xf32>,
        %add3A_775 = arith.constant 224 : i32
        %add3A_776 = arith.addi %multiple_of3A_768, %add3A_775 : i32
        %add3A_777 = arith.constant 16 : i32
        %add3A_778 = arith.addi %add3A_776, %add3A_777 : i32
        %get3A_779 = arith.index_cast %add3A_778 : i32 to index
        %get3A_780 = tpu.vector_load %arg8[%get3A_779] {strides = array<i32>} : memref<672xf32, #tpu.memory_space<vmem>>, vector<16xf32>,
        %slice3A_781 = vector.extract_strided_slice %get3A_68 {offsets = [6], sizes = [1], strides = [1]} : vector<16xi32> to vector<1xi32>
        %squeeze3A_782 = vector.extract %slice3A_781[0] : i32 from vector<1xi32>
        %mul3A_783 = arith.constant 32 : i32
        %mul3A_784 = arith.muli %squeeze3A_782, %mul3A_783 : i32
        %multiple_of3A_785 = tpu.assume_multiple %mul3A_784, 32 : i32
        %add3A_786 = arith.constant 512 : i32
        %add3A_787 = arith.addi %multiple_of3A_785, %add3A_786 : i32
        %add3A_788 = arith.constant 0 : i32
        %add3A_789 = arith.addi %add3A_787, %add3A_788 : i32
        %get3A_790 = arith.index_cast %add3A_789 : i32 to index
        %get3A_791 = tpu.vector_load %arg8[%get3A_790] {strides = array<i32>} : memref<672xf32, #tpu.memory_space<vmem>>, vector<16xf32>,
        %add3A_792 = arith.constant 512 : i32
        %add3A_793 = arith.addi %multiple_of3A_785, %add3A_792 : i32
        %add3A_794 = arith.constant 16 : i32
        %add3A_795 = arith.addi %add3A_793, %add3A_794 : i32
        %get3A_796 = arith.index_cast %add3A_795 : i32 to index
        %get3A_797 = tpu.vector_load %arg8[%get3A_796] {strides = array<i32>} : memref<672xf32, #tpu.memory_space<vmem>>, vector<16xf32>,
        %slice3A_798 = vector.extract_strided_slice %get3A_62 {offsets = [7], sizes = [1], strides = [1]} : vector<16xi32> to vector<1xi32>
        %squeeze3A_799 = vector.extract %slice3A_798[0] : i32 from vector<1xi32>
        %mul3A_800 = arith.constant 32 : i32
        %mul3A_801 = arith.muli %squeeze3A_799, %mul3A_800 : i32
        %multiple_of3A_802 = tpu.assume_multiple %mul3A_801, 32 : i32
        %add3A_803 = arith.constant 0 : i32
        %add3A_804 = arith.addi %multiple_of3A_802, %add3A_803 : i32
        %add3A_805 = arith.constant 0 : i32
        %add3A_806 = arith.addi %add3A_804, %add3A_805 : i32
        %get3A_807 = arith.index_cast %add3A_806 : i32 to index
        %get3A_808 = tpu.vector_load %arg8[%get3A_807] {strides = array<i32>} : memref<672xf32, #tpu.memory_space<vmem>>, vector<16xf32>,
        %add3A_809 = arith.constant 0 : i32
        %add3A_810 = arith.addi %multiple_of3A_802, %add3A_809 : i32
        %add3A_811 = arith.constant 16 : i32
        %add3A_812 = arith.addi %add3A_810, %add3A_811 : i32
        %get3A_813 = arith.index_cast %add3A_812 : i32 to index
        %get3A_814 = tpu.vector_load %arg8[%get3A_813] {strides = array<i32>} : memref<672xf32, #tpu.memory_space<vmem>>, vector<16xf32>,
        %slice3A_815 = vector.extract_strided_slice %get3A_64 {offsets = [7], sizes = [1], strides = [1]} : vector<16xi32> to vector<1xi32>
        %squeeze3A_816 = vector.extract %slice3A_815[0] : i32 from vector<1xi32>
        %mul3A_817 = arith.constant 32 : i32
        %mul3A_818 = arith.muli %squeeze3A_816, %mul3A_817 : i32
        %multiple_of3A_819 = tpu.assume_multiple %mul3A_818, 32 : i32
        %add3A_820 = arith.constant 96 : i32
        %add3A_821 = arith.addi %multiple_of3A_819, %add3A_820 : i32
        %add3A_822 = arith.constant 0 : i32
        %add3A_823 = arith.addi %add3A_821, %add3A_822 : i32
        %get3A_824 = arith.index_cast %add3A_823 : i32 to index
        %get3A_825 = tpu.vector_load %arg8[%get3A_824] {strides = array<i32>} : memref<672xf32, #tpu.memory_space<vmem>>, vector<16xf32>,
        %add3A_826 = arith.constant 96 : i32
        %add3A_827 = arith.addi %multiple_of3A_819, %add3A_826 : i32
        %add3A_828 = arith.constant 16 : i32
        %add3A_829 = arith.addi %add3A_827, %add3A_828 : i32
        %get3A_830 = arith.index_cast %add3A_829 : i32 to index
        %get3A_831 = tpu.vector_load %arg8[%get3A_830] {strides = array<i32>} : memref<672xf32, #tpu.memory_space<vmem>>, vector<16xf32>,
        %slice3A_832 = vector.extract_strided_slice %get3A_66 {offsets = [7], sizes = [1], strides = [1]} : vector<16xi32> to vector<1xi32>
        %squeeze3A_833 = vector.extract %slice3A_832[0] : i32 from vector<1xi32>
        %mul3A_834 = arith.constant 32 : i32
        %mul3A_835 = arith.muli %squeeze3A_833, %mul3A_834 : i32
        %multiple_of3A_836 = tpu.assume_multiple %mul3A_835, 32 : i32
        %add3A_837 = arith.constant 224 : i32
        %add3A_838 = arith.addi %multiple_of3A_836, %add3A_837 : i32
        %add3A_839 = arith.constant 0 : i32
        %add3A_840 = arith.addi %add3A_838, %add3A_839 : i32
        %get3A_841 = arith.index_cast %add3A_840 : i32 to index
        %get3A_842 = tpu.vector_load %arg8[%get3A_841] {strides = array<i32>} : memref<672xf32, #tpu.memory_space<vmem>>, vector<16xf32>,
        %add3A_843 = arith.constant 224 : i32
        %add3A_844 = arith.addi %multiple_of3A_836, %add3A_843 : i32
        %add3A_845 = arith.constant 16 : i32
        %add3A_846 = arith.addi %add3A_844, %add3A_845 : i32
        %get3A_847 = arith.index_cast %add3A_846 : i32 to index
        %get3A_848 = tpu.vector_load %arg8[%get3A_847] {strides = array<i32>} : memref<672xf32, #tpu.memory_space<vmem>>, vector<16xf32>,
        %slice3A_849 = vector.extract_strided_slice %get3A_68 {offsets = [7], sizes = [1], strides = [1]} : vector<16xi32> to vector<1xi32>
        %squeeze3A_850 = vector.extract %slice3A_849[0] : i32 from vector<1xi32>
        %mul3A_851 = arith.constant 32 : i32
        %mul3A_852 = arith.muli %squeeze3A_850, %mul3A_851 : i32
        %multiple_of3A_853 = tpu.assume_multiple %mul3A_852, 32 : i32
        %add3A_854 = arith.constant 512 : i32
        %add3A_855 = arith.addi %multiple_of3A_853, %add3A_854 : i32
        %add3A_856 = arith.constant 0 : i32
        %add3A_857 = arith.addi %add3A_855, %add3A_856 : i32
        %get3A_858 = arith.index_cast %add3A_857 : i32 to index
        %get3A_859 = tpu.vector_load %arg8[%get3A_858] {strides = array<i32>} : memref<672xf32, #tpu.memory_space<vmem>>, vector<16xf32>,
        %add3A_860 = arith.constant 512 : i32
        %add3A_861 = arith.addi %multiple_of3A_853, %add3A_860 : i32
        %add3A_862 = arith.constant 16 : i32
        %add3A_863 = arith.addi %add3A_861, %add3A_862 : i32
        %get3A_864 = arith.index_cast %add3A_863 : i32 to index
        %get3A_865 = tpu.vector_load %arg8[%get3A_864] {strides = array<i32>} : memref<672xf32, #tpu.memory_space<vmem>>, vector<16xf32>,
        %add3A_866 = arith.constant 512 : i32
        %add3A_867 = arith.addi %multiple_of3A, %add3A_866 : i32
        %add3A_868 = arith.constant 0 : i32
        %add3A_869 = arith.addi %add3A_867, %add3A_868 : i32
        %add3A_870 = arith.constant 0 : i32
        %add3A_871 = arith.addi %add3A_869, %add3A_870 : i32
        %swap3A_872 = arith.index_cast %add3A_871 : i32 to index
        %swap3A_873 = tpu.vector_load %arg14[%swap3A_872] {strides = array<i32>} : memref<40960xf32, #tpu.memory_space<vmem>>, vector<16xf32>,
        tpu.vector_store %arg14[%swap3A_872], %get3A_476 {strides = array<i32>} : memref<40960xf32, #tpu.memory_space<vmem>>, vector<16xf32>,
        %add3A_874 = arith.constant 512 : i32
        %add3A_875 = arith.addi %multiple_of3A, %add3A_874 : i32
        %add3A_876 = arith.constant 0 : i32
        %add3A_877 = arith.addi %add3A_875, %add3A_876 : i32
        %add3A_878 = arith.constant 16 : i32
        %add3A_879 = arith.addi %add3A_877, %add3A_878 : i32
        %swap3A_880 = arith.index_cast %add3A_879 : i32 to index
        %swap3A_881 = tpu.vector_load %arg14[%swap3A_880] {strides = array<i32>} : memref<40960xf32, #tpu.memory_space<vmem>>, vector<16xf32>,
        tpu.vector_store %arg14[%swap3A_880], %get3A_482 {strides = array<i32>} : memref<40960xf32, #tpu.memory_space<vmem>>, vector<16xf32>,
        %add3A_882 = arith.constant 512 : i32
        %add3A_883 = arith.addi %multiple_of3A, %add3A_882 : i32
        %add3A_884 = arith.constant 32 : i32
        %add3A_885 = arith.addi %add3A_883, %add3A_884 : i32
        %add3A_886 = arith.constant 0 : i32
        %add3A_887 = arith.addi %add3A_885, %add3A_886 : i32
        %swap3A_888 = arith.index_cast %add3A_887 : i32 to index
        %swap3A_889 = tpu.vector_load %arg14[%swap3A_888] {strides = array<i32>} : memref<40960xf32, #tpu.memory_space<vmem>>, vector<16xf32>,
        tpu.vector_store %arg14[%swap3A_888], %get3A_493 {strides = array<i32>} : memref<40960xf32, #tpu.memory_space<vmem>>, vector<16xf32>,
        %add3A_890 = arith.constant 512 : i32
        %add3A_891 = arith.addi %multiple_of3A, %add3A_890 : i32
        %add3A_892 = arith.constant 32 : i32
        %add3A_893 = arith.addi %add3A_891, %add3A_892 : i32
        %add3A_894 = arith.constant 16 : i32
        %add3A_895 = arith.addi %add3A_893, %add3A_894 : i32
        %swap3A_896 = arith.index_cast %add3A_895 : i32 to index
        %swap3A_897 = tpu.vector_load %arg14[%swap3A_896] {strides = array<i32>} : memref<40960xf32, #tpu.memory_space<vmem>>, vector<16xf32>,
        tpu.vector_store %arg14[%swap3A_896], %get3A_499 {strides = array<i32>} : memref<40960xf32, #tpu.memory_space<vmem>>, vector<16xf32>,
        %add3A_898 = arith.constant 512 : i32
        %add3A_899 = arith.addi %multiple_of3A, %add3A_898 : i32
        %add3A_900 = arith.constant 64 : i32
        %add3A_901 = arith.addi %add3A_899, %add3A_900 : i32
        %add3A_902 = arith.constant 0 : i32
        %add3A_903 = arith.addi %add3A_901, %add3A_902 : i32
        %swap3A_904 = arith.index_cast %add3A_903 : i32 to index
        %swap3A_905 = tpu.vector_load %arg14[%swap3A_904] {strides = array<i32>} : memref<40960xf32, #tpu.memory_space<vmem>>, vector<16xf32>,
        tpu.vector_store %arg14[%swap3A_904], %get3A_510 {strides = array<i32>} : memref<40960xf32, #tpu.memory_space<vmem>>, vector<16xf32>,
        %add3A_906 = arith.constant 512 : i32
        %add3A_907 = arith.addi %multiple_of3A, %add3A_906 : i32
        %add3A_908 = arith.constant 64 : i32
        %add3A_909 = arith.addi %add3A_907, %add3A_908 : i32
        %add3A_910 = arith.constant 16 : i32
        %add3A_911 = arith.addi %add3A_909, %add3A_910 : i32
        %swap3A_912 = arith.index_cast %add3A_911 : i32 to index
        %swap3A_913 = tpu.vector_load %arg14[%swap3A_912] {strides = array<i32>} : memref<40960xf32, #tpu.memory_space<vmem>>, vector<16xf32>,
        tpu.vector_store %arg14[%swap3A_912], %get3A_516 {strides = array<i32>} : memref<40960xf32, #tpu.memory_space<vmem>>, vector<16xf32>,
        %add3A_914 = arith.constant 512 : i32
        %add3A_915 = arith.addi %multiple_of3A, %add3A_914 : i32
        %add3A_916 = arith.constant 96 : i32
        %add3A_917 = arith.addi %add3A_915, %add3A_916 : i32
        %add3A_918 = arith.constant 0 : i32
        %add3A_919 = arith.addi %add3A_917, %add3A_918 : i32
        %swap3A_920 = arith.index_cast %add3A_919 : i32 to index
        %swap3A_921 = tpu.vector_load %arg14[%swap3A_920] {strides = array<i32>} : memref<40960xf32, #tpu.memory_space<vmem>>, vector<16xf32>,
        tpu.vector_store %arg14[%swap3A_920], %get3A_527 {strides = array<i32>} : memref<40960xf32, #tpu.memory_space<vmem>>, vector<16xf32>,
        %add3A_922 = arith.constant 512 : i32
        %add3A_923 = arith.addi %multiple_of3A, %add3A_922 : i32
        %add3A_924 = arith.constant 96 : i32
        %add3A_925 = arith.addi %add3A_923, %add3A_924 : i32
        %add3A_926 = arith.constant 16 : i32
        %add3A_927 = arith.addi %add3A_925, %add3A_926 : i32
        %swap3A_928 = arith.index_cast %add3A_927 : i32 to index
        %swap3A_929 = tpu.vector_load %arg14[%swap3A_928] {strides = array<i32>} : memref<40960xf32, #tpu.memory_space<vmem>>, vector<16xf32>,
        tpu.vector_store %arg14[%swap3A_928], %get3A_533 {strides = array<i32>} : memref<40960xf32, #tpu.memory_space<vmem>>, vector<16xf32>,
        %add3A_930 = arith.constant 640 : i32
        %add3A_931 = arith.addi %multiple_of3A, %add3A_930 : i32
        %add3A_932 = arith.constant 0 : i32
        %add3A_933 = arith.addi %add3A_931, %add3A_932 : i32
        %add3A_934 = arith.constant 0 : i32
        %add3A_935 = arith.addi %add3A_933, %add3A_934 : i32
        %swap3A_936 = arith.index_cast %add3A_935 : i32 to index
        %swap3A_937 = tpu.vector_load %arg14[%swap3A_936] {strides = array<i32>} : memref<40960xf32, #tpu.memory_space<vmem>>, vector<16xf32>,
        tpu.vector_store %arg14[%swap3A_936], %get3A_544 {strides = array<i32>} : memref<40960xf32, #tpu.memory_space<vmem>>, vector<16xf32>,
        %add3A_938 = arith.constant 640 : i32
        %add3A_939 = arith.addi %multiple_of3A, %add3A_938 : i32
        %add3A_940 = arith.constant 0 : i32
        %add3A_941 = arith.addi %add3A_939, %add3A_940 : i32
        %add3A_942 = arith.constant 16 : i32
        %add3A_943 = arith.addi %add3A_941, %add3A_942 : i32
        %swap3A_944 = arith.index_cast %add3A_943 : i32 to index
        %swap3A_945 = tpu.vector_load %arg14[%swap3A_944] {strides = array<i32>} : memref<40960xf32, #tpu.memory_space<vmem>>, vector<16xf32>,
        tpu.vector_store %arg14[%swap3A_944], %get3A_550 {strides = array<i32>} : memref<40960xf32, #tpu.memory_space<vmem>>, vector<16xf32>,
        %add3A_946 = arith.constant 640 : i32
        %add3A_947 = arith.addi %multiple_of3A, %add3A_946 : i32
        %add3A_948 = arith.constant 32 : i32
        %add3A_949 = arith.addi %add3A_947, %add3A_948 : i32
        %add3A_950 = arith.constant 0 : i32
        %add3A_951 = arith.addi %add3A_949, %add3A_950 : i32
        %swap3A_952 = arith.index_cast %add3A_951 : i32 to index
        %swap3A_953 = tpu.vector_load %arg14[%swap3A_952] {strides = array<i32>} : memref<40960xf32, #tpu.memory_space<vmem>>, vector<16xf32>,
        tpu.vector_store %arg14[%swap3A_952], %get3A_561 {strides = array<i32>} : memref<40960xf32, #tpu.memory_space<vmem>>, vector<16xf32>,
        %add3A_954 = arith.constant 640 : i32
        %add3A_955 = arith.addi %multiple_of3A, %add3A_954 : i32
        %add3A_956 = arith.constant 32 : i32
        %add3A_957 = arith.addi %add3A_955, %add3A_956 : i32
        %add3A_958 = arith.constant 16 : i32
        %add3A_959 = arith.addi %add3A_957, %add3A_958 : i32
        %swap3A_960 = arith.index_cast %add3A_959 : i32 to index
        %swap3A_961 = tpu.vector_load %arg14[%swap3A_960] {strides = array<i32>} : memref<40960xf32, #tpu.memory_space<vmem>>, vector<16xf32>,
        tpu.vector_store %arg14[%swap3A_960], %get3A_567 {strides = array<i32>} : memref<40960xf32, #tpu.memory_space<vmem>>, vector<16xf32>,
        %add3A_962 = arith.constant 640 : i32
        %add3A_963 = arith.addi %multiple_of3A, %add3A_962 : i32
        %add3A_964 = arith.constant 64 : i32
        %add3A_965 = arith.addi %add3A_963, %add3A_964 : i32
        %add3A_966 = arith.constant 0 : i32
        %add3A_967 = arith.addi %add3A_965, %add3A_966 : i32
        %swap3A_968 = arith.index_cast %add3A_967 : i32 to index
        %swap3A_969 = tpu.vector_load %arg14[%swap3A_968] {strides = array<i32>} : memref<40960xf32, #tpu.memory_space<vmem>>, vector<16xf32>,
        tpu.vector_store %arg14[%swap3A_968], %get3A_578 {strides = array<i32>} : memref<40960xf32, #tpu.memory_space<vmem>>, vector<16xf32>,
        %add3A_970 = arith.constant 640 : i32
        %add3A_971 = arith.addi %multiple_of3A, %add3A_970 : i32
        %add3A_972 = arith.constant 64 : i32
        %add3A_973 = arith.addi %add3A_971, %add3A_972 : i32
        %add3A_974 = arith.constant 16 : i32
        %add3A_975 = arith.addi %add3A_973, %add3A_974 : i32
        %swap3A_976 = arith.index_cast %add3A_975 : i32 to index
        %swap3A_977 = tpu.vector_load %arg14[%swap3A_976] {strides = array<i32>} : memref<40960xf32, #tpu.memory_space<vmem>>, vector<16xf32>,
        tpu.vector_store %arg14[%swap3A_976], %get3A_584 {strides = array<i32>} : memref<40960xf32, #tpu.memory_space<vmem>>, vector<16xf32>,
        %add3A_978 = arith.constant 640 : i32
        %add3A_979 = arith.addi %multiple_of3A, %add3A_978 : i32
        %add3A_980 = arith.constant 96 : i32
        %add3A_981 = arith.addi %add3A_979, %add3A_980 : i32
        %add3A_982 = arith.constant 0 : i32
        %add3A_983 = arith.addi %add3A_981, %add3A_982 : i32
        %swap3A_984 = arith.index_cast %add3A_983 : i32 to index
        %swap3A_985 = tpu.vector_load %arg14[%swap3A_984] {strides = array<i32>} : memref<40960xf32, #tpu.memory_space<vmem>>, vector<16xf32>,
        tpu.vector_store %arg14[%swap3A_984], %get3A_595 {strides = array<i32>} : memref<40960xf32, #tpu.memory_space<vmem>>, vector<16xf32>,
        %add3A_986 = arith.constant 640 : i32
        %add3A_987 = arith.addi %multiple_of3A, %add3A_986 : i32
        %add3A_988 = arith.constant 96 : i32
        %add3A_989 = arith.addi %add3A_987, %add3A_988 : i32
        %add3A_990 = arith.constant 16 : i32
        %add3A_991 = arith.addi %add3A_989, %add3A_990 : i32
        %swap3A_992 = arith.index_cast %add3A_991 : i32 to index
        %swap3A_993 = tpu.vector_load %arg14[%swap3A_992] {strides = array<i32>} : memref<40960xf32, #tpu.memory_space<vmem>>, vector<16xf32>,
        tpu.vector_store %arg14[%swap3A_992], %get3A_601 {strides = array<i32>} : memref<40960xf32, #tpu.memory_space<vmem>>, vector<16xf32>,
        %slice3A_994 = vector.extract_strided_slice %get3A_62 {offsets = [8], sizes = [1], strides = [1]} : vector<16xi32> to vector<1xi32>
        %squeeze3A_995 = vector.extract %slice3A_994[0] : i32 from vector<1xi32>
        %mul3A_996 = arith.constant 32 : i32
        %mul3A_997 = arith.muli %squeeze3A_995, %mul3A_996 : i32
        %multiple_of3A_998 = tpu.assume_multiple %mul3A_997, 32 : i32
        %add3A_999 = arith.constant 0 : i32
        %add3A_1000 = arith.addi %multiple_of3A_998, %add3A_999 : i32
        %add3A_1001 = arith.constant 0 : i32
        %add3A_1002 = arith.addi %add3A_1000, %add3A_1001 : i32
        %get3A_1003 = arith.index_cast %add3A_1002 : i32 to index
        %get3A_1004 = tpu.vector_load %arg8[%get3A_1003] {strides = array<i32>} : memref<672xf32, #tpu.memory_space<vmem>>, vector<16xf32>,
        %add3A_1005 = arith.constant 0 : i32
        %add3A_1006 = arith.addi %multiple_of3A_998, %add3A_1005 : i32
        %add3A_1007 = arith.constant 16 : i32
        %add3A_1008 = arith.addi %add3A_1006, %add3A_1007 : i32
        %get3A_1009 = arith.index_cast %add3A_1008 : i32 to index
        %get3A_1010 = tpu.vector_load %arg8[%get3A_1009] {strides = array<i32>} : memref<672xf32, #tpu.memory_space<vmem>>, vector<16xf32>,
        %slice3A_1011 = vector.extract_strided_slice %get3A_64 {offsets = [8], sizes = [1], strides = [1]} : vector<16xi32> to vector<1xi32>
        %squeeze3A_1012 = vector.extract %slice3A_1011[0] : i32 from vector<1xi32>
        %mul3A_1013 = arith.constant 32 : i32
        %mul3A_1014 = arith.muli %squeeze3A_1012, %mul3A_1013 : i32
        %multiple_of3A_1015 = tpu.assume_multiple %mul3A_1014, 32 : i32
        %add3A_1016 = arith.constant 96 : i32
        %add3A_1017 = arith.addi %multiple_of3A_1015, %add3A_1016 : i32
        %add3A_1018 = arith.constant 0 : i32
        %add3A_1019 = arith.addi %add3A_1017, %add3A_1018 : i32
        %get3A_1020 = arith.index_cast %add3A_1019 : i32 to index
        %get3A_1021 = tpu.vector_load %arg8[%get3A_1020] {strides = array<i32>} : memref<672xf32, #tpu.memory_space<vmem>>, vector<16xf32>,
        %add3A_1022 = arith.constant 96 : i32
        %add3A_1023 = arith.addi %multiple_of3A_1015, %add3A_1022 : i32
        %add3A_1024 = arith.constant 16 : i32
        %add3A_1025 = arith.addi %add3A_1023, %add3A_1024 : i32
        %get3A_1026 = arith.index_cast %add3A_1025 : i32 to index
        %get3A_1027 = tpu.vector_load %arg8[%get3A_1026] {strides = array<i32>} : memref<672xf32, #tpu.memory_space<vmem>>, vector<16xf32>,
        %slice3A_1028 = vector.extract_strided_slice %get3A_66 {offsets = [8], sizes = [1], strides = [1]} : vector<16xi32> to vector<1xi32>
        %squeeze3A_1029 = vector.extract %slice3A_1028[0] : i32 from vector<1xi32>
        %mul3A_1030 = arith.constant 32 : i32
        %mul3A_1031 = arith.muli %squeeze3A_1029, %mul3A_1030 : i32
        %multiple_of3A_1032 = tpu.assume_multiple %mul3A_1031, 32 : i32
        %add3A_1033 = arith.constant 224 : i32
        %add3A_1034 = arith.addi %multiple_of3A_1032, %add3A_1033 : i32
        %add3A_1035 = arith.constant 0 : i32
        %add3A_1036 = arith.addi %add3A_1034, %add3A_1035 : i32
        %get3A_1037 = arith.index_cast %add3A_1036 : i32 to index
        %get3A_1038 = tpu.vector_load %arg8[%get3A_1037] {strides = array<i32>} : memref<672xf32, #tpu.memory_space<vmem>>, vector<16xf32>,
        %add3A_1039 = arith.constant 224 : i32
        %add3A_1040 = arith.addi %multiple_of3A_1032, %add3A_1039 : i32
        %add3A_1041 = arith.constant 16 : i32
        %add3A_1042 = arith.addi %add3A_1040, %add3A_1041 : i32
        %get3A_1043 = arith.index_cast %add3A_1042 : i32 to index
        %get3A_1044 = tpu.vector_load %arg8[%get3A_1043] {strides = array<i32>} : memref<672xf32, #tpu.memory_space<vmem>>, vector<16xf32>,
        %slice3A_1045 = vector.extract_strided_slice %get3A_68 {offsets = [8], sizes = [1], strides = [1]} : vector<16xi32> to vector<1xi32>
        %squeeze3A_1046 = vector.extract %slice3A_1045[0] : i32 from vector<1xi32>
        %mul3A_1047 = arith.constant 32 : i32
        %mul3A_1048 = arith.muli %squeeze3A_1046, %mul3A_1047 : i32
        %multiple_of3A_1049 = tpu.assume_multiple %mul3A_1048, 32 : i32
        %add3A_1050 = arith.constant 512 : i32
        %add3A_1051 = arith.addi %multiple_of3A_1049, %add3A_1050 : i32
        %add3A_1052 = arith.constant 0 : i32
        %add3A_1053 = arith.addi %add3A_1051, %add3A_1052 : i32
        %get3A_1054 = arith.index_cast %add3A_1053 : i32 to index
        %get3A_1055 = tpu.vector_load %arg8[%get3A_1054] {strides = array<i32>} : memref<672xf32, #tpu.memory_space<vmem>>, vector<16xf32>,
        %add3A_1056 = arith.constant 512 : i32
        %add3A_1057 = arith.addi %multiple_of3A_1049, %add3A_1056 : i32
        %add3A_1058 = arith.constant 16 : i32
        %add3A_1059 = arith.addi %add3A_1057, %add3A_1058 : i32
        %get3A_1060 = arith.index_cast %add3A_1059 : i32 to index
        %get3A_1061 = tpu.vector_load %arg8[%get3A_1060] {strides = array<i32>} : memref<672xf32, #tpu.memory_space<vmem>>, vector<16xf32>,
        %slice3A_1062 = vector.extract_strided_slice %get3A_62 {offsets = [9], sizes = [1], strides = [1]} : vector<16xi32> to vector<1xi32>
        %squeeze3A_1063 = vector.extract %slice3A_1062[0] : i32 from vector<1xi32>
        %mul3A_1064 = arith.constant 32 : i32
        %mul3A_1065 = arith.muli %squeeze3A_1063, %mul3A_1064 : i32
        %multiple_of3A_1066 = tpu.assume_multiple %mul3A_1065, 32 : i32
        %add3A_1067 = arith.constant 0 : i32
        %add3A_1068 = arith.addi %multiple_of3A_1066, %add3A_1067 : i32
        %add3A_1069 = arith.constant 0 : i32
        %add3A_1070 = arith.addi %add3A_1068, %add3A_1069 : i32
        %get3A_1071 = arith.index_cast %add3A_1070 : i32 to index
        %get3A_1072 = tpu.vector_load %arg8[%get3A_1071] {strides = array<i32>} : memref<672xf32, #tpu.memory_space<vmem>>, vector<16xf32>,
        %add3A_1073 = arith.constant 0 : i32
        %add3A_1074 = arith.addi %multiple_of3A_1066, %add3A_1073 : i32
        %add3A_1075 = arith.constant 16 : i32
        %add3A_1076 = arith.addi %add3A_1074, %add3A_1075 : i32
        %get3A_1077 = arith.index_cast %add3A_1076 : i32 to index
        %get3A_1078 = tpu.vector_load %arg8[%get3A_1077] {strides = array<i32>} : memref<672xf32, #tpu.memory_space<vmem>>, vector<16xf32>,
        %slice3A_1079 = vector.extract_strided_slice %get3A_64 {offsets = [9], sizes = [1], strides = [1]} : vector<16xi32> to vector<1xi32>
        %squeeze3A_1080 = vector.extract %slice3A_1079[0] : i32 from vector<1xi32>
        %mul3A_1081 = arith.constant 32 : i32
        %mul3A_1082 = arith.muli %squeeze3A_1080, %mul3A_1081 : i32
        %multiple_of3A_1083 = tpu.assume_multiple %mul3A_1082, 32 : i32
        %add3A_1084 = arith.constant 96 : i32
        %add3A_1085 = arith.addi %multiple_of3A_1083, %add3A_1084 : i32
        %add3A_1086 = arith.constant 0 : i32
        %add3A_1087 = arith.addi %add3A_1085, %add3A_1086 : i32
        %get3A_1088 = arith.index_cast %add3A_1087 : i32 to index
        %get3A_1089 = tpu.vector_load %arg8[%get3A_1088] {strides = array<i32>} : memref<672xf32, #tpu.memory_space<vmem>>, vector<16xf32>,
        %add3A_1090 = arith.constant 96 : i32
        %add3A_1091 = arith.addi %multiple_of3A_1083, %add3A_1090 : i32
        %add3A_1092 = arith.constant 16 : i32
        %add3A_1093 = arith.addi %add3A_1091, %add3A_1092 : i32
        %get3A_1094 = arith.index_cast %add3A_1093 : i32 to index
        %get3A_1095 = tpu.vector_load %arg8[%get3A_1094] {strides = array<i32>} : memref<672xf32, #tpu.memory_space<vmem>>, vector<16xf32>,
        %slice3A_1096 = vector.extract_strided_slice %get3A_66 {offsets = [9], sizes = [1], strides = [1]} : vector<16xi32> to vector<1xi32>
        %squeeze3A_1097 = vector.extract %slice3A_1096[0] : i32 from vector<1xi32>
        %mul3A_1098 = arith.constant 32 : i32
        %mul3A_1099 = arith.muli %squeeze3A_1097, %mul3A_1098 : i32
        %multiple_of3A_1100 = tpu.assume_multiple %mul3A_1099, 32 : i32
        %add3A_1101 = arith.constant 224 : i32
        %add3A_1102 = arith.addi %multiple_of3A_1100, %add3A_1101 : i32
        %add3A_1103 = arith.constant 0 : i32
        %add3A_1104 = arith.addi %add3A_1102, %add3A_1103 : i32
        %get3A_1105 = arith.index_cast %add3A_1104 : i32 to index
        %get3A_1106 = tpu.vector_load %arg8[%get3A_1105] {strides = array<i32>} : memref<672xf32, #tpu.memory_space<vmem>>, vector<16xf32>,
        %add3A_1107 = arith.constant 224 : i32
        %add3A_1108 = arith.addi %multiple_of3A_1100, %add3A_1107 : i32
        %add3A_1109 = arith.constant 16 : i32
        %add3A_1110 = arith.addi %add3A_1108, %add3A_1109 : i32
        %get3A_1111 = arith.index_cast %add3A_1110 : i32 to index
        %get3A_1112 = tpu.vector_load %arg8[%get3A_1111] {strides = array<i32>} : memref<672xf32, #tpu.memory_space<vmem>>, vector<16xf32>,
        %slice3A_1113 = vector.extract_strided_slice %get3A_68 {offsets = [9], sizes = [1], strides = [1]} : vector<16xi32> to vector<1xi32>
        %squeeze3A_1114 = vector.extract %slice3A_1113[0] : i32 from vector<1xi32>
        %mul3A_1115 = arith.constant 32 : i32
        %mul3A_1116 = arith.muli %squeeze3A_1114, %mul3A_1115 : i32
        %multiple_of3A_1117 = tpu.assume_multiple %mul3A_1116, 32 : i32
        %add3A_1118 = arith.constant 512 : i32
        %add3A_1119 = arith.addi %multiple_of3A_1117, %add3A_1118 : i32
        %add3A_1120 = arith.constant 0 : i32
        %add3A_1121 = arith.addi %add3A_1119, %add3A_1120 : i32
        %get3A_1122 = arith.index_cast %add3A_1121 : i32 to index
        %get3A_1123 = tpu.vector_load %arg8[%get3A_1122] {strides = array<i32>} : memref<672xf32, #tpu.memory_space<vmem>>, vector<16xf32>,
        %add3A_1124 = arith.constant 512 : i32
        %add3A_1125 = arith.addi %multiple_of3A_1117, %add3A_1124 : i32
        %add3A_1126 = arith.constant 16 : i32
        %add3A_1127 = arith.addi %add3A_1125, %add3A_1126 : i32
        %get3A_1128 = arith.index_cast %add3A_1127 : i32 to index
        %get3A_1129 = tpu.vector_load %arg8[%get3A_1128] {strides = array<i32>} : memref<672xf32, #tpu.memory_space<vmem>>, vector<16xf32>,
        %add3A_1130 = arith.constant 768 : i32
        %add3A_1131 = arith.addi %multiple_of3A, %add3A_1130 : i32
        %add3A_1132 = arith.constant 0 : i32
        %add3A_1133 = arith.addi %add3A_1131, %add3A_1132 : i32
        %add3A_1134 = arith.constant 0 : i32
        %add3A_1135 = arith.addi %add3A_1133, %add3A_1134 : i32
        %swap3A_1136 = arith.index_cast %add3A_1135 : i32 to index
        %swap3A_1137 = tpu.vector_load %arg14[%swap3A_1136] {strides = array<i32>} : memref<40960xf32, #tpu.memory_space<vmem>>, vector<16xf32>,
        tpu.vector_store %arg14[%swap3A_1136], %get3A_740 {strides = array<i32>} : memref<40960xf32, #tpu.memory_space<vmem>>, vector<16xf32>,
        %add3A_1138 = arith.constant 768 : i32
        %add3A_1139 = arith.addi %multiple_of3A, %add3A_1138 : i32
        %add3A_1140 = arith.constant 0 : i32
        %add3A_1141 = arith.addi %add3A_1139, %add3A_1140 : i32
        %add3A_1142 = arith.constant 16 : i32
        %add3A_1143 = arith.addi %add3A_1141, %add3A_1142 : i32
        %swap3A_1144 = arith.index_cast %add3A_1143 : i32 to index
        %swap3A_1145 = tpu.vector_load %arg14[%swap3A_1144] {strides = array<i32>} : memref<40960xf32, #tpu.memory_space<vmem>>, vector<16xf32>,
        tpu.vector_store %arg14[%swap3A_1144], %get3A_746 {strides = array<i32>} : memref<40960xf32, #tpu.memory_space<vmem>>, vector<16xf32>,
        %add3A_1146 = arith.constant 768 : i32
        %add3A_1147 = arith.addi %multiple_of3A, %add3A_1146 : i32
        %add3A_1148 = arith.constant 32 : i32
        %add3A_1149 = arith.addi %add3A_1147, %add3A_1148 : i32
        %add3A_1150 = arith.constant 0 : i32
        %add3A_1151 = arith.addi %add3A_1149, %add3A_1150 : i32
        %swap3A_1152 = arith.index_cast %add3A_1151 : i32 to index
        %swap3A_1153 = tpu.vector_load %arg14[%swap3A_1152] {strides = array<i32>} : memref<40960xf32, #tpu.memory_space<vmem>>, vector<16xf32>,
        tpu.vector_store %arg14[%swap3A_1152], %get3A_757 {strides = array<i32>} : memref<40960xf32, #tpu.memory_space<vmem>>, vector<16xf32>,
        %add3A_1154 = arith.constant 768 : i32
        %add3A_1155 = arith.addi %multiple_of3A, %add3A_1154 : i32
        %add3A_1156 = arith.constant 32 : i32
        %add3A_1157 = arith.addi %add3A_1155, %add3A_1156 : i32
        %add3A_1158 = arith.constant 16 : i32
        %add3A_1159 = arith.addi %add3A_1157, %add3A_1158 : i32
        %swap3A_1160 = arith.index_cast %add3A_1159 : i32 to index
        %swap3A_1161 = tpu.vector_load %arg14[%swap3A_1160] {strides = array<i32>} : memref<40960xf32, #tpu.memory_space<vmem>>, vector<16xf32>,
        tpu.vector_store %arg14[%swap3A_1160], %get3A_763 {strides = array<i32>} : memref<40960xf32, #tpu.memory_space<vmem>>, vector<16xf32>,
        %add3A_1162 = arith.constant 768 : i32
        %add3A_1163 = arith.addi %multiple_of3A, %add3A_1162 : i32
        %add3A_1164 = arith.constant 64 : i32
        %add3A_1165 = arith.addi %add3A_1163, %add3A_1164 : i32
        %add3A_1166 = arith.constant 0 : i32
        %add3A_1167 = arith.addi %add3A_1165, %add3A_1166 : i32
        %swap3A_1168 = arith.index_cast %add3A_1167 : i32 to index
        %swap3A_1169 = tpu.vector_load %arg14[%swap3A_1168] {strides = array<i32>} : memref<40960xf32, #tpu.memory_space<vmem>>, vector<16xf32>,
        tpu.vector_store %arg14[%swap3A_1168], %get3A_774 {strides = array<i32>} : memref<40960xf32, #tpu.memory_space<vmem>>, vector<16xf32>,
        %add3A_1170 = arith.constant 768 : i32
        %add3A_1171 = arith.addi %multiple_of3A, %add3A_1170 : i32
        %add3A_1172 = arith.constant 64 : i32
        %add3A_1173 = arith.addi %add3A_1171, %add3A_1172 : i32
        %add3A_1174 = arith.constant 16 : i32
        %add3A_1175 = arith.addi %add3A_1173, %add3A_1174 : i32
        %swap3A_1176 = arith.index_cast %add3A_1175 : i32 to index
        %swap3A_1177 = tpu.vector_load %arg14[%swap3A_1176] {strides = array<i32>} : memref<40960xf32, #tpu.memory_space<vmem>>, vector<16xf32>,
        tpu.vector_store %arg14[%swap3A_1176], %get3A_780 {strides = array<i32>} : memref<40960xf32, #tpu.memory_space<vmem>>, vector<16xf32>,
        %add3A_1178 = arith.constant 768 : i32
        %add3A_1179 = arith.addi %multiple_of3A, %add3A_1178 : i32
        %add3A_1180 = arith.constant 96 : i32
        %add3A_1181 = arith.addi %add3A_1179, %add3A_1180 : i32
        %add3A_1182 = arith.constant 0 : i32
        %add3A_1183 = arith.addi %add3A_1181, %add3A_1182 : i32
        %swap3A_1184 = arith.index_cast %add3A_1183 : i32 to index
        %swap3A_1185 = tpu.vector_load %arg14[%swap3A_1184] {strides = array<i32>} : memref<40960xf32, #tpu.memory_space<vmem>>, vector<16xf32>,
        tpu.vector_store %arg14[%swap3A_1184], %get3A_791 {strides = array<i32>} : memref<40960xf32, #tpu.memory_space<vmem>>, vector<16xf32>,
        %add3A_1186 = arith.constant 768 : i32
        %add3A_1187 = arith.addi %multiple_of3A, %add3A_1186 : i32
        %add3A_1188 = arith.constant 96 : i32
        %add3A_1189 = arith.addi %add3A_1187, %add3A_1188 : i32
        %add3A_1190 = arith.constant 16 : i32
        %add3A_1191 = arith.addi %add3A_1189, %add3A_1190 : i32
        %swap3A_1192 = arith.index_cast %add3A_1191 : i32 to index
        %swap3A_1193 = tpu.vector_load %arg14[%swap3A_1192] {strides = array<i32>} : memref<40960xf32, #tpu.memory_space<vmem>>, vector<16xf32>,
        tpu.vector_store %arg14[%swap3A_1192], %get3A_797 {strides = array<i32>} : memref<40960xf32, #tpu.memory_space<vmem>>, vector<16xf32>,
        %add3A_1194 = arith.constant 896 : i32
        %add3A_1195 = arith.addi %multiple_of3A, %add3A_1194 : i32
        %add3A_1196 = arith.constant 0 : i32
        %add3A_1197 = arith.addi %add3A_1195, %add3A_1196 : i32
        %add3A_1198 = arith.constant 0 : i32
        %add3A_1199 = arith.addi %add3A_1197, %add3A_1198 : i32
        %swap3A_1200 = arith.index_cast %add3A_1199 : i32 to index
        %swap3A_1201 = tpu.vector_load %arg14[%swap3A_1200] {strides = array<i32>} : memref<40960xf32, #tpu.memory_space<vmem>>, vector<16xf32>,
        tpu.vector_store %arg14[%swap3A_1200], %get3A_808 {strides = array<i32>} : memref<40960xf32, #tpu.memory_space<vmem>>, vector<16xf32>,
        %add3A_1202 = arith.constant 896 : i32
        %add3A_1203 = arith.addi %multiple_of3A, %add3A_1202 : i32
        %add3A_1204 = arith.constant 0 : i32
        %add3A_1205 = arith.addi %add3A_1203, %add3A_1204 : i32
        %add3A_1206 = arith.constant 16 : i32
        %add3A_1207 = arith.addi %add3A_1205, %add3A_1206 : i32
        %swap3A_1208 = arith.index_cast %add3A_1207 : i32 to index
        %swap3A_1209 = tpu.vector_load %arg14[%swap3A_1208] {strides = array<i32>} : memref<40960xf32, #tpu.memory_space<vmem>>, vector<16xf32>,
        tpu.vector_store %arg14[%swap3A_1208], %get3A_814 {strides = array<i32>} : memref<40960xf32, #tpu.memory_space<vmem>>, vector<16xf32>,
        %add3A_1210 = arith.constant 896 : i32
        %add3A_1211 = arith.addi %multiple_of3A, %add3A_1210 : i32
        %add3A_1212 = arith.constant 32 : i32
        %add3A_1213 = arith.addi %add3A_1211, %add3A_1212 : i32
        %add3A_1214 = arith.constant 0 : i32
        %add3A_1215 = arith.addi %add3A_1213, %add3A_1214 : i32
        %swap3A_1216 = arith.index_cast %add3A_1215 : i32 to index
        %swap3A_1217 = tpu.vector_load %arg14[%swap3A_1216] {strides = array<i32>} : memref<40960xf32, #tpu.memory_space<vmem>>, vector<16xf32>,
        tpu.vector_store %arg14[%swap3A_1216], %get3A_825 {strides = array<i32>} : memref<40960xf32, #tpu.memory_space<vmem>>, vector<16xf32>,
        %add3A_1218 = arith.constant 896 : i32
        %add3A_1219 = arith.addi %multiple_of3A, %add3A_1218 : i32
        %add3A_1220 = arith.constant 32 : i32
        %add3A_1221 = arith.addi %add3A_1219, %add3A_1220 : i32
        %add3A_1222 = arith.constant 16 : i32
        %add3A_1223 = arith.addi %add3A_1221, %add3A_1222 : i32
        %swap3A_1224 = arith.index_cast %add3A_1223 : i32 to index
        %swap3A_1225 = tpu.vector_load %arg14[%swap3A_1224] {strides = array<i32>} : memref<40960xf32, #tpu.memory_space<vmem>>, vector<16xf32>,
        tpu.vector_store %arg14[%swap3A_1224], %get3A_831 {strides = array<i32>} : memref<40960xf32, #tpu.memory_space<vmem>>, vector<16xf32>,
        %add3A_1226 = arith.constant 896 : i32
        %add3A_1227 = arith.addi %multiple_of3A, %add3A_1226 : i32
        %add3A_1228 = arith.constant 64 : i32
        %add3A_1229 = arith.addi %add3A_1227, %add3A_1228 : i32
        %add3A_1230 = arith.constant 0 : i32
        %add3A_1231 = arith.addi %add3A_1229, %add3A_1230 : i32
        %swap3A_1232 = arith.index_cast %add3A_1231 : i32 to index
        %swap3A_1233 = tpu.vector_load %arg14[%swap3A_1232] {strides = array<i32>} : memref<40960xf32, #tpu.memory_space<vmem>>, vector<16xf32>,
        tpu.vector_store %arg14[%swap3A_1232], %get3A_842 {strides = array<i32>} : memref<40960xf32, #tpu.memory_space<vmem>>, vector<16xf32>,
        %add3A_1234 = arith.constant 896 : i32
        %add3A_1235 = arith.addi %multiple_of3A, %add3A_1234 : i32
        %add3A_1236 = arith.constant 64 : i32
        %add3A_1237 = arith.addi %add3A_1235, %add3A_1236 : i32
        %add3A_1238 = arith.constant 16 : i32
        %add3A_1239 = arith.addi %add3A_1237, %add3A_1238 : i32
        %swap3A_1240 = arith.index_cast %add3A_1239 : i32 to index
        %swap3A_1241 = tpu.vector_load %arg14[%swap3A_1240] {strides = array<i32>} : memref<40960xf32, #tpu.memory_space<vmem>>, vector<16xf32>,
        tpu.vector_store %arg14[%swap3A_1240], %get3A_848 {strides = array<i32>} : memref<40960xf32, #tpu.memory_space<vmem>>, vector<16xf32>,
        %add3A_1242 = arith.constant 896 : i32
        %add3A_1243 = arith.addi %multiple_of3A, %add3A_1242 : i32
        %add3A_1244 = arith.constant 96 : i32
        %add3A_1245 = arith.addi %add3A_1243, %add3A_1244 : i32
        %add3A_1246 = arith.constant 0 : i32
        %add3A_1247 = arith.addi %add3A_1245, %add3A_1246 : i32
        %swap3A_1248 = arith.index_cast %add3A_1247 : i32 to index
        %swap3A_1249 = tpu.vector_load %arg14[%swap3A_1248] {strides = array<i32>} : memref<40960xf32, #tpu.memory_space<vmem>>, vector<16xf32>,
        tpu.vector_store %arg14[%swap3A_1248], %get3A_859 {strides = array<i32>} : memref<40960xf32, #tpu.memory_space<vmem>>, vector<16xf32>,
        %add3A_1250 = arith.constant 896 : i32
        %add3A_1251 = arith.addi %multiple_of3A, %add3A_1250 : i32
        %add3A_1252 = arith.constant 96 : i32
        %add3A_1253 = arith.addi %add3A_1251, %add3A_1252 : i32
        %add3A_1254 = arith.constant 16 : i32
        %add3A_1255 = arith.addi %add3A_1253, %add3A_1254 : i32
        %swap3A_1256 = arith.index_cast %add3A_1255 : i32 to index
        %swap3A_1257 = tpu.vector_load %arg14[%swap3A_1256] {strides = array<i32>} : memref<40960xf32, #tpu.memory_space<vmem>>, vector<16xf32>,
        tpu.vector_store %arg14[%swap3A_1256], %get3A_865 {strides = array<i32>} : memref<40960xf32, #tpu.memory_space<vmem>>, vector<16xf32>,
        %slice3A_1258 = vector.extract_strided_slice %get3A_62 {offsets = [10], sizes = [1], strides = [1]} : vector<16xi32> to vector<1xi32>
        %squeeze3A_1259 = vector.extract %slice3A_1258[0] : i32 from vector<1xi32>
        %mul3A_1260 = arith.constant 32 : i32
        %mul3A_1261 = arith.muli %squeeze3A_1259, %mul3A_1260 : i32
        %multiple_of3A_1262 = tpu.assume_multiple %mul3A_1261, 32 : i32
        %add3A_1263 = arith.constant 0 : i32
        %add3A_1264 = arith.addi %multiple_of3A_1262, %add3A_1263 : i32
        %add3A_1265 = arith.constant 0 : i32
        %add3A_1266 = arith.addi %add3A_1264, %add3A_1265 : i32
        %get3A_1267 = arith.index_cast %add3A_1266 : i32 to index
        %get3A_1268 = tpu.vector_load %arg8[%get3A_1267] {strides = array<i32>} : memref<672xf32, #tpu.memory_space<vmem>>, vector<16xf32>,
        %add3A_1269 = arith.constant 0 : i32
        %add3A_1270 = arith.addi %multiple_of3A_1262, %add3A_1269 : i32
        %add3A_1271 = arith.constant 16 : i32
        %add3A_1272 = arith.addi %add3A_1270, %add3A_1271 : i32
        %get3A_1273 = arith.index_cast %add3A_1272 : i32 to index
        %get3A_1274 = tpu.vector_load %arg8[%get3A_1273] {strides = array<i32>} : memref<672xf32, #tpu.memory_space<vmem>>, vector<16xf32>,
        %slice3A_1275 = vector.extract_strided_slice %get3A_64 {offsets = [10], sizes = [1], strides = [1]} : vector<16xi32> to vector<1xi32>
        %squeeze3A_1276 = vector.extract %slice3A_1275[0] : i32 from vector<1xi32>
        %mul3A_1277 = arith.constant 32 : i32
        %mul3A_1278 = arith.muli %squeeze3A_1276, %mul3A_1277 : i32
        %multiple_of3A_1279 = tpu.assume_multiple %mul3A_1278, 32 : i32
        %add3A_1280 = arith.constant 96 : i32
        %add3A_1281 = arith.addi %multiple_of3A_1279, %add3A_1280 : i32
        %add3A_1282 = arith.constant 0 : i32
        %add3A_1283 = arith.addi %add3A_1281, %add3A_1282 : i32
        %get3A_1284 = arith.index_cast %add3A_1283 : i32 to index
        %get3A_1285 = tpu.vector_load %arg8[%get3A_1284] {strides = array<i32>} : memref<672xf32, #tpu.memory_space<vmem>>, vector<16xf32>,
        %add3A_1286 = arith.constant 96 : i32
        %add3A_1287 = arith.addi %multiple_of3A_1279, %add3A_1286 : i32
        %add3A_1288 = arith.constant 16 : i32
        %add3A_1289 = arith.addi %add3A_1287, %add3A_1288 : i32
        %get3A_1290 = arith.index_cast %add3A_1289 : i32 to index
        %get3A_1291 = tpu.vector_load %arg8[%get3A_1290] {strides = array<i32>} : memref<672xf32, #tpu.memory_space<vmem>>, vector<16xf32>,
        %slice3A_1292 = vector.extract_strided_slice %get3A_66 {offsets = [10], sizes = [1], strides = [1]} : vector<16xi32> to vector<1xi32>
        %squeeze3A_1293 = vector.extract %slice3A_1292[0] : i32 from vector<1xi32>
        %mul3A_1294 = arith.constant 32 : i32
        %mul3A_1295 = arith.muli %squeeze3A_1293, %mul3A_1294 : i32
        %multiple_of3A_1296 = tpu.assume_multiple %mul3A_1295, 32 : i32
        %add3A_1297 = arith.constant 224 : i32
        %add3A_1298 = arith.addi %multiple_of3A_1296, %add3A_1297 : i32
        %add3A_1299 = arith.constant 0 : i32
        %add3A_1300 = arith.addi %add3A_1298, %add3A_1299 : i32
        %get3A_1301 = arith.index_cast %add3A_1300 : i32 to index
        %get3A_1302 = tpu.vector_load %arg8[%get3A_1301] {strides = array<i32>} : memref<672xf32, #tpu.memory_space<vmem>>, vector<16xf32>,
        %add3A_1303 = arith.constant 224 : i32
        %add3A_1304 = arith.addi %multiple_of3A_1296, %add3A_1303 : i32
        %add3A_1305 = arith.constant 16 : i32
        %add3A_1306 = arith.addi %add3A_1304, %add3A_1305 : i32
        %get3A_1307 = arith.index_cast %add3A_1306 : i32 to index
        %get3A_1308 = tpu.vector_load %arg8[%get3A_1307] {strides = array<i32>} : memref<672xf32, #tpu.memory_space<vmem>>, vector<16xf32>,
        %slice3A_1309 = vector.extract_strided_slice %get3A_68 {offsets = [10], sizes = [1], strides = [1]} : vector<16xi32> to vector<1xi32>
        %squeeze3A_1310 = vector.extract %slice3A_1309[0] : i32 from vector<1xi32>
        %mul3A_1311 = arith.constant 32 : i32
        %mul3A_1312 = arith.muli %squeeze3A_1310, %mul3A_1311 : i32
        %multiple_of3A_1313 = tpu.assume_multiple %mul3A_1312, 32 : i32
        %add3A_1314 = arith.constant 512 : i32
        %add3A_1315 = arith.addi %multiple_of3A_1313, %add3A_1314 : i32
        %add3A_1316 = arith.constant 0 : i32
        %add3A_1317 = arith.addi %add3A_1315, %add3A_1316 : i32
        %get3A_1318 = arith.index_cast %add3A_1317 : i32 to index
        %get3A_1319 = tpu.vector_load %arg8[%get3A_1318] {strides = array<i32>} : memref<672xf32, #tpu.memory_space<vmem>>, vector<16xf32>,
        %add3A_1320 = arith.constant 512 : i32
        %add3A_1321 = arith.addi %multiple_of3A_1313, %add3A_1320 : i32
        %add3A_1322 = arith.constant 16 : i32
        %add3A_1323 = arith.addi %add3A_1321, %add3A_1322 : i32
        %get3A_1324 = arith.index_cast %add3A_1323 : i32 to index
        %get3A_1325 = tpu.vector_load %arg8[%get3A_1324] {strides = array<i32>} : memref<672xf32, #tpu.memory_space<vmem>>, vector<16xf32>,
        %slice3A_1326 = vector.extract_strided_slice %get3A_62 {offsets = [11], sizes = [1], strides = [1]} : vector<16xi32> to vector<1xi32>
        %squeeze3A_1327 = vector.extract %slice3A_1326[0] : i32 from vector<1xi32>
        %mul3A_1328 = arith.constant 32 : i32
        %mul3A_1329 = arith.muli %squeeze3A_1327, %mul3A_1328 : i32
        %multiple_of3A_1330 = tpu.assume_multiple %mul3A_1329, 32 : i32
        %add3A_1331 = arith.constant 0 : i32
        %add3A_1332 = arith.addi %multiple_of3A_1330, %add3A_1331 : i32
        %add3A_1333 = arith.constant 0 : i32
        %add3A_1334 = arith.addi %add3A_1332, %add3A_1333 : i32
        %get3A_1335 = arith.index_cast %add3A_1334 : i32 to index
        %get3A_1336 = tpu.vector_load %arg8[%get3A_1335] {strides = array<i32>} : memref<672xf32, #tpu.memory_space<vmem>>, vector<16xf32>,
        %add3A_1337 = arith.constant 0 : i32
        %add3A_1338 = arith.addi %multiple_of3A_1330, %add3A_1337 : i32
        %add3A_1339 = arith.constant 16 : i32
        %add3A_1340 = arith.addi %add3A_1338, %add3A_1339 : i32
        %get3A_1341 = arith.index_cast %add3A_1340 : i32 to index
        %get3A_1342 = tpu.vector_load %arg8[%get3A_1341] {strides = array<i32>} : memref<672xf32, #tpu.memory_space<vmem>>, vector<16xf32>,
        %slice3A_1343 = vector.extract_strided_slice %get3A_64 {offsets = [11], sizes = [1], strides = [1]} : vector<16xi32> to vector<1xi32>
        %squeeze3A_1344 = vector.extract %slice3A_1343[0] : i32 from vector<1xi32>
        %mul3A_1345 = arith.constant 32 : i32
        %mul3A_1346 = arith.muli %squeeze3A_1344, %mul3A_1345 : i32
        %multiple_of3A_1347 = tpu.assume_multiple %mul3A_1346, 32 : i32
        %add3A_1348 = arith.constant 96 : i32
        %add3A_1349 = arith.addi %multiple_of3A_1347, %add3A_1348 : i32
        %add3A_1350 = arith.constant 0 : i32
        %add3A_1351 = arith.addi %add3A_1349, %add3A_1350 : i32
        %get3A_1352 = arith.index_cast %add3A_1351 : i32 to index
        %get3A_1353 = tpu.vector_load %arg8[%get3A_1352] {strides = array<i32>} : memref<672xf32, #tpu.memory_space<vmem>>, vector<16xf32>,
        %add3A_1354 = arith.constant 96 : i32
        %add3A_1355 = arith.addi %multiple_of3A_1347, %add3A_1354 : i32
        %add3A_1356 = arith.constant 16 : i32
        %add3A_1357 = arith.addi %add3A_1355, %add3A_1356 : i32
        %get3A_1358 = arith.index_cast %add3A_1357 : i32 to index
        %get3A_1359 = tpu.vector_load %arg8[%get3A_1358] {strides = array<i32>} : memref<672xf32, #tpu.memory_space<vmem>>, vector<16xf32>,
        %slice3A_1360 = vector.extract_strided_slice %get3A_66 {offsets = [11], sizes = [1], strides = [1]} : vector<16xi32> to vector<1xi32>
        %squeeze3A_1361 = vector.extract %slice3A_1360[0] : i32 from vector<1xi32>
        %mul3A_1362 = arith.constant 32 : i32
        %mul3A_1363 = arith.muli %squeeze3A_1361, %mul3A_1362 : i32
        %multiple_of3A_1364 = tpu.assume_multiple %mul3A_1363, 32 : i32
        %add3A_1365 = arith.constant 224 : i32
        %add3A_1366 = arith.addi %multiple_of3A_1364, %add3A_1365 : i32
        %add3A_1367 = arith.constant 0 : i32
        %add3A_1368 = arith.addi %add3A_1366, %add3A_1367 : i32
        %get3A_1369 = arith.index_cast %add3A_1368 : i32 to index
        %get3A_1370 = tpu.vector_load %arg8[%get3A_1369] {strides = array<i32>} : memref<672xf32, #tpu.memory_space<vmem>>, vector<16xf32>,
        %add3A_1371 = arith.constant 224 : i32
        %add3A_1372 = arith.addi %multiple_of3A_1364, %add3A_1371 : i32
        %add3A_1373 = arith.constant 16 : i32
        %add3A_1374 = arith.addi %add3A_1372, %add3A_1373 : i32
        %get3A_1375 = arith.index_cast %add3A_1374 : i32 to index
        %get3A_1376 = tpu.vector_load %arg8[%get3A_1375] {strides = array<i32>} : memref<672xf32, #tpu.memory_space<vmem>>, vector<16xf32>,
        %slice3A_1377 = vector.extract_strided_slice %get3A_68 {offsets = [11], sizes = [1], strides = [1]} : vector<16xi32> to vector<1xi32>
        %squeeze3A_1378 = vector.extract %slice3A_1377[0] : i32 from vector<1xi32>
        %mul3A_1379 = arith.constant 32 : i32
        %mul3A_1380 = arith.muli %squeeze3A_1378, %mul3A_1379 : i32
        %multiple_of3A_1381 = tpu.assume_multiple %mul3A_1380, 32 : i32
        %add3A_1382 = arith.constant 512 : i32
        %add3A_1383 = arith.addi %multiple_of3A_1381, %add3A_1382 : i32
        %add3A_1384 = arith.constant 0 : i32
        %add3A_1385 = arith.addi %add3A_1383, %add3A_1384 : i32
        %get3A_1386 = arith.index_cast %add3A_1385 : i32 to index
        %get3A_1387 = tpu.vector_load %arg8[%get3A_1386] {strides = array<i32>} : memref<672xf32, #tpu.memory_space<vmem>>, vector<16xf32>,
        %add3A_1388 = arith.constant 512 : i32
        %add3A_1389 = arith.addi %multiple_of3A_1381, %add3A_1388 : i32
        %add3A_1390 = arith.constant 16 : i32
        %add3A_1391 = arith.addi %add3A_1389, %add3A_1390 : i32
        %get3A_1392 = arith.index_cast %add3A_1391 : i32 to index
        %get3A_1393 = tpu.vector_load %arg8[%get3A_1392] {strides = array<i32>} : memref<672xf32, #tpu.memory_space<vmem>>, vector<16xf32>,
        %add3A_1394 = arith.constant 1024 : i32
        %add3A_1395 = arith.addi %multiple_of3A, %add3A_1394 : i32
        %add3A_1396 = arith.constant 0 : i32
        %add3A_1397 = arith.addi %add3A_1395, %add3A_1396 : i32
        %add3A_1398 = arith.constant 0 : i32
        %add3A_1399 = arith.addi %add3A_1397, %add3A_1398 : i32
        %swap3A_1400 = arith.index_cast %add3A_1399 : i32 to index
        %swap3A_1401 = tpu.vector_load %arg14[%swap3A_1400] {strides = array<i32>} : memref<40960xf32, #tpu.memory_space<vmem>>, vector<16xf32>,
        tpu.vector_store %arg14[%swap3A_1400], %get3A_1004 {strides = array<i32>} : memref<40960xf32, #tpu.memory_space<vmem>>, vector<16xf32>,
        %add3A_1402 = arith.constant 1024 : i32
        %add3A_1403 = arith.addi %multiple_of3A, %add3A_1402 : i32
        %add3A_1404 = arith.constant 0 : i32
        %add3A_1405 = arith.addi %add3A_1403, %add3A_1404 : i32
        %add3A_1406 = arith.constant 16 : i32
        %add3A_1407 = arith.addi %add3A_1405, %add3A_1406 : i32
        %swap3A_1408 = arith.index_cast %add3A_1407 : i32 to index
        %swap3A_1409 = tpu.vector_load %arg14[%swap3A_1408] {strides = array<i32>} : memref<40960xf32, #tpu.memory_space<vmem>>, vector<16xf32>,
        tpu.vector_store %arg14[%swap3A_1408], %get3A_1010 {strides = array<i32>} : memref<40960xf32, #tpu.memory_space<vmem>>, vector<16xf32>,
        %add3A_1410 = arith.constant 1024 : i32
        %add3A_1411 = arith.addi %multiple_of3A, %add3A_1410 : i32
        %add3A_1412 = arith.constant 32 : i32
        %add3A_1413 = arith.addi %add3A_1411, %add3A_1412 : i32
        %add3A_1414 = arith.constant 0 : i32
        %add3A_1415 = arith.addi %add3A_1413, %add3A_1414 : i32
        %swap3A_1416 = arith.index_cast %add3A_1415 : i32 to index
        %swap3A_1417 = tpu.vector_load %arg14[%swap3A_1416] {strides = array<i32>} : memref<40960xf32, #tpu.memory_space<vmem>>, vector<16xf32>,
        tpu.vector_store %arg14[%swap3A_1416], %get3A_1021 {strides = array<i32>} : memref<40960xf32, #tpu.memory_space<vmem>>, vector<16xf32>,
        %add3A_1418 = arith.constant 1024 : i32
        %add3A_1419 = arith.addi %multiple_of3A, %add3A_1418 : i32
        %add3A_1420 = arith.constant 32 : i32
        %add3A_1421 = arith.addi %add3A_1419, %add3A_1420 : i32
        %add3A_1422 = arith.constant 16 : i32
        %add3A_1423 = arith.addi %add3A_1421, %add3A_1422 : i32
        %swap3A_1424 = arith.index_cast %add3A_1423 : i32 to index
        %swap3A_1425 = tpu.vector_load %arg14[%swap3A_1424] {strides = array<i32>} : memref<40960xf32, #tpu.memory_space<vmem>>, vector<16xf32>,
        tpu.vector_store %arg14[%swap3A_1424], %get3A_1027 {strides = array<i32>} : memref<40960xf32, #tpu.memory_space<vmem>>, vector<16xf32>,
        %add3A_1426 = arith.constant 1024 : i32
        %add3A_1427 = arith.addi %multiple_of3A, %add3A_1426 : i32
        %add3A_1428 = arith.constant 64 : i32
        %add3A_1429 = arith.addi %add3A_1427, %add3A_1428 : i32
        %add3A_1430 = arith.constant 0 : i32
        %add3A_1431 = arith.addi %add3A_1429, %add3A_1430 : i32
        %swap3A_1432 = arith.index_cast %add3A_1431 : i32 to index
        %swap3A_1433 = tpu.vector_load %arg14[%swap3A_1432] {strides = array<i32>} : memref<40960xf32, #tpu.memory_space<vmem>>, vector<16xf32>,
        tpu.vector_store %arg14[%swap3A_1432], %get3A_1038 {strides = array<i32>} : memref<40960xf32, #tpu.memory_space<vmem>>, vector<16xf32>,
        %add3A_1434 = arith.constant 1024 : i32
        %add3A_1435 = arith.addi %multiple_of3A, %add3A_1434 : i32
        %add3A_1436 = arith.constant 64 : i32
        %add3A_1437 = arith.addi %add3A_1435, %add3A_1436 : i32
        %add3A_1438 = arith.constant 16 : i32
        %add3A_1439 = arith.addi %add3A_1437, %add3A_1438 : i32
        %swap3A_1440 = arith.index_cast %add3A_1439 : i32 to index
        %swap3A_1441 = tpu.vector_load %arg14[%swap3A_1440] {strides = array<i32>} : memref<40960xf32, #tpu.memory_space<vmem>>, vector<16xf32>,
        tpu.vector_store %arg14[%swap3A_1440], %get3A_1044 {strides = array<i32>} : memref<40960xf32, #tpu.memory_space<vmem>>, vector<16xf32>,
        %add3A_1442 = arith.constant 1024 : i32
        %add3A_1443 = arith.addi %multiple_of3A, %add3A_1442 : i32
        %add3A_1444 = arith.constant 96 : i32
        %add3A_1445 = arith.addi %add3A_1443, %add3A_1444 : i32
        %add3A_1446 = arith.constant 0 : i32
        %add3A_1447 = arith.addi %add3A_1445, %add3A_1446 : i32
        %swap3A_1448 = arith.index_cast %add3A_1447 : i32 to index
        %swap3A_1449 = tpu.vector_load %arg14[%swap3A_1448] {strides = array<i32>} : memref<40960xf32, #tpu.memory_space<vmem>>, vector<16xf32>,
        tpu.vector_store %arg14[%swap3A_1448], %get3A_1055 {strides = array<i32>} : memref<40960xf32, #tpu.memory_space<vmem>>, vector<16xf32>,
        %add3A_1450 = arith.constant 1024 : i32
        %add3A_1451 = arith.addi %multiple_of3A, %add3A_1450 : i32
        %add3A_1452 = arith.constant 96 : i32
        %add3A_1453 = arith.addi %add3A_1451, %add3A_1452 : i32
        %add3A_1454 = arith.constant 16 : i32
        %add3A_1455 = arith.addi %add3A_1453, %add3A_1454 : i32
        %swap3A_1456 = arith.index_cast %add3A_1455 : i32 to index
        %swap3A_1457 = tpu.vector_load %arg14[%swap3A_1456] {strides = array<i32>} : memref<40960xf32, #tpu.memory_space<vmem>>, vector<16xf32>,
        tpu.vector_store %arg14[%swap3A_1456], %get3A_1061 {strides = array<i32>} : memref<40960xf32, #tpu.memory_space<vmem>>, vector<16xf32>,
        %add3A_1458 = arith.constant 1152 : i32
        %add3A_1459 = arith.addi %multiple_of3A, %add3A_1458 : i32
        %add3A_1460 = arith.constant 0 : i32
        %add3A_1461 = arith.addi %add3A_1459, %add3A_1460 : i32
        %add3A_1462 = arith.constant 0 : i32
        %add3A_1463 = arith.addi %add3A_1461, %add3A_1462 : i32
        %swap3A_1464 = arith.index_cast %add3A_1463 : i32 to index
        %swap3A_1465 = tpu.vector_load %arg14[%swap3A_1464] {strides = array<i32>} : memref<40960xf32, #tpu.memory_space<vmem>>, vector<16xf32>,
        tpu.vector_store %arg14[%swap3A_1464], %get3A_1072 {strides = array<i32>} : memref<40960xf32, #tpu.memory_space<vmem>>, vector<16xf32>,
        %add3A_1466 = arith.constant 1152 : i32
        %add3A_1467 = arith.addi %multiple_of3A, %add3A_1466 : i32
        %add3A_1468 = arith.constant 0 : i32
        %add3A_1469 = arith.addi %add3A_1467, %add3A_1468 : i32
        %add3A_1470 = arith.constant 16 : i32
        %add3A_1471 = arith.addi %add3A_1469, %add3A_1470 : i32
        %swap3A_1472 = arith.index_cast %add3A_1471 : i32 to index
        %swap3A_1473 = tpu.vector_load %arg14[%swap3A_1472] {strides = array<i32>} : memref<40960xf32, #tpu.memory_space<vmem>>, vector<16xf32>,
        tpu.vector_store %arg14[%swap3A_1472], %get3A_1078 {strides = array<i32>} : memref<40960xf32, #tpu.memory_space<vmem>>, vector<16xf32>,
        %add3A_1474 = arith.constant 1152 : i32
        %add3A_1475 = arith.addi %multiple_of3A, %add3A_1474 : i32
        %add3A_1476 = arith.constant 32 : i32
        %add3A_1477 = arith.addi %add3A_1475, %add3A_1476 : i32
        %add3A_1478 = arith.constant 0 : i32
        %add3A_1479 = arith.addi %add3A_1477, %add3A_1478 : i32
        %swap3A_1480 = arith.index_cast %add3A_1479 : i32 to index
        %swap3A_1481 = tpu.vector_load %arg14[%swap3A_1480] {strides = array<i32>} : memref<40960xf32, #tpu.memory_space<vmem>>, vector<16xf32>,
        tpu.vector_store %arg14[%swap3A_1480], %get3A_1089 {strides = array<i32>} : memref<40960xf32, #tpu.memory_space<vmem>>, vector<16xf32>,
        %add3A_1482 = arith.constant 1152 : i32
        %add3A_1483 = arith.addi %multiple_of3A, %add3A_1482 : i32
        %add3A_1484 = arith.constant 32 : i32
        %add3A_1485 = arith.addi %add3A_1483, %add3A_1484 : i32
        %add3A_1486 = arith.constant 16 : i32
        %add3A_1487 = arith.addi %add3A_1485, %add3A_1486 : i32
        %swap3A_1488 = arith.index_cast %add3A_1487 : i32 to index
        %swap3A_1489 = tpu.vector_load %arg14[%swap3A_1488] {strides = array<i32>} : memref<40960xf32, #tpu.memory_space<vmem>>, vector<16xf32>,
        tpu.vector_store %arg14[%swap3A_1488], %get3A_1095 {strides = array<i32>} : memref<40960xf32, #tpu.memory_space<vmem>>, vector<16xf32>,
        %add3A_1490 = arith.constant 1152 : i32
        %add3A_1491 = arith.addi %multiple_of3A, %add3A_1490 : i32
        %add3A_1492 = arith.constant 64 : i32
        %add3A_1493 = arith.addi %add3A_1491, %add3A_1492 : i32
        %add3A_1494 = arith.constant 0 : i32
        %add3A_1495 = arith.addi %add3A_1493, %add3A_1494 : i32
        %swap3A_1496 = arith.index_cast %add3A_1495 : i32 to index
        %swap3A_1497 = tpu.vector_load %arg14[%swap3A_1496] {strides = array<i32>} : memref<40960xf32, #tpu.memory_space<vmem>>, vector<16xf32>,
        tpu.vector_store %arg14[%swap3A_1496], %get3A_1106 {strides = array<i32>} : memref<40960xf32, #tpu.memory_space<vmem>>, vector<16xf32>,
        %add3A_1498 = arith.constant 1152 : i32
        %add3A_1499 = arith.addi %multiple_of3A, %add3A_1498 : i32
        %add3A_1500 = arith.constant 64 : i32
        %add3A_1501 = arith.addi %add3A_1499, %add3A_1500 : i32
        %add3A_1502 = arith.constant 16 : i32
        %add3A_1503 = arith.addi %add3A_1501, %add3A_1502 : i32
        %swap3A_1504 = arith.index_cast %add3A_1503 : i32 to index
        %swap3A_1505 = tpu.vector_load %arg14[%swap3A_1504] {strides = array<i32>} : memref<40960xf32, #tpu.memory_space<vmem>>, vector<16xf32>,
        tpu.vector_store %arg14[%swap3A_1504], %get3A_1112 {strides = array<i32>} : memref<40960xf32, #tpu.memory_space<vmem>>, vector<16xf32>,
        %add3A_1506 = arith.constant 1152 : i32
        %add3A_1507 = arith.addi %multiple_of3A, %add3A_1506 : i32
        %add3A_1508 = arith.constant 96 : i32
        %add3A_1509 = arith.addi %add3A_1507, %add3A_1508 : i32
        %add3A_1510 = arith.constant 0 : i32
        %add3A_1511 = arith.addi %add3A_1509, %add3A_1510 : i32
        %swap3A_1512 = arith.index_cast %add3A_1511 : i32 to index
        %swap3A_1513 = tpu.vector_load %arg14[%swap3A_1512] {strides = array<i32>} : memref<40960xf32, #tpu.memory_space<vmem>>, vector<16xf32>,
        tpu.vector_store %arg14[%swap3A_1512], %get3A_1123 {strides = array<i32>} : memref<40960xf32, #tpu.memory_space<vmem>>, vector<16xf32>,
        %add3A_1514 = arith.constant 1152 : i32
        %add3A_1515 = arith.addi %multiple_of3A, %add3A_1514 : i32
        %add3A_1516 = arith.constant 96 : i32
        %add3A_1517 = arith.addi %add3A_1515, %add3A_1516 : i32
        %add3A_1518 = arith.constant 16 : i32
        %add3A_1519 = arith.addi %add3A_1517, %add3A_1518 : i32
        %swap3A_1520 = arith.index_cast %add3A_1519 : i32 to index
        %swap3A_1521 = tpu.vector_load %arg14[%swap3A_1520] {strides = array<i32>} : memref<40960xf32, #tpu.memory_space<vmem>>, vector<16xf32>,
        tpu.vector_store %arg14[%swap3A_1520], %get3A_1129 {strides = array<i32>} : memref<40960xf32, #tpu.memory_space<vmem>>, vector<16xf32>,
        %slice3A_1522 = vector.extract_strided_slice %get3A_62 {offsets = [12], sizes = [1], strides = [1]} : vector<16xi32> to vector<1xi32>
        %squeeze3A_1523 = vector.extract %slice3A_1522[0] : i32 from vector<1xi32>
        %mul3A_1524 = arith.constant 32 : i32
        %mul3A_1525 = arith.muli %squeeze3A_1523, %mul3A_1524 : i32
        %multiple_of3A_1526 = tpu.assume_multiple %mul3A_1525, 32 : i32
        %add3A_1527 = arith.constant 0 : i32
        %add3A_1528 = arith.addi %multiple_of3A_1526, %add3A_1527 : i32
        %add3A_1529 = arith.constant 0 : i32
        %add3A_1530 = arith.addi %add3A_1528, %add3A_1529 : i32
        %get3A_1531 = arith.index_cast %add3A_1530 : i32 to index
        %get3A_1532 = tpu.vector_load %arg8[%get3A_1531] {strides = array<i32>} : memref<672xf32, #tpu.memory_space<vmem>>, vector<16xf32>,
        %add3A_1533 = arith.constant 0 : i32
        %add3A_1534 = arith.addi %multiple_of3A_1526, %add3A_1533 : i32
        %add3A_1535 = arith.constant 16 : i32
        %add3A_1536 = arith.addi %add3A_1534, %add3A_1535 : i32
        %get3A_1537 = arith.index_cast %add3A_1536 : i32 to index
        %get3A_1538 = tpu.vector_load %arg8[%get3A_1537] {strides = array<i32>} : memref<672xf32, #tpu.memory_space<vmem>>, vector<16xf32>,
        %slice3A_1539 = vector.extract_strided_slice %get3A_64 {offsets = [12], sizes = [1], strides = [1]} : vector<16xi32> to vector<1xi32>
        %squeeze3A_1540 = vector.extract %slice3A_1539[0] : i32 from vector<1xi32>
        %mul3A_1541 = arith.constant 32 : i32
        %mul3A_1542 = arith.muli %squeeze3A_1540, %mul3A_1541 : i32
        %multiple_of3A_1543 = tpu.assume_multiple %mul3A_1542, 32 : i32
        %add3A_1544 = arith.constant 96 : i32
        %add3A_1545 = arith.addi %multiple_of3A_1543, %add3A_1544 : i32
        %add3A_1546 = arith.constant 0 : i32
        %add3A_1547 = arith.addi %add3A_1545, %add3A_1546 : i32
        %get3A_1548 = arith.index_cast %add3A_1547 : i32 to index
        %get3A_1549 = tpu.vector_load %arg8[%get3A_1548] {strides = array<i32>} : memref<672xf32, #tpu.memory_space<vmem>>, vector<16xf32>,
        %add3A_1550 = arith.constant 96 : i32
        %add3A_1551 = arith.addi %multiple_of3A_1543, %add3A_1550 : i32
        %add3A_1552 = arith.constant 16 : i32
        %add3A_1553 = arith.addi %add3A_1551, %add3A_1552 : i32
        %get3A_1554 = arith.index_cast %add3A_1553 : i32 to index
        %get3A_1555 = tpu.vector_load %arg8[%get3A_1554] {strides = array<i32>} : memref<672xf32, #tpu.memory_space<vmem>>, vector<16xf32>,
        %slice3A_1556 = vector.extract_strided_slice %get3A_66 {offsets = [12], sizes = [1], strides = [1]} : vector<16xi32> to vector<1xi32>
        %squeeze3A_1557 = vector.extract %slice3A_1556[0] : i32 from vector<1xi32>
        %mul3A_1558 = arith.constant 32 : i32
        %mul3A_1559 = arith.muli %squeeze3A_1557, %mul3A_1558 : i32
        %multiple_of3A_1560 = tpu.assume_multiple %mul3A_1559, 32 : i32
        %add3A_1561 = arith.constant 224 : i32
        %add3A_1562 = arith.addi %multiple_of3A_1560, %add3A_1561 : i32
        %add3A_1563 = arith.constant 0 : i32
        %add3A_1564 = arith.addi %add3A_1562, %add3A_1563 : i32
        %get3A_1565 = arith.index_cast %add3A_1564 : i32 to index
        %get3A_1566 = tpu.vector_load %arg8[%get3A_1565] {strides = array<i32>} : memref<672xf32, #tpu.memory_space<vmem>>, vector<16xf32>,
        %add3A_1567 = arith.constant 224 : i32
        %add3A_1568 = arith.addi %multiple_of3A_1560, %add3A_1567 : i32
        %add3A_1569 = arith.constant 16 : i32
        %add3A_1570 = arith.addi %add3A_1568, %add3A_1569 : i32
        %get3A_1571 = arith.index_cast %add3A_1570 : i32 to index
        %get3A_1572 = tpu.vector_load %arg8[%get3A_1571] {strides = array<i32>} : memref<672xf32, #tpu.memory_space<vmem>>, vector<16xf32>,
        %slice3A_1573 = vector.extract_strided_slice %get3A_68 {offsets = [12], sizes = [1], strides = [1]} : vector<16xi32> to vector<1xi32>
        %squeeze3A_1574 = vector.extract %slice3A_1573[0] : i32 from vector<1xi32>
        %mul3A_1575 = arith.constant 32 : i32
        %mul3A_1576 = arith.muli %squeeze3A_1574, %mul3A_1575 : i32
        %multiple_of3A_1577 = tpu.assume_multiple %mul3A_1576, 32 : i32
        %add3A_1578 = arith.constant 512 : i32
        %add3A_1579 = arith.addi %multiple_of3A_1577, %add3A_1578 : i32
        %add3A_1580 = arith.constant 0 : i32
        %add3A_1581 = arith.addi %add3A_1579, %add3A_1580 : i32
        %get3A_1582 = arith.index_cast %add3A_1581 : i32 to index
        %get3A_1583 = tpu.vector_load %arg8[%get3A_1582] {strides = array<i32>} : memref<672xf32, #tpu.memory_space<vmem>>, vector<16xf32>,
        %add3A_1584 = arith.constant 512 : i32
        %add3A_1585 = arith.addi %multiple_of3A_1577, %add3A_1584 : i32
        %add3A_1586 = arith.constant 16 : i32
        %add3A_1587 = arith.addi %add3A_1585, %add3A_1586 : i32
        %get3A_1588 = arith.index_cast %add3A_1587 : i32 to index
        %get3A_1589 = tpu.vector_load %arg8[%get3A_1588] {strides = array<i32>} : memref<672xf32, #tpu.memory_space<vmem>>, vector<16xf32>,
        %slice3A_1590 = vector.extract_strided_slice %get3A_62 {offsets = [13], sizes = [1], strides = [1]} : vector<16xi32> to vector<1xi32>
        %squeeze3A_1591 = vector.extract %slice3A_1590[0] : i32 from vector<1xi32>
        %mul3A_1592 = arith.constant 32 : i32
        %mul3A_1593 = arith.muli %squeeze3A_1591, %mul3A_1592 : i32
        %multiple_of3A_1594 = tpu.assume_multiple %mul3A_1593, 32 : i32
        %add3A_1595 = arith.constant 0 : i32
        %add3A_1596 = arith.addi %multiple_of3A_1594, %add3A_1595 : i32
        %add3A_1597 = arith.constant 0 : i32
        %add3A_1598 = arith.addi %add3A_1596, %add3A_1597 : i32
        %get3A_1599 = arith.index_cast %add3A_1598 : i32 to index
        %get3A_1600 = tpu.vector_load %arg8[%get3A_1599] {strides = array<i32>} : memref<672xf32, #tpu.memory_space<vmem>>, vector<16xf32>,
        %add3A_1601 = arith.constant 0 : i32
        %add3A_1602 = arith.addi %multiple_of3A_1594, %add3A_1601 : i32
        %add3A_1603 = arith.constant 16 : i32
        %add3A_1604 = arith.addi %add3A_1602, %add3A_1603 : i32
        %get3A_1605 = arith.index_cast %add3A_1604 : i32 to index
        %get3A_1606 = tpu.vector_load %arg8[%get3A_1605] {strides = array<i32>} : memref<672xf32, #tpu.memory_space<vmem>>, vector<16xf32>,
        %slice3A_1607 = vector.extract_strided_slice %get3A_64 {offsets = [13], sizes = [1], strides = [1]} : vector<16xi32> to vector<1xi32>
        %squeeze3A_1608 = vector.extract %slice3A_1607[0] : i32 from vector<1xi32>
        %mul3A_1609 = arith.constant 32 : i32
        %mul3A_1610 = arith.muli %squeeze3A_1608, %mul3A_1609 : i32
        %multiple_of3A_1611 = tpu.assume_multiple %mul3A_1610, 32 : i32
        %add3A_1612 = arith.constant 96 : i32
        %add3A_1613 = arith.addi %multiple_of3A_1611, %add3A_1612 : i32
        %add3A_1614 = arith.constant 0 : i32
        %add3A_1615 = arith.addi %add3A_1613, %add3A_1614 : i32
        %get3A_1616 = arith.index_cast %add3A_1615 : i32 to index
        %get3A_1617 = tpu.vector_load %arg8[%get3A_1616] {strides = array<i32>} : memref<672xf32, #tpu.memory_space<vmem>>, vector<16xf32>,
        %add3A_1618 = arith.constant 96 : i32
        %add3A_1619 = arith.addi %multiple_of3A_1611, %add3A_1618 : i32
        %add3A_1620 = arith.constant 16 : i32
        %add3A_1621 = arith.addi %add3A_1619, %add3A_1620 : i32
        %get3A_1622 = arith.index_cast %add3A_1621 : i32 to index
        %get3A_1623 = tpu.vector_load %arg8[%get3A_1622] {strides = array<i32>} : memref<672xf32, #tpu.memory_space<vmem>>, vector<16xf32>,
        %slice3A_1624 = vector.extract_strided_slice %get3A_66 {offsets = [13], sizes = [1], strides = [1]} : vector<16xi32> to vector<1xi32>
        %squeeze3A_1625 = vector.extract %slice3A_1624[0] : i32 from vector<1xi32>
        %mul3A_1626 = arith.constant 32 : i32
        %mul3A_1627 = arith.muli %squeeze3A_1625, %mul3A_1626 : i32
        %multiple_of3A_1628 = tpu.assume_multiple %mul3A_1627, 32 : i32
        %add3A_1629 = arith.constant 224 : i32
        %add3A_1630 = arith.addi %multiple_of3A_1628, %add3A_1629 : i32
        %add3A_1631 = arith.constant 0 : i32
        %add3A_1632 = arith.addi %add3A_1630, %add3A_1631 : i32
        %get3A_1633 = arith.index_cast %add3A_1632 : i32 to index
        %get3A_1634 = tpu.vector_load %arg8[%get3A_1633] {strides = array<i32>} : memref<672xf32, #tpu.memory_space<vmem>>, vector<16xf32>,
        %add3A_1635 = arith.constant 224 : i32
        %add3A_1636 = arith.addi %multiple_of3A_1628, %add3A_1635 : i32
        %add3A_1637 = arith.constant 16 : i32
        %add3A_1638 = arith.addi %add3A_1636, %add3A_1637 : i32
        %get3A_1639 = arith.index_cast %add3A_1638 : i32 to index
        %get3A_1640 = tpu.vector_load %arg8[%get3A_1639] {strides = array<i32>} : memref<672xf32, #tpu.memory_space<vmem>>, vector<16xf32>,
        %slice3A_1641 = vector.extract_strided_slice %get3A_68 {offsets = [13], sizes = [1], strides = [1]} : vector<16xi32> to vector<1xi32>
        %squeeze3A_1642 = vector.extract %slice3A_1641[0] : i32 from vector<1xi32>
        %mul3A_1643 = arith.constant 32 : i32
        %mul3A_1644 = arith.muli %squeeze3A_1642, %mul3A_1643 : i32
        %multiple_of3A_1645 = tpu.assume_multiple %mul3A_1644, 32 : i32
        %add3A_1646 = arith.constant 512 : i32
        %add3A_1647 = arith.addi %multiple_of3A_1645, %add3A_1646 : i32
        %add3A_1648 = arith.constant 0 : i32
        %add3A_1649 = arith.addi %add3A_1647, %add3A_1648 : i32
        %get3A_1650 = arith.index_cast %add3A_1649 : i32 to index
        %get3A_1651 = tpu.vector_load %arg8[%get3A_1650] {strides = array<i32>} : memref<672xf32, #tpu.memory_space<vmem>>, vector<16xf32>,
        %add3A_1652 = arith.constant 512 : i32
        %add3A_1653 = arith.addi %multiple_of3A_1645, %add3A_1652 : i32
        %add3A_1654 = arith.constant 16 : i32
        %add3A_1655 = arith.addi %add3A_1653, %add3A_1654 : i32
        %get3A_1656 = arith.index_cast %add3A_1655 : i32 to index
        %get3A_1657 = tpu.vector_load %arg8[%get3A_1656] {strides = array<i32>} : memref<672xf32, #tpu.memory_space<vmem>>, vector<16xf32>,
        %add3A_1658 = arith.constant 1280 : i32
        %add3A_1659 = arith.addi %multiple_of3A, %add3A_1658 : i32
        %add3A_1660 = arith.constant 0 : i32
        %add3A_1661 = arith.addi %add3A_1659, %add3A_1660 : i32
        %add3A_1662 = arith.constant 0 : i32
        %add3A_1663 = arith.addi %add3A_1661, %add3A_1662 : i32
        %swap3A_1664 = arith.index_cast %add3A_1663 : i32 to index
        %swap3A_1665 = tpu.vector_load %arg14[%swap3A_1664] {strides = array<i32>} : memref<40960xf32, #tpu.memory_space<vmem>>, vector<16xf32>,
        tpu.vector_store %arg14[%swap3A_1664], %get3A_1268 {strides = array<i32>} : memref<40960xf32, #tpu.memory_space<vmem>>, vector<16xf32>,
        %add3A_1666 = arith.constant 1280 : i32
        %add3A_1667 = arith.addi %multiple_of3A, %add3A_1666 : i32
        %add3A_1668 = arith.constant 0 : i32
        %add3A_1669 = arith.addi %add3A_1667, %add3A_1668 : i32
        %add3A_1670 = arith.constant 16 : i32
        %add3A_1671 = arith.addi %add3A_1669, %add3A_1670 : i32
        %swap3A_1672 = arith.index_cast %add3A_1671 : i32 to index
        %swap3A_1673 = tpu.vector_load %arg14[%swap3A_1672] {strides = array<i32>} : memref<40960xf32, #tpu.memory_space<vmem>>, vector<16xf32>,
        tpu.vector_store %arg14[%swap3A_1672], %get3A_1274 {strides = array<i32>} : memref<40960xf32, #tpu.memory_space<vmem>>, vector<16xf32>,
        %add3A_1674 = arith.constant 1280 : i32
        %add3A_1675 = arith.addi %multiple_of3A, %add3A_1674 : i32
        %add3A_1676 = arith.constant 32 : i32
        %add3A_1677 = arith.addi %add3A_1675, %add3A_1676 : i32
        %add3A_1678 = arith.constant 0 : i32
        %add3A_1679 = arith.addi %add3A_1677, %add3A_1678 : i32
        %swap3A_1680 = arith.index_cast %add3A_1679 : i32 to index
        %swap3A_1681 = tpu.vector_load %arg14[%swap3A_1680] {strides = array<i32>} : memref<40960xf32, #tpu.memory_space<vmem>>, vector<16xf32>,
        tpu.vector_store %arg14[%swap3A_1680], %get3A_1285 {strides = array<i32>} : memref<40960xf32, #tpu.memory_space<vmem>>, vector<16xf32>,
        %add3A_1682 = arith.constant 1280 : i32
        %add3A_1683 = arith.addi %multiple_of3A, %add3A_1682 : i32
        %add3A_1684 = arith.constant 32 : i32
        %add3A_1685 = arith.addi %add3A_1683, %add3A_1684 : i32
        %add3A_1686 = arith.constant 16 : i32
        %add3A_1687 = arith.addi %add3A_1685, %add3A_1686 : i32
        %swap3A_1688 = arith.index_cast %add3A_1687 : i32 to index
        %swap3A_1689 = tpu.vector_load %arg14[%swap3A_1688] {strides = array<i32>} : memref<40960xf32, #tpu.memory_space<vmem>>, vector<16xf32>,
        tpu.vector_store %arg14[%swap3A_1688], %get3A_1291 {strides = array<i32>} : memref<40960xf32, #tpu.memory_space<vmem>>, vector<16xf32>,
        %add3A_1690 = arith.constant 1280 : i32
        %add3A_1691 = arith.addi %multiple_of3A, %add3A_1690 : i32
        %add3A_1692 = arith.constant 64 : i32
        %add3A_1693 = arith.addi %add3A_1691, %add3A_1692 : i32
        %add3A_1694 = arith.constant 0 : i32
        %add3A_1695 = arith.addi %add3A_1693, %add3A_1694 : i32
        %swap3A_1696 = arith.index_cast %add3A_1695 : i32 to index
        %swap3A_1697 = tpu.vector_load %arg14[%swap3A_1696] {strides = array<i32>} : memref<40960xf32, #tpu.memory_space<vmem>>, vector<16xf32>,
        tpu.vector_store %arg14[%swap3A_1696], %get3A_1302 {strides = array<i32>} : memref<40960xf32, #tpu.memory_space<vmem>>, vector<16xf32>,
        %add3A_1698 = arith.constant 1280 : i32
        %add3A_1699 = arith.addi %multiple_of3A, %add3A_1698 : i32
        %add3A_1700 = arith.constant 64 : i32
        %add3A_1701 = arith.addi %add3A_1699, %add3A_1700 : i32
        %add3A_1702 = arith.constant 16 : i32
        %add3A_1703 = arith.addi %add3A_1701, %add3A_1702 : i32
        %swap3A_1704 = arith.index_cast %add3A_1703 : i32 to index
        %swap3A_1705 = tpu.vector_load %arg14[%swap3A_1704] {strides = array<i32>} : memref<40960xf32, #tpu.memory_space<vmem>>, vector<16xf32>,
        tpu.vector_store %arg14[%swap3A_1704], %get3A_1308 {strides = array<i32>} : memref<40960xf32, #tpu.memory_space<vmem>>, vector<16xf32>,
        %add3A_1706 = arith.constant 1280 : i32
        %add3A_1707 = arith.addi %multiple_of3A, %add3A_1706 : i32
        %add3A_1708 = arith.constant 96 : i32
        %add3A_1709 = arith.addi %add3A_1707, %add3A_1708 : i32
        %add3A_1710 = arith.constant 0 : i32
        %add3A_1711 = arith.addi %add3A_1709, %add3A_1710 : i32
        %swap3A_1712 = arith.index_cast %add3A_1711 : i32 to index
        %swap3A_1713 = tpu.vector_load %arg14[%swap3A_1712] {strides = array<i32>} : memref<40960xf32, #tpu.memory_space<vmem>>, vector<16xf32>,
        tpu.vector_store %arg14[%swap3A_1712], %get3A_1319 {strides = array<i32>} : memref<40960xf32, #tpu.memory_space<vmem>>, vector<16xf32>,
        %add3A_1714 = arith.constant 1280 : i32
        %add3A_1715 = arith.addi %multiple_of3A, %add3A_1714 : i32
        %add3A_1716 = arith.constant 96 : i32
        %add3A_1717 = arith.addi %add3A_1715, %add3A_1716 : i32
        %add3A_1718 = arith.constant 16 : i32
        %add3A_1719 = arith.addi %add3A_1717, %add3A_1718 : i32
        %swap3A_1720 = arith.index_cast %add3A_1719 : i32 to index
        %swap3A_1721 = tpu.vector_load %arg14[%swap3A_1720] {strides = array<i32>} : memref<40960xf32, #tpu.memory_space<vmem>>, vector<16xf32>,
        tpu.vector_store %arg14[%swap3A_1720], %get3A_1325 {strides = array<i32>} : memref<40960xf32, #tpu.memory_space<vmem>>, vector<16xf32>,
        %add3A_1722 = arith.constant 1408 : i32
        %add3A_1723 = arith.addi %multiple_of3A, %add3A_1722 : i32
        %add3A_1724 = arith.constant 0 : i32
        %add3A_1725 = arith.addi %add3A_1723, %add3A_1724 : i32
        %add3A_1726 = arith.constant 0 : i32
        %add3A_1727 = arith.addi %add3A_1725, %add3A_1726 : i32
        %swap3A_1728 = arith.index_cast %add3A_1727 : i32 to index
        %swap3A_1729 = tpu.vector_load %arg14[%swap3A_1728] {strides = array<i32>} : memref<40960xf32, #tpu.memory_space<vmem>>, vector<16xf32>,
        tpu.vector_store %arg14[%swap3A_1728], %get3A_1336 {strides = array<i32>} : memref<40960xf32, #tpu.memory_space<vmem>>, vector<16xf32>,
        %add3A_1730 = arith.constant 1408 : i32
        %add3A_1731 = arith.addi %multiple_of3A, %add3A_1730 : i32
        %add3A_1732 = arith.constant 0 : i32
        %add3A_1733 = arith.addi %add3A_1731, %add3A_1732 : i32
        %add3A_1734 = arith.constant 16 : i32
        %add3A_1735 = arith.addi %add3A_1733, %add3A_1734 : i32
        %swap3A_1736 = arith.index_cast %add3A_1735 : i32 to index
        %swap3A_1737 = tpu.vector_load %arg14[%swap3A_1736] {strides = array<i32>} : memref<40960xf32, #tpu.memory_space<vmem>>, vector<16xf32>,
        tpu.vector_store %arg14[%swap3A_1736], %get3A_1342 {strides = array<i32>} : memref<40960xf32, #tpu.memory_space<vmem>>, vector<16xf32>,
        %add3A_1738 = arith.constant 1408 : i32
        %add3A_1739 = arith.addi %multiple_of3A, %add3A_1738 : i32
        %add3A_1740 = arith.constant 32 : i32
        %add3A_1741 = arith.addi %add3A_1739, %add3A_1740 : i32
        %add3A_1742 = arith.constant 0 : i32
        %add3A_1743 = arith.addi %add3A_1741, %add3A_1742 : i32
        %swap3A_1744 = arith.index_cast %add3A_1743 : i32 to index
        %swap3A_1745 = tpu.vector_load %arg14[%swap3A_1744] {strides = array<i32>} : memref<40960xf32, #tpu.memory_space<vmem>>, vector<16xf32>,
        tpu.vector_store %arg14[%swap3A_1744], %get3A_1353 {strides = array<i32>} : memref<40960xf32, #tpu.memory_space<vmem>>, vector<16xf32>,
        %add3A_1746 = arith.constant 1408 : i32
        %add3A_1747 = arith.addi %multiple_of3A, %add3A_1746 : i32
        %add3A_1748 = arith.constant 32 : i32
        %add3A_1749 = arith.addi %add3A_1747, %add3A_1748 : i32
        %add3A_1750 = arith.constant 16 : i32
        %add3A_1751 = arith.addi %add3A_1749, %add3A_1750 : i32
        %swap3A_1752 = arith.index_cast %add3A_1751 : i32 to index
        %swap3A_1753 = tpu.vector_load %arg14[%swap3A_1752] {strides = array<i32>} : memref<40960xf32, #tpu.memory_space<vmem>>, vector<16xf32>,
        tpu.vector_store %arg14[%swap3A_1752], %get3A_1359 {strides = array<i32>} : memref<40960xf32, #tpu.memory_space<vmem>>, vector<16xf32>,
        %add3A_1754 = arith.constant 1408 : i32
        %add3A_1755 = arith.addi %multiple_of3A, %add3A_1754 : i32
        %add3A_1756 = arith.constant 64 : i32
        %add3A_1757 = arith.addi %add3A_1755, %add3A_1756 : i32
        %add3A_1758 = arith.constant 0 : i32
        %add3A_1759 = arith.addi %add3A_1757, %add3A_1758 : i32
        %swap3A_1760 = arith.index_cast %add3A_1759 : i32 to index
        %swap3A_1761 = tpu.vector_load %arg14[%swap3A_1760] {strides = array<i32>} : memref<40960xf32, #tpu.memory_space<vmem>>, vector<16xf32>,
        tpu.vector_store %arg14[%swap3A_1760], %get3A_1370 {strides = array<i32>} : memref<40960xf32, #tpu.memory_space<vmem>>, vector<16xf32>,
        %add3A_1762 = arith.constant 1408 : i32
        %add3A_1763 = arith.addi %multiple_of3A, %add3A_1762 : i32
        %add3A_1764 = arith.constant 64 : i32
        %add3A_1765 = arith.addi %add3A_1763, %add3A_1764 : i32
        %add3A_1766 = arith.constant 16 : i32
        %add3A_1767 = arith.addi %add3A_1765, %add3A_1766 : i32
        %swap3A_1768 = arith.index_cast %add3A_1767 : i32 to index
        %swap3A_1769 = tpu.vector_load %arg14[%swap3A_1768] {strides = array<i32>} : memref<40960xf32, #tpu.memory_space<vmem>>, vector<16xf32>,
        tpu.vector_store %arg14[%swap3A_1768], %get3A_1376 {strides = array<i32>} : memref<40960xf32, #tpu.memory_space<vmem>>, vector<16xf32>,
        %add3A_1770 = arith.constant 1408 : i32
        %add3A_1771 = arith.addi %multiple_of3A, %add3A_1770 : i32
        %add3A_1772 = arith.constant 96 : i32
        %add3A_1773 = arith.addi %add3A_1771, %add3A_1772 : i32
        %add3A_1774 = arith.constant 0 : i32
        %add3A_1775 = arith.addi %add3A_1773, %add3A_1774 : i32
        %swap3A_1776 = arith.index_cast %add3A_1775 : i32 to index
        %swap3A_1777 = tpu.vector_load %arg14[%swap3A_1776] {strides = array<i32>} : memref<40960xf32, #tpu.memory_space<vmem>>, vector<16xf32>,
        tpu.vector_store %arg14[%swap3A_1776], %get3A_1387 {strides = array<i32>} : memref<40960xf32, #tpu.memory_space<vmem>>, vector<16xf32>,
        %add3A_1778 = arith.constant 1408 : i32
        %add3A_1779 = arith.addi %multiple_of3A, %add3A_1778 : i32
        %add3A_1780 = arith.constant 96 : i32
        %add3A_1781 = arith.addi %add3A_1779, %add3A_1780 : i32
        %add3A_1782 = arith.constant 16 : i32
        %add3A_1783 = arith.addi %add3A_1781, %add3A_1782 : i32
        %swap3A_1784 = arith.index_cast %add3A_1783 : i32 to index
        %swap3A_1785 = tpu.vector_load %arg14[%swap3A_1784] {strides = array<i32>} : memref<40960xf32, #tpu.memory_space<vmem>>, vector<16xf32>,
        tpu.vector_store %arg14[%swap3A_1784], %get3A_1393 {strides = array<i32>} : memref<40960xf32, #tpu.memory_space<vmem>>, vector<16xf32>,
        %slice3A_1786 = vector.extract_strided_slice %get3A_62 {offsets = [14], sizes = [1], strides = [1]} : vector<16xi32> to vector<1xi32>
        %squeeze3A_1787 = vector.extract %slice3A_1786[0] : i32 from vector<1xi32>
        %mul3A_1788 = arith.constant 32 : i32
        %mul3A_1789 = arith.muli %squeeze3A_1787, %mul3A_1788 : i32
        %multiple_of3A_1790 = tpu.assume_multiple %mul3A_1789, 32 : i32
        %add3A_1791 = arith.constant 0 : i32
        %add3A_1792 = arith.addi %multiple_of3A_1790, %add3A_1791 : i32
        %add3A_1793 = arith.constant 0 : i32
        %add3A_1794 = arith.addi %add3A_1792, %add3A_1793 : i32
        %get3A_1795 = arith.index_cast %add3A_1794 : i32 to index
        %get3A_1796 = tpu.vector_load %arg8[%get3A_1795] {strides = array<i32>} : memref<672xf32, #tpu.memory_space<vmem>>, vector<16xf32>,
        %add3A_1797 = arith.constant 0 : i32
        %add3A_1798 = arith.addi %multiple_of3A_1790, %add3A_1797 : i32
        %add3A_1799 = arith.constant 16 : i32
        %add3A_1800 = arith.addi %add3A_1798, %add3A_1799 : i32
        %get3A_1801 = arith.index_cast %add3A_1800 : i32 to index
        %get3A_1802 = tpu.vector_load %arg8[%get3A_1801] {strides = array<i32>} : memref<672xf32, #tpu.memory_space<vmem>>, vector<16xf32>,
        %slice3A_1803 = vector.extract_strided_slice %get3A_64 {offsets = [14], sizes = [1], strides = [1]} : vector<16xi32> to vector<1xi32>
        %squeeze3A_1804 = vector.extract %slice3A_1803[0] : i32 from vector<1xi32>
        %mul3A_1805 = arith.constant 32 : i32
        %mul3A_1806 = arith.muli %squeeze3A_1804, %mul3A_1805 : i32
        %multiple_of3A_1807 = tpu.assume_multiple %mul3A_1806, 32 : i32
        %add3A_1808 = arith.constant 96 : i32
        %add3A_1809 = arith.addi %multiple_of3A_1807, %add3A_1808 : i32
        %add3A_1810 = arith.constant 0 : i32
        %add3A_1811 = arith.addi %add3A_1809, %add3A_1810 : i32
        %get3A_1812 = arith.index_cast %add3A_1811 : i32 to index
        %get3A_1813 = tpu.vector_load %arg8[%get3A_1812] {strides = array<i32>} : memref<672xf32, #tpu.memory_space<vmem>>, vector<16xf32>,
        %add3A_1814 = arith.constant 96 : i32
        %add3A_1815 = arith.addi %multiple_of3A_1807, %add3A_1814 : i32
        %add3A_1816 = arith.constant 16 : i32
        %add3A_1817 = arith.addi %add3A_1815, %add3A_1816 : i32
        %get3A_1818 = arith.index_cast %add3A_1817 : i32 to index
        %get3A_1819 = tpu.vector_load %arg8[%get3A_1818] {strides = array<i32>} : memref<672xf32, #tpu.memory_space<vmem>>, vector<16xf32>,
        %slice3A_1820 = vector.extract_strided_slice %get3A_66 {offsets = [14], sizes = [1], strides = [1]} : vector<16xi32> to vector<1xi32>
        %squeeze3A_1821 = vector.extract %slice3A_1820[0] : i32 from vector<1xi32>
        %mul3A_1822 = arith.constant 32 : i32
        %mul3A_1823 = arith.muli %squeeze3A_1821, %mul3A_1822 : i32
        %multiple_of3A_1824 = tpu.assume_multiple %mul3A_1823, 32 : i32
        %add3A_1825 = arith.constant 224 : i32
        %add3A_1826 = arith.addi %multiple_of3A_1824, %add3A_1825 : i32
        %add3A_1827 = arith.constant 0 : i32
        %add3A_1828 = arith.addi %add3A_1826, %add3A_1827 : i32
        %get3A_1829 = arith.index_cast %add3A_1828 : i32 to index
        %get3A_1830 = tpu.vector_load %arg8[%get3A_1829] {strides = array<i32>} : memref<672xf32, #tpu.memory_space<vmem>>, vector<16xf32>,
        %add3A_1831 = arith.constant 224 : i32
        %add3A_1832 = arith.addi %multiple_of3A_1824, %add3A_1831 : i32
        %add3A_1833 = arith.constant 16 : i32
        %add3A_1834 = arith.addi %add3A_1832, %add3A_1833 : i32
        %get3A_1835 = arith.index_cast %add3A_1834 : i32 to index
        %get3A_1836 = tpu.vector_load %arg8[%get3A_1835] {strides = array<i32>} : memref<672xf32, #tpu.memory_space<vmem>>, vector<16xf32>,
        %slice3A_1837 = vector.extract_strided_slice %get3A_68 {offsets = [14], sizes = [1], strides = [1]} : vector<16xi32> to vector<1xi32>
        %squeeze3A_1838 = vector.extract %slice3A_1837[0] : i32 from vector<1xi32>
        %mul3A_1839 = arith.constant 32 : i32
        %mul3A_1840 = arith.muli %squeeze3A_1838, %mul3A_1839 : i32
        %multiple_of3A_1841 = tpu.assume_multiple %mul3A_1840, 32 : i32
        %add3A_1842 = arith.constant 512 : i32
        %add3A_1843 = arith.addi %multiple_of3A_1841, %add3A_1842 : i32
        %add3A_1844 = arith.constant 0 : i32
        %add3A_1845 = arith.addi %add3A_1843, %add3A_1844 : i32
        %get3A_1846 = arith.index_cast %add3A_1845 : i32 to index
        %get3A_1847 = tpu.vector_load %arg8[%get3A_1846] {strides = array<i32>} : memref<672xf32, #tpu.memory_space<vmem>>, vector<16xf32>,
        %add3A_1848 = arith.constant 512 : i32
        %add3A_1849 = arith.addi %multiple_of3A_1841, %add3A_1848 : i32
        %add3A_1850 = arith.constant 16 : i32
        %add3A_1851 = arith.addi %add3A_1849, %add3A_1850 : i32
        %get3A_1852 = arith.index_cast %add3A_1851 : i32 to index
        %get3A_1853 = tpu.vector_load %arg8[%get3A_1852] {strides = array<i32>} : memref<672xf32, #tpu.memory_space<vmem>>, vector<16xf32>,
        %slice3A_1854 = vector.extract_strided_slice %get3A_62 {offsets = [15], sizes = [1], strides = [1]} : vector<16xi32> to vector<1xi32>
        %squeeze3A_1855 = vector.extract %slice3A_1854[0] : i32 from vector<1xi32>
        %mul3A_1856 = arith.constant 32 : i32
        %mul3A_1857 = arith.muli %squeeze3A_1855, %mul3A_1856 : i32
        %multiple_of3A_1858 = tpu.assume_multiple %mul3A_1857, 32 : i32
        %add3A_1859 = arith.constant 0 : i32
        %add3A_1860 = arith.addi %multiple_of3A_1858, %add3A_1859 : i32
        %add3A_1861 = arith.constant 0 : i32
        %add3A_1862 = arith.addi %add3A_1860, %add3A_1861 : i32
        %get3A_1863 = arith.index_cast %add3A_1862 : i32 to index
        %get3A_1864 = tpu.vector_load %arg8[%get3A_1863] {strides = array<i32>} : memref<672xf32, #tpu.memory_space<vmem>>, vector<16xf32>,
        %add3A_1865 = arith.constant 0 : i32
        %add3A_1866 = arith.addi %multiple_of3A_1858, %add3A_1865 : i32
        %add3A_1867 = arith.constant 16 : i32
        %add3A_1868 = arith.addi %add3A_1866, %add3A_1867 : i32
        %get3A_1869 = arith.index_cast %add3A_1868 : i32 to index
        %get3A_1870 = tpu.vector_load %arg8[%get3A_1869] {strides = array<i32>} : memref<672xf32, #tpu.memory_space<vmem>>, vector<16xf32>,
        %slice3A_1871 = vector.extract_strided_slice %get3A_64 {offsets = [15], sizes = [1], strides = [1]} : vector<16xi32> to vector<1xi32>
        %squeeze3A_1872 = vector.extract %slice3A_1871[0] : i32 from vector<1xi32>
        %mul3A_1873 = arith.constant 32 : i32
        %mul3A_1874 = arith.muli %squeeze3A_1872, %mul3A_1873 : i32
        %multiple_of3A_1875 = tpu.assume_multiple %mul3A_1874, 32 : i32
        %add3A_1876 = arith.constant 96 : i32
        %add3A_1877 = arith.addi %multiple_of3A_1875, %add3A_1876 : i32
        %add3A_1878 = arith.constant 0 : i32
        %add3A_1879 = arith.addi %add3A_1877, %add3A_1878 : i32
        %get3A_1880 = arith.index_cast %add3A_1879 : i32 to index
        %get3A_1881 = tpu.vector_load %arg8[%get3A_1880] {strides = array<i32>} : memref<672xf32, #tpu.memory_space<vmem>>, vector<16xf32>,
        %add3A_1882 = arith.constant 96 : i32
        %add3A_1883 = arith.addi %multiple_of3A_1875, %add3A_1882 : i32
        %add3A_1884 = arith.constant 16 : i32
        %add3A_1885 = arith.addi %add3A_1883, %add3A_1884 : i32
        %get3A_1886 = arith.index_cast %add3A_1885 : i32 to index
        %get3A_1887 = tpu.vector_load %arg8[%get3A_1886] {strides = array<i32>} : memref<672xf32, #tpu.memory_space<vmem>>, vector<16xf32>,
        %slice3A_1888 = vector.extract_strided_slice %get3A_66 {offsets = [15], sizes = [1], strides = [1]} : vector<16xi32> to vector<1xi32>
        %squeeze3A_1889 = vector.extract %slice3A_1888[0] : i32 from vector<1xi32>
        %mul3A_1890 = arith.constant 32 : i32
        %mul3A_1891 = arith.muli %squeeze3A_1889, %mul3A_1890 : i32
        %multiple_of3A_1892 = tpu.assume_multiple %mul3A_1891, 32 : i32
        %add3A_1893 = arith.constant 224 : i32
        %add3A_1894 = arith.addi %multiple_of3A_1892, %add3A_1893 : i32
        %add3A_1895 = arith.constant 0 : i32
        %add3A_1896 = arith.addi %add3A_1894, %add3A_1895 : i32
        %get3A_1897 = arith.index_cast %add3A_1896 : i32 to index
        %get3A_1898 = tpu.vector_load %arg8[%get3A_1897] {strides = array<i32>} : memref<672xf32, #tpu.memory_space<vmem>>, vector<16xf32>,
        %add3A_1899 = arith.constant 224 : i32
        %add3A_1900 = arith.addi %multiple_of3A_1892, %add3A_1899 : i32
        %add3A_1901 = arith.constant 16 : i32
        %add3A_1902 = arith.addi %add3A_1900, %add3A_1901 : i32
        %get3A_1903 = arith.index_cast %add3A_1902 : i32 to index
        %get3A_1904 = tpu.vector_load %arg8[%get3A_1903] {strides = array<i32>} : memref<672xf32, #tpu.memory_space<vmem>>, vector<16xf32>,
        %slice3A_1905 = vector.extract_strided_slice %get3A_68 {offsets = [15], sizes = [1], strides = [1]} : vector<16xi32> to vector<1xi32>
        %squeeze3A_1906 = vector.extract %slice3A_1905[0] : i32 from vector<1xi32>
        %mul3A_1907 = arith.constant 32 : i32
        %mul3A_1908 = arith.muli %squeeze3A_1906, %mul3A_1907 : i32
        %multiple_of3A_1909 = tpu.assume_multiple %mul3A_1908, 32 : i32
        %add3A_1910 = arith.constant 512 : i32
        %add3A_1911 = arith.addi %multiple_of3A_1909, %add3A_1910 : i32
        %add3A_1912 = arith.constant 0 : i32
        %add3A_1913 = arith.addi %add3A_1911, %add3A_1912 : i32
        %get3A_1914 = arith.index_cast %add3A_1913 : i32 to index
        %get3A_1915 = tpu.vector_load %arg8[%get3A_1914] {strides = array<i32>} : memref<672xf32, #tpu.memory_space<vmem>>, vector<16xf32>,
        %add3A_1916 = arith.constant 512 : i32
        %add3A_1917 = arith.addi %multiple_of3A_1909, %add3A_1916 : i32
        %add3A_1918 = arith.constant 16 : i32
        %add3A_1919 = arith.addi %add3A_1917, %add3A_1918 : i32
        %get3A_1920 = arith.index_cast %add3A_1919 : i32 to index
        %get3A_1921 = tpu.vector_load %arg8[%get3A_1920] {strides = array<i32>} : memref<672xf32, #tpu.memory_space<vmem>>, vector<16xf32>,
        %add3A_1922 = arith.constant 1536 : i32
        %add3A_1923 = arith.addi %multiple_of3A, %add3A_1922 : i32
        %add3A_1924 = arith.constant 0 : i32
        %add3A_1925 = arith.addi %add3A_1923, %add3A_1924 : i32
        %add3A_1926 = arith.constant 0 : i32
        %add3A_1927 = arith.addi %add3A_1925, %add3A_1926 : i32
        %swap3A_1928 = arith.index_cast %add3A_1927 : i32 to index
        %swap3A_1929 = tpu.vector_load %arg14[%swap3A_1928] {strides = array<i32>} : memref<40960xf32, #tpu.memory_space<vmem>>, vector<16xf32>,
        tpu.vector_store %arg14[%swap3A_1928], %get3A_1532 {strides = array<i32>} : memref<40960xf32, #tpu.memory_space<vmem>>, vector<16xf32>,
        %add3A_1930 = arith.constant 1536 : i32
        %add3A_1931 = arith.addi %multiple_of3A, %add3A_1930 : i32
        %add3A_1932 = arith.constant 0 : i32
        %add3A_1933 = arith.addi %add3A_1931, %add3A_1932 : i32
        %add3A_1934 = arith.constant 16 : i32
        %add3A_1935 = arith.addi %add3A_1933, %add3A_1934 : i32
        %swap3A_1936 = arith.index_cast %add3A_1935 : i32 to index
        %swap3A_1937 = tpu.vector_load %arg14[%swap3A_1936] {strides = array<i32>} : memref<40960xf32, #tpu.memory_space<vmem>>, vector<16xf32>,
        tpu.vector_store %arg14[%swap3A_1936], %get3A_1538 {strides = array<i32>} : memref<40960xf32, #tpu.memory_space<vmem>>, vector<16xf32>,
        %add3A_1938 = arith.constant 1536 : i32
        %add3A_1939 = arith.addi %multiple_of3A, %add3A_1938 : i32
        %add3A_1940 = arith.constant 32 : i32
        %add3A_1941 = arith.addi %add3A_1939, %add3A_1940 : i32
        %add3A_1942 = arith.constant 0 : i32
        %add3A_1943 = arith.addi %add3A_1941, %add3A_1942 : i32
        %swap3A_1944 = arith.index_cast %add3A_1943 : i32 to index
        %swap3A_1945 = tpu.vector_load %arg14[%swap3A_1944] {strides = array<i32>} : memref<40960xf32, #tpu.memory_space<vmem>>, vector<16xf32>,
        tpu.vector_store %arg14[%swap3A_1944], %get3A_1549 {strides = array<i32>} : memref<40960xf32, #tpu.memory_space<vmem>>, vector<16xf32>,
        %add3A_1946 = arith.constant 1536 : i32
        %add3A_1947 = arith.addi %multiple_of3A, %add3A_1946 : i32
        %add3A_1948 = arith.constant 32 : i32
        %add3A_1949 = arith.addi %add3A_1947, %add3A_1948 : i32
        %add3A_1950 = arith.constant 16 : i32
        %add3A_1951 = arith.addi %add3A_1949, %add3A_1950 : i32
        %swap3A_1952 = arith.index_cast %add3A_1951 : i32 to index
        %swap3A_1953 = tpu.vector_load %arg14[%swap3A_1952] {strides = array<i32>} : memref<40960xf32, #tpu.memory_space<vmem>>, vector<16xf32>,
        tpu.vector_store %arg14[%swap3A_1952], %get3A_1555 {strides = array<i32>} : memref<40960xf32, #tpu.memory_space<vmem>>, vector<16xf32>,
        %add3A_1954 = arith.constant 1536 : i32
        %add3A_1955 = arith.addi %multiple_of3A, %add3A_1954 : i32
        %add3A_1956 = arith.constant 64 : i32
        %add3A_1957 = arith.addi %add3A_1955, %add3A_1956 : i32
        %add3A_1958 = arith.constant 0 : i32
        %add3A_1959 = arith.addi %add3A_1957, %add3A_1958 : i32
        %swap3A_1960 = arith.index_cast %add3A_1959 : i32 to index
        %swap3A_1961 = tpu.vector_load %arg14[%swap3A_1960] {strides = array<i32>} : memref<40960xf32, #tpu.memory_space<vmem>>, vector<16xf32>,
        tpu.vector_store %arg14[%swap3A_1960], %get3A_1566 {strides = array<i32>} : memref<40960xf32, #tpu.memory_space<vmem>>, vector<16xf32>,
        %add3A_1962 = arith.constant 1536 : i32
        %add3A_1963 = arith.addi %multiple_of3A, %add3A_1962 : i32
        %add3A_1964 = arith.constant 64 : i32
        %add3A_1965 = arith.addi %add3A_1963, %add3A_1964 : i32
        %add3A_1966 = arith.constant 16 : i32
        %add3A_1967 = arith.addi %add3A_1965, %add3A_1966 : i32
        %swap3A_1968 = arith.index_cast %add3A_1967 : i32 to index
        %swap3A_1969 = tpu.vector_load %arg14[%swap3A_1968] {strides = array<i32>} : memref<40960xf32, #tpu.memory_space<vmem>>, vector<16xf32>,
        tpu.vector_store %arg14[%swap3A_1968], %get3A_1572 {strides = array<i32>} : memref<40960xf32, #tpu.memory_space<vmem>>, vector<16xf32>,
        %add3A_1970 = arith.constant 1536 : i32
        %add3A_1971 = arith.addi %multiple_of3A, %add3A_1970 : i32
        %add3A_1972 = arith.constant 96 : i32
        %add3A_1973 = arith.addi %add3A_1971, %add3A_1972 : i32
        %add3A_1974 = arith.constant 0 : i32
        %add3A_1975 = arith.addi %add3A_1973, %add3A_1974 : i32
        %swap3A_1976 = arith.index_cast %add3A_1975 : i32 to index
        %swap3A_1977 = tpu.vector_load %arg14[%swap3A_1976] {strides = array<i32>} : memref<40960xf32, #tpu.memory_space<vmem>>, vector<16xf32>,
        tpu.vector_store %arg14[%swap3A_1976], %get3A_1583 {strides = array<i32>} : memref<40960xf32, #tpu.memory_space<vmem>>, vector<16xf32>,
        %add3A_1978 = arith.constant 1536 : i32
        %add3A_1979 = arith.addi %multiple_of3A, %add3A_1978 : i32
        %add3A_1980 = arith.constant 96 : i32
        %add3A_1981 = arith.addi %add3A_1979, %add3A_1980 : i32
        %add3A_1982 = arith.constant 16 : i32
        %add3A_1983 = arith.addi %add3A_1981, %add3A_1982 : i32
        %swap3A_1984 = arith.index_cast %add3A_1983 : i32 to index
        %swap3A_1985 = tpu.vector_load %arg14[%swap3A_1984] {strides = array<i32>} : memref<40960xf32, #tpu.memory_space<vmem>>, vector<16xf32>,
        tpu.vector_store %arg14[%swap3A_1984], %get3A_1589 {strides = array<i32>} : memref<40960xf32, #tpu.memory_space<vmem>>, vector<16xf32>,
        %add3A_1986 = arith.constant 1664 : i32
        %add3A_1987 = arith.addi %multiple_of3A, %add3A_1986 : i32
        %add3A_1988 = arith.constant 0 : i32
        %add3A_1989 = arith.addi %add3A_1987, %add3A_1988 : i32
        %add3A_1990 = arith.constant 0 : i32
        %add3A_1991 = arith.addi %add3A_1989, %add3A_1990 : i32
        %swap3A_1992 = arith.index_cast %add3A_1991 : i32 to index
        %swap3A_1993 = tpu.vector_load %arg14[%swap3A_1992] {strides = array<i32>} : memref<40960xf32, #tpu.memory_space<vmem>>, vector<16xf32>,
        tpu.vector_store %arg14[%swap3A_1992], %get3A_1600 {strides = array<i32>} : memref<40960xf32, #tpu.memory_space<vmem>>, vector<16xf32>,
        %add3A_1994 = arith.constant 1664 : i32
        %add3A_1995 = arith.addi %multiple_of3A, %add3A_1994 : i32
        %add3A_1996 = arith.constant 0 : i32
        %add3A_1997 = arith.addi %add3A_1995, %add3A_1996 : i32
        %add3A_1998 = arith.constant 16 : i32
        %add3A_1999 = arith.addi %add3A_1997, %add3A_1998 : i32
        %swap3A_2000 = arith.index_cast %add3A_1999 : i32 to index
        %swap3A_2001 = tpu.vector_load %arg14[%swap3A_2000] {strides = array<i32>} : memref<40960xf32, #tpu.memory_space<vmem>>, vector<16xf32>,
        tpu.vector_store %arg14[%swap3A_2000], %get3A_1606 {strides = array<i32>} : memref<40960xf32, #tpu.memory_space<vmem>>, vector<16xf32>,
        %add3A_2002 = arith.constant 1664 : i32
        %add3A_2003 = arith.addi %multiple_of3A, %add3A_2002 : i32
        %add3A_2004 = arith.constant 32 : i32
        %add3A_2005 = arith.addi %add3A_2003, %add3A_2004 : i32
        %add3A_2006 = arith.constant 0 : i32
        %add3A_2007 = arith.addi %add3A_2005, %add3A_2006 : i32
        %swap3A_2008 = arith.index_cast %add3A_2007 : i32 to index
        %swap3A_2009 = tpu.vector_load %arg14[%swap3A_2008] {strides = array<i32>} : memref<40960xf32, #tpu.memory_space<vmem>>, vector<16xf32>,
        tpu.vector_store %arg14[%swap3A_2008], %get3A_1617 {strides = array<i32>} : memref<40960xf32, #tpu.memory_space<vmem>>, vector<16xf32>,
        %add3A_2010 = arith.constant 1664 : i32
        %add3A_2011 = arith.addi %multiple_of3A, %add3A_2010 : i32
        %add3A_2012 = arith.constant 32 : i32
        %add3A_2013 = arith.addi %add3A_2011, %add3A_2012 : i32
        %add3A_2014 = arith.constant 16 : i32
        %add3A_2015 = arith.addi %add3A_2013, %add3A_2014 : i32
        %swap3A_2016 = arith.index_cast %add3A_2015 : i32 to index
        %swap3A_2017 = tpu.vector_load %arg14[%swap3A_2016] {strides = array<i32>} : memref<40960xf32, #tpu.memory_space<vmem>>, vector<16xf32>,
        tpu.vector_store %arg14[%swap3A_2016], %get3A_1623 {strides = array<i32>} : memref<40960xf32, #tpu.memory_space<vmem>>, vector<16xf32>,
        %add3A_2018 = arith.constant 1664 : i32
        %add3A_2019 = arith.addi %multiple_of3A, %add3A_2018 : i32
        %add3A_2020 = arith.constant 64 : i32
        %add3A_2021 = arith.addi %add3A_2019, %add3A_2020 : i32
        %add3A_2022 = arith.constant 0 : i32
        %add3A_2023 = arith.addi %add3A_2021, %add3A_2022 : i32
        %swap3A_2024 = arith.index_cast %add3A_2023 : i32 to index
        %swap3A_2025 = tpu.vector_load %arg14[%swap3A_2024] {strides = array<i32>} : memref<40960xf32, #tpu.memory_space<vmem>>, vector<16xf32>,
        tpu.vector_store %arg14[%swap3A_2024], %get3A_1634 {strides = array<i32>} : memref<40960xf32, #tpu.memory_space<vmem>>, vector<16xf32>,
        %add3A_2026 = arith.constant 1664 : i32
        %add3A_2027 = arith.addi %multiple_of3A, %add3A_2026 : i32
        %add3A_2028 = arith.constant 64 : i32
        %add3A_2029 = arith.addi %add3A_2027, %add3A_2028 : i32
        %add3A_2030 = arith.constant 16 : i32
        %add3A_2031 = arith.addi %add3A_2029, %add3A_2030 : i32
        %swap3A_2032 = arith.index_cast %add3A_2031 : i32 to index
        %swap3A_2033 = tpu.vector_load %arg14[%swap3A_2032] {strides = array<i32>} : memref<40960xf32, #tpu.memory_space<vmem>>, vector<16xf32>,
        tpu.vector_store %arg14[%swap3A_2032], %get3A_1640 {strides = array<i32>} : memref<40960xf32, #tpu.memory_space<vmem>>, vector<16xf32>,
        %add3A_2034 = arith.constant 1664 : i32
        %add3A_2035 = arith.addi %multiple_of3A, %add3A_2034 : i32
        %add3A_2036 = arith.constant 96 : i32
        %add3A_2037 = arith.addi %add3A_2035, %add3A_2036 : i32
        %add3A_2038 = arith.constant 0 : i32
        %add3A_2039 = arith.addi %add3A_2037, %add3A_2038 : i32
        %swap3A_2040 = arith.index_cast %add3A_2039 : i32 to index
        %swap3A_2041 = tpu.vector_load %arg14[%swap3A_2040] {strides = array<i32>} : memref<40960xf32, #tpu.memory_space<vmem>>, vector<16xf32>,
        tpu.vector_store %arg14[%swap3A_2040], %get3A_1651 {strides = array<i32>} : memref<40960xf32, #tpu.memory_space<vmem>>, vector<16xf32>,
        %add3A_2042 = arith.constant 1664 : i32
        %add3A_2043 = arith.addi %multiple_of3A, %add3A_2042 : i32
        %add3A_2044 = arith.constant 96 : i32
        %add3A_2045 = arith.addi %add3A_2043, %add3A_2044 : i32
        %add3A_2046 = arith.constant 16 : i32
        %add3A_2047 = arith.addi %add3A_2045, %add3A_2046 : i32
        %swap3A_2048 = arith.index_cast %add3A_2047 : i32 to index
        %swap3A_2049 = tpu.vector_load %arg14[%swap3A_2048] {strides = array<i32>} : memref<40960xf32, #tpu.memory_space<vmem>>, vector<16xf32>,
        tpu.vector_store %arg14[%swap3A_2048], %get3A_1657 {strides = array<i32>} : memref<40960xf32, #tpu.memory_space<vmem>>, vector<16xf32>,
        %add3A_2050 = arith.constant 1792 : i32
        %add3A_2051 = arith.addi %multiple_of3A, %add3A_2050 : i32
        %add3A_2052 = arith.constant 0 : i32
        %add3A_2053 = arith.addi %add3A_2051, %add3A_2052 : i32
        %add3A_2054 = arith.constant 0 : i32
        %add3A_2055 = arith.addi %add3A_2053, %add3A_2054 : i32
        %swap3A_2056 = arith.index_cast %add3A_2055 : i32 to index
        %swap3A_2057 = tpu.vector_load %arg14[%swap3A_2056] {strides = array<i32>} : memref<40960xf32, #tpu.memory_space<vmem>>, vector<16xf32>,
        tpu.vector_store %arg14[%swap3A_2056], %get3A_1796 {strides = array<i32>} : memref<40960xf32, #tpu.memory_space<vmem>>, vector<16xf32>,
        %add3A_2058 = arith.constant 1792 : i32
        %add3A_2059 = arith.addi %multiple_of3A, %add3A_2058 : i32
        %add3A_2060 = arith.constant 0 : i32
        %add3A_2061 = arith.addi %add3A_2059, %add3A_2060 : i32
        %add3A_2062 = arith.constant 16 : i32
        %add3A_2063 = arith.addi %add3A_2061, %add3A_2062 : i32
        %swap3A_2064 = arith.index_cast %add3A_2063 : i32 to index
        %swap3A_2065 = tpu.vector_load %arg14[%swap3A_2064] {strides = array<i32>} : memref<40960xf32, #tpu.memory_space<vmem>>, vector<16xf32>,
        tpu.vector_store %arg14[%swap3A_2064], %get3A_1802 {strides = array<i32>} : memref<40960xf32, #tpu.memory_space<vmem>>, vector<16xf32>,
        %add3A_2066 = arith.constant 1792 : i32
        %add3A_2067 = arith.addi %multiple_of3A, %add3A_2066 : i32
        %add3A_2068 = arith.constant 32 : i32
        %add3A_2069 = arith.addi %add3A_2067, %add3A_2068 : i32
        %add3A_2070 = arith.constant 0 : i32
        %add3A_2071 = arith.addi %add3A_2069, %add3A_2070 : i32
        %swap3A_2072 = arith.index_cast %add3A_2071 : i32 to index
        %swap3A_2073 = tpu.vector_load %arg14[%swap3A_2072] {strides = array<i32>} : memref<40960xf32, #tpu.memory_space<vmem>>, vector<16xf32>,
        tpu.vector_store %arg14[%swap3A_2072], %get3A_1813 {strides = array<i32>} : memref<40960xf32, #tpu.memory_space<vmem>>, vector<16xf32>,
        %add3A_2074 = arith.constant 1792 : i32
        %add3A_2075 = arith.addi %multiple_of3A, %add3A_2074 : i32
        %add3A_2076 = arith.constant 32 : i32
        %add3A_2077 = arith.addi %add3A_2075, %add3A_2076 : i32
        %add3A_2078 = arith.constant 16 : i32
        %add3A_2079 = arith.addi %add3A_2077, %add3A_2078 : i32
        %swap3A_2080 = arith.index_cast %add3A_2079 : i32 to index
        %swap3A_2081 = tpu.vector_load %arg14[%swap3A_2080] {strides = array<i32>} : memref<40960xf32, #tpu.memory_space<vmem>>, vector<16xf32>,
        tpu.vector_store %arg14[%swap3A_2080], %get3A_1819 {strides = array<i32>} : memref<40960xf32, #tpu.memory_space<vmem>>, vector<16xf32>,
        %add3A_2082 = arith.constant 1792 : i32
        %add3A_2083 = arith.addi %multiple_of3A, %add3A_2082 : i32
        %add3A_2084 = arith.constant 64 : i32
        %add3A_2085 = arith.addi %add3A_2083, %add3A_2084 : i32
        %add3A_2086 = arith.constant 0 : i32
        %add3A_2087 = arith.addi %add3A_2085, %add3A_2086 : i32
        %swap3A_2088 = arith.index_cast %add3A_2087 : i32 to index
        %swap3A_2089 = tpu.vector_load %arg14[%swap3A_2088] {strides = array<i32>} : memref<40960xf32, #tpu.memory_space<vmem>>, vector<16xf32>,
        tpu.vector_store %arg14[%swap3A_2088], %get3A_1830 {strides = array<i32>} : memref<40960xf32, #tpu.memory_space<vmem>>, vector<16xf32>,
        %add3A_2090 = arith.constant 1792 : i32
        %add3A_2091 = arith.addi %multiple_of3A, %add3A_2090 : i32
        %add3A_2092 = arith.constant 64 : i32
        %add3A_2093 = arith.addi %add3A_2091, %add3A_2092 : i32
        %add3A_2094 = arith.constant 16 : i32
        %add3A_2095 = arith.addi %add3A_2093, %add3A_2094 : i32
        %swap3A_2096 = arith.index_cast %add3A_2095 : i32 to index
        %swap3A_2097 = tpu.vector_load %arg14[%swap3A_2096] {strides = array<i32>} : memref<40960xf32, #tpu.memory_space<vmem>>, vector<16xf32>,
        tpu.vector_store %arg14[%swap3A_2096], %get3A_1836 {strides = array<i32>} : memref<40960xf32, #tpu.memory_space<vmem>>, vector<16xf32>,
        %add3A_2098 = arith.constant 1792 : i32
        %add3A_2099 = arith.addi %multiple_of3A, %add3A_2098 : i32
        %add3A_2100 = arith.constant 96 : i32
        %add3A_2101 = arith.addi %add3A_2099, %add3A_2100 : i32
        %add3A_2102 = arith.constant 0 : i32
        %add3A_2103 = arith.addi %add3A_2101, %add3A_2102 : i32
        %swap3A_2104 = arith.index_cast %add3A_2103 : i32 to index
        %swap3A_2105 = tpu.vector_load %arg14[%swap3A_2104] {strides = array<i32>} : memref<40960xf32, #tpu.memory_space<vmem>>, vector<16xf32>,
        tpu.vector_store %arg14[%swap3A_2104], %get3A_1847 {strides = array<i32>} : memref<40960xf32, #tpu.memory_space<vmem>>, vector<16xf32>,
        %add3A_2106 = arith.constant 1792 : i32
        %add3A_2107 = arith.addi %multiple_of3A, %add3A_2106 : i32
        %add3A_2108 = arith.constant 96 : i32
        %add3A_2109 = arith.addi %add3A_2107, %add3A_2108 : i32
        %add3A_2110 = arith.constant 16 : i32
        %add3A_2111 = arith.addi %add3A_2109, %add3A_2110 : i32
        %swap3A_2112 = arith.index_cast %add3A_2111 : i32 to index
        %swap3A_2113 = tpu.vector_load %arg14[%swap3A_2112] {strides = array<i32>} : memref<40960xf32, #tpu.memory_space<vmem>>, vector<16xf32>,
        tpu.vector_store %arg14[%swap3A_2112], %get3A_1853 {strides = array<i32>} : memref<40960xf32, #tpu.memory_space<vmem>>, vector<16xf32>,
        %add3A_2114 = arith.constant 1920 : i32
        %add3A_2115 = arith.addi %multiple_of3A, %add3A_2114 : i32
        %add3A_2116 = arith.constant 0 : i32
        %add3A_2117 = arith.addi %add3A_2115, %add3A_2116 : i32
        %add3A_2118 = arith.constant 0 : i32
        %add3A_2119 = arith.addi %add3A_2117, %add3A_2118 : i32
        %swap3A_2120 = arith.index_cast %add3A_2119 : i32 to index
        %swap3A_2121 = tpu.vector_load %arg14[%swap3A_2120] {strides = array<i32>} : memref<40960xf32, #tpu.memory_space<vmem>>, vector<16xf32>,
        tpu.vector_store %arg14[%swap3A_2120], %get3A_1864 {strides = array<i32>} : memref<40960xf32, #tpu.memory_space<vmem>>, vector<16xf32>,
        %add3A_2122 = arith.constant 1920 : i32
        %add3A_2123 = arith.addi %multiple_of3A, %add3A_2122 : i32
        %add3A_2124 = arith.constant 0 : i32
        %add3A_2125 = arith.addi %add3A_2123, %add3A_2124 : i32
        %add3A_2126 = arith.constant 16 : i32
        %add3A_2127 = arith.addi %add3A_2125, %add3A_2126 : i32
        %swap3A_2128 = arith.index_cast %add3A_2127 : i32 to index
        %swap3A_2129 = tpu.vector_load %arg14[%swap3A_2128] {strides = array<i32>} : memref<40960xf32, #tpu.memory_space<vmem>>, vector<16xf32>,
        tpu.vector_store %arg14[%swap3A_2128], %get3A_1870 {strides = array<i32>} : memref<40960xf32, #tpu.memory_space<vmem>>, vector<16xf32>,
        %add3A_2130 = arith.constant 1920 : i32
        %add3A_2131 = arith.addi %multiple_of3A, %add3A_2130 : i32
        %add3A_2132 = arith.constant 32 : i32
        %add3A_2133 = arith.addi %add3A_2131, %add3A_2132 : i32
        %add3A_2134 = arith.constant 0 : i32
        %add3A_2135 = arith.addi %add3A_2133, %add3A_2134 : i32
        %swap3A_2136 = arith.index_cast %add3A_2135 : i32 to index
        %swap3A_2137 = tpu.vector_load %arg14[%swap3A_2136] {strides = array<i32>} : memref<40960xf32, #tpu.memory_space<vmem>>, vector<16xf32>,
        tpu.vector_store %arg14[%swap3A_2136], %get3A_1881 {strides = array<i32>} : memref<40960xf32, #tpu.memory_space<vmem>>, vector<16xf32>,
        %add3A_2138 = arith.constant 1920 : i32
        %add3A_2139 = arith.addi %multiple_of3A, %add3A_2138 : i32
        %add3A_2140 = arith.constant 32 : i32
        %add3A_2141 = arith.addi %add3A_2139, %add3A_2140 : i32
        %add3A_2142 = arith.constant 16 : i32
        %add3A_2143 = arith.addi %add3A_2141, %add3A_2142 : i32
        %swap3A_2144 = arith.index_cast %add3A_2143 : i32 to index
        %swap3A_2145 = tpu.vector_load %arg14[%swap3A_2144] {strides = array<i32>} : memref<40960xf32, #tpu.memory_space<vmem>>, vector<16xf32>,
        tpu.vector_store %arg14[%swap3A_2144], %get3A_1887 {strides = array<i32>} : memref<40960xf32, #tpu.memory_space<vmem>>, vector<16xf32>,
        %add3A_2146 = arith.constant 1920 : i32
        %add3A_2147 = arith.addi %multiple_of3A, %add3A_2146 : i32
        %add3A_2148 = arith.constant 64 : i32
        %add3A_2149 = arith.addi %add3A_2147, %add3A_2148 : i32
        %add3A_2150 = arith.constant 0 : i32
        %add3A_2151 = arith.addi %add3A_2149, %add3A_2150 : i32
        %swap3A_2152 = arith.index_cast %add3A_2151 : i32 to index
        %swap3A_2153 = tpu.vector_load %arg14[%swap3A_2152] {strides = array<i32>} : memref<40960xf32, #tpu.memory_space<vmem>>, vector<16xf32>,
        tpu.vector_store %arg14[%swap3A_2152], %get3A_1898 {strides = array<i32>} : memref<40960xf32, #tpu.memory_space<vmem>>, vector<16xf32>,
        %add3A_2154 = arith.constant 1920 : i32
        %add3A_2155 = arith.addi %multiple_of3A, %add3A_2154 : i32
        %add3A_2156 = arith.constant 64 : i32
        %add3A_2157 = arith.addi %add3A_2155, %add3A_2156 : i32
        %add3A_2158 = arith.constant 16 : i32
        %add3A_2159 = arith.addi %add3A_2157, %add3A_2158 : i32
        %swap3A_2160 = arith.index_cast %add3A_2159 : i32 to index
        %swap3A_2161 = tpu.vector_load %arg14[%swap3A_2160] {strides = array<i32>} : memref<40960xf32, #tpu.memory_space<vmem>>, vector<16xf32>,
        tpu.vector_store %arg14[%swap3A_2160], %get3A_1904 {strides = array<i32>} : memref<40960xf32, #tpu.memory_space<vmem>>, vector<16xf32>,
        %add3A_2162 = arith.constant 1920 : i32
        %add3A_2163 = arith.addi %multiple_of3A, %add3A_2162 : i32
        %add3A_2164 = arith.constant 96 : i32
        %add3A_2165 = arith.addi %add3A_2163, %add3A_2164 : i32
        %add3A_2166 = arith.constant 0 : i32
        %add3A_2167 = arith.addi %add3A_2165, %add3A_2166 : i32
        %swap3A_2168 = arith.index_cast %add3A_2167 : i32 to index
        %swap3A_2169 = tpu.vector_load %arg14[%swap3A_2168] {strides = array<i32>} : memref<40960xf32, #tpu.memory_space<vmem>>, vector<16xf32>,
        tpu.vector_store %arg14[%swap3A_2168], %get3A_1915 {strides = array<i32>} : memref<40960xf32, #tpu.memory_space<vmem>>, vector<16xf32>,
        %add3A_2170 = arith.constant 1920 : i32
        %add3A_2171 = arith.addi %multiple_of3A, %add3A_2170 : i32
        %add3A_2172 = arith.constant 96 : i32
        %add3A_2173 = arith.addi %add3A_2171, %add3A_2172 : i32
        %add3A_2174 = arith.constant 16 : i32
        %add3A_2175 = arith.addi %add3A_2173, %add3A_2174 : i32
        %swap3A_2176 = arith.index_cast %add3A_2175 : i32 to index
        %swap3A_2177 = tpu.vector_load %arg14[%swap3A_2176] {strides = array<i32>} : memref<40960xf32, #tpu.memory_space<vmem>>, vector<16xf32>,
        tpu.vector_store %arg14[%swap3A_2176], %get3A_1921 {strides = array<i32>} : memref<40960xf32, #tpu.memory_space<vmem>>, vector<16xf32>,
      }
      %scan3A_46 = arith.constant 20 : i32
      %mul3A_47 = arith.constant 320 : i32
      %mul3A_48 = arith.muli %add3A_35, %mul3A_47 : i32
      %add3A_49 = arith.addi %mul3A_2, %mul3A_48 : i32
      %mul3A_50 = arith.constant 128 : i32
      %mul3A_51 = arith.muli %add3A_49, %mul3A_50 : i32
      %dma_start3A_52 = tpu.memref_slice %arg7[%mul3A_51] : memref<26214400xf32, #tpu.memory_space<hbm>> -> memref<40960xf32, #tpu.memory_space<hbm>>
      %dma_start3A_53 = tpu.memref_slice %arg7[%mul3A_51] : memref<26214400xf32, #tpu.memory_space<hbm>> -> memref<40960xf32, #tpu.memory_space<hbm>>
      tpu.enqueue_dma source(%arg14 : memref<40960xf32, #tpu.memory_space<vmem>>) target(%dma_start3A_53 : memref<40960xf32, #tpu.memory_space<hbm>>) target_semaphore(%arg16 : memref<!tpu.dma_semaphore, #tpu.memory_space<semaphore_mem>>)
    }
    %scan3A_7 = arith.constant 10 : i32
    %mul3A_8 = arith.constant 128 : i32
    %mul3A_9 = arith.muli %mul3A_2, %mul3A_8 : i32
    %dma_wait3A = tpu.memref_slice %arg7[%mul3A_9] : memref<26214400xf32, #tpu.memory_space<hbm>> -> memref<40960xf32, #tpu.memory_space<hbm>>
    %dma_wait3A_10 = tpu.memref_slice %arg7[%mul3A_9] : memref<26214400xf32, #tpu.memory_space<hbm>> -> memref<40960xf32, #tpu.memory_space<hbm>>
    tpu.wait_dma2 semaphore(%arg15 : memref<!tpu.dma_semaphore, #tpu.memory_space<semaphore_mem>>) src(%arg13 : memref<40960xf32, #tpu.memory_space<vmem>>) dst(%dma_wait3A_10 : memref<40960xf32, #tpu.memory_space<hbm>>)
    %mul3A_11 = arith.constant 128 : i32
    %mul3A_12 = arith.muli %mul3A_2, %mul3A_11 : i32
    %dma_wait3A_13 = tpu.memref_slice %arg7[%mul3A_12] : memref<26214400xf32, #tpu.memory_space<hbm>> -> memref<40960xf32, #tpu.memory_space<hbm>>
    %dma_wait3A_14 = tpu.memref_slice %arg7[%mul3A_12] : memref<26214400xf32, #tpu.memory_space<hbm>> -> memref<40960xf32, #tpu.memory_space<hbm>>
    tpu.wait_dma2 semaphore(%arg16 : memref<!tpu.dma_semaphore, #tpu.memory_space<semaphore_mem>>) src(%arg14 : memref<40960xf32, #tpu.memory_space<vmem>>) dst(%dma_wait3A_14 : memref<40960xf32, #tpu.memory_space<hbm>>)
    return
  }
}

</mosaic_0001>

<sc_bundles>
// kernel: kernel.3.cloned.1.call-start
scs
__scs_entry_jumppad:
0x0: {  	(pc) =	sbr.rel $0x88, $3  }
0x1: {  	(tag) =	ssettag $0x0;
	lr =	simm.s32 $0x1  }
0x2: {  	[smem:$0x3F99] =	sst lr;
	_ =	strace $0xD0000000  }
0x3: {  	_ = 	snop  }
0x4: {  	_ = 	snop  }
0x5: {  	_ = 	snop  }
0x6: {  	_ = 	snop  }
0x7: {  	_ = 	snop  }
__scs_overlays_trampoline_lowered:
0x8: {  	[smem:$0x3FA8] =	sst s0  }
0x9: {  	[smem:$0x3FA9] =	sst s1  }
0xa: {  	[smem:$0x3FAA] =	sst s2  }
0xb: {  	[smem:$0x3FAB] =	sst s3  }
0xc: {  	[smem:$0x3FAC] =	sst s4  }
0xd: {  	[smem:$0x3FAD] =	sst s5  }
0xe: {  	[smem:$0x3FAE] =	sst s6  }
0xf: {  	[smem:$0x3FAF] =	sst s7  }
0x10: {  	[smem:$0x3FB0] =	sst s8  }
0x11: {  	[smem:$0x3FB1] =	sst s9;
	s0 =	simm.s32 @!p0 $0x0  }
0x12: {  	s1 =	sld [smem:$0x3F97];
	s0 =	simm.s32 @p0 $0x1  }
0x13: {  	[smem:$0x3FB2] =	sst s0;
	s0 =	simm.s32 @!p1 $0x0  }
0x14: {  	s2 =	sld [smem:$0x3F96];
	s0 =	simm.s32 @p1 $0x1  }
0x15: {  	[smem:$0x3FB3] =	sst s0;
	s0 =	simm.s32 @!p2 $0x0  }
0x16: {  	s3 =	sld [smem:$0x3FDB];
	s0 =	simm.s32 @p2 $0x1  }
0x17: {  	s4 =	simm.s32 $0x1BF5;
	[smem:$0x3FB5] =	sst s0  }
0x18: {  	s0 =	sld [smem:$0x3F98];
	_ =	swait.ge [sflag:s4], $0x0  }
0x19: {  	s7 =	sld [smem:$0x3F99]  }
0x1a: {  	s8 =	sadd.s32 $0xFFFFE003, lr  }
0x1b: {  	s9 =	sadd.s32 $0xFFFFFEF7, lr;
	s5 =	simm.s32 $0xFFFFFFFF;
	p2 =	slt.u32 s8, $0xFFFFF086  }
0x1c: {  	p1 =	slt.u32 s9, $0xF7A;
	s5 =	simm.s32 @!p2 $0x0  }
0x1d: {  	s5 =	simm.s32 @p1 $0x1;
	p0 =	seq.s32 s7, s2  }
0x1e: {  	s7 =	smul.u32 @!p0 $0xF7A, s2;
	p2 =	seq.s32 @!p0 s5, $0x0  }
0x1f: {  	s9 =	smul.u32 $0xF7A, s1;
	s8 =	simm.s32 @!p0 $0x1BF5;
	p2 =	por !p2, p0  }
0x20: {  	[sflag:s8] =	ssyncset.s32 @!p0 $0xFFFFF086;
	s6 =	sadd.s32 @!p0 s3, s7;
	s7 =	simm.s32 @!p0 $0x108  }
0x21: {  	s3 =	sadd.s32 s3, s9;
	s6 =	sadd.s32 @!p0 $0x88, s6;
	s7 =	simm.s32 @p2 $0x1082  }
0x22: {  	[simem:s7], [sflag:s8] =	dma.local @!p0 [hbm:s6], $0xF7A  }
0x23: {  	s9 =	sor.u32 $0xD0000000, s2;
	s6 =	simm.s32 $0x108;
	_ =	swait.ge @!p0 [sflag:s8], $0x0  }
0x24: {  	s3 =	sadd.s32 $0x88, s3;
	s6 =	simm.s32 @!p1 $0x1082;
	[sflag:s4] =	ssyncset.s32 $0xFFFFF086  }
0x25: {  	[simem:s6], [sflag:s4] =	dma.local [hbm:s3], $0xF7A  }
0x26: {  	[smem:$0x3F99] =	sst s1;
	(tag) =	ssettag s2;
	_ =	strace s9  }
0x27: {  	s1 =	sld [smem:$0x3FA9]  }
0x28: {  	s2 =	sld [smem:$0x3FAA]  }
0x29: {  	s4 =	sld [smem:$0x3FAC]  }
0x2a: {  	p0 =	seq.s32 s5, $0x0;
	s5 =	sld [smem:$0x3FAD]  }
0x2b: {  	s6 =	sld [smem:$0x3FAE]  }
0x2c: {  	s7 =	sld [smem:$0x3FAF]  }
0x2d: {  	s3 =	simm.s32 $0x108;
	s8 =	sld [smem:$0x3FB0]  }
0x2e: {  	s3 =	simm.s32 @!p0 $0x1082;
	s9 =	sld [smem:$0x3FB1]  }
0x2f: {  	lr =	sadd.s32 s0, s3;
	s0 =	sld [smem:$0x3FA8]  }
0x30: {  	s3 =	sld [smem:$0x3FAB]  }
0x31: {  	[smem:$0x3FB4] =	sst s10  }
0x32: {  	s10 =	sld [smem:$0x3FB2];
	_ =	sdelay $0x3  }
0x33: {  	p0 =	seq.s32 s10, $0x1;
	s10 =	sld [smem:$0x3FB4];
	_ =	sdelay $0x3  }
0x34: {  	[smem:$0x3FB4] =	sst s10  }
0x35: {  	s10 =	sld [smem:$0x3FB3];
	_ =	sdelay $0x3  }
0x36: {  	p1 =	seq.s32 s10, $0x1;
	s10 =	sld [smem:$0x3FB4];
	_ =	sdelay $0x3  }
0x37: {  	[smem:$0x3FB4] =	sst s10  }
0x38: {  	s10 =	sld [smem:$0x3FB5]  }
0x39: {  	_ = 	snop;
	(pc) =	sbr.ind lr, $3  }
0x3a: {  	_ = 	snop  }
0x3b: {  	_ = 	snop  }
0x3c: {  	p2 =	seq.s32 s10, $0x1;
	s10 =	sld [smem:$0x3FB4]  }
0x3d: {  	_ =	shalt  }
0x3e: {  	_ =	shalt  }
0x3f: {  	_ =	shalt  }
0x40: {  	_ =	shalt  }
0x41: {  	_ =	shalt  }
0x42: {  	_ =	shalt  }
0x43: {  	_ =	shalt  }
0x44: {  	_ =	shalt  }
0x45: {  	_ =	shalt  }
0x46: {  	_ =	shalt  }
0x47: {  	_ =	shalt  }
0x48: {  	_ =	shalt  }
0x49: {  	_ =	shalt  }
0x4a: {  	_ =	shalt  }
0x4b: {  	_ =	shalt  }
0x4c: {  	_ =	shalt  }
0x4d: {  	_ =	shalt  }
0x4e: {  	_ =	shalt  }
0x4f: {  	_ =	shalt  }
0x50: {  	_ =	shalt  }
0x51: {  	_ =	shalt  }
0x52: {  	_ =	shalt  }
0x53: {  	_ =	shalt  }
0x54: {  	_ =	shalt  }
0x55: {  	_ =	shalt  }
0x56: {  	_ =	shalt  }
0x57: {  	_ =	shalt  }
0x58: {  	_ =	shalt  }
0x59: {  	_ =	shalt  }
0x5a: {  	_ =	shalt  }
0x5b: {  	_ =	shalt  }
0x5c: {  	_ =	shalt  }
0x5d: {  	_ =	shalt  }
0x5e: {  	_ =	shalt  }
0x5f: {  	_ =	shalt  }
0x60: {  	_ =	shalt  }
0x61: {  	_ =	shalt  }
0x62: {  	_ =	shalt  }
0x63: {  	_ =	shalt  }
0x64: {  	_ =	shalt  }
0x65: {  	_ =	shalt  }
0x66: {  	_ =	shalt  }
0x67: {  	_ =	shalt  }
0x68: {  	_ =	shalt  }
0x69: {  	_ =	shalt  }
0x6a: {  	_ =	shalt  }
0x6b: {  	_ =	shalt  }
0x6c: {  	_ =	shalt  }
0x6d: {  	_ =	shalt  }
0x6e: {  	_ =	shalt  }
0x6f: {  	_ =	shalt  }
0x70: {  	_ =	shalt  }
0x71: {  	_ =	shalt  }
0x72: {  	_ =	shalt  }
0x73: {  	_ =	shalt  }
0x74: {  	_ =	shalt  }
0x75: {  	_ =	shalt  }
0x76: {  	_ =	shalt  }
0x77: {  	_ =	shalt  }
0x78: {  	_ =	shalt  }
0x79: {  	_ =	shalt  }
0x7a: {  	_ =	shalt  }
0x7b: {  	_ =	shalt  }
0x7c: {  	_ =	shalt  }
0x7d: {  	_ =	shalt  }
0x7e: {  	_ =	shalt  }
0x7f: {  	_ =	shalt  }
0x80: {  	_ =	shalt  }
0x81: {  	_ =	shalt  }
0x82: {  	_ =	shalt  }
0x83: {  	_ =	shalt  }
0x84: {  	_ =	shalt  }
0x85: {  	_ =	shalt  }
0x86: {  	_ =	shalt  }
0x87: {  	_ =	shalt  }
.Lfunc_end0:
.L_simem_size_0:
called_computation_lowered:
.L_overlay_start_0:
0x88: {  	s2 =	sld [smem:$0x3FD9]  }
0x89: {  	s3 =	sld [smem:$0x3FFE];
	_ =	sdelay $0x1  }
0x8a: {  	s1 =	srdreg.scid  }
0x8b: {  	s0 =	sand.u32 $0x1, s1  }
0x8c: {  	s17 =	sshll.u32 s0, $0xA;
	s2 =	sadd.s32 s3, s2  }
0x8d: {  	s2 =	sadd.s32 s2, s17  }
0x8e: {  	[smem:$0x3FC0] =	sst s2  }
0x8f: {  	_ = 	snop  }
0x90: {  	s2 =	sld [smem:$0x3FD0];
	(tm) =	ssettm $0x1  }
0x91: {  	s18 =	sld [smem:$0x3FFB];
	_ =	sdelay $0x3  }
0x92: {  	_ =	strace s18  }
0x93: {  	s3 =	sld [smem:$0x3FFC];
	_ =	sdelay $0x3  }
0x94: {  	_ =	strace s3  }
0x95: {  	s3 =	sld [smem:$0x3FFD];
	_ =	sdelay $0x3  }
0x96: {  	_ =	strace s3  }
0x97: {  	_ =	strace $0x8FFFFFFF  }
0x98: {  	s19 =	sld [smem:$0x3FDB];
	_ =	sdelay $0x1  }
0x99: {  	s4 =	simm.s32 $_scs_section_size  }
0x9a: {  	s5 =	simm.s32 $_size__tile_overlayer_lowered;
	s6 =	simm.s32 $_tile_overlayer_lowered  }
0x9b: {  	s22 =	simm.s32 $0x1BFF;
	s21 =	sshll.u32 s6, $0x1;
	s3 =	sadd.s32 s4, s19  }
0x9c: {  	s7 =	simm.s32 $0x0;
	s20 =	sshll.u32 s5, $0x1;
	s5 =	sadd.s32 s21, s3  }
0x9d: {  	[timem:s7], [sflag:s22] =	dma.local [hbm:s5], s20  }
0x9e: {  	_ =	swait.ge [sflag:s22], s20  }
0x9f: {  	s4 =	ssub.s32 $0x0, s20;
	[sflag:s22] =	ssyncset.done $0x0  }
0xa0: {  	[sflag:s22] =	ssyncadd.s32 s4;
	_ =	sdelay $0x1  }
0xa1: {  	s23 =	simm.s32 $0x1B8B  }
0xa2: {  	_ =	swait.ge [sflag:s23], $0x1  }
0xa3: {  	[sflag:s23] =	ssyncset.done $0x0  }
0xa4: {  	s25 =	simm.s32 $0x1B8E;
	s24 =	sld [smem:$0x3FFE];
	[sflag:s23] =	ssyncadd.s32 $0xFFFFFFFF  }
0xa5: {  	s26 =	simm.s32 $execute0_lowered;
	[smem:$0x3FD2] =	sst s25  }
0xa6: {  	s5 =	sshll.u32 s26, $0x1;
	_ =	strace $0x80000046;
	[dreg:$0x1] =	wrdreg $0xFFFFFFFF  }
0xa7: {  	s28 =	simm.s32 $_size_execute0_lowered;
	s3 =	sadd.s32 s3, s5;
	[dreg:$0x0] =	wrdreg $0x0  }
0xa8: {  	s5 =	sshll.u32 s28, $0x1;
	[dreg:$0x2] =	wrdreg s3  }
0xa9: {  	[dreg:$0x3] =	wrdreg s5  }
0xaa: {  	[dreg:$0x4] =	wrdreg $0xC0  }
0xab: {  	_ =	task [dreg:s7], $0x5FFFF  }
0xac: {  	[dreg:$0x1] =	wrdreg $0xFFFFFFFF  }
0xad: {  	[dreg:$0x0] =	wrdreg $0x60  }
0xae: {  	[dreg:$0x2] =	wrdreg s24  }
0xaf: {  	[dreg:$0x3] =	wrdreg s2  }
0xb0: {  	[dreg:$0x4] =	wrdreg $0x9  }
0xb1: {  	_ =	task.clear_ibuf [dreg:s7], $0x5FFFF;
	_ =	strace $0x90000046  }
0xb2: {  	s29 =	simm.s32 $0x9;
	_ =	strace $0x80000048  }
0xb3: {  	_ =	swait.ge [sflag:s29], $0x1  }
0xb4: {  	[sflag:s29] =	ssyncadd.s32 $0xFFFFFFFF  }
0xb5: {  	_ =	strace $0x90000048  }
0xb6: {  	_ =	sfence  }
0xb7: {  	s30 =	sld [smem:$0x0];
	_ =	sdelay $0x2  }
0xb8: {  	s31 =	sshll.u32 s1, $0xD;
	s1 =	sshrl.u32 s1, $0x2  }
0xb9: {  	s3 =	sand.u32 $0x4000, s31;
	s1 =	sadd.s32 s1, s30  }
0xba: {  	s0 =	sor.u32 s3, s0;
	s1 =	sshll.u32 s1, $0x11  }
0xbb: {  	s0 =	sor.u32 s1, s0  }
0xbc: {  	s0 =	sadd.s32 $0x8F2B, s0  }
0xbd: {  	[sflag:s0] =	ssyncadd.remote.s32 $0x1  }
0xbe: {  	_ =	sfence.sel $0xFFFF  }
0xbf: {  	[dreg:$0x0] =	wrdreg $0xFFFFFFFF;
	(pc) =	sbr.abs _section_cstart, $3  }
0xc0: {  	[dreg:$0x1] =	wrdreg $0xFFFFFFFF  }
0xc1: {  	_ =	task.clear_ibuf [dreg:s7], $0x2FFFF;
	_ =	strace $0x9FFFFFFF  }
0xc2: {  	(tm) =	ssettm $0x7FFFFFFF  }
0xc3: {  	_ =	shalt  }
tec
execute0_lowered:
.L_overlay_start_1:
0x0: {  	(tag) =	ssettag $0x1  }
0x1: {  	s1 =	srdreg.scid;
	s5 =	rddreg [dreg:$0x0]  }
0x2: {  	s0 =	stileid.u32;
	s2 =	rddreg [dreg:$0x1];
	s3 =	simm.s32 $0x0  }
0x3: {  	s11 =	simm.s32 $0x3;
	s6 =	sand.u32 $0x1, s1;
	s30 =	sshll.u32 s0, $0x1  }
0x4: {  	s12 =	simm.s32 $0x66A0;
	s13 =	simm.s32 $0x106A0;
	s4 =	sor.u32 s6, s30  }
0x5: {  	s14 =	simm.s32 $0x1;
	s15 =	simm.s32 $0x2;
	s4 =	smul.u32 $0x1900, s4  }
0x6: {  	s16 =	simm.s32 $0x0;
	s1 =	rddreg [dreg:$0x2];
	s6 =	ssub.s32 $0x2, s6  }
0x7: {  	[smem:$0x7FF] =	sst s3;
	s31 =	sshrl.u32 s6, $0x1;
	s7 =	sshrl.u32 s4, $0x3  }
0x8: {  	_ =	strace $0x80000047;
	s10 =	ssub.s32 s6, s31;
	s9 =	sadd.s32 s7, s5  }
0x9: {  	s10 =	smax.u32 s10, $0x1;
	s5 =	sadd.s32 $0x400, s5;
	s6 =	sadd.s32 $0x600, s9  }
0xa: {  	s7 =	sadd.s32 $0x6A00, s9;
	s8 =	sadd.s32 $0xCE00, s9;
	s9 =	sadd.s32 $0x13200, s9  }
.LBB2_1:
0xb: {  	[tilespmem:s3], [sflag:$0x3] =	stream.linear.gather [hbm4b:s5+s3], $0x2A0, $0x38;
	[tilespmem:$0x1A6A0] =	vst v63  }
0xc: {  	_ =	swait.ge [sflag:s11], $0x2A0  }
0xd: {  	[sflag:s11] =	ssyncset.done $0x0  }
0xe: {  	s17 =	simm.s32 $0x2A0;
	[sflag:s11] =	ssyncadd.s32 $0xFFFFFD60  }
0xf: {  	[tilespmem:s17], [sflag:$0x3] =	stream.linear.gather [hbm4b:s6+s3], $0x1900, $0x38;
	[tilespmem:$0x1A6A0] =	vst v63  }
0x10: {  	_ =	swait.ge [sflag:s11], $0x1900  }
0x11: {  	[sflag:s11] =	ssyncset.done $0x0  }
0x12: {  	s18 =	simm.s32 $0x1BA0;
	[sflag:s11] =	ssyncadd.s32 $0xFFFFE700  }
0x13: {  	[tilespmem:s18], [sflag:$0x3] =	stream.linear.gather [hbm4b:s7+s3], $0x1900, $0x38;
	[tilespmem:$0x1A6A0] =	vst v63  }
0x14: {  	_ =	swait.ge [sflag:s11], $0x1900  }
0x15: {  	[sflag:s11] =	ssyncset.done $0x0  }
0x16: {  	s19 =	simm.s32 $0x34A0;
	[sflag:s11] =	ssyncadd.s32 $0xFFFFE700  }
0x17: {  	[tilespmem:s19], [sflag:$0x3] =	stream.linear.gather [hbm4b:s8+s3], $0x1900, $0x38;
	[tilespmem:$0x1A6A0] =	vst v63  }
0x18: {  	_ =	swait.ge [sflag:s11], $0x1900  }
0x19: {  	[sflag:s11] =	ssyncset.done $0x0  }
0x1a: {  	s20 =	simm.s32 $0x4DA0;
	[sflag:s11] =	ssyncadd.s32 $0xFFFFE700  }
0x1b: {  	[tilespmem:s20], [sflag:$0x3] =	stream.linear.gather [hbm4b:s9+s3], $0x1900, $0x38;
	[tilespmem:$0x1A6A0] =	vst v63  }
0x1c: {  	s21 =	simm.s32 $0x3E0;
	_ =	swait.ge [sflag:s11], $0x1900  }
0x1d: {  	s22 =	simm.s32 $0x1CE0;
	s23 =	simm.s32 $0x35E0;
	[sflag:s11] =	ssyncset.done $0x0  }
0x1e: {  	s24 =	simm.s32 $0x4EE0;
	s25 =	simm.s32 $0x0;
	[sflag:s11] =	ssyncadd.s32 $0xFFFFE700  }
.LBB2_2:
0x1f: {  	p0 =	seq.s32 s25, $0x0  }
0x20: {  	v0 =	vmov s17;
	s26 =	simm.s32 @!p0 $0x1  }
0x21: {  	_ =	swait.ge @!p0 [sflag:s26], $0xA000  }
0x22: {  	s28 =	simm.s32 $0x0;
	v1 =	vmov s18;
	[sflag:s26] =	ssyncset.done @!p0 $0x0  }
0x23: {  	s29 =	simm.s32 $0x6AA0;
	v2 =	vmov s19;
	v3 =	vmov s20;
	[sflag:s26] =	ssyncadd.s32 @!p0 $0xFFFF6000;
	s26 =	smul.u32 $0x280, s25  }
.LBB2_3:
0x24: {  	s30 =	sshra.s32 s28, $0x2  }
0x25: {  	v4 =	vld.idx.msk [tilespmem:v0+s30+$0x0 ss:$0x1], $0xffff;
	_ =	sdelay $0x1  }
0x26: {  	v5 =	vld.idx.msk [tilespmem:v1+s30+$0x0 ss:$0x1], $0xffff;
	_ =	sdelay $0x1  }
0x27: {  	v6 =	vld.idx.msk [tilespmem:v2+s30+$0x0 ss:$0x1], $0xffff  }
0x28: {  	v4 =	vshll.u32 v4, $0x7  }
0x29: {  	v7 =	vld.idx.msk [tilespmem:v3+s30+$0x0 ss:$0x1], $0xffff;
	v4 =	vshra.s32 v4, $0x2  }
0x2a: {  	v5 =	vshll.u32 v5, $0x7;
	(v2sf) =	vpush v4, $0x0  }
0x2b: {  	v5 =	vshra.s32 v5, $0x2  }
0x2c: {  	v6 =	vshll.u32 v6, $0x7;
	(v2sf) =	vpush v5, $0x0  }
0x2d: {  	v6 =	vshra.s32 v6, $0x2  }
0x2e: {  	v7 =	vshll.u32 v7, $0x7;
	(v2sf) =	vpush v6, $0x0  }
0x2f: {  	v7 =	vshra.s32 v7, $0x2  }
0x30: {  	(v2sf) =	vpush v7, $0x0;
	_ =	sdelay $0x1  }
0x31: {  	(v2sf) =	vpush v4, $0x1;
	_ =	sdelay $0x1  }
0x32: {  	(v2sf) =	vpush v5, $0x1;
	_ =	sdelay $0x1  }
0x33: {  	(v2sf) =	vpush v6, $0x1;
	_ =	sdelay $0x1  }
0x34: {  	(v2sf) =	vpush v7, $0x1  }
0x35: {  	s31 =	spop (v2sf)  }
0x36: {  	(v2sf) =	vpush v4, $0x2;
	v8 =	vld [tilespmem:s31+$0x0]  }
0x37: {  	v9 =	vld [tilespmem:s31+$0x10];
	s31 =	spop (v2sf)  }
0x38: {  	(v2sf) =	vpush v5, $0x2;
	v10 =	vld [tilespmem:s31+$0x60]  }
0x39: {  	v11 =	vld [tilespmem:s31+$0x70];
	s31 =	spop (v2sf)  }
0x3a: {  	(v2sf) =	vpush v6, $0x2;
	v12 =	vld [tilespmem:s31+$0xE0]  }
0x3b: {  	v13 =	vld [tilespmem:s31+$0xF0];
	s31 =	spop (v2sf)  }
0x3c: {  	(v2sf) =	vpush v7, $0x2;
	v14 =	vld [tilespmem:s31+$0x200]  }
0x3d: {  	v15 =	vld [tilespmem:s31+$0x210];
	s31 =	spop (v2sf)  }
0x3e: {  	(v2sf) =	vpush v4, $0x3;
	v16 =	vld [tilespmem:s31+$0x0]  }
0x3f: {  	v17 =	vld [tilespmem:s31+$0x10];
	s31 =	spop (v2sf)  }
0x40: {  	(v2sf) =	vpush v5, $0x3;
	v18 =	vld [tilespmem:s31+$0x60]  }
0x41: {  	v19 =	vld [tilespmem:s31+$0x70];
	s31 =	spop (v2sf)  }
0x42: {  	(v2sf) =	vpush v6, $0x3;
	v20 =	vld [tilespmem:s31+$0xE0]  }
0x43: {  	v21 =	vld [tilespmem:s31+$0xF0];
	s31 =	spop (v2sf)  }
0x44: {  	(v2sf) =	vpush v7, $0x3;
	v22 =	vld [tilespmem:s31+$0x200]  }
0x45: {  	v23 =	vld [tilespmem:s31+$0x210];
	s31 =	spop (v2sf)  }
0x46: {  	v24 =	vld [tilespmem:s31+$0x0]  }
0x47: {  	v25 =	vld [tilespmem:s31+$0x10];
	s31 =	spop (v2sf)  }
0x48: {  	v26 =	vld [tilespmem:s31+$0x60]  }
0x49: {  	v27 =	vld [tilespmem:s31+$0x70];
	s31 =	spop (v2sf)  }
0x4a: {  	v28 =	vld [tilespmem:s31+$0xE0]  }
0x4b: {  	v29 =	vld [tilespmem:s31+$0xF0];
	s31 =	spop (v2sf)  }
0x4c: {  	v30 =	vld [tilespmem:s31+$0x200]  }
0x4d: {  	v31 =	vld [tilespmem:s31+$0x210];
	s31 =	spop (v2sf)  }
0x4e: {  	v32 =	vld [tilespmem:s31+$0x0]  }
0x4f: {  	v33 =	vld [tilespmem:s31+$0x10];
	s31 =	spop (v2sf)  }
0x50: {  	v34 =	vld [tilespmem:s31+$0x60]  }
0x51: {  	v35 =	vld [tilespmem:s31+$0x70];
	s31 =	spop (v2sf)  }
0x52: {  	v36 =	vld [tilespmem:s31+$0xE0]  }
0x53: {  	v37 =	vld [tilespmem:s31+$0xF0];
	s31 =	spop (v2sf)  }
0x54: {  	v38 =	vld [tilespmem:s31+$0x200]  }
0x55: {  	(v2sf) =	vpush v4, $0x4;
	v39 =	vld [tilespmem:s31+$0x210];
	[tilespmem:s29+$0xFFFFFC00] =	vst v8  }
0x56: {  	[tilespmem:s29+$0xFFFFFC10] =	vst v9  }
0x57: {  	(v2sf) =	vpush v5, $0x4;
	[tilespmem:s29+$0xFFFFFC20] =	vst v10  }
0x58: {  	[tilespmem:s29+$0xFFFFFC30] =	vst v11  }
0x59: {  	(v2sf) =	vpush v6, $0x4;
	[tilespmem:s29+$0xFFFFFC40] =	vst v12  }
0x5a: {  	[tilespmem:s29+$0xFFFFFC50] =	vst v13  }
0x5b: {  	(v2sf) =	vpush v7, $0x4;
	[tilespmem:s29+$0xFFFFFC60] =	vst v14  }
0x5c: {  	[tilespmem:s29+$0xFFFFFC70] =	vst v15  }
0x5d: {  	(v2sf) =	vpush v4, $0x5;
	[tilespmem:s29+$0xFFFFFC80] =	vst v16  }
0x5e: {  	[tilespmem:s29+$0xFFFFFC90] =	vst v17  }
0x5f: {  	(v2sf) =	vpush v5, $0x5;
	[tilespmem:s29+$0xFFFFFCA0] =	vst v18  }
0x60: {  	[tilespmem:s29+$0xFFFFFCB0] =	vst v19  }
0x61: {  	(v2sf) =	vpush v6, $0x5;
	[tilespmem:s29+$0xFFFFFCC0] =	vst v20  }
0x62: {  	[tilespmem:s29+$0xFFFFFCD0] =	vst v21  }
0x63: {  	(v2sf) =	vpush v7, $0x5;
	[tilespmem:s29+$0xFFFFFCE0] =	vst v22  }
0x64: {  	[tilespmem:s29+$0xFFFFFCF0] =	vst v23;
	s31 =	spop (v2sf)  }
0x65: {  	v8 =	vld [tilespmem:s31+$0x0]  }
0x66: {  	v9 =	vld [tilespmem:s31+$0x10];
	s31 =	spop (v2sf)  }
0x67: {  	v10 =	vld [tilespmem:s31+$0x60]  }
0x68: {  	v11 =	vld [tilespmem:s31+$0x70];
	s31 =	spop (v2sf)  }
0x69: {  	v12 =	vld [tilespmem:s31+$0xE0]  }
0x6a: {  	v13 =	vld [tilespmem:s31+$0xF0];
	s31 =	spop (v2sf)  }
0x6b: {  	v14 =	vld [tilespmem:s31+$0x200]  }
0x6c: {  	v15 =	vld [tilespmem:s31+$0x210];
	s31 =	spop (v2sf)  }
0x6d: {  	v16 =	vld [tilespmem:s31+$0x0]  }
0x6e: {  	v17 =	vld [tilespmem:s31+$0x10];
	s31 =	spop (v2sf)  }
0x6f: {  	v18 =	vld [tilespmem:s31+$0x60]  }
0x70: {  	v19 =	vld [tilespmem:s31+$0x70];
	s31 =	spop (v2sf)  }
0x71: {  	v20 =	vld [tilespmem:s31+$0xE0]  }
0x72: {  	v21 =	vld [tilespmem:s31+$0xF0];
	s31 =	spop (v2sf)  }
0x73: {  	v22 =	vld [tilespmem:s31+$0x200]  }
0x74: {  	(v2sf) =	vpush v4, $0x6;
	v23 =	vld [tilespmem:s31+$0x210];
	[tilespmem:s29+$0xFFFFFD00] =	vst v24  }
0x75: {  	[tilespmem:s29+$0xFFFFFD10] =	vst v25  }
0x76: {  	(v2sf) =	vpush v5, $0x6;
	[tilespmem:s29+$0xFFFFFD20] =	vst v26  }
0x77: {  	[tilespmem:s29+$0xFFFFFD30] =	vst v27  }
0x78: {  	(v2sf) =	vpush v6, $0x6;
	[tilespmem:s29+$0xFFFFFD40] =	vst v28  }
0x79: {  	[tilespmem:s29+$0xFFFFFD50] =	vst v29  }
0x7a: {  	(v2sf) =	vpush v7, $0x6;
	[tilespmem:s29+$0xFFFFFD60] =	vst v30  }
0x7b: {  	[tilespmem:s29+$0xFFFFFD70] =	vst v31  }
0x7c: {  	(v2sf) =	vpush v4, $0x7;
	[tilespmem:s29+$0xFFFFFD80] =	vst v32  }
0x7d: {  	[tilespmem:s29+$0xFFFFFD90] =	vst v33  }
0x7e: {  	(v2sf) =	vpush v5, $0x7;
	[tilespmem:s29+$0xFFFFFDA0] =	vst v34  }
0x7f: {  	[tilespmem:s29+$0xFFFFFDB0] =	vst v35  }
0x80: {  	(v2sf) =	vpush v6, $0x7;
	[tilespmem:s29+$0xFFFFFDC0] =	vst v36  }
0x81: {  	[tilespmem:s29+$0xFFFFFDD0] =	vst v37  }
0x82: {  	(v2sf) =	vpush v7, $0x7;
	[tilespmem:s29+$0xFFFFFDE0] =	vst v38  }
0x83: {  	[tilespmem:s29+$0xFFFFFDF0] =	vst v39;
	s31 =	spop (v2sf)  }
0x84: {  	v24 =	vld [tilespmem:s31+$0x0]  }
0x85: {  	v25 =	vld [tilespmem:s31+$0x10];
	s31 =	spop (v2sf)  }
0x86: {  	v26 =	vld [tilespmem:s31+$0x60]  }
0x87: {  	v27 =	vld [tilespmem:s31+$0x70];
	s31 =	spop (v2sf)  }
0x88: {  	v28 =	vld [tilespmem:s31+$0xE0]  }
0x89: {  	v29 =	vld [tilespmem:s31+$0xF0];
	s31 =	spop (v2sf)  }
0x8a: {  	v30 =	vld [tilespmem:s31+$0x200]  }
0x8b: {  	v31 =	vld [tilespmem:s31+$0x210];
	s31 =	spop (v2sf)  }
0x8c: {  	v32 =	vld [tilespmem:s31+$0x0]  }
0x8d: {  	v33 =	vld [tilespmem:s31+$0x10];
	s31 =	spop (v2sf)  }
0x8e: {  	v34 =	vld [tilespmem:s31+$0x60]  }
0x8f: {  	v35 =	vld [tilespmem:s31+$0x70];
	s31 =	spop (v2sf)  }
0x90: {  	v36 =	vld [tilespmem:s31+$0xE0]  }
0x91: {  	v37 =	vld [tilespmem:s31+$0xF0];
	s31 =	spop (v2sf)  }
0x92: {  	v38 =	vld [tilespmem:s31+$0x200]  }
0x93: {  	(v2sf) =	vpush v4, $0x8;
	v39 =	vld [tilespmem:s31+$0x210];
	[tilespmem:s29+$0xFFFFFE00] =	vst v8  }
0x94: {  	[tilespmem:s29+$0xFFFFFE10] =	vst v9  }
0x95: {  	(v2sf) =	vpush v5, $0x8;
	[tilespmem:s29+$0xFFFFFE20] =	vst v10  }
0x96: {  	[tilespmem:s29+$0xFFFFFE30] =	vst v11  }
0x97: {  	(v2sf) =	vpush v6, $0x8;
	[tilespmem:s29+$0xFFFFFE40] =	vst v12  }
0x98: {  	[tilespmem:s29+$0xFFFFFE50] =	vst v13  }
0x99: {  	(v2sf) =	vpush v7, $0x8;
	[tilespmem:s29+$0xFFFFFE60] =	vst v14  }
0x9a: {  	[tilespmem:s29+$0xFFFFFE70] =	vst v15  }
0x9b: {  	(v2sf) =	vpush v4, $0x9;
	[tilespmem:s29+$0xFFFFFE80] =	vst v16  }
0x9c: {  	[tilespmem:s29+$0xFFFFFE90] =	vst v17  }
0x9d: {  	(v2sf) =	vpush v5, $0x9;
	[tilespmem:s29+$0xFFFFFEA0] =	vst v18  }
0x9e: {  	[tilespmem:s29+$0xFFFFFEB0] =	vst v19  }
0x9f: {  	(v2sf) =	vpush v6, $0x9;
	[tilespmem:s29+$0xFFFFFEC0] =	vst v20  }
0xa0: {  	[tilespmem:s29+$0xFFFFFED0] =	vst v21  }
0xa1: {  	(v2sf) =	vpush v7, $0x9;
	[tilespmem:s29+$0xFFFFFEE0] =	vst v22  }
0xa2: {  	[tilespmem:s29+$0xFFFFFEF0] =	vst v23;
	s31 =	spop (v2sf)  }
0xa3: {  	v8 =	vld [tilespmem:s31+$0x0]  }
0xa4: {  	v9 =	vld [tilespmem:s31+$0x10];
	s31 =	spop (v2sf)  }
0xa5: {  	v10 =	vld [tilespmem:s31+$0x60]  }
0xa6: {  	v11 =	vld [tilespmem:s31+$0x70];
	s31 =	spop (v2sf)  }
0xa7: {  	v12 =	vld [tilespmem:s31+$0xE0]  }
0xa8: {  	v13 =	vld [tilespmem:s31+$0xF0];
	s31 =	spop (v2sf)  }
0xa9: {  	v14 =	vld [tilespmem:s31+$0x200]  }
0xaa: {  	v15 =	vld [tilespmem:s31+$0x210];
	s31 =	spop (v2sf)  }
0xab: {  	v16 =	vld [tilespmem:s31+$0x0]  }
0xac: {  	v17 =	vld [tilespmem:s31+$0x10];
	s31 =	spop (v2sf)  }
0xad: {  	v18 =	vld [tilespmem:s31+$0x60]  }
0xae: {  	v19 =	vld [tilespmem:s31+$0x70];
	s31 =	spop (v2sf)  }
0xaf: {  	v20 =	vld [tilespmem:s31+$0xE0]  }
0xb0: {  	v21 =	vld [tilespmem:s31+$0xF0];
	s31 =	spop (v2sf)  }
0xb1: {  	v22 =	vld [tilespmem:s31+$0x200]  }
0xb2: {  	(v2sf) =	vpush v4, $0xA;
	v23 =	vld [tilespmem:s31+$0x210];
	[tilespmem:s29+$0xFFFFFF00] =	vst v24  }
0xb3: {  	[tilespmem:s29+$0xFFFFFF10] =	vst v25  }
0xb4: {  	(v2sf) =	vpush v5, $0xA;
	[tilespmem:s29+$0xFFFFFF20] =	vst v26  }
0xb5: {  	[tilespmem:s29+$0xFFFFFF30] =	vst v27  }
0xb6: {  	(v2sf) =	vpush v6, $0xA;
	[tilespmem:s29+$0xFFFFFF40] =	vst v28  }
0xb7: {  	[tilespmem:s29+$0xFFFFFF50] =	vst v29  }
0xb8: {  	(v2sf) =	vpush v7, $0xA;
	[tilespmem:s29+$0xFFFFFF60] =	vst v30  }
0xb9: {  	[tilespmem:s29+$0xFFFFFF70] =	vst v31  }
0xba: {  	(v2sf) =	vpush v4, $0xB;
	[tilespmem:s29+$0xFFFFFF80] =	vst v32  }
0xbb: {  	[tilespmem:s29+$0xFFFFFF90] =	vst v33  }
0xbc: {  	(v2sf) =	vpush v5, $0xB;
	[tilespmem:s29+$0xFFFFFFA0] =	vst v34  }
0xbd: {  	[tilespmem:s29+$0xFFFFFFB0] =	vst v35  }
0xbe: {  	(v2sf) =	vpush v6, $0xB;
	[tilespmem:s29+$0xFFFFFFC0] =	vst v36  }
0xbf: {  	[tilespmem:s29+$0xFFFFFFD0] =	vst v37  }
0xc0: {  	(v2sf) =	vpush v7, $0xB;
	[tilespmem:s29+$0xFFFFFFE0] =	vst v38  }
0xc1: {  	[tilespmem:s29+$0xFFFFFFF0] =	vst v39;
	s31 =	spop (v2sf)  }
0xc2: {  	v24 =	vld [tilespmem:s31+$0x0]  }
0xc3: {  	v25 =	vld [tilespmem:s31+$0x10];
	s31 =	spop (v2sf)  }
0xc4: {  	v26 =	vld [tilespmem:s31+$0x60]  }
0xc5: {  	v27 =	vld [tilespmem:s31+$0x70];
	s31 =	spop (v2sf)  }
0xc6: {  	v28 =	vld [tilespmem:s31+$0xE0]  }
0xc7: {  	v29 =	vld [tilespmem:s31+$0xF0];
	s31 =	spop (v2sf)  }
0xc8: {  	v30 =	vld [tilespmem:s31+$0x200]  }
0xc9: {  	v31 =	vld [tilespmem:s31+$0x210];
	s31 =	spop (v2sf)  }
0xca: {  	v32 =	vld [tilespmem:s31+$0x0]  }
0xcb: {  	v33 =	vld [tilespmem:s31+$0x10];
	s31 =	spop (v2sf)  }
0xcc: {  	v34 =	vld [tilespmem:s31+$0x60]  }
0xcd: {  	v35 =	vld [tilespmem:s31+$0x70];
	s31 =	spop (v2sf)  }
0xce: {  	v36 =	vld [tilespmem:s31+$0xE0]  }
0xcf: {  	v37 =	vld [tilespmem:s31+$0xF0];
	s31 =	spop (v2sf)  }
0xd0: {  	v38 =	vld [tilespmem:s31+$0x200]  }
0xd1: {  	(v2sf) =	vpush v4, $0xC;
	v39 =	vld [tilespmem:s31+$0x210];
	[tilespmem:s29+$0x0] =	vst v8  }
0xd2: {  	[tilespmem:s29+$0x10] =	vst v9  }
0xd3: {  	(v2sf) =	vpush v5, $0xC;
	[tilespmem:s29+$0x20] =	vst v10  }
0xd4: {  	[tilespmem:s29+$0x30] =	vst v11  }
0xd5: {  	(v2sf) =	vpush v6, $0xC;
	[tilespmem:s29+$0x40] =	vst v12  }
0xd6: {  	[tilespmem:s29+$0x50] =	vst v13  }
0xd7: {  	(v2sf) =	vpush v7, $0xC;
	[tilespmem:s29+$0x60] =	vst v14  }
0xd8: {  	[tilespmem:s29+$0x70] =	vst v15  }
0xd9: {  	(v2sf) =	vpush v4, $0xD;
	[tilespmem:s29+$0x80] =	vst v16  }
0xda: {  	[tilespmem:s29+$0x90] =	vst v17  }
0xdb: {  	(v2sf) =	vpush v5, $0xD;
	[tilespmem:s29+$0xA0] =	vst v18  }
0xdc: {  	[tilespmem:s29+$0xB0] =	vst v19  }
0xdd: {  	(v2sf) =	vpush v6, $0xD;
	[tilespmem:s29+$0xC0] =	vst v20  }
0xde: {  	[tilespmem:s29+$0xD0] =	vst v21  }
0xdf: {  	(v2sf) =	vpush v7, $0xD;
	[tilespmem:s29+$0xE0] =	vst v22  }
0xe0: {  	[tilespmem:s29+$0xF0] =	vst v23;
	s31 =	spop (v2sf)  }
0xe1: {  	v8 =	vld [tilespmem:s31+$0x0]  }
0xe2: {  	v9 =	vld [tilespmem:s31+$0x10];
	s31 =	spop (v2sf)  }
0xe3: {  	v10 =	vld [tilespmem:s31+$0x60]  }
0xe4: {  	v11 =	vld [tilespmem:s31+$0x70];
	s31 =	spop (v2sf)  }
0xe5: {  	v12 =	vld [tilespmem:s31+$0xE0]  }
0xe6: {  	v13 =	vld [tilespmem:s31+$0xF0];
	s31 =	spop (v2sf)  }
0xe7: {  	v14 =	vld [tilespmem:s31+$0x200]  }
0xe8: {  	v15 =	vld [tilespmem:s31+$0x210];
	s31 =	spop (v2sf)  }
0xe9: {  	v16 =	vld [tilespmem:s31+$0x0]  }
0xea: {  	v17 =	vld [tilespmem:s31+$0x10];
	s31 =	spop (v2sf)  }
0xeb: {  	v18 =	vld [tilespmem:s31+$0x60]  }
0xec: {  	v19 =	vld [tilespmem:s31+$0x70];
	s31 =	spop (v2sf)  }
0xed: {  	v20 =	vld [tilespmem:s31+$0xE0]  }
0xee: {  	v21 =	vld [tilespmem:s31+$0xF0];
	s31 =	spop (v2sf)  }
0xef: {  	v22 =	vld [tilespmem:s31+$0x200]  }
0xf0: {  	(v2sf) =	vpush v4, $0xE;
	v23 =	vld [tilespmem:s31+$0x210];
	[tilespmem:s29+$0x100] =	vst v24  }
0xf1: {  	[tilespmem:s29+$0x110] =	vst v25  }
0xf2: {  	(v2sf) =	vpush v5, $0xE;
	[tilespmem:s29+$0x120] =	vst v26  }
0xf3: {  	[tilespmem:s29+$0x130] =	vst v27  }
0xf4: {  	(v2sf) =	vpush v6, $0xE;
	[tilespmem:s29+$0x140] =	vst v28  }
0xf5: {  	[tilespmem:s29+$0x150] =	vst v29  }
0xf6: {  	(v2sf) =	vpush v7, $0xE;
	[tilespmem:s29+$0x160] =	vst v30  }
0xf7: {  	[tilespmem:s29+$0x170] =	vst v31  }
0xf8: {  	(v2sf) =	vpush v4, $0xF;
	[tilespmem:s29+$0x180] =	vst v32  }
0xf9: {  	[tilespmem:s29+$0x190] =	vst v33  }
0xfa: {  	(v2sf) =	vpush v5, $0xF;
	[tilespmem:s29+$0x1A0] =	vst v34  }
0xfb: {  	[tilespmem:s29+$0x1B0] =	vst v35  }
0xfc: {  	(v2sf) =	vpush v6, $0xF;
	[tilespmem:s29+$0x1C0] =	vst v36  }
0xfd: {  	[tilespmem:s29+$0x1D0] =	vst v37  }
0xfe: {  	(v2sf) =	vpush v7, $0xF;
	[tilespmem:s29+$0x1E0] =	vst v38  }
0xff: {  	[tilespmem:s29+$0x1F0] =	vst v39;
	s31 =	spop (v2sf)  }
0x100: {  	v4 =	vld [tilespmem:s31+$0x0]  }
0x101: {  	v5 =	vld [tilespmem:s31+$0x10];
	s31 =	spop (v2sf)  }
0x102: {  	v62 =	vld [tilespmem:s31+$0x60]  }
0x103: {  	v63 =	vld [tilespmem:s31+$0x70];
	s31 =	spop (v2sf)  }
0x104: {  	v24 =	vld [tilespmem:s31+$0xE0]  }
0x105: {  	v25 =	vld [tilespmem:s31+$0xF0];
	s31 =	spop (v2sf)  }
0x106: {  	v26 =	vld [tilespmem:s31+$0x200]  }
0x107: {  	v27 =	vld [tilespmem:s31+$0x210];
	s31 =	spop (v2sf)  }
0x108: {  	v28 =	vld [tilespmem:s31+$0x0]  }
0x109: {  	v29 =	vld [tilespmem:s31+$0x10];
	s31 =	spop (v2sf)  }
0x10a: {  	v30 =	vld [tilespmem:s31+$0x60]  }
0x10b: {  	v31 =	vld [tilespmem:s31+$0x70];
	s31 =	spop (v2sf)  }
0x10c: {  	v32 =	vld [tilespmem:s31+$0xE0]  }
0x10d: {  	v33 =	vld [tilespmem:s31+$0xF0];
	s31 =	spop (v2sf)  }
0x10e: {  	v34 =	vld [tilespmem:s31+$0x200]  }
0x10f: {  	v35 =	vld [tilespmem:s31+$0x210];
	[tilespmem:s29+$0x200] =	vst v8  }
0x110: {  	[tilespmem:s29+$0x210] =	vst v9  }
0x111: {  	[tilespmem:s29+$0x220] =	vst v10  }
0x112: {  	[tilespmem:s29+$0x230] =	vst v11  }
0x113: {  	[tilespmem:s29+$0x240] =	vst v12  }
0x114: {  	[tilespmem:s29+$0x250] =	vst v13  }
0x115: {  	[tilespmem:s29+$0x260] =	vst v14  }
0x116: {  	[tilespmem:s29+$0x270] =	vst v15  }
0x117: {  	[tilespmem:s29+$0x280] =	vst v16  }
0x118: {  	[tilespmem:s29+$0x290] =	vst v17  }
0x119: {  	[tilespmem:s29+$0x2A0] =	vst v18  }
0x11a: {  	[tilespmem:s29+$0x2B0] =	vst v19  }
0x11b: {  	[tilespmem:s29+$0x2C0] =	vst v20  }
0x11c: {  	[tilespmem:s29+$0x2D0] =	vst v21  }
0x11d: {  	[tilespmem:s29+$0x2E0] =	vst v22  }
0x11e: {  	[tilespmem:s29+$0x2F0] =	vst v23  }
0x11f: {  	[tilespmem:s29+$0x300] =	vst v4  }
0x120: {  	[tilespmem:s29+$0x310] =	vst v5  }
0x121: {  	[tilespmem:s29+$0x320] =	vst v62  }
0x122: {  	[tilespmem:s29+$0x330] =	vst v63  }
0x123: {  	[tilespmem:s29+$0x340] =	vst v24  }
0x124: {  	[tilespmem:s29+$0x350] =	vst v25  }
0x125: {  	[tilespmem:s29+$0x360] =	vst v26  }
0x126: {  	[tilespmem:s29+$0x370] =	vst v27  }
0x127: {  	[tilespmem:s29+$0x380] =	vst v28  }
0x128: {  	[tilespmem:s29+$0x390] =	vst v29  }
0x129: {  	p1 =	sne.s32 s28, $0x4C0;
	[tilespmem:s29+$0x3A0] =	vst v30  }
.Ltmp0:
0x12a: {  	[tilespmem:s29+$0x3B0] =	vst v31;
	(pc) =	sbr.rel @p1 .LBB2_3-.Ltmp0, $4  }
0x12b: {  	[tilespmem:s29+$0x3C0] =	vst v32  }
0x12c: {  	[tilespmem:s29+$0x3D0] =	vst v33  }
0x12d: {  	[tilespmem:s29+$0x3E0] =	vst v34  }
0x12e: {  	s28 =	sadd.s32 $0x40, s28;
	[tilespmem:s29+$0x3F0] =	vst v35;
	s29 =	sadd.s32 $0x800, s29  }
0x12f: {  	s28 =	sadd.s32 s4, s26  }
0x130: {  	s28 =	sshll.u32 s28, $0x4  }
0x131: {  	s28 =	sadd.s32 s2, s28  }
0x132: {  	[hbm4b:s28+s3] =	stream.linear.scatter [tilespmem:s12], [sflag:$0x1], $0xA000, $0x38;
	[tilespmem:$0x1A6A0] =	vst v63  }
0x133: {  	v0 =	vmov s21;
	s28 =	simm.s32 @!p0 $0x2  }
0x134: {  	_ =	swait.ge @!p0 [sflag:s28], $0xA000  }
0x135: {  	s26 =	sadd.s32 $0x140, s26;
	v1 =	vmov s22;
	[sflag:s28] =	ssyncset.done @!p0 $0x0  }
0x136: {  	s29 =	simm.s32 $0x10AA0;
	v2 =	vmov s23;
	v3 =	vmov s24;
	[sflag:s28] =	ssyncadd.s32 @!p0 $0xFFFF6000;
	s28 =	simm.s32 $0x0  }
.LBB2_5:
0x137: {  	s30 =	sshra.s32 s28, $0x2  }
0x138: {  	v4 =	vld.idx.msk [tilespmem:v0+s30+$0x0 ss:$0x1], $0xffff;
	_ =	sdelay $0x1  }
0x139: {  	v5 =	vld.idx.msk [tilespmem:v1+s30+$0x0 ss:$0x1], $0xffff;
	_ =	sdelay $0x1  }
0x13a: {  	v6 =	vld.idx.msk [tilespmem:v2+s30+$0x0 ss:$0x1], $0xffff  }
0x13b: {  	v4 =	vshll.u32 v4, $0x7  }
0x13c: {  	v7 =	vld.idx.msk [tilespmem:v3+s30+$0x0 ss:$0x1], $0xffff;
	v4 =	vshra.s32 v4, $0x2  }
0x13d: {  	v5 =	vshll.u32 v5, $0x7;
	(v2sf) =	vpush v4, $0x0  }
0x13e: {  	v5 =	vshra.s32 v5, $0x2  }
0x13f: {  	v6 =	vshll.u32 v6, $0x7;
	(v2sf) =	vpush v5, $0x0  }
0x140: {  	v6 =	vshra.s32 v6, $0x2  }
0x141: {  	v7 =	vshll.u32 v7, $0x7;
	(v2sf) =	vpush v6, $0x0  }
0x142: {  	v7 =	vshra.s32 v7, $0x2  }
0x143: {  	(v2sf) =	vpush v7, $0x0;
	_ =	sdelay $0x1  }
0x144: {  	(v2sf) =	vpush v4, $0x1;
	_ =	sdelay $0x1  }
0x145: {  	(v2sf) =	vpush v5, $0x1;
	_ =	sdelay $0x1  }
0x146: {  	(v2sf) =	vpush v6, $0x1;
	_ =	sdelay $0x1  }
0x147: {  	(v2sf) =	vpush v7, $0x1  }
0x148: {  	s31 =	spop (v2sf)  }
0x149: {  	(v2sf) =	vpush v4, $0x2;
	v8 =	vld [tilespmem:s31+$0x0]  }
0x14a: {  	v9 =	vld [tilespmem:s31+$0x10];
	s31 =	spop (v2sf)  }
0x14b: {  	(v2sf) =	vpush v5, $0x2;
	v10 =	vld [tilespmem:s31+$0x60]  }
0x14c: {  	v11 =	vld [tilespmem:s31+$0x70];
	s31 =	spop (v2sf)  }
0x14d: {  	(v2sf) =	vpush v6, $0x2;
	v12 =	vld [tilespmem:s31+$0xE0]  }
0x14e: {  	v13 =	vld [tilespmem:s31+$0xF0];
	s31 =	spop (v2sf)  }
0x14f: {  	(v2sf) =	vpush v7, $0x2;
	v14 =	vld [tilespmem:s31+$0x200]  }
0x150: {  	v15 =	vld [tilespmem:s31+$0x210];
	s31 =	spop (v2sf)  }
0x151: {  	(v2sf) =	vpush v4, $0x3;
	v16 =	vld [tilespmem:s31+$0x0]  }
0x152: {  	v17 =	vld [tilespmem:s31+$0x10];
	s31 =	spop (v2sf)  }
0x153: {  	(v2sf) =	vpush v5, $0x3;
	v18 =	vld [tilespmem:s31+$0x60]  }
0x154: {  	v19 =	vld [tilespmem:s31+$0x70];
	s31 =	spop (v2sf)  }
0x155: {  	(v2sf) =	vpush v6, $0x3;
	v20 =	vld [tilespmem:s31+$0xE0]  }
0x156: {  	v21 =	vld [tilespmem:s31+$0xF0];
	s31 =	spop (v2sf)  }
0x157: {  	(v2sf) =	vpush v7, $0x3;
	v22 =	vld [tilespmem:s31+$0x200]  }
0x158: {  	v23 =	vld [tilespmem:s31+$0x210];
	s31 =	spop (v2sf)  }
0x159: {  	v24 =	vld [tilespmem:s31+$0x0]  }
0x15a: {  	v25 =	vld [tilespmem:s31+$0x10];
	s31 =	spop (v2sf)  }
0x15b: {  	v26 =	vld [tilespmem:s31+$0x60]  }
0x15c: {  	v27 =	vld [tilespmem:s31+$0x70];
	s31 =	spop (v2sf)  }
0x15d: {  	v28 =	vld [tilespmem:s31+$0xE0]  }
0x15e: {  	v29 =	vld [tilespmem:s31+$0xF0];
	s31 =	spop (v2sf)  }
0x15f: {  	v30 =	vld [tilespmem:s31+$0x200]  }
0x160: {  	v31 =	vld [tilespmem:s31+$0x210];
	s31 =	spop (v2sf)  }
0x161: {  	v32 =	vld [tilespmem:s31+$0x0]  }
0x162: {  	v33 =	vld [tilespmem:s31+$0x10];
	s31 =	spop (v2sf)  }
0x163: {  	v34 =	vld [tilespmem:s31+$0x60]  }
0x164: {  	v35 =	vld [tilespmem:s31+$0x70];
	s31 =	spop (v2sf)  }
0x165: {  	v36 =	vld [tilespmem:s31+$0xE0]  }
0x166: {  	v37 =	vld [tilespmem:s31+$0xF0];
	s31 =	spop (v2sf)  }
0x167: {  	v38 =	vld [tilespmem:s31+$0x200]  }
0x168: {  	(v2sf) =	vpush v4, $0x4;
	v39 =	vld [tilespmem:s31+$0x210];
	[tilespmem:s29+$0xFFFFFC00] =	vst v8  }
0x169: {  	[tilespmem:s29+$0xFFFFFC10] =	vst v9  }
0x16a: {  	(v2sf) =	vpush v5, $0x4;
	[tilespmem:s29+$0xFFFFFC20] =	vst v10  }
0x16b: {  	[tilespmem:s29+$0xFFFFFC30] =	vst v11  }
0x16c: {  	(v2sf) =	vpush v6, $0x4;
	[tilespmem:s29+$0xFFFFFC40] =	vst v12  }
0x16d: {  	[tilespmem:s29+$0xFFFFFC50] =	vst v13  }
0x16e: {  	(v2sf) =	vpush v7, $0x4;
	[tilespmem:s29+$0xFFFFFC60] =	vst v14  }
0x16f: {  	[tilespmem:s29+$0xFFFFFC70] =	vst v15  }
0x170: {  	(v2sf) =	vpush v4, $0x5;
	[tilespmem:s29+$0xFFFFFC80] =	vst v16  }
0x171: {  	[tilespmem:s29+$0xFFFFFC90] =	vst v17  }
0x172: {  	(v2sf) =	vpush v5, $0x5;
	[tilespmem:s29+$0xFFFFFCA0] =	vst v18  }
0x173: {  	[tilespmem:s29+$0xFFFFFCB0] =	vst v19  }
0x174: {  	(v2sf) =	vpush v6, $0x5;
	[tilespmem:s29+$0xFFFFFCC0] =	vst v20  }
0x175: {  	[tilespmem:s29+$0xFFFFFCD0] =	vst v21  }
0x176: {  	(v2sf) =	vpush v7, $0x5;
	[tilespmem:s29+$0xFFFFFCE0] =	vst v22  }
0x177: {  	[tilespmem:s29+$0xFFFFFCF0] =	vst v23;
	s31 =	spop (v2sf)  }
0x178: {  	v8 =	vld [tilespmem:s31+$0x0]  }
0x179: {  	v9 =	vld [tilespmem:s31+$0x10];
	s31 =	spop (v2sf)  }
0x17a: {  	v10 =	vld [tilespmem:s31+$0x60]  }
0x17b: {  	v11 =	vld [tilespmem:s31+$0x70];
	s31 =	spop (v2sf)  }
0x17c: {  	v12 =	vld [tilespmem:s31+$0xE0]  }
0x17d: {  	v13 =	vld [tilespmem:s31+$0xF0];
	s31 =	spop (v2sf)  }
0x17e: {  	v14 =	vld [tilespmem:s31+$0x200]  }
0x17f: {  	v15 =	vld [tilespmem:s31+$0x210];
	s31 =	spop (v2sf)  }
0x180: {  	v16 =	vld [tilespmem:s31+$0x0]  }
0x181: {  	v17 =	vld [tilespmem:s31+$0x10];
	s31 =	spop (v2sf)  }
0x182: {  	v18 =	vld [tilespmem:s31+$0x60]  }
0x183: {  	v19 =	vld [tilespmem:s31+$0x70];
	s31 =	spop (v2sf)  }
0x184: {  	v20 =	vld [tilespmem:s31+$0xE0]  }
0x185: {  	v21 =	vld [tilespmem:s31+$0xF0];
	s31 =	spop (v2sf)  }
0x186: {  	v22 =	vld [tilespmem:s31+$0x200]  }
0x187: {  	(v2sf) =	vpush v4, $0x6;
	v23 =	vld [tilespmem:s31+$0x210];
	[tilespmem:s29+$0xFFFFFD00] =	vst v24  }
0x188: {  	[tilespmem:s29+$0xFFFFFD10] =	vst v25  }
0x189: {  	(v2sf) =	vpush v5, $0x6;
	[tilespmem:s29+$0xFFFFFD20] =	vst v26  }
0x18a: {  	[tilespmem:s29+$0xFFFFFD30] =	vst v27  }
0x18b: {  	(v2sf) =	vpush v6, $0x6;
	[tilespmem:s29+$0xFFFFFD40] =	vst v28  }
0x18c: {  	[tilespmem:s29+$0xFFFFFD50] =	vst v29  }
0x18d: {  	(v2sf) =	vpush v7, $0x6;
	[tilespmem:s29+$0xFFFFFD60] =	vst v30  }
0x18e: {  	[tilespmem:s29+$0xFFFFFD70] =	vst v31  }
0x18f: {  	(v2sf) =	vpush v4, $0x7;
	[tilespmem:s29+$0xFFFFFD80] =	vst v32  }
0x190: {  	[tilespmem:s29+$0xFFFFFD90] =	vst v33  }
0x191: {  	(v2sf) =	vpush v5, $0x7;
	[tilespmem:s29+$0xFFFFFDA0] =	vst v34  }
0x192: {  	[tilespmem:s29+$0xFFFFFDB0] =	vst v35  }
0x193: {  	(v2sf) =	vpush v6, $0x7;
	[tilespmem:s29+$0xFFFFFDC0] =	vst v36  }
0x194: {  	[tilespmem:s29+$0xFFFFFDD0] =	vst v37  }
0x195: {  	(v2sf) =	vpush v7, $0x7;
	[tilespmem:s29+$0xFFFFFDE0] =	vst v38  }
0x196: {  	[tilespmem:s29+$0xFFFFFDF0] =	vst v39;
	s31 =	spop (v2sf)  }
0x197: {  	v24 =	vld [tilespmem:s31+$0x0]  }
0x198: {  	v25 =	vld [tilespmem:s31+$0x10];
	s31 =	spop (v2sf)  }
0x199: {  	v26 =	vld [tilespmem:s31+$0x60]  }
0x19a: {  	v27 =	vld [tilespmem:s31+$0x70];
	s31 =	spop (v2sf)  }
0x19b: {  	v28 =	vld [tilespmem:s31+$0xE0]  }
0x19c: {  	v29 =	vld [tilespmem:s31+$0xF0];
	s31 =	spop (v2sf)  }
0x19d: {  	v30 =	vld [tilespmem:s31+$0x200]  }
0x19e: {  	v31 =	vld [tilespmem:s31+$0x210];
	s31 =	spop (v2sf)  }
0x19f: {  	v32 =	vld [tilespmem:s31+$0x0]  }
0x1a0: {  	v33 =	vld [tilespmem:s31+$0x10];
	s31 =	spop (v2sf)  }
0x1a1: {  	v34 =	vld [tilespmem:s31+$0x60]  }
0x1a2: {  	v35 =	vld [tilespmem:s31+$0x70];
	s31 =	spop (v2sf)  }
0x1a3: {  	v36 =	vld [tilespmem:s31+$0xE0]  }
0x1a4: {  	v37 =	vld [tilespmem:s31+$0xF0];
	s31 =	spop (v2sf)  }
0x1a5: {  	v38 =	vld [tilespmem:s31+$0x200]  }
0x1a6: {  	(v2sf) =	vpush v4, $0x8;
	v39 =	vld [tilespmem:s31+$0x210];
	[tilespmem:s29+$0xFFFFFE00] =	vst v8  }
0x1a7: {  	[tilespmem:s29+$0xFFFFFE10] =	vst v9  }
0x1a8: {  	(v2sf) =	vpush v5, $0x8;
	[tilespmem:s29+$0xFFFFFE20] =	vst v10  }
0x1a9: {  	[tilespmem:s29+$0xFFFFFE30] =	vst v11  }
0x1aa: {  	(v2sf) =	vpush v6, $0x8;
	[tilespmem:s29+$0xFFFFFE40] =	vst v12  }
0x1ab: {  	[tilespmem:s29+$0xFFFFFE50] =	vst v13  }
0x1ac: {  	(v2sf) =	vpush v7, $0x8;
	[tilespmem:s29+$0xFFFFFE60] =	vst v14  }
0x1ad: {  	[tilespmem:s29+$0xFFFFFE70] =	vst v15  }
0x1ae: {  	(v2sf) =	vpush v4, $0x9;
	[tilespmem:s29+$0xFFFFFE80] =	vst v16  }
0x1af: {  	[tilespmem:s29+$0xFFFFFE90] =	vst v17  }
0x1b0: {  	(v2sf) =	vpush v5, $0x9;
	[tilespmem:s29+$0xFFFFFEA0] =	vst v18  }
0x1b1: {  	[tilespmem:s29+$0xFFFFFEB0] =	vst v19  }
0x1b2: {  	(v2sf) =	vpush v6, $0x9;
	[tilespmem:s29+$0xFFFFFEC0] =	vst v20  }
0x1b3: {  	[tilespmem:s29+$0xFFFFFED0] =	vst v21  }
0x1b4: {  	(v2sf) =	vpush v7, $0x9;
	[tilespmem:s29+$0xFFFFFEE0] =	vst v22  }
0x1b5: {  	[tilespmem:s29+$0xFFFFFEF0] =	vst v23;
	s31 =	spop (v2sf)  }
0x1b6: {  	v8 =	vld [tilespmem:s31+$0x0]  }
0x1b7: {  	v9 =	vld [tilespmem:s31+$0x10];
	s31 =	spop (v2sf)  }
0x1b8: {  	v10 =	vld [tilespmem:s31+$0x60]  }
0x1b9: {  	v11 =	vld [tilespmem:s31+$0x70];
	s31 =	spop (v2sf)  }
0x1ba: {  	v12 =	vld [tilespmem:s31+$0xE0]  }
0x1bb: {  	v13 =	vld [tilespmem:s31+$0xF0];
	s31 =	spop (v2sf)  }
0x1bc: {  	v14 =	vld [tilespmem:s31+$0x200]  }
0x1bd: {  	v15 =	vld [tilespmem:s31+$0x210];
	s31 =	spop (v2sf)  }
0x1be: {  	v16 =	vld [tilespmem:s31+$0x0]  }
0x1bf: {  	v17 =	vld [tilespmem:s31+$0x10];
	s31 =	spop (v2sf)  }
0x1c0: {  	v18 =	vld [tilespmem:s31+$0x60]  }
0x1c1: {  	v19 =	vld [tilespmem:s31+$0x70];
	s31 =	spop (v2sf)  }
0x1c2: {  	v20 =	vld [tilespmem:s31+$0xE0]  }
0x1c3: {  	v21 =	vld [tilespmem:s31+$0xF0];
	s31 =	spop (v2sf)  }
0x1c4: {  	v22 =	vld [tilespmem:s31+$0x200]  }
0x1c5: {  	(v2sf) =	vpush v4, $0xA;
	v23 =	vld [tilespmem:s31+$0x210];
	[tilespmem:s29+$0xFFFFFF00] =	vst v24  }
0x1c6: {  	[tilespmem:s29+$0xFFFFFF10] =	vst v25  }
0x1c7: {  	(v2sf) =	vpush v5, $0xA;
	[tilespmem:s29+$0xFFFFFF20] =	vst v26  }
0x1c8: {  	[tilespmem:s29+$0xFFFFFF30] =	vst v27  }
0x1c9: {  	(v2sf) =	vpush v6, $0xA;
	[tilespmem:s29+$0xFFFFFF40] =	vst v28  }
0x1ca: {  	[tilespmem:s29+$0xFFFFFF50] =	vst v29  }
0x1cb: {  	(v2sf) =	vpush v7, $0xA;
	[tilespmem:s29+$0xFFFFFF60] =	vst v30  }
0x1cc: {  	[tilespmem:s29+$0xFFFFFF70] =	vst v31  }
0x1cd: {  	(v2sf) =	vpush v4, $0xB;
	[tilespmem:s29+$0xFFFFFF80] =	vst v32  }
0x1ce: {  	[tilespmem:s29+$0xFFFFFF90] =	vst v33  }
0x1cf: {  	(v2sf) =	vpush v5, $0xB;
	[tilespmem:s29+$0xFFFFFFA0] =	vst v34  }
0x1d0: {  	[tilespmem:s29+$0xFFFFFFB0] =	vst v35  }
0x1d1: {  	(v2sf) =	vpush v6, $0xB;
	[tilespmem:s29+$0xFFFFFFC0] =	vst v36  }
0x1d2: {  	[tilespmem:s29+$0xFFFFFFD0] =	vst v37  }
0x1d3: {  	(v2sf) =	vpush v7, $0xB;
	[tilespmem:s29+$0xFFFFFFE0] =	vst v38  }
0x1d4: {  	[tilespmem:s29+$0xFFFFFFF0] =	vst v39;
	s31 =	spop (v2sf)  }
0x1d5: {  	v24 =	vld [tilespmem:s31+$0x0]  }
0x1d6: {  	v25 =	vld [tilespmem:s31+$0x10];
	s31 =	spop (v2sf)  }
0x1d7: {  	v26 =	vld [tilespmem:s31+$0x60]  }
0x1d8: {  	v27 =	vld [tilespmem:s31+$0x70];
	s31 =	spop (v2sf)  }
0x1d9: {  	v28 =	vld [tilespmem:s31+$0xE0]  }
0x1da: {  	v29 =	vld [tilespmem:s31+$0xF0];
	s31 =	spop (v2sf)  }
0x1db: {  	v30 =	vld [tilespmem:s31+$0x200]  }
0x1dc: {  	v31 =	vld [tilespmem:s31+$0x210];
	s31 =	spop (v2sf)  }
0x1dd: {  	v32 =	vld [tilespmem:s31+$0x0]  }
0x1de: {  	v33 =	vld [tilespmem:s31+$0x10];
	s31 =	spop (v2sf)  }
0x1df: {  	v34 =	vld [tilespmem:s31+$0x60]  }
0x1e0: {  	v35 =	vld [tilespmem:s31+$0x70];
	s31 =	spop (v2sf)  }
0x1e1: {  	v36 =	vld [tilespmem:s31+$0xE0]  }
0x1e2: {  	v37 =	vld [tilespmem:s31+$0xF0];
	s31 =	spop (v2sf)  }
0x1e3: {  	v38 =	vld [tilespmem:s31+$0x200]  }
0x1e4: {  	(v2sf) =	vpush v4, $0xC;
	v39 =	vld [tilespmem:s31+$0x210];
	[tilespmem:s29+$0x0] =	vst v8  }
0x1e5: {  	[tilespmem:s29+$0x10] =	vst v9  }
0x1e6: {  	(v2sf) =	vpush v5, $0xC;
	[tilespmem:s29+$0x20] =	vst v10  }
0x1e7: {  	[tilespmem:s29+$0x30] =	vst v11  }
0x1e8: {  	(v2sf) =	vpush v6, $0xC;
	[tilespmem:s29+$0x40] =	vst v12  }
0x1e9: {  	[tilespmem:s29+$0x50] =	vst v13  }
0x1ea: {  	(v2sf) =	vpush v7, $0xC;
	[tilespmem:s29+$0x60] =	vst v14  }
0x1eb: {  	[tilespmem:s29+$0x70] =	vst v15  }
0x1ec: {  	(v2sf) =	vpush v4, $0xD;
	[tilespmem:s29+$0x80] =	vst v16  }
0x1ed: {  	[tilespmem:s29+$0x90] =	vst v17  }
0x1ee: {  	(v2sf) =	vpush v5, $0xD;
	[tilespmem:s29+$0xA0] =	vst v18  }
0x1ef: {  	[tilespmem:s29+$0xB0] =	vst v19  }
0x1f0: {  	(v2sf) =	vpush v6, $0xD;
	[tilespmem:s29+$0xC0] =	vst v20  }
0x1f1: {  	[tilespmem:s29+$0xD0] =	vst v21  }
0x1f2: {  	(v2sf) =	vpush v7, $0xD;
	[tilespmem:s29+$0xE0] =	vst v22  }
0x1f3: {  	[tilespmem:s29+$0xF0] =	vst v23;
	s31 =	spop (v2sf)  }
0x1f4: {  	v8 =	vld [tilespmem:s31+$0x0]  }
0x1f5: {  	v9 =	vld [tilespmem:s31+$0x10];
	s31 =	spop (v2sf)  }
0x1f6: {  	v10 =	vld [tilespmem:s31+$0x60]  }
0x1f7: {  	v11 =	vld [tilespmem:s31+$0x70];
	s31 =	spop (v2sf)  }
0x1f8: {  	v12 =	vld [tilespmem:s31+$0xE0]  }
0x1f9: {  	v13 =	vld [tilespmem:s31+$0xF0];
	s31 =	spop (v2sf)  }
0x1fa: {  	v14 =	vld [tilespmem:s31+$0x200]  }
0x1fb: {  	v15 =	vld [tilespmem:s31+$0x210];
	s31 =	spop (v2sf)  }
0x1fc: {  	v16 =	vld [tilespmem:s31+$0x0]  }
0x1fd: {  	v17 =	vld [tilespmem:s31+$0x10];
	s31 =	spop (v2sf)  }
0x1fe: {  	v18 =	vld [tilespmem:s31+$0x60]  }
0x1ff: {  	v19 =	vld [tilespmem:s31+$0x70];
	s31 =	spop (v2sf)  }
0x200: {  	v20 =	vld [tilespmem:s31+$0xE0]  }
0x201: {  	v21 =	vld [tilespmem:s31+$0xF0];
	s31 =	spop (v2sf)  }
0x202: {  	v22 =	vld [tilespmem:s31+$0x200]  }
0x203: {  	(v2sf) =	vpush v4, $0xE;
	v23 =	vld [tilespmem:s31+$0x210];
	[tilespmem:s29+$0x100] =	vst v24  }
0x204: {  	[tilespmem:s29+$0x110] =	vst v25  }
0x205: {  	(v2sf) =	vpush v5, $0xE;
	[tilespmem:s29+$0x120] =	vst v26  }
0x206: {  	[tilespmem:s29+$0x130] =	vst v27  }
0x207: {  	(v2sf) =	vpush v6, $0xE;
	[tilespmem:s29+$0x140] =	vst v28  }
0x208: {  	[tilespmem:s29+$0x150] =	vst v29  }
0x209: {  	(v2sf) =	vpush v7, $0xE;
	[tilespmem:s29+$0x160] =	vst v30  }
0x20a: {  	[tilespmem:s29+$0x170] =	vst v31  }
0x20b: {  	(v2sf) =	vpush v4, $0xF;
	[tilespmem:s29+$0x180] =	vst v32  }
0x20c: {  	[tilespmem:s29+$0x190] =	vst v33  }
0x20d: {  	(v2sf) =	vpush v5, $0xF;
	[tilespmem:s29+$0x1A0] =	vst v34  }
0x20e: {  	[tilespmem:s29+$0x1B0] =	vst v35  }
0x20f: {  	(v2sf) =	vpush v6, $0xF;
	[tilespmem:s29+$0x1C0] =	vst v36  }
0x210: {  	[tilespmem:s29+$0x1D0] =	vst v37  }
0x211: {  	(v2sf) =	vpush v7, $0xF;
	[tilespmem:s29+$0x1E0] =	vst v38  }
0x212: {  	[tilespmem:s29+$0x1F0] =	vst v39;
	s31 =	spop (v2sf)  }
0x213: {  	v4 =	vld [tilespmem:s31+$0x0]  }
0x214: {  	v5 =	vld [tilespmem:s31+$0x10];
	s31 =	spop (v2sf)  }
0x215: {  	v62 =	vld [tilespmem:s31+$0x60]  }
0x216: {  	v63 =	vld [tilespmem:s31+$0x70];
	s31 =	spop (v2sf)  }
0x217: {  	v24 =	vld [tilespmem:s31+$0xE0]  }
0x218: {  	v25 =	vld [tilespmem:s31+$0xF0];
	s31 =	spop (v2sf)  }
0x219: {  	v26 =	vld [tilespmem:s31+$0x200]  }
0x21a: {  	v27 =	vld [tilespmem:s31+$0x210];
	s31 =	spop (v2sf)  }
0x21b: {  	v28 =	vld [tilespmem:s31+$0x0]  }
0x21c: {  	v29 =	vld [tilespmem:s31+$0x10];
	s31 =	spop (v2sf)  }
0x21d: {  	v30 =	vld [tilespmem:s31+$0x60]  }
0x21e: {  	v31 =	vld [tilespmem:s31+$0x70];
	s31 =	spop (v2sf)  }
0x21f: {  	v32 =	vld [tilespmem:s31+$0xE0]  }
0x220: {  	v33 =	vld [tilespmem:s31+$0xF0];
	s31 =	spop (v2sf)  }
0x221: {  	v34 =	vld [tilespmem:s31+$0x200]  }
0x222: {  	v35 =	vld [tilespmem:s31+$0x210];
	[tilespmem:s29+$0x200] =	vst v8  }
0x223: {  	[tilespmem:s29+$0x210] =	vst v9  }
0x224: {  	[tilespmem:s29+$0x220] =	vst v10  }
0x225: {  	[tilespmem:s29+$0x230] =	vst v11  }
0x226: {  	[tilespmem:s29+$0x240] =	vst v12  }
0x227: {  	[tilespmem:s29+$0x250] =	vst v13  }
0x228: {  	[tilespmem:s29+$0x260] =	vst v14  }
0x229: {  	[tilespmem:s29+$0x270] =	vst v15  }
0x22a: {  	[tilespmem:s29+$0x280] =	vst v16  }
0x22b: {  	[tilespmem:s29+$0x290] =	vst v17  }
0x22c: {  	[tilespmem:s29+$0x2A0] =	vst v18  }
0x22d: {  	[tilespmem:s29+$0x2B0] =	vst v19  }
0x22e: {  	[tilespmem:s29+$0x2C0] =	vst v20  }
0x22f: {  	[tilespmem:s29+$0x2D0] =	vst v21  }
0x230: {  	[tilespmem:s29+$0x2E0] =	vst v22  }
0x231: {  	[tilespmem:s29+$0x2F0] =	vst v23  }
0x232: {  	[tilespmem:s29+$0x300] =	vst v4  }
0x233: {  	[tilespmem:s29+$0x310] =	vst v5  }
0x234: {  	[tilespmem:s29+$0x320] =	vst v62  }
0x235: {  	[tilespmem:s29+$0x330] =	vst v63  }
0x236: {  	[tilespmem:s29+$0x340] =	vst v24  }
0x237: {  	[tilespmem:s29+$0x350] =	vst v25  }
0x238: {  	[tilespmem:s29+$0x360] =	vst v26  }
0x239: {  	[tilespmem:s29+$0x370] =	vst v27  }
0x23a: {  	[tilespmem:s29+$0x380] =	vst v28  }
0x23b: {  	[tilespmem:s29+$0x390] =	vst v29  }
0x23c: {  	p0 =	sne.s32 s28, $0x4C0;
	[tilespmem:s29+$0x3A0] =	vst v30  }
.Ltmp1:
0x23d: {  	[tilespmem:s29+$0x3B0] =	vst v31;
	(pc) =	sbr.rel @p0 .LBB2_5-.Ltmp1, $4  }
0x23e: {  	[tilespmem:s29+$0x3C0] =	vst v32  }
0x23f: {  	[tilespmem:s29+$0x3D0] =	vst v33  }
0x240: {  	[tilespmem:s29+$0x3E0] =	vst v34  }
0x241: {  	s28 =	sadd.s32 $0x40, s28;
	[tilespmem:s29+$0x3F0] =	vst v35;
	s29 =	sadd.s32 $0x800, s29  }
0x242: {  	s25 =	sadd.s32 $0x1, s25  }
0x243: {  	s26 =	sadd.s32 s4, s26;
	p0 =	sne.s32 s25, $0xA  }
.Ltmp2:
0x244: {  	s17 =	sadd.s32 $0x280, s17;
	s18 =	sadd.s32 $0x280, s18;
	(pc) =	sbr.rel @p0 .LBB2_2-.Ltmp2, $4  }
0x245: {  	s19 =	sadd.s32 $0x280, s19;
	s20 =	sadd.s32 $0x280, s20;
	s26 =	sshll.u32 s26, $0x4  }
0x246: {  	s21 =	sadd.s32 $0x280, s21;
	s22 =	sadd.s32 $0x280, s22;
	s26 =	sand.u32 $0x1FFFFC00, s26  }
0x247: {  	s23 =	sadd.s32 $0x280, s23;
	s24 =	sadd.s32 $0x280, s24;
	s26 =	sadd.s32 s2, s26  }
0x248: {  	[hbm4b:s26+s3] =	stream.linear.scatter [tilespmem:s13], [sflag:$0x2], $0xA000, $0x38;
	[tilespmem:$0x1A6A0] =	vst v63  }
0x249: {  	s16 =	sadd.s32 $0x1, s16  }
0x24a: {  	_ =	swait.ge [sflag:s14], $0xA000;
	p0 =	sne.s32 s16, s10  }
.Ltmp3:
0x24b: {  	[sflag:s14] =	ssyncset.done $0x0;
	(pc) =	sbr.rel @p0 .LBB2_1-.Ltmp3, $4  }
0x24c: {  	[sflag:s14] =	ssyncadd.s32 $0xFFFF6000  }
0x24d: {  	_ =	swait.ge [sflag:s15], $0xA000  }
0x24e: {  	[sflag:s15] =	ssyncset.done $0x0  }
0x24f: {  	[sflag:s15] =	ssyncadd.s32 $0xFFFF6000  }
0x250: {  	_ =	sfence.sel $0x180000  }
0x251: {  	[bflag:$0x0] =	sbarrier.arrive $0xFFFF  }
0x252: {  	p0 =	sne.s32 s0, $0x0;
	_ =	strace $0x90000047  }
0x253: {  	s0 =	sadd.s32 @!p0 $0x100000, s1;
	[bflag:$0x2] =	sbarrier.arrive $0xFFFF  }
0x254: {  	[sflag:s0] =	ssyncadd.tile.s32 @!p0 $0x1;
	_ =	shalt  }
.Lfunc_end2:
_tile_overlayer_lowered:
.L_overlay_start_2:
0x255: {  	(tag) =	ssettag $0x2  }
0x256: {  	s0 =	rddreg [dreg:$0x0];
	s2 =	stileid.u32  }
0x257: {  	s1 =	rddreg [dreg:$0x1];
	p0 =	sne.s32 s2, $0x0  }
0x258: {  	s3 =	rddreg [dreg:$0x2];
	[bflag:$0x3] =	sbarrier.arrive $0xFFFF;
	s2 =	simm.s32 @!p0 $0x1C03  }
0x259: {  	[timem:s3], [sflag:s2] =	dma.local @!p0 [hbm:s0], s1  }
0x25a: {  	s0 =	simm.s32 @!p0 $0x3  }
0x25b: {  	_ =	swait.ge @!p0 [sflag:s0], s1  }
0x25c: {  	s1 =	ssub.s32 @!p0 $0x0, s1;
	[sflag:s0] =	ssyncset.done @!p0 $0x0  }
0x25d: {  	[sflag:s0] =	ssyncadd.s32 @!p0 s1  }
0x25e: {  	[bflag:$0x3] =	sbarrier.arrive $0xFFFF  }
0x25f: {  	_ =	shalt  }

</sc_bundles>
